<compile_context>
chip_gen: v7x
topology: tpu7x:2x2x1
jax: 0.10.2.dev20260603
libtpu: 0.0.44.dev20260713+nightly
codegen_flags: <defaults>
</compile_context>

<pallas_src>
import functools
import jax
import jax.numpy as jnp
from jax import lax
from jax.experimental import pallas as pl
from jax.experimental.pallas import tpu as pltpu
from jax.experimental.pallas import tpu_sc as plsc

N = 10000
E = 320000
G = 16
NA = N + G
NAP = 10112
W = 128
NP2 = 10112
NW = 32
CH = E // NW
K = 80
NWIN = CH // K
RPT = NAP // 16
F32 = jnp.float32


def _bd(a, b):
    z = jnp.zeros((32, 32), F32)
    return jnp.concatenate(
        [jnp.concatenate([a, z], 1), jnp.concatenate([z, b], 1)], 0)



def _a0_body(st, wpu, bpu, wgu, wub, u0_o, gu_o, ub_o):
    u0 = jnp.maximum(st[...] @ wpu[...] + bpu[0], 0.0)
    u0_o[...] = u0
    gu_o[...] = u0 @ wgu[...]
    ub_o[...] = u0 @ wub[...]


def _a1_body(x, wpn, bpn, ws, wd, n0_o, t_o):
    n0 = jnp.maximum(x[...] @ wpn[...] + bpn[0], 0.0)
    n0_o[...] = n0
    t_o[:, 0:64] = n0 @ ws[...]
    t_o[:, 64:128] = n0 @ wd[...]


def _a2_body(ea, bb, wpe, bpe, wa, be, gu, wq, bq, p_o, q8_o):
    e0 = jnp.maximum(ea[...] @ wpe[...] + bpe[0], 0.0)
    oh = (bb[...] == lax.broadcasted_iota(jnp.int32, (512, 16), 1)).astype(F32)
    p_o[...] = e0 @ wa[...] + be[0] + oh @ gu[...]
    q8_o[...] = e0 @ wq[...] + bq[0]


def _b1_body(acc, n0, bat, wn1, wn2, bn, ub, wpn2, bpn2, ms, e6, s8_o, un_o):
    accs = acc[:, 0:W] + acc[:, W:2 * W]
    deg = jnp.maximum(accs[:, 64:65], 1.0)
    agg = accs[:, 0:64] / deg
    oh = (bat[...] == lax.broadcasted_iota(jnp.int32, (1000, 16), 1)).astype(F32)
    n0v = n0[...]
    n1 = jnp.maximum(n0v @ wn1[...] + agg @ wn2[...] + oh @ ub[...] + bn[0], 0.0)
    n_g = n1 + n0v
    n0p8 = jnp.maximum(n_g @ wpn2[...] + bpn2[0], 0.0)
    s8_o[...] = n0p8 @ ms[...] + deg @ e6[0:1]

    @pl.when(pl.program_id(0) == 0)
    def _():
        un_o[...] = jnp.zeros_like(un_o)

    contrib = lax.dot_general(oh, n1, (((0,), (0,)), ((), ())))
    cnt = jnp.sum(oh, axis=0)[:, None]
    un_o[:, 0:64] += contrib
    un_o[:, 64:65] += cnt


def _b2_body(accg, un, u0, wu1, wu2, wu3, bu, wpu2, bpu2, mu, badd, uu8_o):
    accs = accg[:, 0:W] + accg[:, W:2 * W]
    ecnt = jnp.maximum(accs[:, 64:65], 1.0)
    ue = accs[:, 0:64] / ecnt
    ncnt = jnp.maximum(un[:, 64:65], 1.0)
    unv = un[:, 0:64] / ncnt
    u0v = u0[...]
    u1 = jnp.maximum(
        u0v @ wu1[...] + ue @ wu2[...] + unv @ wu3[...] + bu[0], 0.0)
    u_g = u1 + u0v
    u0p8 = jnp.maximum(u_g @ wpu2[...] + bpu2[0], 0.0)
    uu8_o[...] = u0p8 @ mu[...] + badd[0]


def _d_body(acc2, s8, bat, uu8, dcon, h_o):
    deg = jnp.maximum(s8[:, 6:7], 1.0)
    aggp = jnp.sum(acc2[...], axis=1, keepdims=True) / deg
    n0p = s8[:, 4:5]
    oh = (bat[...] == lax.broadcasted_iota(jnp.int32, (1000, 16), 1)).astype(F32)
    ut = oh @ uu8[:, 2:3]
    d = dcon[...]
    n1p = jnp.maximum(d[0, 0] * n0p + d[0, 1] * aggp + ut + d[0, 2], 0.0)
    h_o[...] = jnp.broadcast_to(n1p + n0p, (1000, 8))


def _full(arr_shape):
    return pl.BlockSpec(arr_shape, lambda *_: tuple(0 for _ in arr_shape))


def _rows(blk, width):
    return pl.BlockSpec((blk, width), lambda i: (i, 0))



_mesh = plsc.VectorSubcoreMesh(core_axis_name="c", subcore_axis_name="s")


@functools.partial(
    pl.kernel,
    out_type=[jax.ShapeDtypeStruct((E * 8,), F32),
              jax.ShapeDtypeStruct((2, NAP, W), F32)],
    mesh=_mesh,
    compiler_params=pltpu.CompilerParams(needs_layout_passes=False),
    scratch_types=[
        pltpu.VMEM((K * 64,), F32),
        pltpu.VMEM((K * 8,), F32),
        pltpu.VMEM((K, 128), F32),
        pltpu.VMEM((K, 128), F32),
        pltpu.VMEM((K, W), F32),
        pltpu.VMEM((K * 8,), F32),
        pltpu.VMEM((K,), jnp.int32),
        pltpu.VMEM((K,), jnp.int32),
        pltpu.VMEM((K,), jnp.int32),
        pltpu.VMEM((64,), F32),
        pltpu.VMEM_SHARED((NAP, W), F32),
        pltpu.SemaphoreType.DMA,
        pltpu.SemaphoreType.DMA,
    ],
)
def _sc1(p_hbm, q8_hbm, t_hbm, src_hbm, dst_hbm, bbn_hbm, wvec_hbm,
         z80_hbm, ep_out, acc_out,
         p_v, q_v, gs_v, gd_v, sbuf, ep_v, src_v, dst_v, bbn_v, w_v, acc,
         sem1, sem2):
    cid = lax.axis_index("c")
    sid = lax.axis_index("s")
    wid = sid * 2 + cid
    pltpu.sync_copy(z80_hbm, acc.at[pl.ds(sid * RPT, RPT)])
    pltpu.sync_copy(z80_hbm.at[pl.ds(0, K)], sbuf)
    pltpu.sync_copy(wvec_hbm, w_v)
    plsc.subcore_barrier()

    iota = lax.iota(jnp.int32, 16)
    o16 = jnp.full((16,), 1, jnp.int32)
    c64 = jnp.full((16,), 64, jnp.int32)
    ones_f = jnp.ones((16,), F32)

    def win_body(w, carry):
        base = wid * CH + w * K
        cps = [pltpu.async_copy(p_hbm.at[pl.ds(base * 64, K * 64)], p_v, sem1),
               pltpu.async_copy(q8_hbm.at[pl.ds(base * 8, K * 8)], q_v, sem1),
               pltpu.async_copy(src_hbm.at[pl.ds(base, K)], src_v, sem1),
               pltpu.async_copy(dst_hbm.at[pl.ds(base, K)], dst_v, sem1),
               pltpu.async_copy(bbn_hbm.at[pl.ds(base, K)], bbn_v, sem1)]
        for c in cps:
            c.wait()
        g1 = pltpu.async_copy(t_hbm.at[src_v], gs_v, sem2)
        g2 = pltpu.async_copy(t_hbm.at[dst_v], gd_v, sem2)
        g1.wait()
        g2.wait()

        def grp(g, c2):
            row = iota + g * 16
            row64 = row * 64
            row8 = row * 8
            dii = jnp.zeros((16,), F32)
            dij = jnp.zeros((16,), F32)
            for j in range(64):
                colv = jnp.full((16,), j, jnp.int32)
                cold = jnp.full((16,), 64 + j, jnp.int32)
                pz = plsc.load_gather(p_v, [row64 + colv])
                gz = plsc.load_gather(gs_v, [row, colv])
                dz = plsc.load_gather(gd_v, [row, cold])
                e1 = jnp.maximum(pz + gz + dz, 0.0)
                plsc.store_scatter(sbuf, [row, colv], e1)
                wb = plsc.load_gather(w_v, [colv])
                if j < 32:
                    dii = dii + e1 * wb
                else:
                    dij = dij + e1 * wb
            plsc.store_scatter(sbuf, [row, c64], ones_f)
            q0 = plsc.load_gather(q_v, [row8])
            q1 = plsc.load_gather(q_v, [row8 + o16])
            plsc.store_scatter(ep_v, [row8], jnp.maximum(dii + q0, 0.0))
            plsc.store_scatter(ep_v, [row8 + o16], jnp.maximum(dij + q1, 0.0))
            return c2

        lax.fori_loop(0, K // 16, grp, 0)
        pltpu.sync_copy(sbuf, acc.at[dst_v], add=True)
        pltpu.sync_copy(sbuf, acc.at[bbn_v], add=True)
        pltpu.sync_copy(ep_v, ep_out.at[pl.ds(base * 8, K * 8)])
        return carry

    lax.fori_loop(0, NWIN, win_body, 0)
    plsc.subcore_barrier()
    pltpu.sync_copy(acc.at[pl.ds(sid * RPT, RPT)],
                    acc_out.at[cid, pl.ds(sid * RPT, RPT)])



@functools.partial(
    pl.kernel,
    out_type=[jax.ShapeDtypeStruct((E * 8,), F32),
              jax.ShapeDtypeStruct((NW * NP2,), F32)],
    mesh=_mesh,
    compiler_params=pltpu.CompilerParams(needs_layout_passes=False),
    scratch_types=[
        pltpu.VMEM((K * 8,), F32),
        pltpu.VMEM((K,), jnp.int32),
        pltpu.VMEM((K,), jnp.int32),
        pltpu.VMEM((K,), jnp.int32),
        pltpu.VMEM((N * 8,), F32),
        pltpu.VMEM((128,), F32),
        pltpu.VMEM((NP2,), F32),
        pltpu.VMEM((K * 8,), F32),
        pltpu.VMEM((16,), F32),
        pltpu.SemaphoreType.DMA,
    ],
)
def _sc2(ep8_hbm, s8f_hbm, uuf_hbm, src_hbm, dst_hbm, bb_hbm, wvec2_hbm,
         zn_hbm, h_out, acc2_out,
         ep_v, src_v, dst_v, bb_v, s8f_v, uuf_v, acc2_v, h_v, w_v, sem1):
    cid = lax.axis_index("c")
    sid = lax.axis_index("s")
    wid = sid * 2 + cid
    pltpu.sync_copy(zn_hbm, acc2_v)
    pltpu.sync_copy(zn_hbm.at[pl.ds(0, K * 8)], h_v)
    pltpu.sync_copy(s8f_hbm, s8f_v)
    pltpu.sync_copy(uuf_hbm, uuf_v)
    pltpu.sync_copy(wvec2_hbm, w_v)

    iota = lax.iota(jnp.int32, 16)
    z16 = jnp.zeros((16,), jnp.int32)
    o16 = jnp.full((16,), 1, jnp.int32)
    t16 = jnp.full((16,), 2, jnp.int32)
    th16 = jnp.full((16,), 3, jnp.int32)
    w0i = plsc.load_gather(w_v, [z16])
    w0j = plsc.load_gather(w_v, [o16])

    def win_body(w, carry):
        base = wid * CH + w * K
        cps = [pltpu.async_copy(ep8_hbm.at[pl.ds(base * 8, K * 8)], ep_v, sem1),
               pltpu.async_copy(src_hbm.at[pl.ds(base, K)], src_v, sem1),
               pltpu.async_copy(dst_hbm.at[pl.ds(base, K)], dst_v, sem1),
               pltpu.async_copy(bb_hbm.at[pl.ds(base, K)], bb_v, sem1)]
        for c in cps:
            c.wait()

        def grp(g, c2):
            row = iota + g * 16
            row8 = row * 8
            srcl = plsc.load_gather(src_v, [row])
            dstl = plsc.load_gather(dst_v, [row])
            bbl = plsc.load_gather(bb_v, [row])
            ep0 = plsc.load_gather(ep_v, [row8])
            ep1 = plsc.load_gather(ep_v, [row8 + o16])
            s8s = srcl * 8
            s8d = dstl * 8
            bb8 = bbl * 8
            zi = (ep0 * w0i + plsc.load_gather(s8f_v, [s8s + z16])
                  + plsc.load_gather(s8f_v, [s8d + t16])
                  + plsc.load_gather(uuf_v, [bb8 + z16]))
            plsc.addupdate_scatter(acc2_v, [dstl], jnp.maximum(zi, 0.0))
            zj = (ep1 * w0j + plsc.load_gather(s8f_v, [s8s + o16])
                  + plsc.load_gather(s8f_v, [s8d + th16])
                  + plsc.load_gather(uuf_v, [bb8 + o16]))
            plsc.store_scatter(h_v, [row8], jnp.maximum(zj, 0.0) + ep1)
            return c2

        lax.fori_loop(0, K // 16, grp, 0)
        pltpu.sync_copy(h_v, h_out.at[pl.ds(base * 8, K * 8)])
        return carry

    lax.fori_loop(0, NWIN, win_body, 0)
    pltpu.sync_copy(acc2_v, acc2_out.at[pl.ds(wid * NP2, NP2)])



def _pad_row(v, width=None):
    width = width or v.shape[0]
    out = jnp.zeros((8, width), F32)
    return out.at[0, : v.shape[0]].set(v)


def kernel(x, edge_index, edge_attr, state, batch, bond_batch, params):
    gii, gij = params['gii'], params['gij']
    fii, fij = params['fii'], params['fij']
    src = edge_index[0]
    dst = edge_index[1]
    bb = bond_batch.astype(jnp.int32)
    bbn = bb + N
    bb2d = bb[:, None]
    bat2d = batch.astype(jnp.int32)[:, None]

    wpn_b = jnp.concatenate([gii['W_pn'], gij['W_pn']], 1)
    bpn_b = _pad_row(jnp.concatenate([gii['b_pn'], gij['b_pn']]))
    ws_b = _bd(gii['W_e'][32:64], gij['W_e'][32:64])
    wd_b = _bd(gii['W_e'][64:96], gij['W_e'][64:96])
    wpu_b = jnp.concatenate([gii['W_pu'], gij['W_pu']], 1)
    bpu_b = _pad_row(jnp.concatenate([gii['b_pu'], gij['b_pu']]))
    wgu_b = _bd(gii['W_e'][96:128], gij['W_e'][96:128])
    wub_b = _bd(gii['W_n'][64:96], gij['W_n'][64:96])
    wpe_b = jnp.concatenate([gii['W_pe'], gij['W_pe']], 1)
    bpe_b = _pad_row(jnp.concatenate([gii['b_pe'], gij['b_pe']]))
    wa_b = _bd(gii['W_e'][0:32], gij['W_e'][0:32])
    be_b = _pad_row(jnp.concatenate([gii['b_e'], gij['b_e']]))
    wq = jnp.zeros((64, 8), F32)
    wq = wq.at[0:32, 0].set(fii['W_pe'][:, 0]).at[32:64, 1].set(fij['W_pe'][:, 0])
    bq = _pad_row(jnp.array([fii['b_pe'][0], fij['b_pe'][0], 0, 0, 0, 0, 0, 0], F32))
    wvec = jnp.concatenate([fii['W_pe'][:, 0], fij['W_pe'][:, 0]])
    wn1_b = _bd(gii['W_n'][0:32], gij['W_n'][0:32])
    wn2_b = _bd(gii['W_n'][32:64], gij['W_n'][32:64])
    bn_b = _pad_row(jnp.concatenate([gii['b_n'], gij['b_n']]))
    wpn2 = jnp.zeros((64, 8), F32)
    wpn2 = wpn2.at[0:32, 0].set(fii['W_pn'][:, 0]).at[32:64, 1].set(fij['W_pn'][:, 0])
    bpn2 = _pad_row(jnp.array([fii['b_pn'][0], fij['b_pn'][0], 0, 0, 0, 0, 0, 0], F32))
    w1_ii, w2_ii = fii['W_e'][1, 0], fii['W_e'][2, 0]
    w1_ij, w2_ij = fij['W_e'][1, 0], fij['W_e'][2, 0]
    ms = jnp.zeros((8, 8), F32)
    ms = (ms.at[0, 0].set(w1_ii).at[1, 1].set(w1_ij)
            .at[0, 2].set(w2_ii).at[1, 3].set(w2_ij)
            .at[0, 4].set(1.0).at[1, 5].set(1.0))
    e6 = _pad_row(jnp.zeros((8,), F32).at[6].set(1.0))
    wu1_b = _bd(gii['W_u'][0:32], gij['W_u'][0:32])
    wu2_b = _bd(gii['W_u'][32:64], gij['W_u'][32:64])
    wu3_b = _bd(gii['W_u'][64:96], gij['W_u'][64:96])
    bu_b = _pad_row(jnp.concatenate([gii['b_u'], gij['b_u']]))
    wpu2 = jnp.zeros((64, 8), F32)
    wpu2 = wpu2.at[0:32, 0].set(fii['W_pu'][:, 0]).at[32:64, 1].set(fij['W_pu'][:, 0])
    bpu2 = _pad_row(jnp.array([fii['b_pu'][0], fij['b_pu'][0], 0, 0, 0, 0, 0, 0], F32))
    mu = jnp.zeros((8, 8), F32)
    mu = (mu.at[0, 0].set(fii['W_e'][3, 0]).at[1, 1].set(fij['W_e'][3, 0])
            .at[0, 2].set(fii['W_n'][2, 0]))
    badd = _pad_row(jnp.array([fii['b_e'][0], fij['b_e'][0], 0, 0, 0, 0, 0, 0], F32))
    wvec2 = jnp.zeros((16,), F32).at[0].set(fii['W_e'][0, 0]).at[1].set(fij['W_e'][0, 0])
    dcon = jnp.zeros((8, 128), F32)
    dcon = (dcon.at[0, 0].set(fii['W_n'][0, 0]).at[0, 1].set(fii['W_n'][1, 0])
                .at[0, 2].set(fii['b_n'][0]))
    z80 = jnp.zeros((RPT, W), F32)
    zn = jnp.zeros((NP2,), F32)

    u0_b, gu_b, ub_b = pl.pallas_call(
        _a0_body,
        grid=(1,),
        in_specs=[_full((16, 16)), _full((16, 64)), _full((8, 64)),
                  _full((64, 64)), _full((64, 64))],
        out_specs=[_full((16, 64)), _full((16, 64)), _full((16, 64))],
        out_shape=[jax.ShapeDtypeStruct((16, 64), F32)] * 3,
    )(state, wpu_b, bpu_b, wgu_b, wub_b)

    n0_b, t_t = pl.pallas_call(
        _a1_body,
        grid=(N // 1000,),
        in_specs=[_rows(1000, 128), _full((128, 64)), _full((8, 64)),
                  _full((64, 64)), _full((64, 64))],
        out_specs=[_rows(1000, 64), _rows(1000, 128)],
        out_shape=[jax.ShapeDtypeStruct((N, 64), F32),
                   jax.ShapeDtypeStruct((N, 128), F32)],
    )(x, wpn_b, bpn_b, ws_b, wd_b)

    p_t, q8_t = pl.pallas_call(
        _a2_body,
        grid=(E // 512,),
        in_specs=[_rows(512, 16), _rows(512, 1), _full((16, 64)),
                  _full((8, 64)), _full((64, 64)), _full((8, 64)),
                  _full((16, 64)), _full((64, 8)), _full((8, 8))],
        out_specs=[_rows(512, 64), _rows(512, 8)],
        out_shape=[jax.ShapeDtypeStruct((E, 64), F32),
                   jax.ShapeDtypeStruct((E, 8), F32)],
    )(edge_attr, bb2d, wpe_b, bpe_b, wa_b, be_b, gu_b, wq, bq)

    ep8, accA = _sc1(p_t.reshape(E * 64), q8_t.reshape(E * 8), t_t,
                     src, dst, bbn, wvec, z80)
    accT = jnp.transpose(accA, (1, 0, 2)).reshape(NAP, 2 * W)

    s8, un = pl.pallas_call(
        _b1_body,
        grid=(N // 1000,),
        in_specs=[_rows(1000, 2 * W), _rows(1000, 64), _rows(1000, 1),
                  _full((64, 64)), _full((64, 64)), _full((8, 64)),
                  _full((16, 64)), _full((64, 8)), _full((8, 8)),
                  _full((8, 8)), _full((8, 8))],
        out_specs=[_rows(1000, 8),
                   pl.BlockSpec((16, 128), lambda i: (0, 0))],
        out_shape=[jax.ShapeDtypeStruct((N, 8), F32),
                   jax.ShapeDtypeStruct((16, 128), F32)],
    )(accT[:N], n0_b, bat2d, wn1_b, wn2_b, bn_b, ub_b, wpn2, bpn2, ms, e6)

    (uu8,) = pl.pallas_call(
        _b2_body,
        grid=(1,),
        in_specs=[_full((16, 2 * W)), _full((16, 128)), _full((16, 64)),
                  _full((64, 64)), _full((64, 64)), _full((64, 64)),
                  _full((8, 64)), _full((64, 8)), _full((8, 8)),
                  _full((8, 8)), _full((8, 8))],
        out_specs=[_full((16, 8))],
        out_shape=[jax.ShapeDtypeStruct((16, 8), F32)],
    )(accT[N:NA], un, u0_b, wu1_b, wu2_b, wu3_b, bu_b, wpu2, bpu2, mu, badd)

    h8f, acc2 = _sc2(ep8, s8.reshape(N * 8), uu8.reshape(128), src, dst, bb,
                     wvec2, zn)
    h2 = h8f.reshape(E, 8)[:, 0:1]
    acc2t = jnp.transpose(acc2.reshape(NW, NP2)[:, 0:N], (1, 0))

    (h8,) = pl.pallas_call(
        _d_body,
        grid=(N // 1000,),
        in_specs=[_rows(1000, NW), _rows(1000, 8), _rows(1000, 1),
                  _full((16, 8)), _full((8, 128))],
        out_specs=[_rows(1000, 8)],
        out_shape=[jax.ShapeDtypeStruct((N, 8), F32)],
    )(acc2t, s8, bat2d, uu8, dcon)

    return (h8[:, 0:1], h2, edge_index)

# --- scband reference (transcript-rebuilt; emitter-appended) ---
"""Pipeline reference for scband-ham-head-meg-88837103550519 (READ-ONLY COPY).

The authoritative reference and input builder live on the scoring server;
editing this copy changes nothing except your own understanding.
"""

import jax, jax.numpy as jnp
import numpy as np

N = 10000
E = 320000
DN = 128
DE = 16
DU = 16
G = 16
EMB = (32, 32, 32)
OUT = (1, 1, 1)


def _lin(k, i, o):
    return jax.random.normal(k, (i, o), jnp.float32) * 0.05


def make_block(key, e_in, n_in, u_in, e, n, u):
    ks = jax.random.split(key, 6)
    return {
        'W_pe': _lin(ks[0], e_in, e), 'b_pe': jnp.zeros((e,), jnp.float32),
        'W_pn': _lin(ks[1], n_in, n), 'b_pn': jnp.zeros((n,), jnp.float32),
        'W_pu': _lin(ks[2], u_in, u), 'b_pu': jnp.zeros((u,), jnp.float32),
        'W_e': _lin(ks[3], e + 2 * n + u, e), 'b_e': jnp.zeros((e,), jnp.float32),
        'W_n': _lin(ks[4], n + e + u, n), 'b_n': jnp.zeros((n,), jnp.float32),
        'W_u': _lin(ks[5], u + e + n, u), 'b_u': jnp.zeros((u,), jnp.float32),
    }


def megnet_block(p, x, edge_index, edge_attr, u, batch, bond_batch):
    n_nodes = x.shape[0]
    n_graphs = u.shape[0]
    e0 = jax.nn.relu(edge_attr @ p['W_pe'] + p['b_pe'])
    n0 = jax.nn.relu(x @ p['W_pn'] + p['b_pn'])
    u0 = jax.nn.relu(u @ p['W_pu'] + p['b_pu'])
    src = edge_index[0]
    dst = edge_index[1]
    e_cat = jnp.concatenate([e0, jnp.take(n0, src, axis=0), jnp.take(n0, dst, axis=0), jnp.take(u0, bond_batch, axis=0)], axis=1)
    e1 = jax.nn.relu(e_cat @ p['W_e'] + p['b_e'])
    ones_e = jnp.ones((e1.shape[0],), e1.dtype)
    deg = jnp.clip(jax.ops.segment_sum(ones_e, dst, num_segments=n_nodes), 1.0)
    agg = jax.ops.segment_sum(e1, dst, num_segments=n_nodes) / deg[:, None]
    n_cat = jnp.concatenate([n0, agg, jnp.take(u0, batch, axis=0)], axis=1)
    n1 = jax.nn.relu(n_cat @ p['W_n'] + p['b_n'])
    ecnt = jnp.clip(jax.ops.segment_sum(ones_e, bond_batch, num_segments=n_graphs), 1.0)
    ue = jax.ops.segment_sum(e1, bond_batch, num_segments=n_graphs) / ecnt[:, None]
    ones_n = jnp.ones((n1.shape[0],), n1.dtype)
    ncnt = jnp.clip(jax.ops.segment_sum(ones_n, batch, num_segments=n_graphs), 1.0)
    un = jax.ops.segment_sum(n1, batch, num_segments=n_graphs) / ncnt[:, None]
    u_cat = jnp.concatenate([u0, ue, un], axis=1)
    u1 = jax.nn.relu(u_cat @ p['W_u'] + p['b_u'])
    # inner_skip residuals on the pre-projected embeddings
    return n1 + n0, e1 + e0, u1 + u0


def setup_inputs(seed: int = 0) -> dict:
    key = jax.random.key(seed)
    ks = jax.random.split(key, 10)
    x = jax.random.normal(ks[0], (N, DN), jnp.float32)
    edge_index = jax.random.randint(ks[1], (2, E), 0, N)
    edge_attr = jax.random.normal(ks[2], (E, DE), jnp.float32)
    state = jax.random.normal(ks[3], (G, DU), jnp.float32)
    batch = jnp.sort(jax.random.randint(ks[4], (N,), 0, G))
    bond_batch = jnp.sort(jax.random.randint(ks[5], (E,), 0, G))
    params = {
        'gii': make_block(ks[6], DE, DN, DU, EMB[0], EMB[1], EMB[2]),
        'gij': make_block(ks[7], DE, DN, DU, EMB[0], EMB[1], EMB[2]),
        'fii': make_block(ks[8], EMB[0], EMB[1], EMB[1], OUT[0], OUT[1], OUT[2]),
        'fij': make_block(ks[9], EMB[0], EMB[1], EMB[1], OUT[0], OUT[1], OUT[2]),
    }
    return {'x': x, 'edge_index': edge_index, 'edge_attr': edge_attr, 'state': state, 'batch': batch, 'bond_batch': bond_batch, 'params': params}


def reference(x, edge_index, edge_attr, state, batch, bond_batch, params):
    n_ii, e_ii, u_ii = megnet_block(params['gii'], x, edge_index, edge_attr, state, batch, bond_batch)
    n_ii, e_ii, u_ii = megnet_block(params['fii'], n_ii, edge_index, e_ii, u_ii, batch, bond_batch)
    h_ii = n_ii
    n_ij, e_ij, u_ij = megnet_block(params['gij'], x, edge_index, edge_attr, state, batch, bond_batch)
    n_ij, e_ij, u_ij = megnet_block(params['fij'], n_ij, edge_index, e_ij, u_ij, batch, bond_batch)
    h_ij = e_ij
    return (h_ii, h_ij, edge_index)

if __name__ == "__main__":
    import jax
    _d = setup_inputs()
    print(jax.jit(kernel)(*tuple(_d.values())))

</pallas_src>

<mosaic_0001>
#map = affine_map<(d0, d1) -> (0)>
#map1 = affine_map<(d0, d1) -> (0, 0)>
#map2 = affine_map<(d0, d1) -> (0, 0, 0)>
module attributes {stable_mosaic.version = 14 : i64} {
  func.func @_sc1(%arg0: i32, %arg1: i32, %arg2: memref<20480000xf32, #tpu.memory_space<hbm>>, %arg3: memref<2560000xf32, #tpu.memory_space<hbm>>, %arg4: memref<10000x128xf32, #tpu.memory_space<hbm>>, %arg5: memref<320000xi32, #tpu.memory_space<hbm>>, %arg6: memref<320000xi32, #tpu.memory_space<hbm>>, %arg7: memref<320000xi32, #tpu.memory_space<hbm>>, %arg8: memref<64xf32, #tpu.memory_space<hbm>>, %arg9: memref<632x128xf32, #tpu.memory_space<hbm>>, %arg10: memref<2560000xf32, #tpu.memory_space<hbm>>, %arg11: memref<2x10112x128xf32, #tpu.memory_space<hbm>>, %arg12: memref<5120xf32, #tpu.memory_space<vmem>>, %arg13: memref<640xf32, #tpu.memory_space<vmem>>, %arg14: memref<80x128xf32, #tpu.memory_space<vmem>>, %arg15: memref<80x128xf32, #tpu.memory_space<vmem>>, %arg16: memref<80x128xf32, #tpu.memory_space<vmem>>, %arg17: memref<640xf32, #tpu.memory_space<vmem>>, %arg18: memref<80xi32, #tpu.memory_space<vmem>>, %arg19: memref<80xi32, #tpu.memory_space<vmem>>, %arg20: memref<80xi32, #tpu.memory_space<vmem>>, %arg21: memref<64xf32, #tpu.memory_space<vmem>>, %arg22: memref<10112x128xf32, #tpu.memory_space<vmem_shared>>, %arg23: memref<!tpu.dma_semaphore, #tpu.memory_space<semaphore_mem>>, %arg24: memref<!tpu.dma_semaphore, #tpu.memory_space<semaphore_mem>>) attributes {dimension_semantics = [#tpu.dimension_semantics<core_parallel>, #tpu.dimension_semantics<subcore_parallel>], iteration_bounds = array<i64: 2, 16>, scalar_prefetch = 0 : i64, scratch_operands = 13 : i64, tpu.core_type = #tpu.core_type<sc_vector_subcore>, window_params = [{transform_indices = #map}, {transform_indices = #map}, {transform_indices = #map1}, {transform_indices = #map}, {transform_indices = #map}, {transform_indices = #map}, {transform_indices = #map}, {transform_indices = #map1}, {transform_indices = #map}, {transform_indices = #map2}]} {
    %mul3A = arith.constant 2 : i32
    %mul3A_0 = arith.muli %arg1, %mul3A : i32
    %add3A = arith.addi %mul3A_0, %arg0 : i32
    %mul3A_1 = arith.constant 632 : i32
    %mul3A_2 = arith.muli %arg1, %mul3A_1 : i32
    "tpu.region"() ({
      %run_scoped3A = tpu.sem_alloc : memref<!tpu.dma_semaphore, #tpu.memory_space<semaphore_mem>>
      %dma_start3A = arith.constant 0 : i32
      %dma_start3A_18 = tpu.memref_slice %arg22[%mul3A_2, %dma_start3A] : memref<10112x128xf32, #tpu.memory_space<vmem_shared>> -> memref<632x128xf32, #tpu.memory_space<vmem_shared>>
      tpu.enqueue_dma source(%arg9 : memref<632x128xf32, #tpu.memory_space<hbm>>) target(%dma_start3A_18 : memref<632x128xf32, #tpu.memory_space<vmem_shared>>) target_semaphore(%run_scoped3A : memref<!tpu.dma_semaphore, #tpu.memory_space<semaphore_mem>>)
      %dma_wait3A = arith.constant 0 : i32
      %dma_wait3A_19 = tpu.memref_slice %arg22[%mul3A_2, %dma_wait3A] : memref<10112x128xf32, #tpu.memory_space<vmem_shared>> -> memref<632x128xf32, #tpu.memory_space<vmem_shared>>
      tpu.wait_dma2 semaphore(%run_scoped3A : memref<!tpu.dma_semaphore, #tpu.memory_space<semaphore_mem>>) src(%arg9 : memref<632x128xf32, #tpu.memory_space<hbm>>) dst(%dma_wait3A_19 : memref<632x128xf32, #tpu.memory_space<vmem_shared>>)
      tpu.yield
    }) : () -> ()
    "tpu.region"() ({
      %run_scoped3A = tpu.sem_alloc : memref<!tpu.dma_semaphore, #tpu.memory_space<semaphore_mem>>
      %dma_start3A = arith.constant 0 : i32
      %dma_start3A_18 = arith.constant 0 : i32
      %dma_start3A_19 = tpu.memref_slice %arg9[%dma_start3A, %dma_start3A_18] : memref<632x128xf32, #tpu.memory_space<hbm>> -> memref<80x128xf32, #tpu.memory_space<hbm>>
      %dma_start3A_20 = arith.constant 0 : i32
      %dma_start3A_21 = arith.constant 0 : i32
      %dma_start3A_22 = tpu.memref_slice %arg9[%dma_start3A_20, %dma_start3A_21] : memref<632x128xf32, #tpu.memory_space<hbm>> -> memref<80x128xf32, #tpu.memory_space<hbm>>
      tpu.enqueue_dma source(%dma_start3A_22 : memref<80x128xf32, #tpu.memory_space<hbm>>) target(%arg16 : memref<80x128xf32, #tpu.memory_space<vmem>>) target_semaphore(%run_scoped3A : memref<!tpu.dma_semaphore, #tpu.memory_space<semaphore_mem>>)
      %dma_wait3A = arith.constant 0 : i32
      %dma_wait3A_23 = arith.constant 0 : i32
      %dma_wait3A_24 = tpu.memref_slice %arg9[%dma_wait3A, %dma_wait3A_23] : memref<632x128xf32, #tpu.memory_space<hbm>> -> memref<80x128xf32, #tpu.memory_space<hbm>>
      %dma_wait3A_25 = arith.constant 0 : i32
      %dma_wait3A_26 = arith.constant 0 : i32
      %dma_wait3A_27 = tpu.memref_slice %arg9[%dma_wait3A_25, %dma_wait3A_26] : memref<632x128xf32, #tpu.memory_space<hbm>> -> memref<80x128xf32, #tpu.memory_space<hbm>>
      tpu.wait_dma2 semaphore(%run_scoped3A : memref<!tpu.dma_semaphore, #tpu.memory_space<semaphore_mem>>) src(%dma_wait3A_27 : memref<80x128xf32, #tpu.memory_space<hbm>>) dst(%arg16 : memref<80x128xf32, #tpu.memory_space<vmem>>)
      tpu.yield
    }) : () -> ()
    "tpu.region"() ({
      %run_scoped3A = tpu.sem_alloc : memref<!tpu.dma_semaphore, #tpu.memory_space<semaphore_mem>>
      tpu.enqueue_dma source(%arg8 : memref<64xf32, #tpu.memory_space<hbm>>) target(%arg21 : memref<64xf32, #tpu.memory_space<vmem>>) target_semaphore(%run_scoped3A : memref<!tpu.dma_semaphore, #tpu.memory_space<semaphore_mem>>)
      tpu.wait_dma2 semaphore(%run_scoped3A : memref<!tpu.dma_semaphore, #tpu.memory_space<semaphore_mem>>) src(%arg8 : memref<64xf32, #tpu.memory_space<hbm>>) dst(%arg21 : memref<64xf32, #tpu.memory_space<vmem>>)
      tpu.yield
    }) : () -> ()
    %barrier3A = arith.constant 0 : index
    tpu.barrier barrier_id(%barrier3A)
    %iota3A = tpu.iota {dimensions = array<i32: 0>} : vector<16xi32>
    %broadcast_in_dim3A = arith.constant 1 : i32
    %broadcast_in_dim3A_3 = vector.broadcast %broadcast_in_dim3A : i32 to vector<16xi32>
    %broadcast_in_dim3A_4 = arith.constant 64 : i32
    %broadcast_in_dim3A_5 = vector.broadcast %broadcast_in_dim3A_4 : i32 to vector<16xi32>
    %broadcast_in_dim3A_6 = arith.constant 1.000000e+00 : f32
    %broadcast_in_dim3A_7 = vector.broadcast %broadcast_in_dim3A_6 : f32 to vector<16xf32>
    %scan3A = arith.constant 0 : i32
    %scan3A_8 = arith.constant 0 : i32
    %scan3A_9 = arith.constant 125 : i32
    %scan3A_10 = arith.addi %scan3A_8, %scan3A_9 : i32
    %scan3A_11 = arith.constant 1 : i32
    scf.for %scan3A_18 = %scan3A_8 to %scan3A_10 step %scan3A_11  : i32 {
      %mul3A_19 = arith.constant 10000 : i32
      %mul3A_20 = arith.muli %add3A, %mul3A_19 : i32
      %mul3A_21 = arith.constant 80 : i32
      %mul3A_22 = arith.muli %scan3A_18, %mul3A_21 : i32
      %add3A_23 = arith.addi %mul3A_20, %mul3A_22 : i32
      %mul3A_24 = arith.constant 64 : i32
      %mul3A_25 = arith.muli %add3A_23, %mul3A_24 : i32
      %dma_start3A = tpu.memref_slice %arg2[%mul3A_25] : memref<20480000xf32, #tpu.memory_space<hbm>> -> memref<5120xf32, #tpu.memory_space<hbm>>
      %dma_start3A_26 = tpu.memref_slice %arg2[%mul3A_25] : memref<20480000xf32, #tpu.memory_space<hbm>> -> memref<5120xf32, #tpu.memory_space<hbm>>
      tpu.enqueue_dma source(%dma_start3A_26 : memref<5120xf32, #tpu.memory_space<hbm>>) target(%arg12 : memref<5120xf32, #tpu.memory_space<vmem>>) target_semaphore(%arg23 : memref<!tpu.dma_semaphore, #tpu.memory_space<semaphore_mem>>)
      %mul3A_27 = arith.constant 8 : i32
      %mul3A_28 = arith.muli %add3A_23, %mul3A_27 : i32
      %dma_start3A_29 = tpu.memref_slice %arg3[%mul3A_28] : memref<2560000xf32, #tpu.memory_space<hbm>> -> memref<640xf32, #tpu.memory_space<hbm>>
      %dma_start3A_30 = tpu.memref_slice %arg3[%mul3A_28] : memref<2560000xf32, #tpu.memory_space<hbm>> -> memref<640xf32, #tpu.memory_space<hbm>>
      tpu.enqueue_dma source(%dma_start3A_30 : memref<640xf32, #tpu.memory_space<hbm>>) target(%arg13 : memref<640xf32, #tpu.memory_space<vmem>>) target_semaphore(%arg23 : memref<!tpu.dma_semaphore, #tpu.memory_space<semaphore_mem>>)
      %dma_start3A_31 = tpu.memref_slice %arg5[%add3A_23] : memref<320000xi32, #tpu.memory_space<hbm>> -> memref<80xi32, #tpu.memory_space<hbm>>
      %dma_start3A_32 = tpu.memref_slice %arg5[%add3A_23] : memref<320000xi32, #tpu.memory_space<hbm>> -> memref<80xi32, #tpu.memory_space<hbm>>
      tpu.enqueue_dma source(%dma_start3A_32 : memref<80xi32, #tpu.memory_space<hbm>>) target(%arg18 : memref<80xi32, #tpu.memory_space<vmem>>) target_semaphore(%arg23 : memref<!tpu.dma_semaphore, #tpu.memory_space<semaphore_mem>>)
      %dma_start3A_33 = tpu.memref_slice %arg6[%add3A_23] : memref<320000xi32, #tpu.memory_space<hbm>> -> memref<80xi32, #tpu.memory_space<hbm>>
      %dma_start3A_34 = tpu.memref_slice %arg6[%add3A_23] : memref<320000xi32, #tpu.memory_space<hbm>> -> memref<80xi32, #tpu.memory_space<hbm>>
      tpu.enqueue_dma source(%dma_start3A_34 : memref<80xi32, #tpu.memory_space<hbm>>) target(%arg19 : memref<80xi32, #tpu.memory_space<vmem>>) target_semaphore(%arg23 : memref<!tpu.dma_semaphore, #tpu.memory_space<semaphore_mem>>)
      %dma_start3A_35 = tpu.memref_slice %arg7[%add3A_23] : memref<320000xi32, #tpu.memory_space<hbm>> -> memref<80xi32, #tpu.memory_space<hbm>>
      %dma_start3A_36 = tpu.memref_slice %arg7[%add3A_23] : memref<320000xi32, #tpu.memory_space<hbm>> -> memref<80xi32, #tpu.memory_space<hbm>>
      tpu.enqueue_dma source(%dma_start3A_36 : memref<80xi32, #tpu.memory_space<hbm>>) target(%arg20 : memref<80xi32, #tpu.memory_space<vmem>>) target_semaphore(%arg23 : memref<!tpu.dma_semaphore, #tpu.memory_space<semaphore_mem>>)
      %dma_wait3A = tpu.memref_slice %arg2[%mul3A_25] : memref<20480000xf32, #tpu.memory_space<hbm>> -> memref<5120xf32, #tpu.memory_space<hbm>>
      %dma_wait3A_37 = tpu.memref_slice %arg2[%mul3A_25] : memref<20480000xf32, #tpu.memory_space<hbm>> -> memref<5120xf32, #tpu.memory_space<hbm>>
      tpu.wait_dma2 semaphore(%arg23 : memref<!tpu.dma_semaphore, #tpu.memory_space<semaphore_mem>>) src(%dma_wait3A_37 : memref<5120xf32, #tpu.memory_space<hbm>>) dst(%arg12 : memref<5120xf32, #tpu.memory_space<vmem>>)
      %dma_wait3A_38 = tpu.memref_slice %arg3[%mul3A_28] : memref<2560000xf32, #tpu.memory_space<hbm>> -> memref<640xf32, #tpu.memory_space<hbm>>
      %dma_wait3A_39 = tpu.memref_slice %arg3[%mul3A_28] : memref<2560000xf32, #tpu.memory_space<hbm>> -> memref<640xf32, #tpu.memory_space<hbm>>
      tpu.wait_dma2 semaphore(%arg23 : memref<!tpu.dma_semaphore, #tpu.memory_space<semaphore_mem>>) src(%dma_wait3A_39 : memref<640xf32, #tpu.memory_space<hbm>>) dst(%arg13 : memref<640xf32, #tpu.memory_space<vmem>>)
      %dma_wait3A_40 = tpu.memref_slice %arg5[%add3A_23] : memref<320000xi32, #tpu.memory_space<hbm>> -> memref<80xi32, #tpu.memory_space<hbm>>
      %dma_wait3A_41 = tpu.memref_slice %arg5[%add3A_23] : memref<320000xi32, #tpu.memory_space<hbm>> -> memref<80xi32, #tpu.memory_space<hbm>>
      tpu.wait_dma2 semaphore(%arg23 : memref<!tpu.dma_semaphore, #tpu.memory_space<semaphore_mem>>) src(%dma_wait3A_41 : memref<80xi32, #tpu.memory_space<hbm>>) dst(%arg18 : memref<80xi32, #tpu.memory_space<vmem>>)
      %dma_wait3A_42 = tpu.memref_slice %arg6[%add3A_23] : memref<320000xi32, #tpu.memory_space<hbm>> -> memref<80xi32, #tpu.memory_space<hbm>>
      %dma_wait3A_43 = tpu.memref_slice %arg6[%add3A_23] : memref<320000xi32, #tpu.memory_space<hbm>> -> memref<80xi32, #tpu.memory_space<hbm>>
      tpu.wait_dma2 semaphore(%arg23 : memref<!tpu.dma_semaphore, #tpu.memory_space<semaphore_mem>>) src(%dma_wait3A_43 : memref<80xi32, #tpu.memory_space<hbm>>) dst(%arg19 : memref<80xi32, #tpu.memory_space<vmem>>)
      %dma_wait3A_44 = tpu.memref_slice %arg7[%add3A_23] : memref<320000xi32, #tpu.memory_space<hbm>> -> memref<80xi32, #tpu.memory_space<hbm>>
      %dma_wait3A_45 = tpu.memref_slice %arg7[%add3A_23] : memref<320000xi32, #tpu.memory_space<hbm>> -> memref<80xi32, #tpu.memory_space<hbm>>
      tpu.wait_dma2 semaphore(%arg23 : memref<!tpu.dma_semaphore, #tpu.memory_space<semaphore_mem>>) src(%dma_wait3A_45 : memref<80xi32, #tpu.memory_space<hbm>>) dst(%arg20 : memref<80xi32, #tpu.memory_space<vmem>>)
      %dma_start3A_46 = arith.constant 0 : i32
      %dma_start3A_47 = arith.constant 0 : i32
      %dma_start3A_48 = tpu.memref_slice %arg4[%dma_start3A_46, %dma_start3A_47] : memref<10000x128xf32, #tpu.memory_space<hbm>> -> memref<10000x128xf32, #tpu.memory_space<hbm>>
      tpu.enqueue_indirect_dma source(%dma_start3A_48 : memref<10000x128xf32, #tpu.memory_space<hbm>>) target(%arg14 : memref<80x128xf32, #tpu.memory_space<vmem>>) offsets(%arg18 : memref<80xi32, #tpu.memory_space<vmem>>) semaphore(%arg24 : memref<!tpu.dma_semaphore, #tpu.memory_space<semaphore_mem>>)
      %dma_start3A_49 = arith.constant 0 : i32
      %dma_start3A_50 = arith.constant 0 : i32
      %dma_start3A_51 = tpu.memref_slice %arg4[%dma_start3A_49, %dma_start3A_50] : memref<10000x128xf32, #tpu.memory_space<hbm>> -> memref<10000x128xf32, #tpu.memory_space<hbm>>
      tpu.enqueue_indirect_dma source(%dma_start3A_51 : memref<10000x128xf32, #tpu.memory_space<hbm>>) target(%arg15 : memref<80x128xf32, #tpu.memory_space<vmem>>) offsets(%arg19 : memref<80xi32, #tpu.memory_space<vmem>>) semaphore(%arg24 : memref<!tpu.dma_semaphore, #tpu.memory_space<semaphore_mem>>)
      %dma_wait3A_52 = arith.constant 0 : i32
      %dma_wait3A_53 = arith.constant 0 : i32
      %dma_wait3A_54 = tpu.memref_slice %arg4[%dma_wait3A_52, %dma_wait3A_53] : memref<10000x128xf32, #tpu.memory_space<hbm>> -> memref<10000x128xf32, #tpu.memory_space<hbm>>
      tpu.wait_indirect_dma semaphore(%arg24 : memref<!tpu.dma_semaphore, #tpu.memory_space<semaphore_mem>>) src(%dma_wait3A_54 : memref<10000x128xf32, #tpu.memory_space<hbm>>) dst(%arg14 : memref<80x128xf32, #tpu.memory_space<vmem>>)
      %dma_wait3A_55 = arith.constant 0 : i32
      %dma_wait3A_56 = arith.constant 0 : i32
      %dma_wait3A_57 = tpu.memref_slice %arg4[%dma_wait3A_55, %dma_wait3A_56] : memref<10000x128xf32, #tpu.memory_space<hbm>> -> memref<10000x128xf32, #tpu.memory_space<hbm>>
      tpu.wait_indirect_dma semaphore(%arg24 : memref<!tpu.dma_semaphore, #tpu.memory_space<semaphore_mem>>) src(%dma_wait3A_57 : memref<10000x128xf32, #tpu.memory_space<hbm>>) dst(%arg15 : memref<80x128xf32, #tpu.memory_space<vmem>>)
      %scan3A_58 = arith.constant 0 : i32
      %scan3A_59 = arith.constant 0 : i32
      %scan3A_60 = arith.constant 5 : i32
      %scan3A_61 = arith.addi %scan3A_59, %scan3A_60 : i32
      %scan3A_62 = arith.constant 1 : i32
      scf.for %scan3A_66 = %scan3A_59 to %scan3A_61 step %scan3A_62  : i32 {
        %mul3A_67 = arith.constant 16 : i32
        %mul3A_68 = arith.muli %scan3A_66, %mul3A_67 : i32
        %add3A_69 = vector.broadcast %mul3A_68 : i32 to vector<16xi32>
        %add3A_70 = arith.addi %iota3A, %add3A_69 : vector<16xi32>
        %mul3A_71 = arith.constant 64 : i32
        %mul3A_72 = vector.broadcast %mul3A_71 : i32 to vector<16xi32>
        %mul3A_73 = arith.muli %add3A_70, %mul3A_72 : vector<16xi32>
        %mul3A_74 = arith.constant 8 : i32
        %mul3A_75 = vector.broadcast %mul3A_74 : i32 to vector<16xi32>
        %mul3A_76 = arith.muli %add3A_70, %mul3A_75 : vector<16xi32>
        %broadcast_in_dim3A_77 = arith.constant 0.000000e+00 : f32
        %broadcast_in_dim3A_78 = vector.broadcast %broadcast_in_dim3A_77 : f32 to vector<16xf32>
        %broadcast_in_dim3A_79 = arith.constant 0.000000e+00 : f32
        %broadcast_in_dim3A_80 = vector.broadcast %broadcast_in_dim3A_79 : f32 to vector<16xf32>
        %broadcast_in_dim3A_81 = arith.constant 0 : i32
        %broadcast_in_dim3A_82 = vector.broadcast %broadcast_in_dim3A_81 : i32 to vector<16xi32>
        %broadcast_in_dim3A_83 = arith.constant 64 : i32
        %broadcast_in_dim3A_84 = vector.broadcast %broadcast_in_dim3A_83 : i32 to vector<16xi32>
        %add3A_85 = arith.addi %mul3A_73, %broadcast_in_dim3A_82 : vector<16xi32>
        %gather3A = tpu.vector_load_idx %arg12[%add3A_85] : memref<5120xf32, #tpu.memory_space<vmem>>[vector<16xi32>], vector<16xf32>,
        %gather3A_86 = tpu.vector_load_idx %arg14[%add3A_70, %broadcast_in_dim3A_82] : memref<80x128xf32, #tpu.memory_space<vmem>>[vector<16xi32>, vector<16xi32>], vector<16xf32>,
        %gather3A_87 = tpu.vector_load_idx %arg15[%add3A_70, %broadcast_in_dim3A_84] : memref<80x128xf32, #tpu.memory_space<vmem>>[vector<16xi32>, vector<16xi32>], vector<16xf32>,
        %add3A_88 = arith.addf %gather3A, %gather3A_86 : vector<16xf32>
        %add3A_89 = arith.addf %add3A_88, %gather3A_87 : vector<16xf32>
        %max3A = arith.constant 0.000000e+00 : f32
        %max3A_90 = vector.broadcast %max3A : f32 to vector<16xf32>
        %max3A_91 = arith.maximumf %add3A_89, %max3A_90 : vector<16xf32>
        tpu.vector_store_idx %arg16[%add3A_70, %broadcast_in_dim3A_82], %max3A_91 : memref<80x128xf32, #tpu.memory_space<vmem>>[vector<16xi32>, vector<16xi32>], vector<16xf32>,
        %gather3A_92 = tpu.vector_load_idx %arg21[%broadcast_in_dim3A_82] : memref<64xf32, #tpu.memory_space<vmem>>[vector<16xi32>], vector<16xf32>,
        %mul3A_93 = arith.mulf %max3A_91, %gather3A_92 : vector<16xf32>
        %add3A_94 = arith.addf %broadcast_in_dim3A_78, %mul3A_93 : vector<16xf32>
        %broadcast_in_dim3A_95 = arith.constant 1 : i32
        %broadcast_in_dim3A_96 = vector.broadcast %broadcast_in_dim3A_95 : i32 to vector<16xi32>
        %broadcast_in_dim3A_97 = arith.constant 65 : i32
        %broadcast_in_dim3A_98 = vector.broadcast %broadcast_in_dim3A_97 : i32 to vector<16xi32>
        %add3A_99 = arith.addi %mul3A_73, %broadcast_in_dim3A_96 : vector<16xi32>
        %gather3A_100 = tpu.vector_load_idx %arg12[%add3A_99] : memref<5120xf32, #tpu.memory_space<vmem>>[vector<16xi32>], vector<16xf32>,
        %gather3A_101 = tpu.vector_load_idx %arg14[%add3A_70, %broadcast_in_dim3A_96] : memref<80x128xf32, #tpu.memory_space<vmem>>[vector<16xi32>, vector<16xi32>], vector<16xf32>,
        %gather3A_102 = tpu.vector_load_idx %arg15[%add3A_70, %broadcast_in_dim3A_98] : memref<80x128xf32, #tpu.memory_space<vmem>>[vector<16xi32>, vector<16xi32>], vector<16xf32>,
        %add3A_103 = arith.addf %gather3A_100, %gather3A_101 : vector<16xf32>
        %add3A_104 = arith.addf %add3A_103, %gather3A_102 : vector<16xf32>
        %max3A_105 = arith.constant 0.000000e+00 : f32
        %max3A_106 = vector.broadcast %max3A_105 : f32 to vector<16xf32>
        %max3A_107 = arith.maximumf %add3A_104, %max3A_106 : vector<16xf32>
        tpu.vector_store_idx %arg16[%add3A_70, %broadcast_in_dim3A_96], %max3A_107 : memref<80x128xf32, #tpu.memory_space<vmem>>[vector<16xi32>, vector<16xi32>], vector<16xf32>,
        %gather3A_108 = tpu.vector_load_idx %arg21[%broadcast_in_dim3A_96] : memref<64xf32, #tpu.memory_space<vmem>>[vector<16xi32>], vector<16xf32>,
        %mul3A_109 = arith.mulf %max3A_107, %gather3A_108 : vector<16xf32>
        %add3A_110 = arith.addf %add3A_94, %mul3A_109 : vector<16xf32>
        %broadcast_in_dim3A_111 = arith.constant 2 : i32
        %broadcast_in_dim3A_112 = vector.broadcast %broadcast_in_dim3A_111 : i32 to vector<16xi32>
        %broadcast_in_dim3A_113 = arith.constant 66 : i32
        %broadcast_in_dim3A_114 = vector.broadcast %broadcast_in_dim3A_113 : i32 to vector<16xi32>
        %add3A_115 = arith.addi %mul3A_73, %broadcast_in_dim3A_112 : vector<16xi32>
        %gather3A_116 = tpu.vector_load_idx %arg12[%add3A_115] : memref<5120xf32, #tpu.memory_space<vmem>>[vector<16xi32>], vector<16xf32>,
        %gather3A_117 = tpu.vector_load_idx %arg14[%add3A_70, %broadcast_in_dim3A_112] : memref<80x128xf32, #tpu.memory_space<vmem>>[vector<16xi32>, vector<16xi32>], vector<16xf32>,
        %gather3A_118 = tpu.vector_load_idx %arg15[%add3A_70, %broadcast_in_dim3A_114] : memref<80x128xf32, #tpu.memory_space<vmem>>[vector<16xi32>, vector<16xi32>], vector<16xf32>,
        %add3A_119 = arith.addf %gather3A_116, %gather3A_117 : vector<16xf32>
        %add3A_120 = arith.addf %add3A_119, %gather3A_118 : vector<16xf32>
        %max3A_121 = arith.constant 0.000000e+00 : f32
        %max3A_122 = vector.broadcast %max3A_121 : f32 to vector<16xf32>
        %max3A_123 = arith.maximumf %add3A_120, %max3A_122 : vector<16xf32>
        tpu.vector_store_idx %arg16[%add3A_70, %broadcast_in_dim3A_112], %max3A_123 : memref<80x128xf32, #tpu.memory_space<vmem>>[vector<16xi32>, vector<16xi32>], vector<16xf32>,
        %gather3A_124 = tpu.vector_load_idx %arg21[%broadcast_in_dim3A_112] : memref<64xf32, #tpu.memory_space<vmem>>[vector<16xi32>], vector<16xf32>,
        %mul3A_125 = arith.mulf %max3A_123, %gather3A_124 : vector<16xf32>
        %add3A_126 = arith.addf %add3A_110, %mul3A_125 : vector<16xf32>
        %broadcast_in_dim3A_127 = arith.constant 3 : i32
        %broadcast_in_dim3A_128 = vector.broadcast %broadcast_in_dim3A_127 : i32 to vector<16xi32>
        %broadcast_in_dim3A_129 = arith.constant 67 : i32
        %broadcast_in_dim3A_130 = vector.broadcast %broadcast_in_dim3A_129 : i32 to vector<16xi32>
        %add3A_131 = arith.addi %mul3A_73, %broadcast_in_dim3A_128 : vector<16xi32>
        %gather3A_132 = tpu.vector_load_idx %arg12[%add3A_131] : memref<5120xf32, #tpu.memory_space<vmem>>[vector<16xi32>], vector<16xf32>,
        %gather3A_133 = tpu.vector_load_idx %arg14[%add3A_70, %broadcast_in_dim3A_128] : memref<80x128xf32, #tpu.memory_space<vmem>>[vector<16xi32>, vector<16xi32>], vector<16xf32>,
        %gather3A_134 = tpu.vector_load_idx %arg15[%add3A_70, %broadcast_in_dim3A_130] : memref<80x128xf32, #tpu.memory_space<vmem>>[vector<16xi32>, vector<16xi32>], vector<16xf32>,
        %add3A_135 = arith.addf %gather3A_132, %gather3A_133 : vector<16xf32>
        %add3A_136 = arith.addf %add3A_135, %gather3A_134 : vector<16xf32>
        %max3A_137 = arith.constant 0.000000e+00 : f32
        %max3A_138 = vector.broadcast %max3A_137 : f32 to vector<16xf32>
        %max3A_139 = arith.maximumf %add3A_136, %max3A_138 : vector<16xf32>
        tpu.vector_store_idx %arg16[%add3A_70, %broadcast_in_dim3A_128], %max3A_139 : memref<80x128xf32, #tpu.memory_space<vmem>>[vector<16xi32>, vector<16xi32>], vector<16xf32>,
        %gather3A_140 = tpu.vector_load_idx %arg21[%broadcast_in_dim3A_128] : memref<64xf32, #tpu.memory_space<vmem>>[vector<16xi32>], vector<16xf32>,
        %mul3A_141 = arith.mulf %max3A_139, %gather3A_140 : vector<16xf32>
        %add3A_142 = arith.addf %add3A_126, %mul3A_141 : vector<16xf32>
        %broadcast_in_dim3A_143 = arith.constant 4 : i32
        %broadcast_in_dim3A_144 = vector.broadcast %broadcast_in_dim3A_143 : i32 to vector<16xi32>
        %broadcast_in_dim3A_145 = arith.constant 68 : i32
        %broadcast_in_dim3A_146 = vector.broadcast %broadcast_in_dim3A_145 : i32 to vector<16xi32>
        %add3A_147 = arith.addi %mul3A_73, %broadcast_in_dim3A_144 : vector<16xi32>
        %gather3A_148 = tpu.vector_load_idx %arg12[%add3A_147] : memref<5120xf32, #tpu.memory_space<vmem>>[vector<16xi32>], vector<16xf32>,
        %gather3A_149 = tpu.vector_load_idx %arg14[%add3A_70, %broadcast_in_dim3A_144] : memref<80x128xf32, #tpu.memory_space<vmem>>[vector<16xi32>, vector<16xi32>], vector<16xf32>,
        %gather3A_150 = tpu.vector_load_idx %arg15[%add3A_70, %broadcast_in_dim3A_146] : memref<80x128xf32, #tpu.memory_space<vmem>>[vector<16xi32>, vector<16xi32>], vector<16xf32>,
        %add3A_151 = arith.addf %gather3A_148, %gather3A_149 : vector<16xf32>
        %add3A_152 = arith.addf %add3A_151, %gather3A_150 : vector<16xf32>
        %max3A_153 = arith.constant 0.000000e+00 : f32
        %max3A_154 = vector.broadcast %max3A_153 : f32 to vector<16xf32>
        %max3A_155 = arith.maximumf %add3A_152, %max3A_154 : vector<16xf32>
        tpu.vector_store_idx %arg16[%add3A_70, %broadcast_in_dim3A_144], %max3A_155 : memref<80x128xf32, #tpu.memory_space<vmem>>[vector<16xi32>, vector<16xi32>], vector<16xf32>,
        %gather3A_156 = tpu.vector_load_idx %arg21[%broadcast_in_dim3A_144] : memref<64xf32, #tpu.memory_space<vmem>>[vector<16xi32>], vector<16xf32>,
        %mul3A_157 = arith.mulf %max3A_155, %gather3A_156 : vector<16xf32>
        %add3A_158 = arith.addf %add3A_142, %mul3A_157 : vector<16xf32>
        %broadcast_in_dim3A_159 = arith.constant 5 : i32
        %broadcast_in_dim3A_160 = vector.broadcast %broadcast_in_dim3A_159 : i32 to vector<16xi32>
        %broadcast_in_dim3A_161 = arith.constant 69 : i32
        %broadcast_in_dim3A_162 = vector.broadcast %broadcast_in_dim3A_161 : i32 to vector<16xi32>
        %add3A_163 = arith.addi %mul3A_73, %broadcast_in_dim3A_160 : vector<16xi32>
        %gather3A_164 = tpu.vector_load_idx %arg12[%add3A_163] : memref<5120xf32, #tpu.memory_space<vmem>>[vector<16xi32>], vector<16xf32>,
        %gather3A_165 = tpu.vector_load_idx %arg14[%add3A_70, %broadcast_in_dim3A_160] : memref<80x128xf32, #tpu.memory_space<vmem>>[vector<16xi32>, vector<16xi32>], vector<16xf32>,
        %gather3A_166 = tpu.vector_load_idx %arg15[%add3A_70, %broadcast_in_dim3A_162] : memref<80x128xf32, #tpu.memory_space<vmem>>[vector<16xi32>, vector<16xi32>], vector<16xf32>,
        %add3A_167 = arith.addf %gather3A_164, %gather3A_165 : vector<16xf32>
        %add3A_168 = arith.addf %add3A_167, %gather3A_166 : vector<16xf32>
        %max3A_169 = arith.constant 0.000000e+00 : f32
        %max3A_170 = vector.broadcast %max3A_169 : f32 to vector<16xf32>
        %max3A_171 = arith.maximumf %add3A_168, %max3A_170 : vector<16xf32>
        tpu.vector_store_idx %arg16[%add3A_70, %broadcast_in_dim3A_160], %max3A_171 : memref<80x128xf32, #tpu.memory_space<vmem>>[vector<16xi32>, vector<16xi32>], vector<16xf32>,
        %gather3A_172 = tpu.vector_load_idx %arg21[%broadcast_in_dim3A_160] : memref<64xf32, #tpu.memory_space<vmem>>[vector<16xi32>], vector<16xf32>,
        %mul3A_173 = arith.mulf %max3A_171, %gather3A_172 : vector<16xf32>
        %add3A_174 = arith.addf %add3A_158, %mul3A_173 : vector<16xf32>
        %broadcast_in_dim3A_175 = arith.constant 6 : i32
        %broadcast_in_dim3A_176 = vector.broadcast %broadcast_in_dim3A_175 : i32 to vector<16xi32>
        %broadcast_in_dim3A_177 = arith.constant 70 : i32
        %broadcast_in_dim3A_178 = vector.broadcast %broadcast_in_dim3A_177 : i32 to vector<16xi32>
        %add3A_179 = arith.addi %mul3A_73, %broadcast_in_dim3A_176 : vector<16xi32>
        %gather3A_180 = tpu.vector_load_idx %arg12[%add3A_179] : memref<5120xf32, #tpu.memory_space<vmem>>[vector<16xi32>], vector<16xf32>,
        %gather3A_181 = tpu.vector_load_idx %arg14[%add3A_70, %broadcast_in_dim3A_176] : memref<80x128xf32, #tpu.memory_space<vmem>>[vector<16xi32>, vector<16xi32>], vector<16xf32>,
        %gather3A_182 = tpu.vector_load_idx %arg15[%add3A_70, %broadcast_in_dim3A_178] : memref<80x128xf32, #tpu.memory_space<vmem>>[vector<16xi32>, vector<16xi32>], vector<16xf32>,
        %add3A_183 = arith.addf %gather3A_180, %gather3A_181 : vector<16xf32>
        %add3A_184 = arith.addf %add3A_183, %gather3A_182 : vector<16xf32>
        %max3A_185 = arith.constant 0.000000e+00 : f32
        %max3A_186 = vector.broadcast %max3A_185 : f32 to vector<16xf32>
        %max3A_187 = arith.maximumf %add3A_184, %max3A_186 : vector<16xf32>
        tpu.vector_store_idx %arg16[%add3A_70, %broadcast_in_dim3A_176], %max3A_187 : memref<80x128xf32, #tpu.memory_space<vmem>>[vector<16xi32>, vector<16xi32>], vector<16xf32>,
        %gather3A_188 = tpu.vector_load_idx %arg21[%broadcast_in_dim3A_176] : memref<64xf32, #tpu.memory_space<vmem>>[vector<16xi32>], vector<16xf32>,
        %mul3A_189 = arith.mulf %max3A_187, %gather3A_188 : vector<16xf32>
        %add3A_190 = arith.addf %add3A_174, %mul3A_189 : vector<16xf32>
        %broadcast_in_dim3A_191 = arith.constant 7 : i32
        %broadcast_in_dim3A_192 = vector.broadcast %broadcast_in_dim3A_191 : i32 to vector<16xi32>
        %broadcast_in_dim3A_193 = arith.constant 71 : i32
        %broadcast_in_dim3A_194 = vector.broadcast %broadcast_in_dim3A_193 : i32 to vector<16xi32>
        %add3A_195 = arith.addi %mul3A_73, %broadcast_in_dim3A_192 : vector<16xi32>
        %gather3A_196 = tpu.vector_load_idx %arg12[%add3A_195] : memref<5120xf32, #tpu.memory_space<vmem>>[vector<16xi32>], vector<16xf32>,
        %gather3A_197 = tpu.vector_load_idx %arg14[%add3A_70, %broadcast_in_dim3A_192] : memref<80x128xf32, #tpu.memory_space<vmem>>[vector<16xi32>, vector<16xi32>], vector<16xf32>,
        %gather3A_198 = tpu.vector_load_idx %arg15[%add3A_70, %broadcast_in_dim3A_194] : memref<80x128xf32, #tpu.memory_space<vmem>>[vector<16xi32>, vector<16xi32>], vector<16xf32>,
        %add3A_199 = arith.addf %gather3A_196, %gather3A_197 : vector<16xf32>
        %add3A_200 = arith.addf %add3A_199, %gather3A_198 : vector<16xf32>
        %max3A_201 = arith.constant 0.000000e+00 : f32
        %max3A_202 = vector.broadcast %max3A_201 : f32 to vector<16xf32>
        %max3A_203 = arith.maximumf %add3A_200, %max3A_202 : vector<16xf32>
        tpu.vector_store_idx %arg16[%add3A_70, %broadcast_in_dim3A_192], %max3A_203 : memref<80x128xf32, #tpu.memory_space<vmem>>[vector<16xi32>, vector<16xi32>], vector<16xf32>,
        %gather3A_204 = tpu.vector_load_idx %arg21[%broadcast_in_dim3A_192] : memref<64xf32, #tpu.memory_space<vmem>>[vector<16xi32>], vector<16xf32>,
        %mul3A_205 = arith.mulf %max3A_203, %gather3A_204 : vector<16xf32>
        %add3A_206 = arith.addf %add3A_190, %mul3A_205 : vector<16xf32>
        %broadcast_in_dim3A_207 = arith.constant 8 : i32
        %broadcast_in_dim3A_208 = vector.broadcast %broadcast_in_dim3A_207 : i32 to vector<16xi32>
        %broadcast_in_dim3A_209 = arith.constant 72 : i32
        %broadcast_in_dim3A_210 = vector.broadcast %broadcast_in_dim3A_209 : i32 to vector<16xi32>
        %add3A_211 = arith.addi %mul3A_73, %broadcast_in_dim3A_208 : vector<16xi32>
        %gather3A_212 = tpu.vector_load_idx %arg12[%add3A_211] : memref<5120xf32, #tpu.memory_space<vmem>>[vector<16xi32>], vector<16xf32>,
        %gather3A_213 = tpu.vector_load_idx %arg14[%add3A_70, %broadcast_in_dim3A_208] : memref<80x128xf32, #tpu.memory_space<vmem>>[vector<16xi32>, vector<16xi32>], vector<16xf32>,
        %gather3A_214 = tpu.vector_load_idx %arg15[%add3A_70, %broadcast_in_dim3A_210] : memref<80x128xf32, #tpu.memory_space<vmem>>[vector<16xi32>, vector<16xi32>], vector<16xf32>,
        %add3A_215 = arith.addf %gather3A_212, %gather3A_213 : vector<16xf32>
        %add3A_216 = arith.addf %add3A_215, %gather3A_214 : vector<16xf32>
        %max3A_217 = arith.constant 0.000000e+00 : f32
        %max3A_218 = vector.broadcast %max3A_217 : f32 to vector<16xf32>
        %max3A_219 = arith.maximumf %add3A_216, %max3A_218 : vector<16xf32>
        tpu.vector_store_idx %arg16[%add3A_70, %broadcast_in_dim3A_208], %max3A_219 : memref<80x128xf32, #tpu.memory_space<vmem>>[vector<16xi32>, vector<16xi32>], vector<16xf32>,
        %gather3A_220 = tpu.vector_load_idx %arg21[%broadcast_in_dim3A_208] : memref<64xf32, #tpu.memory_space<vmem>>[vector<16xi32>], vector<16xf32>,
        %mul3A_221 = arith.mulf %max3A_219, %gather3A_220 : vector<16xf32>
        %add3A_222 = arith.addf %add3A_206, %mul3A_221 : vector<16xf32>
        %broadcast_in_dim3A_223 = arith.constant 9 : i32
        %broadcast_in_dim3A_224 = vector.broadcast %broadcast_in_dim3A_223 : i32 to vector<16xi32>
        %broadcast_in_dim3A_225 = arith.constant 73 : i32
        %broadcast_in_dim3A_226 = vector.broadcast %broadcast_in_dim3A_225 : i32 to vector<16xi32>
        %add3A_227 = arith.addi %mul3A_73, %broadcast_in_dim3A_224 : vector<16xi32>
        %gather3A_228 = tpu.vector_load_idx %arg12[%add3A_227] : memref<5120xf32, #tpu.memory_space<vmem>>[vector<16xi32>], vector<16xf32>,
        %gather3A_229 = tpu.vector_load_idx %arg14[%add3A_70, %broadcast_in_dim3A_224] : memref<80x128xf32, #tpu.memory_space<vmem>>[vector<16xi32>, vector<16xi32>], vector<16xf32>,
        %gather3A_230 = tpu.vector_load_idx %arg15[%add3A_70, %broadcast_in_dim3A_226] : memref<80x128xf32, #tpu.memory_space<vmem>>[vector<16xi32>, vector<16xi32>], vector<16xf32>,
        %add3A_231 = arith.addf %gather3A_228, %gather3A_229 : vector<16xf32>
        %add3A_232 = arith.addf %add3A_231, %gather3A_230 : vector<16xf32>
        %max3A_233 = arith.constant 0.000000e+00 : f32
        %max3A_234 = vector.broadcast %max3A_233 : f32 to vector<16xf32>
        %max3A_235 = arith.maximumf %add3A_232, %max3A_234 : vector<16xf32>
        tpu.vector_store_idx %arg16[%add3A_70, %broadcast_in_dim3A_224], %max3A_235 : memref<80x128xf32, #tpu.memory_space<vmem>>[vector<16xi32>, vector<16xi32>], vector<16xf32>,
        %gather3A_236 = tpu.vector_load_idx %arg21[%broadcast_in_dim3A_224] : memref<64xf32, #tpu.memory_space<vmem>>[vector<16xi32>], vector<16xf32>,
        %mul3A_237 = arith.mulf %max3A_235, %gather3A_236 : vector<16xf32>
        %add3A_238 = arith.addf %add3A_222, %mul3A_237 : vector<16xf32>
        %broadcast_in_dim3A_239 = arith.constant 10 : i32
        %broadcast_in_dim3A_240 = vector.broadcast %broadcast_in_dim3A_239 : i32 to vector<16xi32>
        %broadcast_in_dim3A_241 = arith.constant 74 : i32
        %broadcast_in_dim3A_242 = vector.broadcast %broadcast_in_dim3A_241 : i32 to vector<16xi32>
        %add3A_243 = arith.addi %mul3A_73, %broadcast_in_dim3A_240 : vector<16xi32>
        %gather3A_244 = tpu.vector_load_idx %arg12[%add3A_243] : memref<5120xf32, #tpu.memory_space<vmem>>[vector<16xi32>], vector<16xf32>,
        %gather3A_245 = tpu.vector_load_idx %arg14[%add3A_70, %broadcast_in_dim3A_240] : memref<80x128xf32, #tpu.memory_space<vmem>>[vector<16xi32>, vector<16xi32>], vector<16xf32>,
        %gather3A_246 = tpu.vector_load_idx %arg15[%add3A_70, %broadcast_in_dim3A_242] : memref<80x128xf32, #tpu.memory_space<vmem>>[vector<16xi32>, vector<16xi32>], vector<16xf32>,
        %add3A_247 = arith.addf %gather3A_244, %gather3A_245 : vector<16xf32>
        %add3A_248 = arith.addf %add3A_247, %gather3A_246 : vector<16xf32>
        %max3A_249 = arith.constant 0.000000e+00 : f32
        %max3A_250 = vector.broadcast %max3A_249 : f32 to vector<16xf32>
        %max3A_251 = arith.maximumf %add3A_248, %max3A_250 : vector<16xf32>
        tpu.vector_store_idx %arg16[%add3A_70, %broadcast_in_dim3A_240], %max3A_251 : memref<80x128xf32, #tpu.memory_space<vmem>>[vector<16xi32>, vector<16xi32>], vector<16xf32>,
        %gather3A_252 = tpu.vector_load_idx %arg21[%broadcast_in_dim3A_240] : memref<64xf32, #tpu.memory_space<vmem>>[vector<16xi32>], vector<16xf32>,
        %mul3A_253 = arith.mulf %max3A_251, %gather3A_252 : vector<16xf32>
        %add3A_254 = arith.addf %add3A_238, %mul3A_253 : vector<16xf32>
        %broadcast_in_dim3A_255 = arith.constant 11 : i32
        %broadcast_in_dim3A_256 = vector.broadcast %broadcast_in_dim3A_255 : i32 to vector<16xi32>
        %broadcast_in_dim3A_257 = arith.constant 75 : i32
        %broadcast_in_dim3A_258 = vector.broadcast %broadcast_in_dim3A_257 : i32 to vector<16xi32>
        %add3A_259 = arith.addi %mul3A_73, %broadcast_in_dim3A_256 : vector<16xi32>
        %gather3A_260 = tpu.vector_load_idx %arg12[%add3A_259] : memref<5120xf32, #tpu.memory_space<vmem>>[vector<16xi32>], vector<16xf32>,
        %gather3A_261 = tpu.vector_load_idx %arg14[%add3A_70, %broadcast_in_dim3A_256] : memref<80x128xf32, #tpu.memory_space<vmem>>[vector<16xi32>, vector<16xi32>], vector<16xf32>,
        %gather3A_262 = tpu.vector_load_idx %arg15[%add3A_70, %broadcast_in_dim3A_258] : memref<80x128xf32, #tpu.memory_space<vmem>>[vector<16xi32>, vector<16xi32>], vector<16xf32>,
        %add3A_263 = arith.addf %gather3A_260, %gather3A_261 : vector<16xf32>
        %add3A_264 = arith.addf %add3A_263, %gather3A_262 : vector<16xf32>
        %max3A_265 = arith.constant 0.000000e+00 : f32
        %max3A_266 = vector.broadcast %max3A_265 : f32 to vector<16xf32>
        %max3A_267 = arith.maximumf %add3A_264, %max3A_266 : vector<16xf32>
        tpu.vector_store_idx %arg16[%add3A_70, %broadcast_in_dim3A_256], %max3A_267 : memref<80x128xf32, #tpu.memory_space<vmem>>[vector<16xi32>, vector<16xi32>], vector<16xf32>,
        %gather3A_268 = tpu.vector_load_idx %arg21[%broadcast_in_dim3A_256] : memref<64xf32, #tpu.memory_space<vmem>>[vector<16xi32>], vector<16xf32>,
        %mul3A_269 = arith.mulf %max3A_267, %gather3A_268 : vector<16xf32>
        %add3A_270 = arith.addf %add3A_254, %mul3A_269 : vector<16xf32>
        %broadcast_in_dim3A_271 = arith.constant 12 : i32
        %broadcast_in_dim3A_272 = vector.broadcast %broadcast_in_dim3A_271 : i32 to vector<16xi32>
        %broadcast_in_dim3A_273 = arith.constant 76 : i32
        %broadcast_in_dim3A_274 = vector.broadcast %broadcast_in_dim3A_273 : i32 to vector<16xi32>
        %add3A_275 = arith.addi %mul3A_73, %broadcast_in_dim3A_272 : vector<16xi32>
        %gather3A_276 = tpu.vector_load_idx %arg12[%add3A_275] : memref<5120xf32, #tpu.memory_space<vmem>>[vector<16xi32>], vector<16xf32>,
        %gather3A_277 = tpu.vector_load_idx %arg14[%add3A_70, %broadcast_in_dim3A_272] : memref<80x128xf32, #tpu.memory_space<vmem>>[vector<16xi32>, vector<16xi32>], vector<16xf32>,
        %gather3A_278 = tpu.vector_load_idx %arg15[%add3A_70, %broadcast_in_dim3A_274] : memref<80x128xf32, #tpu.memory_space<vmem>>[vector<16xi32>, vector<16xi32>], vector<16xf32>,
        %add3A_279 = arith.addf %gather3A_276, %gather3A_277 : vector<16xf32>
        %add3A_280 = arith.addf %add3A_279, %gather3A_278 : vector<16xf32>
        %max3A_281 = arith.constant 0.000000e+00 : f32
        %max3A_282 = vector.broadcast %max3A_281 : f32 to vector<16xf32>
        %max3A_283 = arith.maximumf %add3A_280, %max3A_282 : vector<16xf32>
        tpu.vector_store_idx %arg16[%add3A_70, %broadcast_in_dim3A_272], %max3A_283 : memref<80x128xf32, #tpu.memory_space<vmem>>[vector<16xi32>, vector<16xi32>], vector<16xf32>,
        %gather3A_284 = tpu.vector_load_idx %arg21[%broadcast_in_dim3A_272] : memref<64xf32, #tpu.memory_space<vmem>>[vector<16xi32>], vector<16xf32>,
        %mul3A_285 = arith.mulf %max3A_283, %gather3A_284 : vector<16xf32>
        %add3A_286 = arith.addf %add3A_270, %mul3A_285 : vector<16xf32>
        %broadcast_in_dim3A_287 = arith.constant 13 : i32
        %broadcast_in_dim3A_288 = vector.broadcast %broadcast_in_dim3A_287 : i32 to vector<16xi32>
        %broadcast_in_dim3A_289 = arith.constant 77 : i32
        %broadcast_in_dim3A_290 = vector.broadcast %broadcast_in_dim3A_289 : i32 to vector<16xi32>
        %add3A_291 = arith.addi %mul3A_73, %broadcast_in_dim3A_288 : vector<16xi32>
        %gather3A_292 = tpu.vector_load_idx %arg12[%add3A_291] : memref<5120xf32, #tpu.memory_space<vmem>>[vector<16xi32>], vector<16xf32>,
        %gather3A_293 = tpu.vector_load_idx %arg14[%add3A_70, %broadcast_in_dim3A_288] : memref<80x128xf32, #tpu.memory_space<vmem>>[vector<16xi32>, vector<16xi32>], vector<16xf32>,
        %gather3A_294 = tpu.vector_load_idx %arg15[%add3A_70, %broadcast_in_dim3A_290] : memref<80x128xf32, #tpu.memory_space<vmem>>[vector<16xi32>, vector<16xi32>], vector<16xf32>,
        %add3A_295 = arith.addf %gather3A_292, %gather3A_293 : vector<16xf32>
        %add3A_296 = arith.addf %add3A_295, %gather3A_294 : vector<16xf32>
        %max3A_297 = arith.constant 0.000000e+00 : f32
        %max3A_298 = vector.broadcast %max3A_297 : f32 to vector<16xf32>
        %max3A_299 = arith.maximumf %add3A_296, %max3A_298 : vector<16xf32>
        tpu.vector_store_idx %arg16[%add3A_70, %broadcast_in_dim3A_288], %max3A_299 : memref<80x128xf32, #tpu.memory_space<vmem>>[vector<16xi32>, vector<16xi32>], vector<16xf32>,
        %gather3A_300 = tpu.vector_load_idx %arg21[%broadcast_in_dim3A_288] : memref<64xf32, #tpu.memory_space<vmem>>[vector<16xi32>], vector<16xf32>,
        %mul3A_301 = arith.mulf %max3A_299, %gather3A_300 : vector<16xf32>
        %add3A_302 = arith.addf %add3A_286, %mul3A_301 : vector<16xf32>
        %broadcast_in_dim3A_303 = arith.constant 14 : i32
        %broadcast_in_dim3A_304 = vector.broadcast %broadcast_in_dim3A_303 : i32 to vector<16xi32>
        %broadcast_in_dim3A_305 = arith.constant 78 : i32
        %broadcast_in_dim3A_306 = vector.broadcast %broadcast_in_dim3A_305 : i32 to vector<16xi32>
        %add3A_307 = arith.addi %mul3A_73, %broadcast_in_dim3A_304 : vector<16xi32>
        %gather3A_308 = tpu.vector_load_idx %arg12[%add3A_307] : memref<5120xf32, #tpu.memory_space<vmem>>[vector<16xi32>], vector<16xf32>,
        %gather3A_309 = tpu.vector_load_idx %arg14[%add3A_70, %broadcast_in_dim3A_304] : memref<80x128xf32, #tpu.memory_space<vmem>>[vector<16xi32>, vector<16xi32>], vector<16xf32>,
        %gather3A_310 = tpu.vector_load_idx %arg15[%add3A_70, %broadcast_in_dim3A_306] : memref<80x128xf32, #tpu.memory_space<vmem>>[vector<16xi32>, vector<16xi32>], vector<16xf32>,
        %add3A_311 = arith.addf %gather3A_308, %gather3A_309 : vector<16xf32>
        %add3A_312 = arith.addf %add3A_311, %gather3A_310 : vector<16xf32>
        %max3A_313 = arith.constant 0.000000e+00 : f32
        %max3A_314 = vector.broadcast %max3A_313 : f32 to vector<16xf32>
        %max3A_315 = arith.maximumf %add3A_312, %max3A_314 : vector<16xf32>
        tpu.vector_store_idx %arg16[%add3A_70, %broadcast_in_dim3A_304], %max3A_315 : memref<80x128xf32, #tpu.memory_space<vmem>>[vector<16xi32>, vector<16xi32>], vector<16xf32>,
        %gather3A_316 = tpu.vector_load_idx %arg21[%broadcast_in_dim3A_304] : memref<64xf32, #tpu.memory_space<vmem>>[vector<16xi32>], vector<16xf32>,
        %mul3A_317 = arith.mulf %max3A_315, %gather3A_316 : vector<16xf32>
        %add3A_318 = arith.addf %add3A_302, %mul3A_317 : vector<16xf32>
        %broadcast_in_dim3A_319 = arith.constant 15 : i32
        %broadcast_in_dim3A_320 = vector.broadcast %broadcast_in_dim3A_319 : i32 to vector<16xi32>
        %broadcast_in_dim3A_321 = arith.constant 79 : i32
        %broadcast_in_dim3A_322 = vector.broadcast %broadcast_in_dim3A_321 : i32 to vector<16xi32>
        %add3A_323 = arith.addi %mul3A_73, %broadcast_in_dim3A_320 : vector<16xi32>
        %gather3A_324 = tpu.vector_load_idx %arg12[%add3A_323] : memref<5120xf32, #tpu.memory_space<vmem>>[vector<16xi32>], vector<16xf32>,
        %gather3A_325 = tpu.vector_load_idx %arg14[%add3A_70, %broadcast_in_dim3A_320] : memref<80x128xf32, #tpu.memory_space<vmem>>[vector<16xi32>, vector<16xi32>], vector<16xf32>,
        %gather3A_326 = tpu.vector_load_idx %arg15[%add3A_70, %broadcast_in_dim3A_322] : memref<80x128xf32, #tpu.memory_space<vmem>>[vector<16xi32>, vector<16xi32>], vector<16xf32>,
        %add3A_327 = arith.addf %gather3A_324, %gather3A_325 : vector<16xf32>
        %add3A_328 = arith.addf %add3A_327, %gather3A_326 : vector<16xf32>
        %max3A_329 = arith.constant 0.000000e+00 : f32
        %max3A_330 = vector.broadcast %max3A_329 : f32 to vector<16xf32>
        %max3A_331 = arith.maximumf %add3A_328, %max3A_330 : vector<16xf32>
        tpu.vector_store_idx %arg16[%add3A_70, %broadcast_in_dim3A_320], %max3A_331 : memref<80x128xf32, #tpu.memory_space<vmem>>[vector<16xi32>, vector<16xi32>], vector<16xf32>,
        %gather3A_332 = tpu.vector_load_idx %arg21[%broadcast_in_dim3A_320] : memref<64xf32, #tpu.memory_space<vmem>>[vector<16xi32>], vector<16xf32>,
        %mul3A_333 = arith.mulf %max3A_331, %gather3A_332 : vector<16xf32>
        %add3A_334 = arith.addf %add3A_318, %mul3A_333 : vector<16xf32>
        %broadcast_in_dim3A_335 = arith.constant 16 : i32
        %broadcast_in_dim3A_336 = vector.broadcast %broadcast_in_dim3A_335 : i32 to vector<16xi32>
        %broadcast_in_dim3A_337 = arith.constant 80 : i32
        %broadcast_in_dim3A_338 = vector.broadcast %broadcast_in_dim3A_337 : i32 to vector<16xi32>
        %add3A_339 = arith.addi %mul3A_73, %broadcast_in_dim3A_336 : vector<16xi32>
        %gather3A_340 = tpu.vector_load_idx %arg12[%add3A_339] : memref<5120xf32, #tpu.memory_space<vmem>>[vector<16xi32>], vector<16xf32>,
        %gather3A_341 = tpu.vector_load_idx %arg14[%add3A_70, %broadcast_in_dim3A_336] : memref<80x128xf32, #tpu.memory_space<vmem>>[vector<16xi32>, vector<16xi32>], vector<16xf32>,
        %gather3A_342 = tpu.vector_load_idx %arg15[%add3A_70, %broadcast_in_dim3A_338] : memref<80x128xf32, #tpu.memory_space<vmem>>[vector<16xi32>, vector<16xi32>], vector<16xf32>,
        %add3A_343 = arith.addf %gather3A_340, %gather3A_341 : vector<16xf32>
        %add3A_344 = arith.addf %add3A_343, %gather3A_342 : vector<16xf32>
        %max3A_345 = arith.constant 0.000000e+00 : f32
        %max3A_346 = vector.broadcast %max3A_345 : f32 to vector<16xf32>
        %max3A_347 = arith.maximumf %add3A_344, %max3A_346 : vector<16xf32>
        tpu.vector_store_idx %arg16[%add3A_70, %broadcast_in_dim3A_336], %max3A_347 : memref<80x128xf32, #tpu.memory_space<vmem>>[vector<16xi32>, vector<16xi32>], vector<16xf32>,
        %gather3A_348 = tpu.vector_load_idx %arg21[%broadcast_in_dim3A_336] : memref<64xf32, #tpu.memory_space<vmem>>[vector<16xi32>], vector<16xf32>,
        %mul3A_349 = arith.mulf %max3A_347, %gather3A_348 : vector<16xf32>
        %add3A_350 = arith.addf %add3A_334, %mul3A_349 : vector<16xf32>
        %broadcast_in_dim3A_351 = arith.constant 17 : i32
        %broadcast_in_dim3A_352 = vector.broadcast %broadcast_in_dim3A_351 : i32 to vector<16xi32>
        %broadcast_in_dim3A_353 = arith.constant 81 : i32
        %broadcast_in_dim3A_354 = vector.broadcast %broadcast_in_dim3A_353 : i32 to vector<16xi32>
        %add3A_355 = arith.addi %mul3A_73, %broadcast_in_dim3A_352 : vector<16xi32>
        %gather3A_356 = tpu.vector_load_idx %arg12[%add3A_355] : memref<5120xf32, #tpu.memory_space<vmem>>[vector<16xi32>], vector<16xf32>,
        %gather3A_357 = tpu.vector_load_idx %arg14[%add3A_70, %broadcast_in_dim3A_352] : memref<80x128xf32, #tpu.memory_space<vmem>>[vector<16xi32>, vector<16xi32>], vector<16xf32>,
        %gather3A_358 = tpu.vector_load_idx %arg15[%add3A_70, %broadcast_in_dim3A_354] : memref<80x128xf32, #tpu.memory_space<vmem>>[vector<16xi32>, vector<16xi32>], vector<16xf32>,
        %add3A_359 = arith.addf %gather3A_356, %gather3A_357 : vector<16xf32>
        %add3A_360 = arith.addf %add3A_359, %gather3A_358 : vector<16xf32>
        %max3A_361 = arith.constant 0.000000e+00 : f32
        %max3A_362 = vector.broadcast %max3A_361 : f32 to vector<16xf32>
        %max3A_363 = arith.maximumf %add3A_360, %max3A_362 : vector<16xf32>
        tpu.vector_store_idx %arg16[%add3A_70, %broadcast_in_dim3A_352], %max3A_363 : memref<80x128xf32, #tpu.memory_space<vmem>>[vector<16xi32>, vector<16xi32>], vector<16xf32>,
        %gather3A_364 = tpu.vector_load_idx %arg21[%broadcast_in_dim3A_352] : memref<64xf32, #tpu.memory_space<vmem>>[vector<16xi32>], vector<16xf32>,
        %mul3A_365 = arith.mulf %max3A_363, %gather3A_364 : vector<16xf32>
        %add3A_366 = arith.addf %add3A_350, %mul3A_365 : vector<16xf32>
        %broadcast_in_dim3A_367 = arith.constant 18 : i32
        %broadcast_in_dim3A_368 = vector.broadcast %broadcast_in_dim3A_367 : i32 to vector<16xi32>
        %broadcast_in_dim3A_369 = arith.constant 82 : i32
        %broadcast_in_dim3A_370 = vector.broadcast %broadcast_in_dim3A_369 : i32 to vector<16xi32>
        %add3A_371 = arith.addi %mul3A_73, %broadcast_in_dim3A_368 : vector<16xi32>
        %gather3A_372 = tpu.vector_load_idx %arg12[%add3A_371] : memref<5120xf32, #tpu.memory_space<vmem>>[vector<16xi32>], vector<16xf32>,
        %gather3A_373 = tpu.vector_load_idx %arg14[%add3A_70, %broadcast_in_dim3A_368] : memref<80x128xf32, #tpu.memory_space<vmem>>[vector<16xi32>, vector<16xi32>], vector<16xf32>,
        %gather3A_374 = tpu.vector_load_idx %arg15[%add3A_70, %broadcast_in_dim3A_370] : memref<80x128xf32, #tpu.memory_space<vmem>>[vector<16xi32>, vector<16xi32>], vector<16xf32>,
        %add3A_375 = arith.addf %gather3A_372, %gather3A_373 : vector<16xf32>
        %add3A_376 = arith.addf %add3A_375, %gather3A_374 : vector<16xf32>
        %max3A_377 = arith.constant 0.000000e+00 : f32
        %max3A_378 = vector.broadcast %max3A_377 : f32 to vector<16xf32>
        %max3A_379 = arith.maximumf %add3A_376, %max3A_378 : vector<16xf32>
        tpu.vector_store_idx %arg16[%add3A_70, %broadcast_in_dim3A_368], %max3A_379 : memref<80x128xf32, #tpu.memory_space<vmem>>[vector<16xi32>, vector<16xi32>], vector<16xf32>,
        %gather3A_380 = tpu.vector_load_idx %arg21[%broadcast_in_dim3A_368] : memref<64xf32, #tpu.memory_space<vmem>>[vector<16xi32>], vector<16xf32>,
        %mul3A_381 = arith.mulf %max3A_379, %gather3A_380 : vector<16xf32>
        %add3A_382 = arith.addf %add3A_366, %mul3A_381 : vector<16xf32>
        %broadcast_in_dim3A_383 = arith.constant 19 : i32
        %broadcast_in_dim3A_384 = vector.broadcast %broadcast_in_dim3A_383 : i32 to vector<16xi32>
        %broadcast_in_dim3A_385 = arith.constant 83 : i32
        %broadcast_in_dim3A_386 = vector.broadcast %broadcast_in_dim3A_385 : i32 to vector<16xi32>
        %add3A_387 = arith.addi %mul3A_73, %broadcast_in_dim3A_384 : vector<16xi32>
        %gather3A_388 = tpu.vector_load_idx %arg12[%add3A_387] : memref<5120xf32, #tpu.memory_space<vmem>>[vector<16xi32>], vector<16xf32>,
        %gather3A_389 = tpu.vector_load_idx %arg14[%add3A_70, %broadcast_in_dim3A_384] : memref<80x128xf32, #tpu.memory_space<vmem>>[vector<16xi32>, vector<16xi32>], vector<16xf32>,
        %gather3A_390 = tpu.vector_load_idx %arg15[%add3A_70, %broadcast_in_dim3A_386] : memref<80x128xf32, #tpu.memory_space<vmem>>[vector<16xi32>, vector<16xi32>], vector<16xf32>,
        %add3A_391 = arith.addf %gather3A_388, %gather3A_389 : vector<16xf32>
        %add3A_392 = arith.addf %add3A_391, %gather3A_390 : vector<16xf32>
        %max3A_393 = arith.constant 0.000000e+00 : f32
        %max3A_394 = vector.broadcast %max3A_393 : f32 to vector<16xf32>
        %max3A_395 = arith.maximumf %add3A_392, %max3A_394 : vector<16xf32>
        tpu.vector_store_idx %arg16[%add3A_70, %broadcast_in_dim3A_384], %max3A_395 : memref<80x128xf32, #tpu.memory_space<vmem>>[vector<16xi32>, vector<16xi32>], vector<16xf32>,
        %gather3A_396 = tpu.vector_load_idx %arg21[%broadcast_in_dim3A_384] : memref<64xf32, #tpu.memory_space<vmem>>[vector<16xi32>], vector<16xf32>,
        %mul3A_397 = arith.mulf %max3A_395, %gather3A_396 : vector<16xf32>
        %add3A_398 = arith.addf %add3A_382, %mul3A_397 : vector<16xf32>
        %broadcast_in_dim3A_399 = arith.constant 20 : i32
        %broadcast_in_dim3A_400 = vector.broadcast %broadcast_in_dim3A_399 : i32 to vector<16xi32>
        %broadcast_in_dim3A_401 = arith.constant 84 : i32
        %broadcast_in_dim3A_402 = vector.broadcast %broadcast_in_dim3A_401 : i32 to vector<16xi32>
        %add3A_403 = arith.addi %mul3A_73, %broadcast_in_dim3A_400 : vector<16xi32>
        %gather3A_404 = tpu.vector_load_idx %arg12[%add3A_403] : memref<5120xf32, #tpu.memory_space<vmem>>[vector<16xi32>], vector<16xf32>,
        %gather3A_405 = tpu.vector_load_idx %arg14[%add3A_70, %broadcast_in_dim3A_400] : memref<80x128xf32, #tpu.memory_space<vmem>>[vector<16xi32>, vector<16xi32>], vector<16xf32>,
        %gather3A_406 = tpu.vector_load_idx %arg15[%add3A_70, %broadcast_in_dim3A_402] : memref<80x128xf32, #tpu.memory_space<vmem>>[vector<16xi32>, vector<16xi32>], vector<16xf32>,
        %add3A_407 = arith.addf %gather3A_404, %gather3A_405 : vector<16xf32>
        %add3A_408 = arith.addf %add3A_407, %gather3A_406 : vector<16xf32>
        %max3A_409 = arith.constant 0.000000e+00 : f32
        %max3A_410 = vector.broadcast %max3A_409 : f32 to vector<16xf32>
        %max3A_411 = arith.maximumf %add3A_408, %max3A_410 : vector<16xf32>
        tpu.vector_store_idx %arg16[%add3A_70, %broadcast_in_dim3A_400], %max3A_411 : memref<80x128xf32, #tpu.memory_space<vmem>>[vector<16xi32>, vector<16xi32>], vector<16xf32>,
        %gather3A_412 = tpu.vector_load_idx %arg21[%broadcast_in_dim3A_400] : memref<64xf32, #tpu.memory_space<vmem>>[vector<16xi32>], vector<16xf32>,
        %mul3A_413 = arith.mulf %max3A_411, %gather3A_412 : vector<16xf32>
        %add3A_414 = arith.addf %add3A_398, %mul3A_413 : vector<16xf32>
        %broadcast_in_dim3A_415 = arith.constant 21 : i32
        %broadcast_in_dim3A_416 = vector.broadcast %broadcast_in_dim3A_415 : i32 to vector<16xi32>
        %broadcast_in_dim3A_417 = arith.constant 85 : i32
        %broadcast_in_dim3A_418 = vector.broadcast %broadcast_in_dim3A_417 : i32 to vector<16xi32>
        %add3A_419 = arith.addi %mul3A_73, %broadcast_in_dim3A_416 : vector<16xi32>
        %gather3A_420 = tpu.vector_load_idx %arg12[%add3A_419] : memref<5120xf32, #tpu.memory_space<vmem>>[vector<16xi32>], vector<16xf32>,
        %gather3A_421 = tpu.vector_load_idx %arg14[%add3A_70, %broadcast_in_dim3A_416] : memref<80x128xf32, #tpu.memory_space<vmem>>[vector<16xi32>, vector<16xi32>], vector<16xf32>,
        %gather3A_422 = tpu.vector_load_idx %arg15[%add3A_70, %broadcast_in_dim3A_418] : memref<80x128xf32, #tpu.memory_space<vmem>>[vector<16xi32>, vector<16xi32>], vector<16xf32>,
        %add3A_423 = arith.addf %gather3A_420, %gather3A_421 : vector<16xf32>
        %add3A_424 = arith.addf %add3A_423, %gather3A_422 : vector<16xf32>
        %max3A_425 = arith.constant 0.000000e+00 : f32
        %max3A_426 = vector.broadcast %max3A_425 : f32 to vector<16xf32>
        %max3A_427 = arith.maximumf %add3A_424, %max3A_426 : vector<16xf32>
        tpu.vector_store_idx %arg16[%add3A_70, %broadcast_in_dim3A_416], %max3A_427 : memref<80x128xf32, #tpu.memory_space<vmem>>[vector<16xi32>, vector<16xi32>], vector<16xf32>,
        %gather3A_428 = tpu.vector_load_idx %arg21[%broadcast_in_dim3A_416] : memref<64xf32, #tpu.memory_space<vmem>>[vector<16xi32>], vector<16xf32>,
        %mul3A_429 = arith.mulf %max3A_427, %gather3A_428 : vector<16xf32>
        %add3A_430 = arith.addf %add3A_414, %mul3A_429 : vector<16xf32>
        %broadcast_in_dim3A_431 = arith.constant 22 : i32
        %broadcast_in_dim3A_432 = vector.broadcast %broadcast_in_dim3A_431 : i32 to vector<16xi32>
        %broadcast_in_dim3A_433 = arith.constant 86 : i32
        %broadcast_in_dim3A_434 = vector.broadcast %broadcast_in_dim3A_433 : i32 to vector<16xi32>
        %add3A_435 = arith.addi %mul3A_73, %broadcast_in_dim3A_432 : vector<16xi32>
        %gather3A_436 = tpu.vector_load_idx %arg12[%add3A_435] : memref<5120xf32, #tpu.memory_space<vmem>>[vector<16xi32>], vector<16xf32>,
        %gather3A_437 = tpu.vector_load_idx %arg14[%add3A_70, %broadcast_in_dim3A_432] : memref<80x128xf32, #tpu.memory_space<vmem>>[vector<16xi32>, vector<16xi32>], vector<16xf32>,
        %gather3A_438 = tpu.vector_load_idx %arg15[%add3A_70, %broadcast_in_dim3A_434] : memref<80x128xf32, #tpu.memory_space<vmem>>[vector<16xi32>, vector<16xi32>], vector<16xf32>,
        %add3A_439 = arith.addf %gather3A_436, %gather3A_437 : vector<16xf32>
        %add3A_440 = arith.addf %add3A_439, %gather3A_438 : vector<16xf32>
        %max3A_441 = arith.constant 0.000000e+00 : f32
        %max3A_442 = vector.broadcast %max3A_441 : f32 to vector<16xf32>
        %max3A_443 = arith.maximumf %add3A_440, %max3A_442 : vector<16xf32>
        tpu.vector_store_idx %arg16[%add3A_70, %broadcast_in_dim3A_432], %max3A_443 : memref<80x128xf32, #tpu.memory_space<vmem>>[vector<16xi32>, vector<16xi32>], vector<16xf32>,
        %gather3A_444 = tpu.vector_load_idx %arg21[%broadcast_in_dim3A_432] : memref<64xf32, #tpu.memory_space<vmem>>[vector<16xi32>], vector<16xf32>,
        %mul3A_445 = arith.mulf %max3A_443, %gather3A_444 : vector<16xf32>
        %add3A_446 = arith.addf %add3A_430, %mul3A_445 : vector<16xf32>
        %broadcast_in_dim3A_447 = arith.constant 23 : i32
        %broadcast_in_dim3A_448 = vector.broadcast %broadcast_in_dim3A_447 : i32 to vector<16xi32>
        %broadcast_in_dim3A_449 = arith.constant 87 : i32
        %broadcast_in_dim3A_450 = vector.broadcast %broadcast_in_dim3A_449 : i32 to vector<16xi32>
        %add3A_451 = arith.addi %mul3A_73, %broadcast_in_dim3A_448 : vector<16xi32>
        %gather3A_452 = tpu.vector_load_idx %arg12[%add3A_451] : memref<5120xf32, #tpu.memory_space<vmem>>[vector<16xi32>], vector<16xf32>,
        %gather3A_453 = tpu.vector_load_idx %arg14[%add3A_70, %broadcast_in_dim3A_448] : memref<80x128xf32, #tpu.memory_space<vmem>>[vector<16xi32>, vector<16xi32>], vector<16xf32>,
        %gather3A_454 = tpu.vector_load_idx %arg15[%add3A_70, %broadcast_in_dim3A_450] : memref<80x128xf32, #tpu.memory_space<vmem>>[vector<16xi32>, vector<16xi32>], vector<16xf32>,
        %add3A_455 = arith.addf %gather3A_452, %gather3A_453 : vector<16xf32>
        %add3A_456 = arith.addf %add3A_455, %gather3A_454 : vector<16xf32>
        %max3A_457 = arith.constant 0.000000e+00 : f32
        %max3A_458 = vector.broadcast %max3A_457 : f32 to vector<16xf32>
        %max3A_459 = arith.maximumf %add3A_456, %max3A_458 : vector<16xf32>
        tpu.vector_store_idx %arg16[%add3A_70, %broadcast_in_dim3A_448], %max3A_459 : memref<80x128xf32, #tpu.memory_space<vmem>>[vector<16xi32>, vector<16xi32>], vector<16xf32>,
        %gather3A_460 = tpu.vector_load_idx %arg21[%broadcast_in_dim3A_448] : memref<64xf32, #tpu.memory_space<vmem>>[vector<16xi32>], vector<16xf32>,
        %mul3A_461 = arith.mulf %max3A_459, %gather3A_460 : vector<16xf32>
        %add3A_462 = arith.addf %add3A_446, %mul3A_461 : vector<16xf32>
        %broadcast_in_dim3A_463 = arith.constant 24 : i32
        %broadcast_in_dim3A_464 = vector.broadcast %broadcast_in_dim3A_463 : i32 to vector<16xi32>
        %broadcast_in_dim3A_465 = arith.constant 88 : i32
        %broadcast_in_dim3A_466 = vector.broadcast %broadcast_in_dim3A_465 : i32 to vector<16xi32>
        %add3A_467 = arith.addi %mul3A_73, %broadcast_in_dim3A_464 : vector<16xi32>
        %gather3A_468 = tpu.vector_load_idx %arg12[%add3A_467] : memref<5120xf32, #tpu.memory_space<vmem>>[vector<16xi32>], vector<16xf32>,
        %gather3A_469 = tpu.vector_load_idx %arg14[%add3A_70, %broadcast_in_dim3A_464] : memref<80x128xf32, #tpu.memory_space<vmem>>[vector<16xi32>, vector<16xi32>], vector<16xf32>,
        %gather3A_470 = tpu.vector_load_idx %arg15[%add3A_70, %broadcast_in_dim3A_466] : memref<80x128xf32, #tpu.memory_space<vmem>>[vector<16xi32>, vector<16xi32>], vector<16xf32>,
        %add3A_471 = arith.addf %gather3A_468, %gather3A_469 : vector<16xf32>
        %add3A_472 = arith.addf %add3A_471, %gather3A_470 : vector<16xf32>
        %max3A_473 = arith.constant 0.000000e+00 : f32
        %max3A_474 = vector.broadcast %max3A_473 : f32 to vector<16xf32>
        %max3A_475 = arith.maximumf %add3A_472, %max3A_474 : vector<16xf32>
        tpu.vector_store_idx %arg16[%add3A_70, %broadcast_in_dim3A_464], %max3A_475 : memref<80x128xf32, #tpu.memory_space<vmem>>[vector<16xi32>, vector<16xi32>], vector<16xf32>,
        %gather3A_476 = tpu.vector_load_idx %arg21[%broadcast_in_dim3A_464] : memref<64xf32, #tpu.memory_space<vmem>>[vector<16xi32>], vector<16xf32>,
        %mul3A_477 = arith.mulf %max3A_475, %gather3A_476 : vector<16xf32>
        %add3A_478 = arith.addf %add3A_462, %mul3A_477 : vector<16xf32>
        %broadcast_in_dim3A_479 = arith.constant 25 : i32
        %broadcast_in_dim3A_480 = vector.broadcast %broadcast_in_dim3A_479 : i32 to vector<16xi32>
        %broadcast_in_dim3A_481 = arith.constant 89 : i32
        %broadcast_in_dim3A_482 = vector.broadcast %broadcast_in_dim3A_481 : i32 to vector<16xi32>
        %add3A_483 = arith.addi %mul3A_73, %broadcast_in_dim3A_480 : vector<16xi32>
        %gather3A_484 = tpu.vector_load_idx %arg12[%add3A_483] : memref<5120xf32, #tpu.memory_space<vmem>>[vector<16xi32>], vector<16xf32>,
        %gather3A_485 = tpu.vector_load_idx %arg14[%add3A_70, %broadcast_in_dim3A_480] : memref<80x128xf32, #tpu.memory_space<vmem>>[vector<16xi32>, vector<16xi32>], vector<16xf32>,
        %gather3A_486 = tpu.vector_load_idx %arg15[%add3A_70, %broadcast_in_dim3A_482] : memref<80x128xf32, #tpu.memory_space<vmem>>[vector<16xi32>, vector<16xi32>], vector<16xf32>,
        %add3A_487 = arith.addf %gather3A_484, %gather3A_485 : vector<16xf32>
        %add3A_488 = arith.addf %add3A_487, %gather3A_486 : vector<16xf32>
        %max3A_489 = arith.constant 0.000000e+00 : f32
        %max3A_490 = vector.broadcast %max3A_489 : f32 to vector<16xf32>
        %max3A_491 = arith.maximumf %add3A_488, %max3A_490 : vector<16xf32>
        tpu.vector_store_idx %arg16[%add3A_70, %broadcast_in_dim3A_480], %max3A_491 : memref<80x128xf32, #tpu.memory_space<vmem>>[vector<16xi32>, vector<16xi32>], vector<16xf32>,
        %gather3A_492 = tpu.vector_load_idx %arg21[%broadcast_in_dim3A_480] : memref<64xf32, #tpu.memory_space<vmem>>[vector<16xi32>], vector<16xf32>,
        %mul3A_493 = arith.mulf %max3A_491, %gather3A_492 : vector<16xf32>
        %add3A_494 = arith.addf %add3A_478, %mul3A_493 : vector<16xf32>
        %broadcast_in_dim3A_495 = arith.constant 26 : i32
        %broadcast_in_dim3A_496 = vector.broadcast %broadcast_in_dim3A_495 : i32 to vector<16xi32>
        %broadcast_in_dim3A_497 = arith.constant 90 : i32
        %broadcast_in_dim3A_498 = vector.broadcast %broadcast_in_dim3A_497 : i32 to vector<16xi32>
        %add3A_499 = arith.addi %mul3A_73, %broadcast_in_dim3A_496 : vector<16xi32>
        %gather3A_500 = tpu.vector_load_idx %arg12[%add3A_499] : memref<5120xf32, #tpu.memory_space<vmem>>[vector<16xi32>], vector<16xf32>,
        %gather3A_501 = tpu.vector_load_idx %arg14[%add3A_70, %broadcast_in_dim3A_496] : memref<80x128xf32, #tpu.memory_space<vmem>>[vector<16xi32>, vector<16xi32>], vector<16xf32>,
        %gather3A_502 = tpu.vector_load_idx %arg15[%add3A_70, %broadcast_in_dim3A_498] : memref<80x128xf32, #tpu.memory_space<vmem>>[vector<16xi32>, vector<16xi32>], vector<16xf32>,
        %add3A_503 = arith.addf %gather3A_500, %gather3A_501 : vector<16xf32>
        %add3A_504 = arith.addf %add3A_503, %gather3A_502 : vector<16xf32>
        %max3A_505 = arith.constant 0.000000e+00 : f32
        %max3A_506 = vector.broadcast %max3A_505 : f32 to vector<16xf32>
        %max3A_507 = arith.maximumf %add3A_504, %max3A_506 : vector<16xf32>
        tpu.vector_store_idx %arg16[%add3A_70, %broadcast_in_dim3A_496], %max3A_507 : memref<80x128xf32, #tpu.memory_space<vmem>>[vector<16xi32>, vector<16xi32>], vector<16xf32>,
        %gather3A_508 = tpu.vector_load_idx %arg21[%broadcast_in_dim3A_496] : memref<64xf32, #tpu.memory_space<vmem>>[vector<16xi32>], vector<16xf32>,
        %mul3A_509 = arith.mulf %max3A_507, %gather3A_508 : vector<16xf32>
        %add3A_510 = arith.addf %add3A_494, %mul3A_509 : vector<16xf32>
        %broadcast_in_dim3A_511 = arith.constant 27 : i32
        %broadcast_in_dim3A_512 = vector.broadcast %broadcast_in_dim3A_511 : i32 to vector<16xi32>
        %broadcast_in_dim3A_513 = arith.constant 91 : i32
        %broadcast_in_dim3A_514 = vector.broadcast %broadcast_in_dim3A_513 : i32 to vector<16xi32>
        %add3A_515 = arith.addi %mul3A_73, %broadcast_in_dim3A_512 : vector<16xi32>
        %gather3A_516 = tpu.vector_load_idx %arg12[%add3A_515] : memref<5120xf32, #tpu.memory_space<vmem>>[vector<16xi32>], vector<16xf32>,
        %gather3A_517 = tpu.vector_load_idx %arg14[%add3A_70, %broadcast_in_dim3A_512] : memref<80x128xf32, #tpu.memory_space<vmem>>[vector<16xi32>, vector<16xi32>], vector<16xf32>,
        %gather3A_518 = tpu.vector_load_idx %arg15[%add3A_70, %broadcast_in_dim3A_514] : memref<80x128xf32, #tpu.memory_space<vmem>>[vector<16xi32>, vector<16xi32>], vector<16xf32>,
        %add3A_519 = arith.addf %gather3A_516, %gather3A_517 : vector<16xf32>
        %add3A_520 = arith.addf %add3A_519, %gather3A_518 : vector<16xf32>
        %max3A_521 = arith.constant 0.000000e+00 : f32
        %max3A_522 = vector.broadcast %max3A_521 : f32 to vector<16xf32>
        %max3A_523 = arith.maximumf %add3A_520, %max3A_522 : vector<16xf32>
        tpu.vector_store_idx %arg16[%add3A_70, %broadcast_in_dim3A_512], %max3A_523 : memref<80x128xf32, #tpu.memory_space<vmem>>[vector<16xi32>, vector<16xi32>], vector<16xf32>,
        %gather3A_524 = tpu.vector_load_idx %arg21[%broadcast_in_dim3A_512] : memref<64xf32, #tpu.memory_space<vmem>>[vector<16xi32>], vector<16xf32>,
        %mul3A_525 = arith.mulf %max3A_523, %gather3A_524 : vector<16xf32>
        %add3A_526 = arith.addf %add3A_510, %mul3A_525 : vector<16xf32>
        %broadcast_in_dim3A_527 = arith.constant 28 : i32
        %broadcast_in_dim3A_528 = vector.broadcast %broadcast_in_dim3A_527 : i32 to vector<16xi32>
        %broadcast_in_dim3A_529 = arith.constant 92 : i32
        %broadcast_in_dim3A_530 = vector.broadcast %broadcast_in_dim3A_529 : i32 to vector<16xi32>
        %add3A_531 = arith.addi %mul3A_73, %broadcast_in_dim3A_528 : vector<16xi32>
        %gather3A_532 = tpu.vector_load_idx %arg12[%add3A_531] : memref<5120xf32, #tpu.memory_space<vmem>>[vector<16xi32>], vector<16xf32>,
        %gather3A_533 = tpu.vector_load_idx %arg14[%add3A_70, %broadcast_in_dim3A_528] : memref<80x128xf32, #tpu.memory_space<vmem>>[vector<16xi32>, vector<16xi32>], vector<16xf32>,
        %gather3A_534 = tpu.vector_load_idx %arg15[%add3A_70, %broadcast_in_dim3A_530] : memref<80x128xf32, #tpu.memory_space<vmem>>[vector<16xi32>, vector<16xi32>], vector<16xf32>,
        %add3A_535 = arith.addf %gather3A_532, %gather3A_533 : vector<16xf32>
        %add3A_536 = arith.addf %add3A_535, %gather3A_534 : vector<16xf32>
        %max3A_537 = arith.constant 0.000000e+00 : f32
        %max3A_538 = vector.broadcast %max3A_537 : f32 to vector<16xf32>
        %max3A_539 = arith.maximumf %add3A_536, %max3A_538 : vector<16xf32>
        tpu.vector_store_idx %arg16[%add3A_70, %broadcast_in_dim3A_528], %max3A_539 : memref<80x128xf32, #tpu.memory_space<vmem>>[vector<16xi32>, vector<16xi32>], vector<16xf32>,
        %gather3A_540 = tpu.vector_load_idx %arg21[%broadcast_in_dim3A_528] : memref<64xf32, #tpu.memory_space<vmem>>[vector<16xi32>], vector<16xf32>,
        %mul3A_541 = arith.mulf %max3A_539, %gather3A_540 : vector<16xf32>
        %add3A_542 = arith.addf %add3A_526, %mul3A_541 : vector<16xf32>
        %broadcast_in_dim3A_543 = arith.constant 29 : i32
        %broadcast_in_dim3A_544 = vector.broadcast %broadcast_in_dim3A_543 : i32 to vector<16xi32>
        %broadcast_in_dim3A_545 = arith.constant 93 : i32
        %broadcast_in_dim3A_546 = vector.broadcast %broadcast_in_dim3A_545 : i32 to vector<16xi32>
        %add3A_547 = arith.addi %mul3A_73, %broadcast_in_dim3A_544 : vector<16xi32>
        %gather3A_548 = tpu.vector_load_idx %arg12[%add3A_547] : memref<5120xf32, #tpu.memory_space<vmem>>[vector<16xi32>], vector<16xf32>,
        %gather3A_549 = tpu.vector_load_idx %arg14[%add3A_70, %broadcast_in_dim3A_544] : memref<80x128xf32, #tpu.memory_space<vmem>>[vector<16xi32>, vector<16xi32>], vector<16xf32>,
        %gather3A_550 = tpu.vector_load_idx %arg15[%add3A_70, %broadcast_in_dim3A_546] : memref<80x128xf32, #tpu.memory_space<vmem>>[vector<16xi32>, vector<16xi32>], vector<16xf32>,
        %add3A_551 = arith.addf %gather3A_548, %gather3A_549 : vector<16xf32>
        %add3A_552 = arith.addf %add3A_551, %gather3A_550 : vector<16xf32>
        %max3A_553 = arith.constant 0.000000e+00 : f32
        %max3A_554 = vector.broadcast %max3A_553 : f32 to vector<16xf32>
        %max3A_555 = arith.maximumf %add3A_552, %max3A_554 : vector<16xf32>
        tpu.vector_store_idx %arg16[%add3A_70, %broadcast_in_dim3A_544], %max3A_555 : memref<80x128xf32, #tpu.memory_space<vmem>>[vector<16xi32>, vector<16xi32>], vector<16xf32>,
        %gather3A_556 = tpu.vector_load_idx %arg21[%broadcast_in_dim3A_544] : memref<64xf32, #tpu.memory_space<vmem>>[vector<16xi32>], vector<16xf32>,
        %mul3A_557 = arith.mulf %max3A_555, %gather3A_556 : vector<16xf32>
        %add3A_558 = arith.addf %add3A_542, %mul3A_557 : vector<16xf32>
        %broadcast_in_dim3A_559 = arith.constant 30 : i32
        %broadcast_in_dim3A_560 = vector.broadcast %broadcast_in_dim3A_559 : i32 to vector<16xi32>
        %broadcast_in_dim3A_561 = arith.constant 94 : i32
        %broadcast_in_dim3A_562 = vector.broadcast %broadcast_in_dim3A_561 : i32 to vector<16xi32>
        %add3A_563 = arith.addi %mul3A_73, %broadcast_in_dim3A_560 : vector<16xi32>
        %gather3A_564 = tpu.vector_load_idx %arg12[%add3A_563] : memref<5120xf32, #tpu.memory_space<vmem>>[vector<16xi32>], vector<16xf32>,
        %gather3A_565 = tpu.vector_load_idx %arg14[%add3A_70, %broadcast_in_dim3A_560] : memref<80x128xf32, #tpu.memory_space<vmem>>[vector<16xi32>, vector<16xi32>], vector<16xf32>,
        %gather3A_566 = tpu.vector_load_idx %arg15[%add3A_70, %broadcast_in_dim3A_562] : memref<80x128xf32, #tpu.memory_space<vmem>>[vector<16xi32>, vector<16xi32>], vector<16xf32>,
        %add3A_567 = arith.addf %gather3A_564, %gather3A_565 : vector<16xf32>
        %add3A_568 = arith.addf %add3A_567, %gather3A_566 : vector<16xf32>
        %max3A_569 = arith.constant 0.000000e+00 : f32
        %max3A_570 = vector.broadcast %max3A_569 : f32 to vector<16xf32>
        %max3A_571 = arith.maximumf %add3A_568, %max3A_570 : vector<16xf32>
        tpu.vector_store_idx %arg16[%add3A_70, %broadcast_in_dim3A_560], %max3A_571 : memref<80x128xf32, #tpu.memory_space<vmem>>[vector<16xi32>, vector<16xi32>], vector<16xf32>,
        %gather3A_572 = tpu.vector_load_idx %arg21[%broadcast_in_dim3A_560] : memref<64xf32, #tpu.memory_space<vmem>>[vector<16xi32>], vector<16xf32>,
        %mul3A_573 = arith.mulf %max3A_571, %gather3A_572 : vector<16xf32>
        %add3A_574 = arith.addf %add3A_558, %mul3A_573 : vector<16xf32>
        %broadcast_in_dim3A_575 = arith.constant 31 : i32
        %broadcast_in_dim3A_576 = vector.broadcast %broadcast_in_dim3A_575 : i32 to vector<16xi32>
        %broadcast_in_dim3A_577 = arith.constant 95 : i32
        %broadcast_in_dim3A_578 = vector.broadcast %broadcast_in_dim3A_577 : i32 to vector<16xi32>
        %add3A_579 = arith.addi %mul3A_73, %broadcast_in_dim3A_576 : vector<16xi32>
        %gather3A_580 = tpu.vector_load_idx %arg12[%add3A_579] : memref<5120xf32, #tpu.memory_space<vmem>>[vector<16xi32>], vector<16xf32>,
        %gather3A_581 = tpu.vector_load_idx %arg14[%add3A_70, %broadcast_in_dim3A_576] : memref<80x128xf32, #tpu.memory_space<vmem>>[vector<16xi32>, vector<16xi32>], vector<16xf32>,
        %gather3A_582 = tpu.vector_load_idx %arg15[%add3A_70, %broadcast_in_dim3A_578] : memref<80x128xf32, #tpu.memory_space<vmem>>[vector<16xi32>, vector<16xi32>], vector<16xf32>,
        %add3A_583 = arith.addf %gather3A_580, %gather3A_581 : vector<16xf32>
        %add3A_584 = arith.addf %add3A_583, %gather3A_582 : vector<16xf32>
        %max3A_585 = arith.constant 0.000000e+00 : f32
        %max3A_586 = vector.broadcast %max3A_585 : f32 to vector<16xf32>
        %max3A_587 = arith.maximumf %add3A_584, %max3A_586 : vector<16xf32>
        tpu.vector_store_idx %arg16[%add3A_70, %broadcast_in_dim3A_576], %max3A_587 : memref<80x128xf32, #tpu.memory_space<vmem>>[vector<16xi32>, vector<16xi32>], vector<16xf32>,
        %gather3A_588 = tpu.vector_load_idx %arg21[%broadcast_in_dim3A_576] : memref<64xf32, #tpu.memory_space<vmem>>[vector<16xi32>], vector<16xf32>,
        %mul3A_589 = arith.mulf %max3A_587, %gather3A_588 : vector<16xf32>
        %add3A_590 = arith.addf %add3A_574, %mul3A_589 : vector<16xf32>
        %broadcast_in_dim3A_591 = arith.constant 32 : i32
        %broadcast_in_dim3A_592 = vector.broadcast %broadcast_in_dim3A_591 : i32 to vector<16xi32>
        %broadcast_in_dim3A_593 = arith.constant 96 : i32
        %broadcast_in_dim3A_594 = vector.broadcast %broadcast_in_dim3A_593 : i32 to vector<16xi32>
        %add3A_595 = arith.addi %mul3A_73, %broadcast_in_dim3A_592 : vector<16xi32>
        %gather3A_596 = tpu.vector_load_idx %arg12[%add3A_595] : memref<5120xf32, #tpu.memory_space<vmem>>[vector<16xi32>], vector<16xf32>,
        %gather3A_597 = tpu.vector_load_idx %arg14[%add3A_70, %broadcast_in_dim3A_592] : memref<80x128xf32, #tpu.memory_space<vmem>>[vector<16xi32>, vector<16xi32>], vector<16xf32>,
        %gather3A_598 = tpu.vector_load_idx %arg15[%add3A_70, %broadcast_in_dim3A_594] : memref<80x128xf32, #tpu.memory_space<vmem>>[vector<16xi32>, vector<16xi32>], vector<16xf32>,
        %add3A_599 = arith.addf %gather3A_596, %gather3A_597 : vector<16xf32>
        %add3A_600 = arith.addf %add3A_599, %gather3A_598 : vector<16xf32>
        %max3A_601 = arith.constant 0.000000e+00 : f32
        %max3A_602 = vector.broadcast %max3A_601 : f32 to vector<16xf32>
        %max3A_603 = arith.maximumf %add3A_600, %max3A_602 : vector<16xf32>
        tpu.vector_store_idx %arg16[%add3A_70, %broadcast_in_dim3A_592], %max3A_603 : memref<80x128xf32, #tpu.memory_space<vmem>>[vector<16xi32>, vector<16xi32>], vector<16xf32>,
        %gather3A_604 = tpu.vector_load_idx %arg21[%broadcast_in_dim3A_592] : memref<64xf32, #tpu.memory_space<vmem>>[vector<16xi32>], vector<16xf32>,
        %mul3A_605 = arith.mulf %max3A_603, %gather3A_604 : vector<16xf32>
        %add3A_606 = arith.addf %broadcast_in_dim3A_80, %mul3A_605 : vector<16xf32>
        %broadcast_in_dim3A_607 = arith.constant 33 : i32
        %broadcast_in_dim3A_608 = vector.broadcast %broadcast_in_dim3A_607 : i32 to vector<16xi32>
        %broadcast_in_dim3A_609 = arith.constant 97 : i32
        %broadcast_in_dim3A_610 = vector.broadcast %broadcast_in_dim3A_609 : i32 to vector<16xi32>
        %add3A_611 = arith.addi %mul3A_73, %broadcast_in_dim3A_608 : vector<16xi32>
        %gather3A_612 = tpu.vector_load_idx %arg12[%add3A_611] : memref<5120xf32, #tpu.memory_space<vmem>>[vector<16xi32>], vector<16xf32>,
        %gather3A_613 = tpu.vector_load_idx %arg14[%add3A_70, %broadcast_in_dim3A_608] : memref<80x128xf32, #tpu.memory_space<vmem>>[vector<16xi32>, vector<16xi32>], vector<16xf32>,
        %gather3A_614 = tpu.vector_load_idx %arg15[%add3A_70, %broadcast_in_dim3A_610] : memref<80x128xf32, #tpu.memory_space<vmem>>[vector<16xi32>, vector<16xi32>], vector<16xf32>,
        %add3A_615 = arith.addf %gather3A_612, %gather3A_613 : vector<16xf32>
        %add3A_616 = arith.addf %add3A_615, %gather3A_614 : vector<16xf32>
        %max3A_617 = arith.constant 0.000000e+00 : f32
        %max3A_618 = vector.broadcast %max3A_617 : f32 to vector<16xf32>
        %max3A_619 = arith.maximumf %add3A_616, %max3A_618 : vector<16xf32>
        tpu.vector_store_idx %arg16[%add3A_70, %broadcast_in_dim3A_608], %max3A_619 : memref<80x128xf32, #tpu.memory_space<vmem>>[vector<16xi32>, vector<16xi32>], vector<16xf32>,
        %gather3A_620 = tpu.vector_load_idx %arg21[%broadcast_in_dim3A_608] : memref<64xf32, #tpu.memory_space<vmem>>[vector<16xi32>], vector<16xf32>,
        %mul3A_621 = arith.mulf %max3A_619, %gather3A_620 : vector<16xf32>
        %add3A_622 = arith.addf %add3A_606, %mul3A_621 : vector<16xf32>
        %broadcast_in_dim3A_623 = arith.constant 34 : i32
        %broadcast_in_dim3A_624 = vector.broadcast %broadcast_in_dim3A_623 : i32 to vector<16xi32>
        %broadcast_in_dim3A_625 = arith.constant 98 : i32
        %broadcast_in_dim3A_626 = vector.broadcast %broadcast_in_dim3A_625 : i32 to vector<16xi32>
        %add3A_627 = arith.addi %mul3A_73, %broadcast_in_dim3A_624 : vector<16xi32>
        %gather3A_628 = tpu.vector_load_idx %arg12[%add3A_627] : memref<5120xf32, #tpu.memory_space<vmem>>[vector<16xi32>], vector<16xf32>,
        %gather3A_629 = tpu.vector_load_idx %arg14[%add3A_70, %broadcast_in_dim3A_624] : memref<80x128xf32, #tpu.memory_space<vmem>>[vector<16xi32>, vector<16xi32>], vector<16xf32>,
        %gather3A_630 = tpu.vector_load_idx %arg15[%add3A_70, %broadcast_in_dim3A_626] : memref<80x128xf32, #tpu.memory_space<vmem>>[vector<16xi32>, vector<16xi32>], vector<16xf32>,
        %add3A_631 = arith.addf %gather3A_628, %gather3A_629 : vector<16xf32>
        %add3A_632 = arith.addf %add3A_631, %gather3A_630 : vector<16xf32>
        %max3A_633 = arith.constant 0.000000e+00 : f32
        %max3A_634 = vector.broadcast %max3A_633 : f32 to vector<16xf32>
        %max3A_635 = arith.maximumf %add3A_632, %max3A_634 : vector<16xf32>
        tpu.vector_store_idx %arg16[%add3A_70, %broadcast_in_dim3A_624], %max3A_635 : memref<80x128xf32, #tpu.memory_space<vmem>>[vector<16xi32>, vector<16xi32>], vector<16xf32>,
        %gather3A_636 = tpu.vector_load_idx %arg21[%broadcast_in_dim3A_624] : memref<64xf32, #tpu.memory_space<vmem>>[vector<16xi32>], vector<16xf32>,
        %mul3A_637 = arith.mulf %max3A_635, %gather3A_636 : vector<16xf32>
        %add3A_638 = arith.addf %add3A_622, %mul3A_637 : vector<16xf32>
        %broadcast_in_dim3A_639 = arith.constant 35 : i32
        %broadcast_in_dim3A_640 = vector.broadcast %broadcast_in_dim3A_639 : i32 to vector<16xi32>
        %broadcast_in_dim3A_641 = arith.constant 99 : i32
        %broadcast_in_dim3A_642 = vector.broadcast %broadcast_in_dim3A_641 : i32 to vector<16xi32>
        %add3A_643 = arith.addi %mul3A_73, %broadcast_in_dim3A_640 : vector<16xi32>
        %gather3A_644 = tpu.vector_load_idx %arg12[%add3A_643] : memref<5120xf32, #tpu.memory_space<vmem>>[vector<16xi32>], vector<16xf32>,
        %gather3A_645 = tpu.vector_load_idx %arg14[%add3A_70, %broadcast_in_dim3A_640] : memref<80x128xf32, #tpu.memory_space<vmem>>[vector<16xi32>, vector<16xi32>], vector<16xf32>,
        %gather3A_646 = tpu.vector_load_idx %arg15[%add3A_70, %broadcast_in_dim3A_642] : memref<80x128xf32, #tpu.memory_space<vmem>>[vector<16xi32>, vector<16xi32>], vector<16xf32>,
        %add3A_647 = arith.addf %gather3A_644, %gather3A_645 : vector<16xf32>
        %add3A_648 = arith.addf %add3A_647, %gather3A_646 : vector<16xf32>
        %max3A_649 = arith.constant 0.000000e+00 : f32
        %max3A_650 = vector.broadcast %max3A_649 : f32 to vector<16xf32>
        %max3A_651 = arith.maximumf %add3A_648, %max3A_650 : vector<16xf32>
        tpu.vector_store_idx %arg16[%add3A_70, %broadcast_in_dim3A_640], %max3A_651 : memref<80x128xf32, #tpu.memory_space<vmem>>[vector<16xi32>, vector<16xi32>], vector<16xf32>,
        %gather3A_652 = tpu.vector_load_idx %arg21[%broadcast_in_dim3A_640] : memref<64xf32, #tpu.memory_space<vmem>>[vector<16xi32>], vector<16xf32>,
        %mul3A_653 = arith.mulf %max3A_651, %gather3A_652 : vector<16xf32>
        %add3A_654 = arith.addf %add3A_638, %mul3A_653 : vector<16xf32>
        %broadcast_in_dim3A_655 = arith.constant 36 : i32
        %broadcast_in_dim3A_656 = vector.broadcast %broadcast_in_dim3A_655 : i32 to vector<16xi32>
        %broadcast_in_dim3A_657 = arith.constant 100 : i32
        %broadcast_in_dim3A_658 = vector.broadcast %broadcast_in_dim3A_657 : i32 to vector<16xi32>
        %add3A_659 = arith.addi %mul3A_73, %broadcast_in_dim3A_656 : vector<16xi32>
        %gather3A_660 = tpu.vector_load_idx %arg12[%add3A_659] : memref<5120xf32, #tpu.memory_space<vmem>>[vector<16xi32>], vector<16xf32>,
        %gather3A_661 = tpu.vector_load_idx %arg14[%add3A_70, %broadcast_in_dim3A_656] : memref<80x128xf32, #tpu.memory_space<vmem>>[vector<16xi32>, vector<16xi32>], vector<16xf32>,
        %gather3A_662 = tpu.vector_load_idx %arg15[%add3A_70, %broadcast_in_dim3A_658] : memref<80x128xf32, #tpu.memory_space<vmem>>[vector<16xi32>, vector<16xi32>], vector<16xf32>,
        %add3A_663 = arith.addf %gather3A_660, %gather3A_661 : vector<16xf32>
        %add3A_664 = arith.addf %add3A_663, %gather3A_662 : vector<16xf32>
        %max3A_665 = arith.constant 0.000000e+00 : f32
        %max3A_666 = vector.broadcast %max3A_665 : f32 to vector<16xf32>
        %max3A_667 = arith.maximumf %add3A_664, %max3A_666 : vector<16xf32>
        tpu.vector_store_idx %arg16[%add3A_70, %broadcast_in_dim3A_656], %max3A_667 : memref<80x128xf32, #tpu.memory_space<vmem>>[vector<16xi32>, vector<16xi32>], vector<16xf32>,
        %gather3A_668 = tpu.vector_load_idx %arg21[%broadcast_in_dim3A_656] : memref<64xf32, #tpu.memory_space<vmem>>[vector<16xi32>], vector<16xf32>,
        %mul3A_669 = arith.mulf %max3A_667, %gather3A_668 : vector<16xf32>
        %add3A_670 = arith.addf %add3A_654, %mul3A_669 : vector<16xf32>
        %broadcast_in_dim3A_671 = arith.constant 37 : i32
        %broadcast_in_dim3A_672 = vector.broadcast %broadcast_in_dim3A_671 : i32 to vector<16xi32>
        %broadcast_in_dim3A_673 = arith.constant 101 : i32
        %broadcast_in_dim3A_674 = vector.broadcast %broadcast_in_dim3A_673 : i32 to vector<16xi32>
        %add3A_675 = arith.addi %mul3A_73, %broadcast_in_dim3A_672 : vector<16xi32>
        %gather3A_676 = tpu.vector_load_idx %arg12[%add3A_675] : memref<5120xf32, #tpu.memory_space<vmem>>[vector<16xi32>], vector<16xf32>,
        %gather3A_677 = tpu.vector_load_idx %arg14[%add3A_70, %broadcast_in_dim3A_672] : memref<80x128xf32, #tpu.memory_space<vmem>>[vector<16xi32>, vector<16xi32>], vector<16xf32>,
        %gather3A_678 = tpu.vector_load_idx %arg15[%add3A_70, %broadcast_in_dim3A_674] : memref<80x128xf32, #tpu.memory_space<vmem>>[vector<16xi32>, vector<16xi32>], vector<16xf32>,
        %add3A_679 = arith.addf %gather3A_676, %gather3A_677 : vector<16xf32>
        %add3A_680 = arith.addf %add3A_679, %gather3A_678 : vector<16xf32>
        %max3A_681 = arith.constant 0.000000e+00 : f32
        %max3A_682 = vector.broadcast %max3A_681 : f32 to vector<16xf32>
        %max3A_683 = arith.maximumf %add3A_680, %max3A_682 : vector<16xf32>
        tpu.vector_store_idx %arg16[%add3A_70, %broadcast_in_dim3A_672], %max3A_683 : memref<80x128xf32, #tpu.memory_space<vmem>>[vector<16xi32>, vector<16xi32>], vector<16xf32>,
        %gather3A_684 = tpu.vector_load_idx %arg21[%broadcast_in_dim3A_672] : memref<64xf32, #tpu.memory_space<vmem>>[vector<16xi32>], vector<16xf32>,
        %mul3A_685 = arith.mulf %max3A_683, %gather3A_684 : vector<16xf32>
        %add3A_686 = arith.addf %add3A_670, %mul3A_685 : vector<16xf32>
        %broadcast_in_dim3A_687 = arith.constant 38 : i32
        %broadcast_in_dim3A_688 = vector.broadcast %broadcast_in_dim3A_687 : i32 to vector<16xi32>
        %broadcast_in_dim3A_689 = arith.constant 102 : i32
        %broadcast_in_dim3A_690 = vector.broadcast %broadcast_in_dim3A_689 : i32 to vector<16xi32>
        %add3A_691 = arith.addi %mul3A_73, %broadcast_in_dim3A_688 : vector<16xi32>
        %gather3A_692 = tpu.vector_load_idx %arg12[%add3A_691] : memref<5120xf32, #tpu.memory_space<vmem>>[vector<16xi32>], vector<16xf32>,
        %gather3A_693 = tpu.vector_load_idx %arg14[%add3A_70, %broadcast_in_dim3A_688] : memref<80x128xf32, #tpu.memory_space<vmem>>[vector<16xi32>, vector<16xi32>], vector<16xf32>,
        %gather3A_694 = tpu.vector_load_idx %arg15[%add3A_70, %broadcast_in_dim3A_690] : memref<80x128xf32, #tpu.memory_space<vmem>>[vector<16xi32>, vector<16xi32>], vector<16xf32>,
        %add3A_695 = arith.addf %gather3A_692, %gather3A_693 : vector<16xf32>
        %add3A_696 = arith.addf %add3A_695, %gather3A_694 : vector<16xf32>
        %max3A_697 = arith.constant 0.000000e+00 : f32
        %max3A_698 = vector.broadcast %max3A_697 : f32 to vector<16xf32>
        %max3A_699 = arith.maximumf %add3A_696, %max3A_698 : vector<16xf32>
        tpu.vector_store_idx %arg16[%add3A_70, %broadcast_in_dim3A_688], %max3A_699 : memref<80x128xf32, #tpu.memory_space<vmem>>[vector<16xi32>, vector<16xi32>], vector<16xf32>,
        %gather3A_700 = tpu.vector_load_idx %arg21[%broadcast_in_dim3A_688] : memref<64xf32, #tpu.memory_space<vmem>>[vector<16xi32>], vector<16xf32>,
        %mul3A_701 = arith.mulf %max3A_699, %gather3A_700 : vector<16xf32>
        %add3A_702 = arith.addf %add3A_686, %mul3A_701 : vector<16xf32>
        %broadcast_in_dim3A_703 = arith.constant 39 : i32
        %broadcast_in_dim3A_704 = vector.broadcast %broadcast_in_dim3A_703 : i32 to vector<16xi32>
        %broadcast_in_dim3A_705 = arith.constant 103 : i32
        %broadcast_in_dim3A_706 = vector.broadcast %broadcast_in_dim3A_705 : i32 to vector<16xi32>
        %add3A_707 = arith.addi %mul3A_73, %broadcast_in_dim3A_704 : vector<16xi32>
        %gather3A_708 = tpu.vector_load_idx %arg12[%add3A_707] : memref<5120xf32, #tpu.memory_space<vmem>>[vector<16xi32>], vector<16xf32>,
        %gather3A_709 = tpu.vector_load_idx %arg14[%add3A_70, %broadcast_in_dim3A_704] : memref<80x128xf32, #tpu.memory_space<vmem>>[vector<16xi32>, vector<16xi32>], vector<16xf32>,
        %gather3A_710 = tpu.vector_load_idx %arg15[%add3A_70, %broadcast_in_dim3A_706] : memref<80x128xf32, #tpu.memory_space<vmem>>[vector<16xi32>, vector<16xi32>], vector<16xf32>,
        %add3A_711 = arith.addf %gather3A_708, %gather3A_709 : vector<16xf32>
        %add3A_712 = arith.addf %add3A_711, %gather3A_710 : vector<16xf32>
        %max3A_713 = arith.constant 0.000000e+00 : f32
        %max3A_714 = vector.broadcast %max3A_713 : f32 to vector<16xf32>
        %max3A_715 = arith.maximumf %add3A_712, %max3A_714 : vector<16xf32>
        tpu.vector_store_idx %arg16[%add3A_70, %broadcast_in_dim3A_704], %max3A_715 : memref<80x128xf32, #tpu.memory_space<vmem>>[vector<16xi32>, vector<16xi32>], vector<16xf32>,
        %gather3A_716 = tpu.vector_load_idx %arg21[%broadcast_in_dim3A_704] : memref<64xf32, #tpu.memory_space<vmem>>[vector<16xi32>], vector<16xf32>,
        %mul3A_717 = arith.mulf %max3A_715, %gather3A_716 : vector<16xf32>
        %add3A_718 = arith.addf %add3A_702, %mul3A_717 : vector<16xf32>
        %broadcast_in_dim3A_719 = arith.constant 40 : i32
        %broadcast_in_dim3A_720 = vector.broadcast %broadcast_in_dim3A_719 : i32 to vector<16xi32>
        %broadcast_in_dim3A_721 = arith.constant 104 : i32
        %broadcast_in_dim3A_722 = vector.broadcast %broadcast_in_dim3A_721 : i32 to vector<16xi32>
        %add3A_723 = arith.addi %mul3A_73, %broadcast_in_dim3A_720 : vector<16xi32>
        %gather3A_724 = tpu.vector_load_idx %arg12[%add3A_723] : memref<5120xf32, #tpu.memory_space<vmem>>[vector<16xi32>], vector<16xf32>,
        %gather3A_725 = tpu.vector_load_idx %arg14[%add3A_70, %broadcast_in_dim3A_720] : memref<80x128xf32, #tpu.memory_space<vmem>>[vector<16xi32>, vector<16xi32>], vector<16xf32>,
        %gather3A_726 = tpu.vector_load_idx %arg15[%add3A_70, %broadcast_in_dim3A_722] : memref<80x128xf32, #tpu.memory_space<vmem>>[vector<16xi32>, vector<16xi32>], vector<16xf32>,
        %add3A_727 = arith.addf %gather3A_724, %gather3A_725 : vector<16xf32>
        %add3A_728 = arith.addf %add3A_727, %gather3A_726 : vector<16xf32>
        %max3A_729 = arith.constant 0.000000e+00 : f32
        %max3A_730 = vector.broadcast %max3A_729 : f32 to vector<16xf32>
        %max3A_731 = arith.maximumf %add3A_728, %max3A_730 : vector<16xf32>
        tpu.vector_store_idx %arg16[%add3A_70, %broadcast_in_dim3A_720], %max3A_731 : memref<80x128xf32, #tpu.memory_space<vmem>>[vector<16xi32>, vector<16xi32>], vector<16xf32>,
        %gather3A_732 = tpu.vector_load_idx %arg21[%broadcast_in_dim3A_720] : memref<64xf32, #tpu.memory_space<vmem>>[vector<16xi32>], vector<16xf32>,
        %mul3A_733 = arith.mulf %max3A_731, %gather3A_732 : vector<16xf32>
        %add3A_734 = arith.addf %add3A_718, %mul3A_733 : vector<16xf32>
        %broadcast_in_dim3A_735 = arith.constant 41 : i32
        %broadcast_in_dim3A_736 = vector.broadcast %broadcast_in_dim3A_735 : i32 to vector<16xi32>
        %broadcast_in_dim3A_737 = arith.constant 105 : i32
        %broadcast_in_dim3A_738 = vector.broadcast %broadcast_in_dim3A_737 : i32 to vector<16xi32>
        %add3A_739 = arith.addi %mul3A_73, %broadcast_in_dim3A_736 : vector<16xi32>
        %gather3A_740 = tpu.vector_load_idx %arg12[%add3A_739] : memref<5120xf32, #tpu.memory_space<vmem>>[vector<16xi32>], vector<16xf32>,
        %gather3A_741 = tpu.vector_load_idx %arg14[%add3A_70, %broadcast_in_dim3A_736] : memref<80x128xf32, #tpu.memory_space<vmem>>[vector<16xi32>, vector<16xi32>], vector<16xf32>,
        %gather3A_742 = tpu.vector_load_idx %arg15[%add3A_70, %broadcast_in_dim3A_738] : memref<80x128xf32, #tpu.memory_space<vmem>>[vector<16xi32>, vector<16xi32>], vector<16xf32>,
        %add3A_743 = arith.addf %gather3A_740, %gather3A_741 : vector<16xf32>
        %add3A_744 = arith.addf %add3A_743, %gather3A_742 : vector<16xf32>
        %max3A_745 = arith.constant 0.000000e+00 : f32
        %max3A_746 = vector.broadcast %max3A_745 : f32 to vector<16xf32>
        %max3A_747 = arith.maximumf %add3A_744, %max3A_746 : vector<16xf32>
        tpu.vector_store_idx %arg16[%add3A_70, %broadcast_in_dim3A_736], %max3A_747 : memref<80x128xf32, #tpu.memory_space<vmem>>[vector<16xi32>, vector<16xi32>], vector<16xf32>,
        %gather3A_748 = tpu.vector_load_idx %arg21[%broadcast_in_dim3A_736] : memref<64xf32, #tpu.memory_space<vmem>>[vector<16xi32>], vector<16xf32>,
        %mul3A_749 = arith.mulf %max3A_747, %gather3A_748 : vector<16xf32>
        %add3A_750 = arith.addf %add3A_734, %mul3A_749 : vector<16xf32>
        %broadcast_in_dim3A_751 = arith.constant 42 : i32
        %broadcast_in_dim3A_752 = vector.broadcast %broadcast_in_dim3A_751 : i32 to vector<16xi32>
        %broadcast_in_dim3A_753 = arith.constant 106 : i32
        %broadcast_in_dim3A_754 = vector.broadcast %broadcast_in_dim3A_753 : i32 to vector<16xi32>
        %add3A_755 = arith.addi %mul3A_73, %broadcast_in_dim3A_752 : vector<16xi32>
        %gather3A_756 = tpu.vector_load_idx %arg12[%add3A_755] : memref<5120xf32, #tpu.memory_space<vmem>>[vector<16xi32>], vector<16xf32>,
        %gather3A_757 = tpu.vector_load_idx %arg14[%add3A_70, %broadcast_in_dim3A_752] : memref<80x128xf32, #tpu.memory_space<vmem>>[vector<16xi32>, vector<16xi32>], vector<16xf32>,
        %gather3A_758 = tpu.vector_load_idx %arg15[%add3A_70, %broadcast_in_dim3A_754] : memref<80x128xf32, #tpu.memory_space<vmem>>[vector<16xi32>, vector<16xi32>], vector<16xf32>,
        %add3A_759 = arith.addf %gather3A_756, %gather3A_757 : vector<16xf32>
        %add3A_760 = arith.addf %add3A_759, %gather3A_758 : vector<16xf32>
        %max3A_761 = arith.constant 0.000000e+00 : f32
        %max3A_762 = vector.broadcast %max3A_761 : f32 to vector<16xf32>
        %max3A_763 = arith.maximumf %add3A_760, %max3A_762 : vector<16xf32>
        tpu.vector_store_idx %arg16[%add3A_70, %broadcast_in_dim3A_752], %max3A_763 : memref<80x128xf32, #tpu.memory_space<vmem>>[vector<16xi32>, vector<16xi32>], vector<16xf32>,
        %gather3A_764 = tpu.vector_load_idx %arg21[%broadcast_in_dim3A_752] : memref<64xf32, #tpu.memory_space<vmem>>[vector<16xi32>], vector<16xf32>,
        %mul3A_765 = arith.mulf %max3A_763, %gather3A_764 : vector<16xf32>
        %add3A_766 = arith.addf %add3A_750, %mul3A_765 : vector<16xf32>
        %broadcast_in_dim3A_767 = arith.constant 43 : i32
        %broadcast_in_dim3A_768 = vector.broadcast %broadcast_in_dim3A_767 : i32 to vector<16xi32>
        %broadcast_in_dim3A_769 = arith.constant 107 : i32
        %broadcast_in_dim3A_770 = vector.broadcast %broadcast_in_dim3A_769 : i32 to vector<16xi32>
        %add3A_771 = arith.addi %mul3A_73, %broadcast_in_dim3A_768 : vector<16xi32>
        %gather3A_772 = tpu.vector_load_idx %arg12[%add3A_771] : memref<5120xf32, #tpu.memory_space<vmem>>[vector<16xi32>], vector<16xf32>,
        %gather3A_773 = tpu.vector_load_idx %arg14[%add3A_70, %broadcast_in_dim3A_768] : memref<80x128xf32, #tpu.memory_space<vmem>>[vector<16xi32>, vector<16xi32>], vector<16xf32>,
        %gather3A_774 = tpu.vector_load_idx %arg15[%add3A_70, %broadcast_in_dim3A_770] : memref<80x128xf32, #tpu.memory_space<vmem>>[vector<16xi32>, vector<16xi32>], vector<16xf32>,
        %add3A_775 = arith.addf %gather3A_772, %gather3A_773 : vector<16xf32>
        %add3A_776 = arith.addf %add3A_775, %gather3A_774 : vector<16xf32>
        %max3A_777 = arith.constant 0.000000e+00 : f32
        %max3A_778 = vector.broadcast %max3A_777 : f32 to vector<16xf32>
        %max3A_779 = arith.maximumf %add3A_776, %max3A_778 : vector<16xf32>
        tpu.vector_store_idx %arg16[%add3A_70, %broadcast_in_dim3A_768], %max3A_779 : memref<80x128xf32, #tpu.memory_space<vmem>>[vector<16xi32>, vector<16xi32>], vector<16xf32>,
        %gather3A_780 = tpu.vector_load_idx %arg21[%broadcast_in_dim3A_768] : memref<64xf32, #tpu.memory_space<vmem>>[vector<16xi32>], vector<16xf32>,
        %mul3A_781 = arith.mulf %max3A_779, %gather3A_780 : vector<16xf32>
        %add3A_782 = arith.addf %add3A_766, %mul3A_781 : vector<16xf32>
        %broadcast_in_dim3A_783 = arith.constant 44 : i32
        %broadcast_in_dim3A_784 = vector.broadcast %broadcast_in_dim3A_783 : i32 to vector<16xi32>
        %broadcast_in_dim3A_785 = arith.constant 108 : i32
        %broadcast_in_dim3A_786 = vector.broadcast %broadcast_in_dim3A_785 : i32 to vector<16xi32>
        %add3A_787 = arith.addi %mul3A_73, %broadcast_in_dim3A_784 : vector<16xi32>
        %gather3A_788 = tpu.vector_load_idx %arg12[%add3A_787] : memref<5120xf32, #tpu.memory_space<vmem>>[vector<16xi32>], vector<16xf32>,
        %gather3A_789 = tpu.vector_load_idx %arg14[%add3A_70, %broadcast_in_dim3A_784] : memref<80x128xf32, #tpu.memory_space<vmem>>[vector<16xi32>, vector<16xi32>], vector<16xf32>,
        %gather3A_790 = tpu.vector_load_idx %arg15[%add3A_70, %broadcast_in_dim3A_786] : memref<80x128xf32, #tpu.memory_space<vmem>>[vector<16xi32>, vector<16xi32>], vector<16xf32>,
        %add3A_791 = arith.addf %gather3A_788, %gather3A_789 : vector<16xf32>
        %add3A_792 = arith.addf %add3A_791, %gather3A_790 : vector<16xf32>
        %max3A_793 = arith.constant 0.000000e+00 : f32
        %max3A_794 = vector.broadcast %max3A_793 : f32 to vector<16xf32>
        %max3A_795 = arith.maximumf %add3A_792, %max3A_794 : vector<16xf32>
        tpu.vector_store_idx %arg16[%add3A_70, %broadcast_in_dim3A_784], %max3A_795 : memref<80x128xf32, #tpu.memory_space<vmem>>[vector<16xi32>, vector<16xi32>], vector<16xf32>,
        %gather3A_796 = tpu.vector_load_idx %arg21[%broadcast_in_dim3A_784] : memref<64xf32, #tpu.memory_space<vmem>>[vector<16xi32>], vector<16xf32>,
        %mul3A_797 = arith.mulf %max3A_795, %gather3A_796 : vector<16xf32>
        %add3A_798 = arith.addf %add3A_782, %mul3A_797 : vector<16xf32>
        %broadcast_in_dim3A_799 = arith.constant 45 : i32
        %broadcast_in_dim3A_800 = vector.broadcast %broadcast_in_dim3A_799 : i32 to vector<16xi32>
        %broadcast_in_dim3A_801 = arith.constant 109 : i32
        %broadcast_in_dim3A_802 = vector.broadcast %broadcast_in_dim3A_801 : i32 to vector<16xi32>
        %add3A_803 = arith.addi %mul3A_73, %broadcast_in_dim3A_800 : vector<16xi32>
        %gather3A_804 = tpu.vector_load_idx %arg12[%add3A_803] : memref<5120xf32, #tpu.memory_space<vmem>>[vector<16xi32>], vector<16xf32>,
        %gather3A_805 = tpu.vector_load_idx %arg14[%add3A_70, %broadcast_in_dim3A_800] : memref<80x128xf32, #tpu.memory_space<vmem>>[vector<16xi32>, vector<16xi32>], vector<16xf32>,
        %gather3A_806 = tpu.vector_load_idx %arg15[%add3A_70, %broadcast_in_dim3A_802] : memref<80x128xf32, #tpu.memory_space<vmem>>[vector<16xi32>, vector<16xi32>], vector<16xf32>,
        %add3A_807 = arith.addf %gather3A_804, %gather3A_805 : vector<16xf32>
        %add3A_808 = arith.addf %add3A_807, %gather3A_806 : vector<16xf32>
        %max3A_809 = arith.constant 0.000000e+00 : f32
        %max3A_810 = vector.broadcast %max3A_809 : f32 to vector<16xf32>
        %max3A_811 = arith.maximumf %add3A_808, %max3A_810 : vector<16xf32>
        tpu.vector_store_idx %arg16[%add3A_70, %broadcast_in_dim3A_800], %max3A_811 : memref<80x128xf32, #tpu.memory_space<vmem>>[vector<16xi32>, vector<16xi32>], vector<16xf32>,
        %gather3A_812 = tpu.vector_load_idx %arg21[%broadcast_in_dim3A_800] : memref<64xf32, #tpu.memory_space<vmem>>[vector<16xi32>], vector<16xf32>,
        %mul3A_813 = arith.mulf %max3A_811, %gather3A_812 : vector<16xf32>
        %add3A_814 = arith.addf %add3A_798, %mul3A_813 : vector<16xf32>
        %broadcast_in_dim3A_815 = arith.constant 46 : i32
        %broadcast_in_dim3A_816 = vector.broadcast %broadcast_in_dim3A_815 : i32 to vector<16xi32>
        %broadcast_in_dim3A_817 = arith.constant 110 : i32
        %broadcast_in_dim3A_818 = vector.broadcast %broadcast_in_dim3A_817 : i32 to vector<16xi32>
        %add3A_819 = arith.addi %mul3A_73, %broadcast_in_dim3A_816 : vector<16xi32>
        %gather3A_820 = tpu.vector_load_idx %arg12[%add3A_819] : memref<5120xf32, #tpu.memory_space<vmem>>[vector<16xi32>], vector<16xf32>,
        %gather3A_821 = tpu.vector_load_idx %arg14[%add3A_70, %broadcast_in_dim3A_816] : memref<80x128xf32, #tpu.memory_space<vmem>>[vector<16xi32>, vector<16xi32>], vector<16xf32>,
        %gather3A_822 = tpu.vector_load_idx %arg15[%add3A_70, %broadcast_in_dim3A_818] : memref<80x128xf32, #tpu.memory_space<vmem>>[vector<16xi32>, vector<16xi32>], vector<16xf32>,
        %add3A_823 = arith.addf %gather3A_820, %gather3A_821 : vector<16xf32>
        %add3A_824 = arith.addf %add3A_823, %gather3A_822 : vector<16xf32>
        %max3A_825 = arith.constant 0.000000e+00 : f32
        %max3A_826 = vector.broadcast %max3A_825 : f32 to vector<16xf32>
        %max3A_827 = arith.maximumf %add3A_824, %max3A_826 : vector<16xf32>
        tpu.vector_store_idx %arg16[%add3A_70, %broadcast_in_dim3A_816], %max3A_827 : memref<80x128xf32, #tpu.memory_space<vmem>>[vector<16xi32>, vector<16xi32>], vector<16xf32>,
        %gather3A_828 = tpu.vector_load_idx %arg21[%broadcast_in_dim3A_816] : memref<64xf32, #tpu.memory_space<vmem>>[vector<16xi32>], vector<16xf32>,
        %mul3A_829 = arith.mulf %max3A_827, %gather3A_828 : vector<16xf32>
        %add3A_830 = arith.addf %add3A_814, %mul3A_829 : vector<16xf32>
        %broadcast_in_dim3A_831 = arith.constant 47 : i32
        %broadcast_in_dim3A_832 = vector.broadcast %broadcast_in_dim3A_831 : i32 to vector<16xi32>
        %broadcast_in_dim3A_833 = arith.constant 111 : i32
        %broadcast_in_dim3A_834 = vector.broadcast %broadcast_in_dim3A_833 : i32 to vector<16xi32>
        %add3A_835 = arith.addi %mul3A_73, %broadcast_in_dim3A_832 : vector<16xi32>
        %gather3A_836 = tpu.vector_load_idx %arg12[%add3A_835] : memref<5120xf32, #tpu.memory_space<vmem>>[vector<16xi32>], vector<16xf32>,
        %gather3A_837 = tpu.vector_load_idx %arg14[%add3A_70, %broadcast_in_dim3A_832] : memref<80x128xf32, #tpu.memory_space<vmem>>[vector<16xi32>, vector<16xi32>], vector<16xf32>,
        %gather3A_838 = tpu.vector_load_idx %arg15[%add3A_70, %broadcast_in_dim3A_834] : memref<80x128xf32, #tpu.memory_space<vmem>>[vector<16xi32>, vector<16xi32>], vector<16xf32>,
        %add3A_839 = arith.addf %gather3A_836, %gather3A_837 : vector<16xf32>
        %add3A_840 = arith.addf %add3A_839, %gather3A_838 : vector<16xf32>
        %max3A_841 = arith.constant 0.000000e+00 : f32
        %max3A_842 = vector.broadcast %max3A_841 : f32 to vector<16xf32>
        %max3A_843 = arith.maximumf %add3A_840, %max3A_842 : vector<16xf32>
        tpu.vector_store_idx %arg16[%add3A_70, %broadcast_in_dim3A_832], %max3A_843 : memref<80x128xf32, #tpu.memory_space<vmem>>[vector<16xi32>, vector<16xi32>], vector<16xf32>,
        %gather3A_844 = tpu.vector_load_idx %arg21[%broadcast_in_dim3A_832] : memref<64xf32, #tpu.memory_space<vmem>>[vector<16xi32>], vector<16xf32>,
        %mul3A_845 = arith.mulf %max3A_843, %gather3A_844 : vector<16xf32>
        %add3A_846 = arith.addf %add3A_830, %mul3A_845 : vector<16xf32>
        %broadcast_in_dim3A_847 = arith.constant 48 : i32
        %broadcast_in_dim3A_848 = vector.broadcast %broadcast_in_dim3A_847 : i32 to vector<16xi32>
        %broadcast_in_dim3A_849 = arith.constant 112 : i32
        %broadcast_in_dim3A_850 = vector.broadcast %broadcast_in_dim3A_849 : i32 to vector<16xi32>
        %add3A_851 = arith.addi %mul3A_73, %broadcast_in_dim3A_848 : vector<16xi32>
        %gather3A_852 = tpu.vector_load_idx %arg12[%add3A_851] : memref<5120xf32, #tpu.memory_space<vmem>>[vector<16xi32>], vector<16xf32>,
        %gather3A_853 = tpu.vector_load_idx %arg14[%add3A_70, %broadcast_in_dim3A_848] : memref<80x128xf32, #tpu.memory_space<vmem>>[vector<16xi32>, vector<16xi32>], vector<16xf32>,
        %gather3A_854 = tpu.vector_load_idx %arg15[%add3A_70, %broadcast_in_dim3A_850] : memref<80x128xf32, #tpu.memory_space<vmem>>[vector<16xi32>, vector<16xi32>], vector<16xf32>,
        %add3A_855 = arith.addf %gather3A_852, %gather3A_853 : vector<16xf32>
        %add3A_856 = arith.addf %add3A_855, %gather3A_854 : vector<16xf32>
        %max3A_857 = arith.constant 0.000000e+00 : f32
        %max3A_858 = vector.broadcast %max3A_857 : f32 to vector<16xf32>
        %max3A_859 = arith.maximumf %add3A_856, %max3A_858 : vector<16xf32>
        tpu.vector_store_idx %arg16[%add3A_70, %broadcast_in_dim3A_848], %max3A_859 : memref<80x128xf32, #tpu.memory_space<vmem>>[vector<16xi32>, vector<16xi32>], vector<16xf32>,
        %gather3A_860 = tpu.vector_load_idx %arg21[%broadcast_in_dim3A_848] : memref<64xf32, #tpu.memory_space<vmem>>[vector<16xi32>], vector<16xf32>,
        %mul3A_861 = arith.mulf %max3A_859, %gather3A_860 : vector<16xf32>
        %add3A_862 = arith.addf %add3A_846, %mul3A_861 : vector<16xf32>
        %broadcast_in_dim3A_863 = arith.constant 49 : i32
        %broadcast_in_dim3A_864 = vector.broadcast %broadcast_in_dim3A_863 : i32 to vector<16xi32>
        %broadcast_in_dim3A_865 = arith.constant 113 : i32
        %broadcast_in_dim3A_866 = vector.broadcast %broadcast_in_dim3A_865 : i32 to vector<16xi32>
        %add3A_867 = arith.addi %mul3A_73, %broadcast_in_dim3A_864 : vector<16xi32>
        %gather3A_868 = tpu.vector_load_idx %arg12[%add3A_867] : memref<5120xf32, #tpu.memory_space<vmem>>[vector<16xi32>], vector<16xf32>,
        %gather3A_869 = tpu.vector_load_idx %arg14[%add3A_70, %broadcast_in_dim3A_864] : memref<80x128xf32, #tpu.memory_space<vmem>>[vector<16xi32>, vector<16xi32>], vector<16xf32>,
        %gather3A_870 = tpu.vector_load_idx %arg15[%add3A_70, %broadcast_in_dim3A_866] : memref<80x128xf32, #tpu.memory_space<vmem>>[vector<16xi32>, vector<16xi32>], vector<16xf32>,
        %add3A_871 = arith.addf %gather3A_868, %gather3A_869 : vector<16xf32>
        %add3A_872 = arith.addf %add3A_871, %gather3A_870 : vector<16xf32>
        %max3A_873 = arith.constant 0.000000e+00 : f32
        %max3A_874 = vector.broadcast %max3A_873 : f32 to vector<16xf32>
        %max3A_875 = arith.maximumf %add3A_872, %max3A_874 : vector<16xf32>
        tpu.vector_store_idx %arg16[%add3A_70, %broadcast_in_dim3A_864], %max3A_875 : memref<80x128xf32, #tpu.memory_space<vmem>>[vector<16xi32>, vector<16xi32>], vector<16xf32>,
        %gather3A_876 = tpu.vector_load_idx %arg21[%broadcast_in_dim3A_864] : memref<64xf32, #tpu.memory_space<vmem>>[vector<16xi32>], vector<16xf32>,
        %mul3A_877 = arith.mulf %max3A_875, %gather3A_876 : vector<16xf32>
        %add3A_878 = arith.addf %add3A_862, %mul3A_877 : vector<16xf32>
        %broadcast_in_dim3A_879 = arith.constant 50 : i32
        %broadcast_in_dim3A_880 = vector.broadcast %broadcast_in_dim3A_879 : i32 to vector<16xi32>
        %broadcast_in_dim3A_881 = arith.constant 114 : i32
        %broadcast_in_dim3A_882 = vector.broadcast %broadcast_in_dim3A_881 : i32 to vector<16xi32>
        %add3A_883 = arith.addi %mul3A_73, %broadcast_in_dim3A_880 : vector<16xi32>
        %gather3A_884 = tpu.vector_load_idx %arg12[%add3A_883] : memref<5120xf32, #tpu.memory_space<vmem>>[vector<16xi32>], vector<16xf32>,
        %gather3A_885 = tpu.vector_load_idx %arg14[%add3A_70, %broadcast_in_dim3A_880] : memref<80x128xf32, #tpu.memory_space<vmem>>[vector<16xi32>, vector<16xi32>], vector<16xf32>,
        %gather3A_886 = tpu.vector_load_idx %arg15[%add3A_70, %broadcast_in_dim3A_882] : memref<80x128xf32, #tpu.memory_space<vmem>>[vector<16xi32>, vector<16xi32>], vector<16xf32>,
        %add3A_887 = arith.addf %gather3A_884, %gather3A_885 : vector<16xf32>
        %add3A_888 = arith.addf %add3A_887, %gather3A_886 : vector<16xf32>
        %max3A_889 = arith.constant 0.000000e+00 : f32
        %max3A_890 = vector.broadcast %max3A_889 : f32 to vector<16xf32>
        %max3A_891 = arith.maximumf %add3A_888, %max3A_890 : vector<16xf32>
        tpu.vector_store_idx %arg16[%add3A_70, %broadcast_in_dim3A_880], %max3A_891 : memref<80x128xf32, #tpu.memory_space<vmem>>[vector<16xi32>, vector<16xi32>], vector<16xf32>,
        %gather3A_892 = tpu.vector_load_idx %arg21[%broadcast_in_dim3A_880] : memref<64xf32, #tpu.memory_space<vmem>>[vector<16xi32>], vector<16xf32>,
        %mul3A_893 = arith.mulf %max3A_891, %gather3A_892 : vector<16xf32>
        %add3A_894 = arith.addf %add3A_878, %mul3A_893 : vector<16xf32>
        %broadcast_in_dim3A_895 = arith.constant 51 : i32
        %broadcast_in_dim3A_896 = vector.broadcast %broadcast_in_dim3A_895 : i32 to vector<16xi32>
        %broadcast_in_dim3A_897 = arith.constant 115 : i32
        %broadcast_in_dim3A_898 = vector.broadcast %broadcast_in_dim3A_897 : i32 to vector<16xi32>
        %add3A_899 = arith.addi %mul3A_73, %broadcast_in_dim3A_896 : vector<16xi32>
        %gather3A_900 = tpu.vector_load_idx %arg12[%add3A_899] : memref<5120xf32, #tpu.memory_space<vmem>>[vector<16xi32>], vector<16xf32>,
        %gather3A_901 = tpu.vector_load_idx %arg14[%add3A_70, %broadcast_in_dim3A_896] : memref<80x128xf32, #tpu.memory_space<vmem>>[vector<16xi32>, vector<16xi32>], vector<16xf32>,
        %gather3A_902 = tpu.vector_load_idx %arg15[%add3A_70, %broadcast_in_dim3A_898] : memref<80x128xf32, #tpu.memory_space<vmem>>[vector<16xi32>, vector<16xi32>], vector<16xf32>,
        %add3A_903 = arith.addf %gather3A_900, %gather3A_901 : vector<16xf32>
        %add3A_904 = arith.addf %add3A_903, %gather3A_902 : vector<16xf32>
        %max3A_905 = arith.constant 0.000000e+00 : f32
        %max3A_906 = vector.broadcast %max3A_905 : f32 to vector<16xf32>
        %max3A_907 = arith.maximumf %add3A_904, %max3A_906 : vector<16xf32>
        tpu.vector_store_idx %arg16[%add3A_70, %broadcast_in_dim3A_896], %max3A_907 : memref<80x128xf32, #tpu.memory_space<vmem>>[vector<16xi32>, vector<16xi32>], vector<16xf32>,
        %gather3A_908 = tpu.vector_load_idx %arg21[%broadcast_in_dim3A_896] : memref<64xf32, #tpu.memory_space<vmem>>[vector<16xi32>], vector<16xf32>,
        %mul3A_909 = arith.mulf %max3A_907, %gather3A_908 : vector<16xf32>
        %add3A_910 = arith.addf %add3A_894, %mul3A_909 : vector<16xf32>
        %broadcast_in_dim3A_911 = arith.constant 52 : i32
        %broadcast_in_dim3A_912 = vector.broadcast %broadcast_in_dim3A_911 : i32 to vector<16xi32>
        %broadcast_in_dim3A_913 = arith.constant 116 : i32
        %broadcast_in_dim3A_914 = vector.broadcast %broadcast_in_dim3A_913 : i32 to vector<16xi32>
        %add3A_915 = arith.addi %mul3A_73, %broadcast_in_dim3A_912 : vector<16xi32>
        %gather3A_916 = tpu.vector_load_idx %arg12[%add3A_915] : memref<5120xf32, #tpu.memory_space<vmem>>[vector<16xi32>], vector<16xf32>,
        %gather3A_917 = tpu.vector_load_idx %arg14[%add3A_70, %broadcast_in_dim3A_912] : memref<80x128xf32, #tpu.memory_space<vmem>>[vector<16xi32>, vector<16xi32>], vector<16xf32>,
        %gather3A_918 = tpu.vector_load_idx %arg15[%add3A_70, %broadcast_in_dim3A_914] : memref<80x128xf32, #tpu.memory_space<vmem>>[vector<16xi32>, vector<16xi32>], vector<16xf32>,
        %add3A_919 = arith.addf %gather3A_916, %gather3A_917 : vector<16xf32>
        %add3A_920 = arith.addf %add3A_919, %gather3A_918 : vector<16xf32>
        %max3A_921 = arith.constant 0.000000e+00 : f32
        %max3A_922 = vector.broadcast %max3A_921 : f32 to vector<16xf32>
        %max3A_923 = arith.maximumf %add3A_920, %max3A_922 : vector<16xf32>
        tpu.vector_store_idx %arg16[%add3A_70, %broadcast_in_dim3A_912], %max3A_923 : memref<80x128xf32, #tpu.memory_space<vmem>>[vector<16xi32>, vector<16xi32>], vector<16xf32>,
        %gather3A_924 = tpu.vector_load_idx %arg21[%broadcast_in_dim3A_912] : memref<64xf32, #tpu.memory_space<vmem>>[vector<16xi32>], vector<16xf32>,
        %mul3A_925 = arith.mulf %max3A_923, %gather3A_924 : vector<16xf32>
        %add3A_926 = arith.addf %add3A_910, %mul3A_925 : vector<16xf32>
        %broadcast_in_dim3A_927 = arith.constant 53 : i32
        %broadcast_in_dim3A_928 = vector.broadcast %broadcast_in_dim3A_927 : i32 to vector<16xi32>
        %broadcast_in_dim3A_929 = arith.constant 117 : i32
        %broadcast_in_dim3A_930 = vector.broadcast %broadcast_in_dim3A_929 : i32 to vector<16xi32>
        %add3A_931 = arith.addi %mul3A_73, %broadcast_in_dim3A_928 : vector<16xi32>
        %gather3A_932 = tpu.vector_load_idx %arg12[%add3A_931] : memref<5120xf32, #tpu.memory_space<vmem>>[vector<16xi32>], vector<16xf32>,
        %gather3A_933 = tpu.vector_load_idx %arg14[%add3A_70, %broadcast_in_dim3A_928] : memref<80x128xf32, #tpu.memory_space<vmem>>[vector<16xi32>, vector<16xi32>], vector<16xf32>,
        %gather3A_934 = tpu.vector_load_idx %arg15[%add3A_70, %broadcast_in_dim3A_930] : memref<80x128xf32, #tpu.memory_space<vmem>>[vector<16xi32>, vector<16xi32>], vector<16xf32>,
        %add3A_935 = arith.addf %gather3A_932, %gather3A_933 : vector<16xf32>
        %add3A_936 = arith.addf %add3A_935, %gather3A_934 : vector<16xf32>
        %max3A_937 = arith.constant 0.000000e+00 : f32
        %max3A_938 = vector.broadcast %max3A_937 : f32 to vector<16xf32>
        %max3A_939 = arith.maximumf %add3A_936, %max3A_938 : vector<16xf32>
        tpu.vector_store_idx %arg16[%add3A_70, %broadcast_in_dim3A_928], %max3A_939 : memref<80x128xf32, #tpu.memory_space<vmem>>[vector<16xi32>, vector<16xi32>], vector<16xf32>,
        %gather3A_940 = tpu.vector_load_idx %arg21[%broadcast_in_dim3A_928] : memref<64xf32, #tpu.memory_space<vmem>>[vector<16xi32>], vector<16xf32>,
        %mul3A_941 = arith.mulf %max3A_939, %gather3A_940 : vector<16xf32>
        %add3A_942 = arith.addf %add3A_926, %mul3A_941 : vector<16xf32>
        %broadcast_in_dim3A_943 = arith.constant 54 : i32
        %broadcast_in_dim3A_944 = vector.broadcast %broadcast_in_dim3A_943 : i32 to vector<16xi32>
        %broadcast_in_dim3A_945 = arith.constant 118 : i32
        %broadcast_in_dim3A_946 = vector.broadcast %broadcast_in_dim3A_945 : i32 to vector<16xi32>
        %add3A_947 = arith.addi %mul3A_73, %broadcast_in_dim3A_944 : vector<16xi32>
        %gather3A_948 = tpu.vector_load_idx %arg12[%add3A_947] : memref<5120xf32, #tpu.memory_space<vmem>>[vector<16xi32>], vector<16xf32>,
        %gather3A_949 = tpu.vector_load_idx %arg14[%add3A_70, %broadcast_in_dim3A_944] : memref<80x128xf32, #tpu.memory_space<vmem>>[vector<16xi32>, vector<16xi32>], vector<16xf32>,
        %gather3A_950 = tpu.vector_load_idx %arg15[%add3A_70, %broadcast_in_dim3A_946] : memref<80x128xf32, #tpu.memory_space<vmem>>[vector<16xi32>, vector<16xi32>], vector<16xf32>,
        %add3A_951 = arith.addf %gather3A_948, %gather3A_949 : vector<16xf32>
        %add3A_952 = arith.addf %add3A_951, %gather3A_950 : vector<16xf32>
        %max3A_953 = arith.constant 0.000000e+00 : f32
        %max3A_954 = vector.broadcast %max3A_953 : f32 to vector<16xf32>
        %max3A_955 = arith.maximumf %add3A_952, %max3A_954 : vector<16xf32>
        tpu.vector_store_idx %arg16[%add3A_70, %broadcast_in_dim3A_944], %max3A_955 : memref<80x128xf32, #tpu.memory_space<vmem>>[vector<16xi32>, vector<16xi32>], vector<16xf32>,
        %gather3A_956 = tpu.vector_load_idx %arg21[%broadcast_in_dim3A_944] : memref<64xf32, #tpu.memory_space<vmem>>[vector<16xi32>], vector<16xf32>,
        %mul3A_957 = arith.mulf %max3A_955, %gather3A_956 : vector<16xf32>
        %add3A_958 = arith.addf %add3A_942, %mul3A_957 : vector<16xf32>
        %broadcast_in_dim3A_959 = arith.constant 55 : i32
        %broadcast_in_dim3A_960 = vector.broadcast %broadcast_in_dim3A_959 : i32 to vector<16xi32>
        %broadcast_in_dim3A_961 = arith.constant 119 : i32
        %broadcast_in_dim3A_962 = vector.broadcast %broadcast_in_dim3A_961 : i32 to vector<16xi32>
        %add3A_963 = arith.addi %mul3A_73, %broadcast_in_dim3A_960 : vector<16xi32>
        %gather3A_964 = tpu.vector_load_idx %arg12[%add3A_963] : memref<5120xf32, #tpu.memory_space<vmem>>[vector<16xi32>], vector<16xf32>,
        %gather3A_965 = tpu.vector_load_idx %arg14[%add3A_70, %broadcast_in_dim3A_960] : memref<80x128xf32, #tpu.memory_space<vmem>>[vector<16xi32>, vector<16xi32>], vector<16xf32>,
        %gather3A_966 = tpu.vector_load_idx %arg15[%add3A_70, %broadcast_in_dim3A_962] : memref<80x128xf32, #tpu.memory_space<vmem>>[vector<16xi32>, vector<16xi32>], vector<16xf32>,
        %add3A_967 = arith.addf %gather3A_964, %gather3A_965 : vector<16xf32>
        %add3A_968 = arith.addf %add3A_967, %gather3A_966 : vector<16xf32>
        %max3A_969 = arith.constant 0.000000e+00 : f32
        %max3A_970 = vector.broadcast %max3A_969 : f32 to vector<16xf32>
        %max3A_971 = arith.maximumf %add3A_968, %max3A_970 : vector<16xf32>
        tpu.vector_store_idx %arg16[%add3A_70, %broadcast_in_dim3A_960], %max3A_971 : memref<80x128xf32, #tpu.memory_space<vmem>>[vector<16xi32>, vector<16xi32>], vector<16xf32>,
        %gather3A_972 = tpu.vector_load_idx %arg21[%broadcast_in_dim3A_960] : memref<64xf32, #tpu.memory_space<vmem>>[vector<16xi32>], vector<16xf32>,
        %mul3A_973 = arith.mulf %max3A_971, %gather3A_972 : vector<16xf32>
        %add3A_974 = arith.addf %add3A_958, %mul3A_973 : vector<16xf32>
        %broadcast_in_dim3A_975 = arith.constant 56 : i32
        %broadcast_in_dim3A_976 = vector.broadcast %broadcast_in_dim3A_975 : i32 to vector<16xi32>
        %broadcast_in_dim3A_977 = arith.constant 120 : i32
        %broadcast_in_dim3A_978 = vector.broadcast %broadcast_in_dim3A_977 : i32 to vector<16xi32>
        %add3A_979 = arith.addi %mul3A_73, %broadcast_in_dim3A_976 : vector<16xi32>
        %gather3A_980 = tpu.vector_load_idx %arg12[%add3A_979] : memref<5120xf32, #tpu.memory_space<vmem>>[vector<16xi32>], vector<16xf32>,
        %gather3A_981 = tpu.vector_load_idx %arg14[%add3A_70, %broadcast_in_dim3A_976] : memref<80x128xf32, #tpu.memory_space<vmem>>[vector<16xi32>, vector<16xi32>], vector<16xf32>,
        %gather3A_982 = tpu.vector_load_idx %arg15[%add3A_70, %broadcast_in_dim3A_978] : memref<80x128xf32, #tpu.memory_space<vmem>>[vector<16xi32>, vector<16xi32>], vector<16xf32>,
        %add3A_983 = arith.addf %gather3A_980, %gather3A_981 : vector<16xf32>
        %add3A_984 = arith.addf %add3A_983, %gather3A_982 : vector<16xf32>
        %max3A_985 = arith.constant 0.000000e+00 : f32
        %max3A_986 = vector.broadcast %max3A_985 : f32 to vector<16xf32>
        %max3A_987 = arith.maximumf %add3A_984, %max3A_986 : vector<16xf32>
        tpu.vector_store_idx %arg16[%add3A_70, %broadcast_in_dim3A_976], %max3A_987 : memref<80x128xf32, #tpu.memory_space<vmem>>[vector<16xi32>, vector<16xi32>], vector<16xf32>,
        %gather3A_988 = tpu.vector_load_idx %arg21[%broadcast_in_dim3A_976] : memref<64xf32, #tpu.memory_space<vmem>>[vector<16xi32>], vector<16xf32>,
        %mul3A_989 = arith.mulf %max3A_987, %gather3A_988 : vector<16xf32>
        %add3A_990 = arith.addf %add3A_974, %mul3A_989 : vector<16xf32>
        %broadcast_in_dim3A_991 = arith.constant 57 : i32
        %broadcast_in_dim3A_992 = vector.broadcast %broadcast_in_dim3A_991 : i32 to vector<16xi32>
        %broadcast_in_dim3A_993 = arith.constant 121 : i32
        %broadcast_in_dim3A_994 = vector.broadcast %broadcast_in_dim3A_993 : i32 to vector<16xi32>
        %add3A_995 = arith.addi %mul3A_73, %broadcast_in_dim3A_992 : vector<16xi32>
        %gather3A_996 = tpu.vector_load_idx %arg12[%add3A_995] : memref<5120xf32, #tpu.memory_space<vmem>>[vector<16xi32>], vector<16xf32>,
        %gather3A_997 = tpu.vector_load_idx %arg14[%add3A_70, %broadcast_in_dim3A_992] : memref<80x128xf32, #tpu.memory_space<vmem>>[vector<16xi32>, vector<16xi32>], vector<16xf32>,
        %gather3A_998 = tpu.vector_load_idx %arg15[%add3A_70, %broadcast_in_dim3A_994] : memref<80x128xf32, #tpu.memory_space<vmem>>[vector<16xi32>, vector<16xi32>], vector<16xf32>,
        %add3A_999 = arith.addf %gather3A_996, %gather3A_997 : vector<16xf32>
        %add3A_1000 = arith.addf %add3A_999, %gather3A_998 : vector<16xf32>
        %max3A_1001 = arith.constant 0.000000e+00 : f32
        %max3A_1002 = vector.broadcast %max3A_1001 : f32 to vector<16xf32>
        %max3A_1003 = arith.maximumf %add3A_1000, %max3A_1002 : vector<16xf32>
        tpu.vector_store_idx %arg16[%add3A_70, %broadcast_in_dim3A_992], %max3A_1003 : memref<80x128xf32, #tpu.memory_space<vmem>>[vector<16xi32>, vector<16xi32>], vector<16xf32>,
        %gather3A_1004 = tpu.vector_load_idx %arg21[%broadcast_in_dim3A_992] : memref<64xf32, #tpu.memory_space<vmem>>[vector<16xi32>], vector<16xf32>,
        %mul3A_1005 = arith.mulf %max3A_1003, %gather3A_1004 : vector<16xf32>
        %add3A_1006 = arith.addf %add3A_990, %mul3A_1005 : vector<16xf32>
        %broadcast_in_dim3A_1007 = arith.constant 58 : i32
        %broadcast_in_dim3A_1008 = vector.broadcast %broadcast_in_dim3A_1007 : i32 to vector<16xi32>
        %broadcast_in_dim3A_1009 = arith.constant 122 : i32
        %broadcast_in_dim3A_1010 = vector.broadcast %broadcast_in_dim3A_1009 : i32 to vector<16xi32>
        %add3A_1011 = arith.addi %mul3A_73, %broadcast_in_dim3A_1008 : vector<16xi32>
        %gather3A_1012 = tpu.vector_load_idx %arg12[%add3A_1011] : memref<5120xf32, #tpu.memory_space<vmem>>[vector<16xi32>], vector<16xf32>,
        %gather3A_1013 = tpu.vector_load_idx %arg14[%add3A_70, %broadcast_in_dim3A_1008] : memref<80x128xf32, #tpu.memory_space<vmem>>[vector<16xi32>, vector<16xi32>], vector<16xf32>,
        %gather3A_1014 = tpu.vector_load_idx %arg15[%add3A_70, %broadcast_in_dim3A_1010] : memref<80x128xf32, #tpu.memory_space<vmem>>[vector<16xi32>, vector<16xi32>], vector<16xf32>,
        %add3A_1015 = arith.addf %gather3A_1012, %gather3A_1013 : vector<16xf32>
        %add3A_1016 = arith.addf %add3A_1015, %gather3A_1014 : vector<16xf32>
        %max3A_1017 = arith.constant 0.000000e+00 : f32
        %max3A_1018 = vector.broadcast %max3A_1017 : f32 to vector<16xf32>
        %max3A_1019 = arith.maximumf %add3A_1016, %max3A_1018 : vector<16xf32>
        tpu.vector_store_idx %arg16[%add3A_70, %broadcast_in_dim3A_1008], %max3A_1019 : memref<80x128xf32, #tpu.memory_space<vmem>>[vector<16xi32>, vector<16xi32>], vector<16xf32>,
        %gather3A_1020 = tpu.vector_load_idx %arg21[%broadcast_in_dim3A_1008] : memref<64xf32, #tpu.memory_space<vmem>>[vector<16xi32>], vector<16xf32>,
        %mul3A_1021 = arith.mulf %max3A_1019, %gather3A_1020 : vector<16xf32>
        %add3A_1022 = arith.addf %add3A_1006, %mul3A_1021 : vector<16xf32>
        %broadcast_in_dim3A_1023 = arith.constant 59 : i32
        %broadcast_in_dim3A_1024 = vector.broadcast %broadcast_in_dim3A_1023 : i32 to vector<16xi32>
        %broadcast_in_dim3A_1025 = arith.constant 123 : i32
        %broadcast_in_dim3A_1026 = vector.broadcast %broadcast_in_dim3A_1025 : i32 to vector<16xi32>
        %add3A_1027 = arith.addi %mul3A_73, %broadcast_in_dim3A_1024 : vector<16xi32>
        %gather3A_1028 = tpu.vector_load_idx %arg12[%add3A_1027] : memref<5120xf32, #tpu.memory_space<vmem>>[vector<16xi32>], vector<16xf32>,
        %gather3A_1029 = tpu.vector_load_idx %arg14[%add3A_70, %broadcast_in_dim3A_1024] : memref<80x128xf32, #tpu.memory_space<vmem>>[vector<16xi32>, vector<16xi32>], vector<16xf32>,
        %gather3A_1030 = tpu.vector_load_idx %arg15[%add3A_70, %broadcast_in_dim3A_1026] : memref<80x128xf32, #tpu.memory_space<vmem>>[vector<16xi32>, vector<16xi32>], vector<16xf32>,
        %add3A_1031 = arith.addf %gather3A_1028, %gather3A_1029 : vector<16xf32>
        %add3A_1032 = arith.addf %add3A_1031, %gather3A_1030 : vector<16xf32>
        %max3A_1033 = arith.constant 0.000000e+00 : f32
        %max3A_1034 = vector.broadcast %max3A_1033 : f32 to vector<16xf32>
        %max3A_1035 = arith.maximumf %add3A_1032, %max3A_1034 : vector<16xf32>
        tpu.vector_store_idx %arg16[%add3A_70, %broadcast_in_dim3A_1024], %max3A_1035 : memref<80x128xf32, #tpu.memory_space<vmem>>[vector<16xi32>, vector<16xi32>], vector<16xf32>,
        %gather3A_1036 = tpu.vector_load_idx %arg21[%broadcast_in_dim3A_1024] : memref<64xf32, #tpu.memory_space<vmem>>[vector<16xi32>], vector<16xf32>,
        %mul3A_1037 = arith.mulf %max3A_1035, %gather3A_1036 : vector<16xf32>
        %add3A_1038 = arith.addf %add3A_1022, %mul3A_1037 : vector<16xf32>
        %broadcast_in_dim3A_1039 = arith.constant 60 : i32
        %broadcast_in_dim3A_1040 = vector.broadcast %broadcast_in_dim3A_1039 : i32 to vector<16xi32>
        %broadcast_in_dim3A_1041 = arith.constant 124 : i32
        %broadcast_in_dim3A_1042 = vector.broadcast %broadcast_in_dim3A_1041 : i32 to vector<16xi32>
        %add3A_1043 = arith.addi %mul3A_73, %broadcast_in_dim3A_1040 : vector<16xi32>
        %gather3A_1044 = tpu.vector_load_idx %arg12[%add3A_1043] : memref<5120xf32, #tpu.memory_space<vmem>>[vector<16xi32>], vector<16xf32>,
        %gather3A_1045 = tpu.vector_load_idx %arg14[%add3A_70, %broadcast_in_dim3A_1040] : memref<80x128xf32, #tpu.memory_space<vmem>>[vector<16xi32>, vector<16xi32>], vector<16xf32>,
        %gather3A_1046 = tpu.vector_load_idx %arg15[%add3A_70, %broadcast_in_dim3A_1042] : memref<80x128xf32, #tpu.memory_space<vmem>>[vector<16xi32>, vector<16xi32>], vector<16xf32>,
        %add3A_1047 = arith.addf %gather3A_1044, %gather3A_1045 : vector<16xf32>
        %add3A_1048 = arith.addf %add3A_1047, %gather3A_1046 : vector<16xf32>
        %max3A_1049 = arith.constant 0.000000e+00 : f32
        %max3A_1050 = vector.broadcast %max3A_1049 : f32 to vector<16xf32>
        %max3A_1051 = arith.maximumf %add3A_1048, %max3A_1050 : vector<16xf32>
        tpu.vector_store_idx %arg16[%add3A_70, %broadcast_in_dim3A_1040], %max3A_1051 : memref<80x128xf32, #tpu.memory_space<vmem>>[vector<16xi32>, vector<16xi32>], vector<16xf32>,
        %gather3A_1052 = tpu.vector_load_idx %arg21[%broadcast_in_dim3A_1040] : memref<64xf32, #tpu.memory_space<vmem>>[vector<16xi32>], vector<16xf32>,
        %mul3A_1053 = arith.mulf %max3A_1051, %gather3A_1052 : vector<16xf32>
        %add3A_1054 = arith.addf %add3A_1038, %mul3A_1053 : vector<16xf32>
        %broadcast_in_dim3A_1055 = arith.constant 61 : i32
        %broadcast_in_dim3A_1056 = vector.broadcast %broadcast_in_dim3A_1055 : i32 to vector<16xi32>
        %broadcast_in_dim3A_1057 = arith.constant 125 : i32
        %broadcast_in_dim3A_1058 = vector.broadcast %broadcast_in_dim3A_1057 : i32 to vector<16xi32>
        %add3A_1059 = arith.addi %mul3A_73, %broadcast_in_dim3A_1056 : vector<16xi32>
        %gather3A_1060 = tpu.vector_load_idx %arg12[%add3A_1059] : memref<5120xf32, #tpu.memory_space<vmem>>[vector<16xi32>], vector<16xf32>,
        %gather3A_1061 = tpu.vector_load_idx %arg14[%add3A_70, %broadcast_in_dim3A_1056] : memref<80x128xf32, #tpu.memory_space<vmem>>[vector<16xi32>, vector<16xi32>], vector<16xf32>,
        %gather3A_1062 = tpu.vector_load_idx %arg15[%add3A_70, %broadcast_in_dim3A_1058] : memref<80x128xf32, #tpu.memory_space<vmem>>[vector<16xi32>, vector<16xi32>], vector<16xf32>,
        %add3A_1063 = arith.addf %gather3A_1060, %gather3A_1061 : vector<16xf32>
        %add3A_1064 = arith.addf %add3A_1063, %gather3A_1062 : vector<16xf32>
        %max3A_1065 = arith.constant 0.000000e+00 : f32
        %max3A_1066 = vector.broadcast %max3A_1065 : f32 to vector<16xf32>
        %max3A_1067 = arith.maximumf %add3A_1064, %max3A_1066 : vector<16xf32>
        tpu.vector_store_idx %arg16[%add3A_70, %broadcast_in_dim3A_1056], %max3A_1067 : memref<80x128xf32, #tpu.memory_space<vmem>>[vector<16xi32>, vector<16xi32>], vector<16xf32>,
        %gather3A_1068 = tpu.vector_load_idx %arg21[%broadcast_in_dim3A_1056] : memref<64xf32, #tpu.memory_space<vmem>>[vector<16xi32>], vector<16xf32>,
        %mul3A_1069 = arith.mulf %max3A_1067, %gather3A_1068 : vector<16xf32>
        %add3A_1070 = arith.addf %add3A_1054, %mul3A_1069 : vector<16xf32>
        %broadcast_in_dim3A_1071 = arith.constant 62 : i32
        %broadcast_in_dim3A_1072 = vector.broadcast %broadcast_in_dim3A_1071 : i32 to vector<16xi32>
        %broadcast_in_dim3A_1073 = arith.constant 126 : i32
        %broadcast_in_dim3A_1074 = vector.broadcast %broadcast_in_dim3A_1073 : i32 to vector<16xi32>
        %add3A_1075 = arith.addi %mul3A_73, %broadcast_in_dim3A_1072 : vector<16xi32>
        %gather3A_1076 = tpu.vector_load_idx %arg12[%add3A_1075] : memref<5120xf32, #tpu.memory_space<vmem>>[vector<16xi32>], vector<16xf32>,
        %gather3A_1077 = tpu.vector_load_idx %arg14[%add3A_70, %broadcast_in_dim3A_1072] : memref<80x128xf32, #tpu.memory_space<vmem>>[vector<16xi32>, vector<16xi32>], vector<16xf32>,
        %gather3A_1078 = tpu.vector_load_idx %arg15[%add3A_70, %broadcast_in_dim3A_1074] : memref<80x128xf32, #tpu.memory_space<vmem>>[vector<16xi32>, vector<16xi32>], vector<16xf32>,
        %add3A_1079 = arith.addf %gather3A_1076, %gather3A_1077 : vector<16xf32>
        %add3A_1080 = arith.addf %add3A_1079, %gather3A_1078 : vector<16xf32>
        %max3A_1081 = arith.constant 0.000000e+00 : f32
        %max3A_1082 = vector.broadcast %max3A_1081 : f32 to vector<16xf32>
        %max3A_1083 = arith.maximumf %add3A_1080, %max3A_1082 : vector<16xf32>
        tpu.vector_store_idx %arg16[%add3A_70, %broadcast_in_dim3A_1072], %max3A_1083 : memref<80x128xf32, #tpu.memory_space<vmem>>[vector<16xi32>, vector<16xi32>], vector<16xf32>,
        %gather3A_1084 = tpu.vector_load_idx %arg21[%broadcast_in_dim3A_1072] : memref<64xf32, #tpu.memory_space<vmem>>[vector<16xi32>], vector<16xf32>,
        %mul3A_1085 = arith.mulf %max3A_1083, %gather3A_1084 : vector<16xf32>
        %add3A_1086 = arith.addf %add3A_1070, %mul3A_1085 : vector<16xf32>
        %broadcast_in_dim3A_1087 = arith.constant 63 : i32
        %broadcast_in_dim3A_1088 = vector.broadcast %broadcast_in_dim3A_1087 : i32 to vector<16xi32>
        %broadcast_in_dim3A_1089 = arith.constant 127 : i32
        %broadcast_in_dim3A_1090 = vector.broadcast %broadcast_in_dim3A_1089 : i32 to vector<16xi32>
        %add3A_1091 = arith.addi %mul3A_73, %broadcast_in_dim3A_1088 : vector<16xi32>
        %gather3A_1092 = tpu.vector_load_idx %arg12[%add3A_1091] : memref<5120xf32, #tpu.memory_space<vmem>>[vector<16xi32>], vector<16xf32>,
        %gather3A_1093 = tpu.vector_load_idx %arg14[%add3A_70, %broadcast_in_dim3A_1088] : memref<80x128xf32, #tpu.memory_space<vmem>>[vector<16xi32>, vector<16xi32>], vector<16xf32>,
        %gather3A_1094 = tpu.vector_load_idx %arg15[%add3A_70, %broadcast_in_dim3A_1090] : memref<80x128xf32, #tpu.memory_space<vmem>>[vector<16xi32>, vector<16xi32>], vector<16xf32>,
        %add3A_1095 = arith.addf %gather3A_1092, %gather3A_1093 : vector<16xf32>
        %add3A_1096 = arith.addf %add3A_1095, %gather3A_1094 : vector<16xf32>
        %max3A_1097 = arith.constant 0.000000e+00 : f32
        %max3A_1098 = vector.broadcast %max3A_1097 : f32 to vector<16xf32>
        %max3A_1099 = arith.maximumf %add3A_1096, %max3A_1098 : vector<16xf32>
        tpu.vector_store_idx %arg16[%add3A_70, %broadcast_in_dim3A_1088], %max3A_1099 : memref<80x128xf32, #tpu.memory_space<vmem>>[vector<16xi32>, vector<16xi32>], vector<16xf32>,
        %gather3A_1100 = tpu.vector_load_idx %arg21[%broadcast_in_dim3A_1088] : memref<64xf32, #tpu.memory_space<vmem>>[vector<16xi32>], vector<16xf32>,
        %mul3A_1101 = arith.mulf %max3A_1099, %gather3A_1100 : vector<16xf32>
        %add3A_1102 = arith.addf %add3A_1086, %mul3A_1101 : vector<16xf32>
        tpu.vector_store_idx %arg16[%add3A_70, %broadcast_in_dim3A_5], %broadcast_in_dim3A_7 : memref<80x128xf32, #tpu.memory_space<vmem>>[vector<16xi32>, vector<16xi32>], vector<16xf32>,
        %gather3A_1103 = tpu.vector_load_idx %arg13[%mul3A_76] : memref<640xf32, #tpu.memory_space<vmem>>[vector<16xi32>], vector<16xf32>,
        %add3A_1104 = arith.addi %mul3A_76, %broadcast_in_dim3A_3 : vector<16xi32>
        %gather3A_1105 = tpu.vector_load_idx %arg13[%add3A_1104] : memref<640xf32, #tpu.memory_space<vmem>>[vector<16xi32>], vector<16xf32>,
        %add3A_1106 = arith.addf %add3A_590, %gather3A_1103 : vector<16xf32>
        %max3A_1107 = arith.constant 0.000000e+00 : f32
        %max3A_1108 = vector.broadcast %max3A_1107 : f32 to vector<16xf32>
        %max3A_1109 = arith.maximumf %add3A_1106, %max3A_1108 : vector<16xf32>
        tpu.vector_store_idx %arg17[%mul3A_76], %max3A_1109 : memref<640xf32, #tpu.memory_space<vmem>>[vector<16xi32>], vector<16xf32>,
        %add3A_1110 = arith.addi %mul3A_76, %broadcast_in_dim3A_3 : vector<16xi32>
        %add3A_1111 = arith.addf %add3A_1102, %gather3A_1105 : vector<16xf32>
        %max3A_1112 = arith.constant 0.000000e+00 : f32
        %max3A_1113 = vector.broadcast %max3A_1112 : f32 to vector<16xf32>
        %max3A_1114 = arith.maximumf %add3A_1111, %max3A_1113 : vector<16xf32>
        tpu.vector_store_idx %arg17[%add3A_1110], %max3A_1114 : memref<640xf32, #tpu.memory_space<vmem>>[vector<16xi32>], vector<16xf32>,
      }
      %scan3A_63 = arith.constant 5 : i32
      "tpu.region"() ({
        %run_scoped3A = tpu.sem_alloc : memref<!tpu.dma_semaphore, #tpu.memory_space<semaphore_mem>>
        %dma_start3A_66 = arith.constant 0 : i32
        %dma_start3A_67 = arith.constant 0 : i32
        %dma_start3A_68 = tpu.memref_slice %arg22[%dma_start3A_66, %dma_start3A_67] : memref<10112x128xf32, #tpu.memory_space<vmem_shared>> -> memref<10112x128xf32, #tpu.memory_space<vmem_shared>>
        tpu.enqueue_indirect_dma source(%arg16 : memref<80x128xf32, #tpu.memory_space<vmem>>) target(%dma_start3A_68 : memref<10112x128xf32, #tpu.memory_space<vmem_shared>>) offsets(%arg19 : memref<80xi32, #tpu.memory_space<vmem>>) semaphore(%run_scoped3A : memref<!tpu.dma_semaphore, #tpu.memory_space<semaphore_mem>>) {add = true}
        %dma_wait3A_69 = arith.constant 0 : i32
        %dma_wait3A_70 = arith.constant 0 : i32
        %dma_wait3A_71 = tpu.memref_slice %arg22[%dma_wait3A_69, %dma_wait3A_70] : memref<10112x128xf32, #tpu.memory_space<vmem_shared>> -> memref<10112x128xf32, #tpu.memory_space<vmem_shared>>
        tpu.wait_indirect_dma semaphore(%run_scoped3A : memref<!tpu.dma_semaphore, #tpu.memory_space<semaphore_mem>>) src(%arg16 : memref<80x128xf32, #tpu.memory_space<vmem>>) dst(%dma_wait3A_71 : memref<10112x128xf32, #tpu.memory_space<vmem_shared>>)
        tpu.yield
      }) : () -> ()
      "tpu.region"() ({
        %run_scoped3A = tpu.sem_alloc : memref<!tpu.dma_semaphore, #tpu.memory_space<semaphore_mem>>
        %dma_start3A_66 = arith.constant 0 : i32
        %dma_start3A_67 = arith.constant 0 : i32
        %dma_start3A_68 = tpu.memref_slice %arg22[%dma_start3A_66, %dma_start3A_67] : memref<10112x128xf32, #tpu.memory_space<vmem_shared>> -> memref<10112x128xf32, #tpu.memory_space<vmem_shared>>
        tpu.enqueue_indirect_dma source(%arg16 : memref<80x128xf32, #tpu.memory_space<vmem>>) target(%dma_start3A_68 : memref<10112x128xf32, #tpu.memory_space<vmem_shared>>) offsets(%arg20 : memref<80xi32, #tpu.memory_space<vmem>>) semaphore(%run_scoped3A : memref<!tpu.dma_semaphore, #tpu.memory_space<semaphore_mem>>) {add = true}
        %dma_wait3A_69 = arith.constant 0 : i32
        %dma_wait3A_70 = arith.constant 0 : i32
        %dma_wait3A_71 = tpu.memref_slice %arg22[%dma_wait3A_69, %dma_wait3A_70] : memref<10112x128xf32, #tpu.memory_space<vmem_shared>> -> memref<10112x128xf32, #tpu.memory_space<vmem_shared>>
        tpu.wait_indirect_dma semaphore(%run_scoped3A : memref<!tpu.dma_semaphore, #tpu.memory_space<semaphore_mem>>) src(%arg16 : memref<80x128xf32, #tpu.memory_space<vmem>>) dst(%dma_wait3A_71 : memref<10112x128xf32, #tpu.memory_space<vmem_shared>>)
        tpu.yield
      }) : () -> ()
      %mul3A_64 = arith.constant 8 : i32
      %mul3A_65 = arith.muli %add3A_23, %mul3A_64 : i32
      "tpu.region"() ({
        %run_scoped3A = tpu.sem_alloc : memref<!tpu.dma_semaphore, #tpu.memory_space<semaphore_mem>>
        %dma_start3A_66 = tpu.memref_slice %arg10[%mul3A_65] : memref<2560000xf32, #tpu.memory_space<hbm>> -> memref<640xf32, #tpu.memory_space<hbm>>
        %dma_start3A_67 = tpu.memref_slice %arg10[%mul3A_65] : memref<2560000xf32, #tpu.memory_space<hbm>> -> memref<640xf32, #tpu.memory_space<hbm>>
        tpu.enqueue_dma source(%arg17 : memref<640xf32, #tpu.memory_space<vmem>>) target(%dma_start3A_67 : memref<640xf32, #tpu.memory_space<hbm>>) target_semaphore(%run_scoped3A : memref<!tpu.dma_semaphore, #tpu.memory_space<semaphore_mem>>)
        %dma_wait3A_68 = tpu.memref_slice %arg10[%mul3A_65] : memref<2560000xf32, #tpu.memory_space<hbm>> -> memref<640xf32, #tpu.memory_space<hbm>>
        %dma_wait3A_69 = tpu.memref_slice %arg10[%mul3A_65] : memref<2560000xf32, #tpu.memory_space<hbm>> -> memref<640xf32, #tpu.memory_space<hbm>>
        tpu.wait_dma2 semaphore(%run_scoped3A : memref<!tpu.dma_semaphore, #tpu.memory_space<semaphore_mem>>) src(%arg17 : memref<640xf32, #tpu.memory_space<vmem>>) dst(%dma_wait3A_69 : memref<640xf32, #tpu.memory_space<hbm>>)
        tpu.yield
      }) : () -> ()
    }
    %scan3A_12 = arith.constant 125 : i32
    %barrier3A_13 = arith.constant 0 : index
    tpu.barrier barrier_id(%barrier3A_13)
    %mul3A_14 = arith.constant 632 : i32
    %mul3A_15 = arith.muli %arg1, %mul3A_14 : i32
    %mul3A_16 = arith.constant 632 : i32
    %mul3A_17 = arith.muli %arg1, %mul3A_16 : i32
    "tpu.region"() ({
      %run_scoped3A = tpu.sem_alloc : memref<!tpu.dma_semaphore, #tpu.memory_space<semaphore_mem>>
      %dma_start3A = arith.constant 0 : i32
      %dma_start3A_18 = tpu.memref_slice %arg11[%arg0, %mul3A_17, %dma_start3A] : memref<2x10112x128xf32, #tpu.memory_space<hbm>> -> memref<1x632x128xf32, #tpu.memory_space<hbm>>
      %dma_start3A_19 = tpu.memref_squeeze %dma_start3A_18 : memref<1x632x128xf32, #tpu.memory_space<hbm>> -> memref<632x128xf32, #tpu.memory_space<hbm>>
      %dma_start3A_20 = arith.constant 0 : i32
      %dma_start3A_21 = tpu.memref_slice %arg22[%mul3A_15, %dma_start3A_20] : memref<10112x128xf32, #tpu.memory_space<vmem_shared>> -> memref<632x128xf32, #tpu.memory_space<vmem_shared>>
      tpu.enqueue_dma source(%dma_start3A_21 : memref<632x128xf32, #tpu.memory_space<vmem_shared>>) target(%dma_start3A_19 : memref<632x128xf32, #tpu.memory_space<hbm>>) target_semaphore(%run_scoped3A : memref<!tpu.dma_semaphore, #tpu.memory_space<semaphore_mem>>)
      %dma_wait3A = arith.constant 0 : i32
      %dma_wait3A_22 = tpu.memref_slice %arg11[%arg0, %mul3A_17, %dma_wait3A] : memref<2x10112x128xf32, #tpu.memory_space<hbm>> -> memref<1x632x128xf32, #tpu.memory_space<hbm>>
      %dma_wait3A_23 = tpu.memref_squeeze %dma_wait3A_22 : memref<1x632x128xf32, #tpu.memory_space<hbm>> -> memref<632x128xf32, #tpu.memory_space<hbm>>
      %dma_wait3A_24 = arith.constant 0 : i32
      %dma_wait3A_25 = tpu.memref_slice %arg22[%mul3A_15, %dma_wait3A_24] : memref<10112x128xf32, #tpu.memory_space<vmem_shared>> -> memref<632x128xf32, #tpu.memory_space<vmem_shared>>
      tpu.wait_dma2 semaphore(%run_scoped3A : memref<!tpu.dma_semaphore, #tpu.memory_space<semaphore_mem>>) src(%dma_wait3A_25 : memref<632x128xf32, #tpu.memory_space<vmem_shared>>) dst(%dma_wait3A_23 : memref<632x128xf32, #tpu.memory_space<hbm>>)
      tpu.yield
    }) : () -> ()
    return
  }
}

#map = affine_map<(d0, d1) -> (0)>
module attributes {stable_mosaic.version = 14 : i64} {
  func.func @_sc2(%arg0: i32, %arg1: i32, %arg2: memref<2560000xf32, #tpu.memory_space<hbm>>, %arg3: memref<80000xf32, #tpu.memory_space<hbm>>, %arg4: memref<128xf32, #tpu.memory_space<hbm>>, %arg5: memref<320000xi32, #tpu.memory_space<hbm>>, %arg6: memref<320000xi32, #tpu.memory_space<hbm>>, %arg7: memref<320000xi32, #tpu.memory_space<hbm>>, %arg8: memref<16xf32, #tpu.memory_space<hbm>>, %arg9: memref<10112xf32, #tpu.memory_space<hbm>>, %arg10: memref<2560000xf32, #tpu.memory_space<hbm>>, %arg11: memref<323584xf32, #tpu.memory_space<hbm>>, %arg12: memref<640xf32, #tpu.memory_space<vmem>>, %arg13: memref<80xi32, #tpu.memory_space<vmem>>, %arg14: memref<80xi32, #tpu.memory_space<vmem>>, %arg15: memref<80xi32, #tpu.memory_space<vmem>>, %arg16: memref<80000xf32, #tpu.memory_space<vmem>>, %arg17: memref<128xf32, #tpu.memory_space<vmem>>, %arg18: memref<10112xf32, #tpu.memory_space<vmem>>, %arg19: memref<640xf32, #tpu.memory_space<vmem>>, %arg20: memref<16xf32, #tpu.memory_space<vmem>>, %arg21: memref<!tpu.dma_semaphore, #tpu.memory_space<semaphore_mem>>) attributes {dimension_semantics = [#tpu.dimension_semantics<core_parallel>, #tpu.dimension_semantics<subcore_parallel>], iteration_bounds = array<i64: 2, 16>, scalar_prefetch = 0 : i64, scratch_operands = 10 : i64, tpu.core_type = #tpu.core_type<sc_vector_subcore>, window_params = [{transform_indices = #map}, {transform_indices = #map}, {transform_indices = #map}, {transform_indices = #map}, {transform_indices = #map}, {transform_indices = #map}, {transform_indices = #map}, {transform_indices = #map}, {transform_indices = #map}, {transform_indices = #map}]} {
    %mul3A = arith.constant 2 : i32
    %mul3A_0 = arith.muli %arg1, %mul3A : i32
    %add3A = arith.addi %mul3A_0, %arg0 : i32
    "tpu.region"() ({
      %run_scoped3A = tpu.sem_alloc : memref<!tpu.dma_semaphore, #tpu.memory_space<semaphore_mem>>
      tpu.enqueue_dma source(%arg9 : memref<10112xf32, #tpu.memory_space<hbm>>) target(%arg18 : memref<10112xf32, #tpu.memory_space<vmem>>) target_semaphore(%run_scoped3A : memref<!tpu.dma_semaphore, #tpu.memory_space<semaphore_mem>>)
      tpu.wait_dma2 semaphore(%run_scoped3A : memref<!tpu.dma_semaphore, #tpu.memory_space<semaphore_mem>>) src(%arg9 : memref<10112xf32, #tpu.memory_space<hbm>>) dst(%arg18 : memref<10112xf32, #tpu.memory_space<vmem>>)
      tpu.yield
    }) : () -> ()
    "tpu.region"() ({
      %run_scoped3A = tpu.sem_alloc : memref<!tpu.dma_semaphore, #tpu.memory_space<semaphore_mem>>
      %dma_start3A = arith.constant 0 : i32
      %dma_start3A_16 = tpu.memref_slice %arg9[%dma_start3A] : memref<10112xf32, #tpu.memory_space<hbm>> -> memref<640xf32, #tpu.memory_space<hbm>>
      %dma_start3A_17 = arith.constant 0 : i32
      %dma_start3A_18 = tpu.memref_slice %arg9[%dma_start3A_17] : memref<10112xf32, #tpu.memory_space<hbm>> -> memref<640xf32, #tpu.memory_space<hbm>>
      tpu.enqueue_dma source(%dma_start3A_18 : memref<640xf32, #tpu.memory_space<hbm>>) target(%arg19 : memref<640xf32, #tpu.memory_space<vmem>>) target_semaphore(%run_scoped3A : memref<!tpu.dma_semaphore, #tpu.memory_space<semaphore_mem>>)
      %dma_wait3A = arith.constant 0 : i32
      %dma_wait3A_19 = tpu.memref_slice %arg9[%dma_wait3A] : memref<10112xf32, #tpu.memory_space<hbm>> -> memref<640xf32, #tpu.memory_space<hbm>>
      %dma_wait3A_20 = arith.constant 0 : i32
      %dma_wait3A_21 = tpu.memref_slice %arg9[%dma_wait3A_20] : memref<10112xf32, #tpu.memory_space<hbm>> -> memref<640xf32, #tpu.memory_space<hbm>>
      tpu.wait_dma2 semaphore(%run_scoped3A : memref<!tpu.dma_semaphore, #tpu.memory_space<semaphore_mem>>) src(%dma_wait3A_21 : memref<640xf32, #tpu.memory_space<hbm>>) dst(%arg19 : memref<640xf32, #tpu.memory_space<vmem>>)
      tpu.yield
    }) : () -> ()
    "tpu.region"() ({
      %run_scoped3A = tpu.sem_alloc : memref<!tpu.dma_semaphore, #tpu.memory_space<semaphore_mem>>
      tpu.enqueue_dma source(%arg3 : memref<80000xf32, #tpu.memory_space<hbm>>) target(%arg16 : memref<80000xf32, #tpu.memory_space<vmem>>) target_semaphore(%run_scoped3A : memref<!tpu.dma_semaphore, #tpu.memory_space<semaphore_mem>>)
      tpu.wait_dma2 semaphore(%run_scoped3A : memref<!tpu.dma_semaphore, #tpu.memory_space<semaphore_mem>>) src(%arg3 : memref<80000xf32, #tpu.memory_space<hbm>>) dst(%arg16 : memref<80000xf32, #tpu.memory_space<vmem>>)
      tpu.yield
    }) : () -> ()
    "tpu.region"() ({
      %run_scoped3A = tpu.sem_alloc : memref<!tpu.dma_semaphore, #tpu.memory_space<semaphore_mem>>
      tpu.enqueue_dma source(%arg4 : memref<128xf32, #tpu.memory_space<hbm>>) target(%arg17 : memref<128xf32, #tpu.memory_space<vmem>>) target_semaphore(%run_scoped3A : memref<!tpu.dma_semaphore, #tpu.memory_space<semaphore_mem>>)
      tpu.wait_dma2 semaphore(%run_scoped3A : memref<!tpu.dma_semaphore, #tpu.memory_space<semaphore_mem>>) src(%arg4 : memref<128xf32, #tpu.memory_space<hbm>>) dst(%arg17 : memref<128xf32, #tpu.memory_space<vmem>>)
      tpu.yield
    }) : () -> ()
    "tpu.region"() ({
      %run_scoped3A = tpu.sem_alloc : memref<!tpu.dma_semaphore, #tpu.memory_space<semaphore_mem>>
      tpu.enqueue_dma source(%arg8 : memref<16xf32, #tpu.memory_space<hbm>>) target(%arg20 : memref<16xf32, #tpu.memory_space<vmem>>) target_semaphore(%run_scoped3A : memref<!tpu.dma_semaphore, #tpu.memory_space<semaphore_mem>>)
      tpu.wait_dma2 semaphore(%run_scoped3A : memref<!tpu.dma_semaphore, #tpu.memory_space<semaphore_mem>>) src(%arg8 : memref<16xf32, #tpu.memory_space<hbm>>) dst(%arg20 : memref<16xf32, #tpu.memory_space<vmem>>)
      tpu.yield
    }) : () -> ()
    %iota3A = tpu.iota {dimensions = array<i32: 0>} : vector<16xi32>
    %broadcast_in_dim3A = arith.constant 0 : i32
    %broadcast_in_dim3A_1 = vector.broadcast %broadcast_in_dim3A : i32 to vector<16xi32>
    %broadcast_in_dim3A_2 = arith.constant 1 : i32
    %broadcast_in_dim3A_3 = vector.broadcast %broadcast_in_dim3A_2 : i32 to vector<16xi32>
    %broadcast_in_dim3A_4 = arith.constant 2 : i32
    %broadcast_in_dim3A_5 = vector.broadcast %broadcast_in_dim3A_4 : i32 to vector<16xi32>
    %broadcast_in_dim3A_6 = arith.constant 3 : i32
    %broadcast_in_dim3A_7 = vector.broadcast %broadcast_in_dim3A_6 : i32 to vector<16xi32>
    %gather3A = tpu.vector_load_idx %arg20[%broadcast_in_dim3A_1] : memref<16xf32, #tpu.memory_space<vmem>>[vector<16xi32>], vector<16xf32>,
    %gather3A_8 = tpu.vector_load_idx %arg20[%broadcast_in_dim3A_3] : memref<16xf32, #tpu.memory_space<vmem>>[vector<16xi32>], vector<16xf32>,
    %scan3A = arith.constant 0 : i32
    %scan3A_9 = arith.constant 0 : i32
    %scan3A_10 = arith.constant 125 : i32
    %scan3A_11 = arith.addi %scan3A_9, %scan3A_10 : i32
    %scan3A_12 = arith.constant 1 : i32
    scf.for %scan3A_16 = %scan3A_9 to %scan3A_11 step %scan3A_12  : i32 {
      %mul3A_17 = arith.constant 10000 : i32
      %mul3A_18 = arith.muli %add3A, %mul3A_17 : i32
      %mul3A_19 = arith.constant 80 : i32
      %mul3A_20 = arith.muli %scan3A_16, %mul3A_19 : i32
      %add3A_21 = arith.addi %mul3A_18, %mul3A_20 : i32
      %mul3A_22 = arith.constant 8 : i32
      %mul3A_23 = arith.muli %add3A_21, %mul3A_22 : i32
      %dma_start3A = tpu.memref_slice %arg2[%mul3A_23] : memref<2560000xf32, #tpu.memory_space<hbm>> -> memref<640xf32, #tpu.memory_space<hbm>>
      %dma_start3A_24 = tpu.memref_slice %arg2[%mul3A_23] : memref<2560000xf32, #tpu.memory_space<hbm>> -> memref<640xf32, #tpu.memory_space<hbm>>
      tpu.enqueue_dma source(%dma_start3A_24 : memref<640xf32, #tpu.memory_space<hbm>>) target(%arg12 : memref<640xf32, #tpu.memory_space<vmem>>) target_semaphore(%arg21 : memref<!tpu.dma_semaphore, #tpu.memory_space<semaphore_mem>>)
      %dma_start3A_25 = tpu.memref_slice %arg5[%add3A_21] : memref<320000xi32, #tpu.memory_space<hbm>> -> memref<80xi32, #tpu.memory_space<hbm>>
      %dma_start3A_26 = tpu.memref_slice %arg5[%add3A_21] : memref<320000xi32, #tpu.memory_space<hbm>> -> memref<80xi32, #tpu.memory_space<hbm>>
      tpu.enqueue_dma source(%dma_start3A_26 : memref<80xi32, #tpu.memory_space<hbm>>) target(%arg13 : memref<80xi32, #tpu.memory_space<vmem>>) target_semaphore(%arg21 : memref<!tpu.dma_semaphore, #tpu.memory_space<semaphore_mem>>)
      %dma_start3A_27 = tpu.memref_slice %arg6[%add3A_21] : memref<320000xi32, #tpu.memory_space<hbm>> -> memref<80xi32, #tpu.memory_space<hbm>>
      %dma_start3A_28 = tpu.memref_slice %arg6[%add3A_21] : memref<320000xi32, #tpu.memory_space<hbm>> -> memref<80xi32, #tpu.memory_space<hbm>>
      tpu.enqueue_dma source(%dma_start3A_28 : memref<80xi32, #tpu.memory_space<hbm>>) target(%arg14 : memref<80xi32, #tpu.memory_space<vmem>>) target_semaphore(%arg21 : memref<!tpu.dma_semaphore, #tpu.memory_space<semaphore_mem>>)
      %dma_start3A_29 = tpu.memref_slice %arg7[%add3A_21] : memref<320000xi32, #tpu.memory_space<hbm>> -> memref<80xi32, #tpu.memory_space<hbm>>
      %dma_start3A_30 = tpu.memref_slice %arg7[%add3A_21] : memref<320000xi32, #tpu.memory_space<hbm>> -> memref<80xi32, #tpu.memory_space<hbm>>
      tpu.enqueue_dma source(%dma_start3A_30 : memref<80xi32, #tpu.memory_space<hbm>>) target(%arg15 : memref<80xi32, #tpu.memory_space<vmem>>) target_semaphore(%arg21 : memref<!tpu.dma_semaphore, #tpu.memory_space<semaphore_mem>>)
      %dma_wait3A = tpu.memref_slice %arg2[%mul3A_23] : memref<2560000xf32, #tpu.memory_space<hbm>> -> memref<640xf32, #tpu.memory_space<hbm>>
      %dma_wait3A_31 = tpu.memref_slice %arg2[%mul3A_23] : memref<2560000xf32, #tpu.memory_space<hbm>> -> memref<640xf32, #tpu.memory_space<hbm>>
      tpu.wait_dma2 semaphore(%arg21 : memref<!tpu.dma_semaphore, #tpu.memory_space<semaphore_mem>>) src(%dma_wait3A_31 : memref<640xf32, #tpu.memory_space<hbm>>) dst(%arg12 : memref<640xf32, #tpu.memory_space<vmem>>)
      %dma_wait3A_32 = tpu.memref_slice %arg5[%add3A_21] : memref<320000xi32, #tpu.memory_space<hbm>> -> memref<80xi32, #tpu.memory_space<hbm>>
      %dma_wait3A_33 = tpu.memref_slice %arg5[%add3A_21] : memref<320000xi32, #tpu.memory_space<hbm>> -> memref<80xi32, #tpu.memory_space<hbm>>
      tpu.wait_dma2 semaphore(%arg21 : memref<!tpu.dma_semaphore, #tpu.memory_space<semaphore_mem>>) src(%dma_wait3A_33 : memref<80xi32, #tpu.memory_space<hbm>>) dst(%arg13 : memref<80xi32, #tpu.memory_space<vmem>>)
      %dma_wait3A_34 = tpu.memref_slice %arg6[%add3A_21] : memref<320000xi32, #tpu.memory_space<hbm>> -> memref<80xi32, #tpu.memory_space<hbm>>
      %dma_wait3A_35 = tpu.memref_slice %arg6[%add3A_21] : memref<320000xi32, #tpu.memory_space<hbm>> -> memref<80xi32, #tpu.memory_space<hbm>>
      tpu.wait_dma2 semaphore(%arg21 : memref<!tpu.dma_semaphore, #tpu.memory_space<semaphore_mem>>) src(%dma_wait3A_35 : memref<80xi32, #tpu.memory_space<hbm>>) dst(%arg14 : memref<80xi32, #tpu.memory_space<vmem>>)
      %dma_wait3A_36 = tpu.memref_slice %arg7[%add3A_21] : memref<320000xi32, #tpu.memory_space<hbm>> -> memref<80xi32, #tpu.memory_space<hbm>>
      %dma_wait3A_37 = tpu.memref_slice %arg7[%add3A_21] : memref<320000xi32, #tpu.memory_space<hbm>> -> memref<80xi32, #tpu.memory_space<hbm>>
      tpu.wait_dma2 semaphore(%arg21 : memref<!tpu.dma_semaphore, #tpu.memory_space<semaphore_mem>>) src(%dma_wait3A_37 : memref<80xi32, #tpu.memory_space<hbm>>) dst(%arg15 : memref<80xi32, #tpu.memory_space<vmem>>)
      %scan3A_38 = arith.constant 0 : i32
      %scan3A_39 = arith.constant 0 : i32
      %scan3A_40 = arith.constant 5 : i32
      %scan3A_41 = arith.addi %scan3A_39, %scan3A_40 : i32
      %scan3A_42 = arith.constant 1 : i32
      scf.for %scan3A_46 = %scan3A_39 to %scan3A_41 step %scan3A_42  : i32 {
        %mul3A_47 = arith.constant 16 : i32
        %mul3A_48 = arith.muli %scan3A_46, %mul3A_47 : i32
        %add3A_49 = vector.broadcast %mul3A_48 : i32 to vector<16xi32>
        %add3A_50 = arith.addi %iota3A, %add3A_49 : vector<16xi32>
        %mul3A_51 = arith.constant 8 : i32
        %mul3A_52 = vector.broadcast %mul3A_51 : i32 to vector<16xi32>
        %mul3A_53 = arith.muli %add3A_50, %mul3A_52 : vector<16xi32>
        %gather3A_54 = tpu.vector_load_idx %arg13[%add3A_50] : memref<80xi32, #tpu.memory_space<vmem>>[vector<16xi32>], vector<16xi32>,
        %gather3A_55 = tpu.vector_load_idx %arg14[%add3A_50] : memref<80xi32, #tpu.memory_space<vmem>>[vector<16xi32>], vector<16xi32>,
        %gather3A_56 = tpu.vector_load_idx %arg15[%add3A_50] : memref<80xi32, #tpu.memory_space<vmem>>[vector<16xi32>], vector<16xi32>,
        %gather3A_57 = tpu.vector_load_idx %arg12[%mul3A_53] : memref<640xf32, #tpu.memory_space<vmem>>[vector<16xi32>], vector<16xf32>,
        %add3A_58 = arith.addi %mul3A_53, %broadcast_in_dim3A_3 : vector<16xi32>
        %gather3A_59 = tpu.vector_load_idx %arg12[%add3A_58] : memref<640xf32, #tpu.memory_space<vmem>>[vector<16xi32>], vector<16xf32>,
        %mul3A_60 = arith.constant 8 : i32
        %mul3A_61 = vector.broadcast %mul3A_60 : i32 to vector<16xi32>
        %mul3A_62 = arith.muli %gather3A_54, %mul3A_61 : vector<16xi32>
        %mul3A_63 = arith.constant 8 : i32
        %mul3A_64 = vector.broadcast %mul3A_63 : i32 to vector<16xi32>
        %mul3A_65 = arith.muli %gather3A_55, %mul3A_64 : vector<16xi32>
        %mul3A_66 = arith.constant 8 : i32
        %mul3A_67 = vector.broadcast %mul3A_66 : i32 to vector<16xi32>
        %mul3A_68 = arith.muli %gather3A_56, %mul3A_67 : vector<16xi32>
        %mul3A_69 = arith.mulf %gather3A_57, %gather3A : vector<16xf32>
        %add3A_70 = arith.addi %mul3A_62, %broadcast_in_dim3A_1 : vector<16xi32>
        %gather3A_71 = tpu.vector_load_idx %arg16[%add3A_70] : memref<80000xf32, #tpu.memory_space<vmem>>[vector<16xi32>], vector<16xf32>,
        %add3A_72 = arith.addf %mul3A_69, %gather3A_71 : vector<16xf32>
        %add3A_73 = arith.addi %mul3A_65, %broadcast_in_dim3A_5 : vector<16xi32>
        %gather3A_74 = tpu.vector_load_idx %arg16[%add3A_73] : memref<80000xf32, #tpu.memory_space<vmem>>[vector<16xi32>], vector<16xf32>,
        %add3A_75 = arith.addf %add3A_72, %gather3A_74 : vector<16xf32>
        %add3A_76 = arith.addi %mul3A_68, %broadcast_in_dim3A_1 : vector<16xi32>
        %gather3A_77 = tpu.vector_load_idx %arg17[%add3A_76] : memref<128xf32, #tpu.memory_space<vmem>>[vector<16xi32>], vector<16xf32>,
        %add3A_78 = arith.addf %add3A_75, %gather3A_77 : vector<16xf32>
        %max3A = arith.constant 0.000000e+00 : f32
        %max3A_79 = vector.broadcast %max3A : f32 to vector<16xf32>
        %max3A_80 = arith.maximumf %add3A_78, %max3A_79 : vector<16xf32>
        tpu.vector_store_idx %arg18[%gather3A_55], %max3A_80 {add = true} : memref<10112xf32, #tpu.memory_space<vmem>>[vector<16xi32>], vector<16xf32>,
        %mul3A_81 = arith.mulf %gather3A_59, %gather3A_8 : vector<16xf32>
        %add3A_82 = arith.addi %mul3A_62, %broadcast_in_dim3A_3 : vector<16xi32>
        %gather3A_83 = tpu.vector_load_idx %arg16[%add3A_82] : memref<80000xf32, #tpu.memory_space<vmem>>[vector<16xi32>], vector<16xf32>,
        %add3A_84 = arith.addf %mul3A_81, %gather3A_83 : vector<16xf32>
        %add3A_85 = arith.addi %mul3A_65, %broadcast_in_dim3A_7 : vector<16xi32>
        %gather3A_86 = tpu.vector_load_idx %arg16[%add3A_85] : memref<80000xf32, #tpu.memory_space<vmem>>[vector<16xi32>], vector<16xf32>,
        %add3A_87 = arith.addf %add3A_84, %gather3A_86 : vector<16xf32>
        %add3A_88 = arith.addi %mul3A_68, %broadcast_in_dim3A_3 : vector<16xi32>
        %gather3A_89 = tpu.vector_load_idx %arg17[%add3A_88] : memref<128xf32, #tpu.memory_space<vmem>>[vector<16xi32>], vector<16xf32>,
        %add3A_90 = arith.addf %add3A_87, %gather3A_89 : vector<16xf32>
        %max3A_91 = arith.constant 0.000000e+00 : f32
        %max3A_92 = vector.broadcast %max3A_91 : f32 to vector<16xf32>
        %max3A_93 = arith.maximumf %add3A_90, %max3A_92 : vector<16xf32>
        %add3A_94 = arith.addf %max3A_93, %gather3A_59 : vector<16xf32>
        tpu.vector_store_idx %arg19[%mul3A_53], %add3A_94 : memref<640xf32, #tpu.memory_space<vmem>>[vector<16xi32>], vector<16xf32>,
      }
      %scan3A_43 = arith.constant 5 : i32
      %mul3A_44 = arith.constant 8 : i32
      %mul3A_45 = arith.muli %add3A_21, %mul3A_44 : i32
      "tpu.region"() ({
        %run_scoped3A = tpu.sem_alloc : memref<!tpu.dma_semaphore, #tpu.memory_space<semaphore_mem>>
        %dma_start3A_46 = tpu.memref_slice %arg10[%mul3A_45] : memref<2560000xf32, #tpu.memory_space<hbm>> -> memref<640xf32, #tpu.memory_space<hbm>>
        %dma_start3A_47 = tpu.memref_slice %arg10[%mul3A_45] : memref<2560000xf32, #tpu.memory_space<hbm>> -> memref<640xf32, #tpu.memory_space<hbm>>
        tpu.enqueue_dma source(%arg19 : memref<640xf32, #tpu.memory_space<vmem>>) target(%dma_start3A_47 : memref<640xf32, #tpu.memory_space<hbm>>) target_semaphore(%run_scoped3A : memref<!tpu.dma_semaphore, #tpu.memory_space<semaphore_mem>>)
        %dma_wait3A_48 = tpu.memref_slice %arg10[%mul3A_45] : memref<2560000xf32, #tpu.memory_space<hbm>> -> memref<640xf32, #tpu.memory_space<hbm>>
        %dma_wait3A_49 = tpu.memref_slice %arg10[%mul3A_45] : memref<2560000xf32, #tpu.memory_space<hbm>> -> memref<640xf32, #tpu.memory_space<hbm>>
        tpu.wait_dma2 semaphore(%run_scoped3A : memref<!tpu.dma_semaphore, #tpu.memory_space<semaphore_mem>>) src(%arg19 : memref<640xf32, #tpu.memory_space<vmem>>) dst(%dma_wait3A_49 : memref<640xf32, #tpu.memory_space<hbm>>)
        tpu.yield
      }) : () -> ()
    }
    %scan3A_13 = arith.constant 125 : i32
    %mul3A_14 = arith.constant 10112 : i32
    %mul3A_15 = arith.muli %add3A, %mul3A_14 : i32
    "tpu.region"() ({
      %run_scoped3A = tpu.sem_alloc : memref<!tpu.dma_semaphore, #tpu.memory_space<semaphore_mem>>
      %dma_start3A = tpu.memref_slice %arg11[%mul3A_15] : memref<323584xf32, #tpu.memory_space<hbm>> -> memref<10112xf32, #tpu.memory_space<hbm>>
      %dma_start3A_16 = tpu.memref_slice %arg11[%mul3A_15] : memref<323584xf32, #tpu.memory_space<hbm>> -> memref<10112xf32, #tpu.memory_space<hbm>>
      tpu.enqueue_dma source(%arg18 : memref<10112xf32, #tpu.memory_space<vmem>>) target(%dma_start3A_16 : memref<10112xf32, #tpu.memory_space<hbm>>) target_semaphore(%run_scoped3A : memref<!tpu.dma_semaphore, #tpu.memory_space<semaphore_mem>>)
      %dma_wait3A = tpu.memref_slice %arg11[%mul3A_15] : memref<323584xf32, #tpu.memory_space<hbm>> -> memref<10112xf32, #tpu.memory_space<hbm>>
      %dma_wait3A_17 = tpu.memref_slice %arg11[%mul3A_15] : memref<323584xf32, #tpu.memory_space<hbm>> -> memref<10112xf32, #tpu.memory_space<hbm>>
      tpu.wait_dma2 semaphore(%run_scoped3A : memref<!tpu.dma_semaphore, #tpu.memory_space<semaphore_mem>>) src(%arg18 : memref<10112xf32, #tpu.memory_space<vmem>>) dst(%dma_wait3A_17 : memref<10112xf32, #tpu.memory_space<hbm>>)
      tpu.yield
    }) : () -> ()
    return
  }
}

module attributes {stable_mosaic.version = 14 : i64} {
  func.func @_a0_body(%arg0: i32, %arg1: memref<16x16xf32, #tpu.memory_space<vmem>>, %arg2: memref<16x64xf32, #tpu.memory_space<vmem>>, %arg3: memref<8x64xf32, #tpu.memory_space<vmem>>, %arg4: memref<64x64xf32, #tpu.memory_space<vmem>>, %arg5: memref<64x64xf32, #tpu.memory_space<vmem>>, %arg6: memref<16x64xf32, #tpu.memory_space<vmem>>, %arg7: memref<16x64xf32, #tpu.memory_space<vmem>>, %arg8: memref<16x64xf32, #tpu.memory_space<vmem>>) attributes {dimension_semantics = [#tpu.dimension_semantics<arbitrary>], iteration_bounds = array<i64: 1>, scalar_prefetch = 0 : i64, scratch_operands = 0 : i64, tpu.core_type = #tpu.core_type<tc>, window_params = [{pipeline_mode = #tpu.pipeline_mode<synchronous>, transform_indices = @transform_0, window_bounds = array<i64: 16, 16>}, {pipeline_mode = #tpu.pipeline_mode<synchronous>, transform_indices = @transform_1, window_bounds = array<i64: 16, 64>}, {pipeline_mode = #tpu.pipeline_mode<synchronous>, transform_indices = @transform_2, window_bounds = array<i64: 8, 64>}, {pipeline_mode = #tpu.pipeline_mode<synchronous>, transform_indices = @transform_3, window_bounds = array<i64: 64, 64>}, {pipeline_mode = #tpu.pipeline_mode<synchronous>, transform_indices = @transform_4, window_bounds = array<i64: 64, 64>}, {pipeline_mode = #tpu.pipeline_mode<synchronous>, transform_indices = @transform_5, window_bounds = array<i64: 16, 64>}, {pipeline_mode = #tpu.pipeline_mode<synchronous>, transform_indices = @transform_6, window_bounds = array<i64: 16, 64>}, {pipeline_mode = #tpu.pipeline_mode<synchronous>, transform_indices = @transform_7, window_bounds = array<i64: 16, 64>}]} {
    %get3A = arith.constant 0 : index
    %get3A_0 = arith.constant 0 : index
    %get3A_1 = vector.load %arg1[%get3A, %get3A_0] : memref<16x16xf32, #tpu.memory_space<vmem>>, vector<16x16xf32>
    %get3A_2 = arith.constant 0 : index
    %get3A_3 = arith.constant 0 : index
    %get3A_4 = vector.load %arg2[%get3A_2, %get3A_3] : memref<16x64xf32, #tpu.memory_space<vmem>>, vector<16x64xf32>
    %dot_general3A = arith.constant dense<0.000000e+00> : vector<16x64xf32>
    %dot_general3A_5 = tpu.matmul %get3A_1, %get3A_4, %dot_general3A {dimension_numbers = #tpu.dot_dimension_numbers<[1], [0], [0], [1], [0, 0, 1, 1], [], []>, transpose_lhs_hint = false} : vector<16x16xf32>, vector<16x64xf32>, vector<16x64xf32> -> vector<16x64xf32>
    %get3A_6 = arith.constant 0 : index
    %get3A_7 = arith.constant 0 : index
    %get3A_8 = vector.load %arg3[%get3A_6, %get3A_7] : memref<8x64xf32, #tpu.memory_space<vmem>>, vector<1x64xf32>
    %get3A_9 = vector.shape_cast %get3A_8 : vector<1x64xf32> to vector<64xf32>
    %broadcast_in_dim3A = vector.shape_cast %get3A_9 : vector<64xf32> to vector<1x64xf32>
    %add3A = vector.broadcast %broadcast_in_dim3A : vector<1x64xf32> to vector<16x64xf32>
    %add3A_10 = arith.addf %dot_general3A_5, %add3A : vector<16x64xf32>
    %max3A = arith.constant 0.000000e+00 : f32
    %max3A_11 = vector.broadcast %max3A : f32 to vector<16x64xf32>
    %max3A_12 = arith.maximumf %add3A_10, %max3A_11 : vector<16x64xf32>
    %swap3A = arith.constant 0 : index
    %swap3A_13 = arith.constant 0 : index
    %swap3A_14 = vector.load %arg6[%swap3A, %swap3A_13] : memref<16x64xf32, #tpu.memory_space<vmem>>, vector<16x64xf32>
    tpu.vector_store %arg6[%swap3A, %swap3A_13], %max3A_12 {strides = array<i32>} : memref<16x64xf32, #tpu.memory_space<vmem>>, vector<16x64xf32>,
    %get3A_15 = arith.constant 0 : index
    %get3A_16 = arith.constant 0 : index
    %get3A_17 = vector.load %arg4[%get3A_15, %get3A_16] : memref<64x64xf32, #tpu.memory_space<vmem>>, vector<64x64xf32>
    %dot_general3A_18 = arith.constant dense<0.000000e+00> : vector<16x64xf32>
    %dot_general3A_19 = tpu.matmul %max3A_12, %get3A_17, %dot_general3A_18 {dimension_numbers = #tpu.dot_dimension_numbers<[1], [0], [0], [1], [0, 0, 1, 1], [], []>, transpose_lhs_hint = false} : vector<16x64xf32>, vector<64x64xf32>, vector<16x64xf32> -> vector<16x64xf32>
    %swap3A_20 = arith.constant 0 : index
    %swap3A_21 = arith.constant 0 : index
    %swap3A_22 = vector.load %arg7[%swap3A_20, %swap3A_21] : memref<16x64xf32, #tpu.memory_space<vmem>>, vector<16x64xf32>
    tpu.vector_store %arg7[%swap3A_20, %swap3A_21], %dot_general3A_19 {strides = array<i32>} : memref<16x64xf32, #tpu.memory_space<vmem>>, vector<16x64xf32>,
    %get3A_23 = arith.constant 0 : index
    %get3A_24 = arith.constant 0 : index
    %get3A_25 = vector.load %arg5[%get3A_23, %get3A_24] : memref<64x64xf32, #tpu.memory_space<vmem>>, vector<64x64xf32>
    %dot_general3A_26 = arith.constant dense<0.000000e+00> : vector<16x64xf32>
    %dot_general3A_27 = tpu.matmul %max3A_12, %get3A_25, %dot_general3A_26 {dimension_numbers = #tpu.dot_dimension_numbers<[1], [0], [0], [1], [0, 0, 1, 1], [], []>, transpose_lhs_hint = false} : vector<16x64xf32>, vector<64x64xf32>, vector<16x64xf32> -> vector<16x64xf32>
    %swap3A_28 = arith.constant 0 : index
    %swap3A_29 = arith.constant 0 : index
    %swap3A_30 = vector.load %arg8[%swap3A_28, %swap3A_29] : memref<16x64xf32, #tpu.memory_space<vmem>>, vector<16x64xf32>
    tpu.vector_store %arg8[%swap3A_28, %swap3A_29], %dot_general3A_27 {strides = array<i32>} : memref<16x64xf32, #tpu.memory_space<vmem>>, vector<16x64xf32>,
    return
  }
  func.func @transform_0(%arg0: i32) -> (i32, i32) {
    %c0_i32 = arith.constant 0 : i32
    %c0_i32_0 = arith.constant 0 : i32
    %c0_i32_1 = arith.constant 0 : i32
    return %c0_i32, %c0_i32_0 : i32, i32
  }
  func.func @transform_1(%arg0: i32) -> (i32, i32) {
    %c0_i32 = arith.constant 0 : i32
    %c0_i32_0 = arith.constant 0 : i32
    %c0_i32_1 = arith.constant 0 : i32
    return %c0_i32, %c0_i32_0 : i32, i32
  }
  func.func @transform_2(%arg0: i32) -> (i32, i32) {
    %c0_i32 = arith.constant 0 : i32
    %c0_i32_0 = arith.constant 0 : i32
    %c0_i32_1 = arith.constant 0 : i32
    return %c0_i32, %c0_i32_0 : i32, i32
  }
  func.func @transform_3(%arg0: i32) -> (i32, i32) {
    %c0_i32 = arith.constant 0 : i32
    %c0_i32_0 = arith.constant 0 : i32
    %c0_i32_1 = arith.constant 0 : i32
    return %c0_i32, %c0_i32_0 : i32, i32
  }
  func.func @transform_4(%arg0: i32) -> (i32, i32) {
    %c0_i32 = arith.constant 0 : i32
    %c0_i32_0 = arith.constant 0 : i32
    %c0_i32_1 = arith.constant 0 : i32
    return %c0_i32, %c0_i32_0 : i32, i32
  }
  func.func @transform_5(%arg0: i32) -> (i32, i32) {
    %c0_i32 = arith.constant 0 : i32
    %c0_i32_0 = arith.constant 0 : i32
    %c0_i32_1 = arith.constant 0 : i32
    return %c0_i32, %c0_i32_0 : i32, i32
  }
  func.func @transform_6(%arg0: i32) -> (i32, i32) {
    %c0_i32 = arith.constant 0 : i32
    %c0_i32_0 = arith.constant 0 : i32
    %c0_i32_1 = arith.constant 0 : i32
    return %c0_i32, %c0_i32_0 : i32, i32
  }
  func.func @transform_7(%arg0: i32) -> (i32, i32) {
    %c0_i32 = arith.constant 0 : i32
    %c0_i32_0 = arith.constant 0 : i32
    %c0_i32_1 = arith.constant 0 : i32
    return %c0_i32, %c0_i32_0 : i32, i32
  }
}

module attributes {stable_mosaic.version = 14 : i64} {
  func.func @_a2_body(%arg0: i32, %arg1: memref<512x16xf32, #tpu.memory_space<vmem>>, %arg2: memref<512x1xi32, #tpu.memory_space<vmem>>, %arg3: memref<16x64xf32, #tpu.memory_space<vmem>>, %arg4: memref<8x64xf32, #tpu.memory_space<vmem>>, %arg5: memref<64x64xf32, #tpu.memory_space<vmem>>, %arg6: memref<8x64xf32, #tpu.memory_space<vmem>>, %arg7: memref<16x64xf32, #tpu.memory_space<vmem>>, %arg8: memref<64x8xf32, #tpu.memory_space<vmem>>, %arg9: memref<8x8xf32, #tpu.memory_space<vmem>>, %arg10: memref<512x64xf32, #tpu.memory_space<vmem>>, %arg11: memref<512x8xf32, #tpu.memory_space<vmem>>) attributes {dimension_semantics = [#tpu.dimension_semantics<arbitrary>], iteration_bounds = array<i64: 625>, scalar_prefetch = 0 : i64, scratch_operands = 0 : i64, tpu.core_type = #tpu.core_type<tc>, window_params = [{transform_indices = @transform_0, window_bounds = array<i64: 512, 16>}, {transform_indices = @transform_1, window_bounds = array<i64: 512, 1>}, {pipeline_mode = #tpu.pipeline_mode<synchronous>, transform_indices = @transform_2, window_bounds = array<i64: 16, 64>}, {pipeline_mode = #tpu.pipeline_mode<synchronous>, transform_indices = @transform_3, window_bounds = array<i64: 8, 64>}, {pipeline_mode = #tpu.pipeline_mode<synchronous>, transform_indices = @transform_4, window_bounds = array<i64: 64, 64>}, {pipeline_mode = #tpu.pipeline_mode<synchronous>, transform_indices = @transform_5, window_bounds = array<i64: 8, 64>}, {pipeline_mode = #tpu.pipeline_mode<synchronous>, transform_indices = @transform_6, window_bounds = array<i64: 16, 64>}, {pipeline_mode = #tpu.pipeline_mode<synchronous>, transform_indices = @transform_7, window_bounds = array<i64: 64, 8>}, {pipeline_mode = #tpu.pipeline_mode<synchronous>, transform_indices = @transform_8, window_bounds = array<i64: 8, 8>}, {transform_indices = @transform_9, window_bounds = array<i64: 512, 64>}, {transform_indices = @transform_10, window_bounds = array<i64: 512, 8>}]} {
    %get3A = arith.constant 0 : index
    %get3A_0 = arith.constant 0 : index
    %get3A_1 = vector.load %arg1[%get3A, %get3A_0] : memref<512x16xf32, #tpu.memory_space<vmem>>, vector<512x16xf32>
    %get3A_2 = arith.constant 0 : index
    %get3A_3 = arith.constant 0 : index
    %get3A_4 = vector.load %arg3[%get3A_2, %get3A_3] : memref<16x64xf32, #tpu.memory_space<vmem>>, vector<16x64xf32>
    %dot_general3A = arith.constant dense<0.000000e+00> : vector<512x64xf32>
    %dot_general3A_5 = tpu.matmul %get3A_1, %get3A_4, %dot_general3A {dimension_numbers = #tpu.dot_dimension_numbers<[1], [0], [0], [1], [0, 0, 1, 1], [], []>, transpose_lhs_hint = false} : vector<512x16xf32>, vector<16x64xf32>, vector<512x64xf32> -> vector<512x64xf32>
    %get3A_6 = arith.constant 0 : index
    %get3A_7 = arith.constant 0 : index
    %get3A_8 = vector.load %arg4[%get3A_6, %get3A_7] : memref<8x64xf32, #tpu.memory_space<vmem>>, vector<1x64xf32>
    %get3A_9 = vector.shape_cast %get3A_8 : vector<1x64xf32> to vector<64xf32>
    %broadcast_in_dim3A = vector.shape_cast %get3A_9 : vector<64xf32> to vector<1x64xf32>
    %add3A = vector.broadcast %broadcast_in_dim3A : vector<1x64xf32> to vector<512x64xf32>
    %add3A_10 = arith.addf %dot_general3A_5, %add3A : vector<512x64xf32>
    %max3A = arith.constant 0.000000e+00 : f32
    %max3A_11 = vector.broadcast %max3A : f32 to vector<512x64xf32>
    %max3A_12 = arith.maximumf %add3A_10, %max3A_11 : vector<512x64xf32>
    %get3A_13 = arith.constant 0 : index
    %get3A_14 = arith.constant 0 : index
    %get3A_15 = vector.load %arg2[%get3A_13, %get3A_14] : memref<512x1xi32, #tpu.memory_space<vmem>>, vector<512x1xi32>
    %iota3A = tpu.iota {dimensions = array<i32: 1>} : vector<512x16xi32>
    %eq3A = vector.broadcast %get3A_15 : vector<512x1xi32> to vector<512x16xi32>
    %eq3A_16 = arith.cmpi eq, %eq3A, %iota3A : vector<512x16xi32>
    %convert_element_type3A = arith.extui %eq3A_16 : vector<512x16xi1> to vector<512x16xi32>
    %convert_element_type3A_17 = arith.sitofp %convert_element_type3A : vector<512x16xi32> to vector<512x16xf32>
    %get3A_18 = arith.constant 0 : index
    %get3A_19 = arith.constant 0 : index
    %get3A_20 = vector.load %arg5[%get3A_18, %get3A_19] : memref<64x64xf32, #tpu.memory_space<vmem>>, vector<64x64xf32>
    %dot_general3A_21 = arith.constant dense<0.000000e+00> : vector<512x64xf32>
    %dot_general3A_22 = tpu.matmul %max3A_12, %get3A_20, %dot_general3A_21 {dimension_numbers = #tpu.dot_dimension_numbers<[1], [0], [0], [1], [0, 0, 1, 1], [], []>, transpose_lhs_hint = false} : vector<512x64xf32>, vector<64x64xf32>, vector<512x64xf32> -> vector<512x64xf32>
    %get3A_23 = arith.constant 0 : index
    %get3A_24 = arith.constant 0 : index
    %get3A_25 = vector.load %arg6[%get3A_23, %get3A_24] : memref<8x64xf32, #tpu.memory_space<vmem>>, vector<1x64xf32>
    %get3A_26 = vector.shape_cast %get3A_25 : vector<1x64xf32> to vector<64xf32>
    %broadcast_in_dim3A_27 = vector.shape_cast %get3A_26 : vector<64xf32> to vector<1x64xf32>
    %add3A_28 = vector.broadcast %broadcast_in_dim3A_27 : vector<1x64xf32> to vector<512x64xf32>
    %add3A_29 = arith.addf %dot_general3A_22, %add3A_28 : vector<512x64xf32>
    %get3A_30 = arith.constant 0 : index
    %get3A_31 = arith.constant 0 : index
    %get3A_32 = vector.load %arg7[%get3A_30, %get3A_31] : memref<16x64xf32, #tpu.memory_space<vmem>>, vector<16x64xf32>
    %dot_general3A_33 = arith.constant dense<0.000000e+00> : vector<512x64xf32>
    %dot_general3A_34 = tpu.matmul %convert_element_type3A_17, %get3A_32, %dot_general3A_33 {dimension_numbers = #tpu.dot_dimension_numbers<[1], [0], [0], [1], [0, 0, 1, 1], [], []>, transpose_lhs_hint = false} : vector<512x16xf32>, vector<16x64xf32>, vector<512x64xf32> -> vector<512x64xf32>
    %add3A_35 = arith.addf %add3A_29, %dot_general3A_34 : vector<512x64xf32>
    %swap3A = arith.constant 0 : index
    %swap3A_36 = arith.constant 0 : index
    %swap3A_37 = vector.load %arg10[%swap3A, %swap3A_36] : memref<512x64xf32, #tpu.memory_space<vmem>>, vector<512x64xf32>
    tpu.vector_store %arg10[%swap3A, %swap3A_36], %add3A_35 {strides = array<i32>} : memref<512x64xf32, #tpu.memory_space<vmem>>, vector<512x64xf32>,
    %get3A_38 = arith.constant 0 : index
    %get3A_39 = arith.constant 0 : index
    %get3A_40 = vector.load %arg8[%get3A_38, %get3A_39] : memref<64x8xf32, #tpu.memory_space<vmem>>, vector<64x8xf32>
    %dot_general3A_41 = arith.constant dense<0.000000e+00> : vector<512x8xf32>
    %dot_general3A_42 = tpu.matmul %max3A_12, %get3A_40, %dot_general3A_41 {dimension_numbers = #tpu.dot_dimension_numbers<[1], [0], [0], [1], [0, 0, 1, 1], [], []>, transpose_lhs_hint = false} : vector<512x64xf32>, vector<64x8xf32>, vector<512x8xf32> -> vector<512x8xf32>
    %get3A_43 = arith.constant 0 : index
    %get3A_44 = arith.constant 0 : index
    %get3A_45 = vector.load %arg9[%get3A_43, %get3A_44] : memref<8x8xf32, #tpu.memory_space<vmem>>, vector<1x8xf32>
    %get3A_46 = vector.shape_cast %get3A_45 : vector<1x8xf32> to vector<8xf32>
    %broadcast_in_dim3A_47 = vector.shape_cast %get3A_46 : vector<8xf32> to vector<1x8xf32>
    %add3A_48 = vector.broadcast %broadcast_in_dim3A_47 : vector<1x8xf32> to vector<512x8xf32>
    %add3A_49 = arith.addf %dot_general3A_42, %add3A_48 : vector<512x8xf32>
    %swap3A_50 = arith.constant 0 : index
    %swap3A_51 = arith.constant 0 : index
    %swap3A_52 = vector.load %arg11[%swap3A_50, %swap3A_51] : memref<512x8xf32, #tpu.memory_space<vmem>>, vector<512x8xf32>
    tpu.vector_store %arg11[%swap3A_50, %swap3A_51], %add3A_49 {strides = array<i32>} : memref<512x8xf32, #tpu.memory_space<vmem>>, vector<512x8xf32>,
    return
  }
  func.func @transform_0(%arg0: i32) -> (i32, i32) {
    %c0_i32 = arith.constant 0 : i32
    %c0_i32_0 = arith.constant 0 : i32
    return %arg0, %c0_i32 : i32, i32
  }
  func.func @transform_1(%arg0: i32) -> (i32, i32) {
    %c0_i32 = arith.constant 0 : i32
    %c0_i32_0 = arith.constant 0 : i32
    return %arg0, %c0_i32 : i32, i32
  }
  func.func @transform_2(%arg0: i32) -> (i32, i32) {
    %c0_i32 = arith.constant 0 : i32
    %c0_i32_0 = arith.constant 0 : i32
    %c0_i32_1 = arith.constant 0 : i32
    return %c0_i32, %c0_i32_0 : i32, i32
  }
  func.func @transform_3(%arg0: i32) -> (i32, i32) {
    %c0_i32 = arith.constant 0 : i32
    %c0_i32_0 = arith.constant 0 : i32
    %c0_i32_1 = arith.constant 0 : i32
    return %c0_i32, %c0_i32_0 : i32, i32
  }
  func.func @transform_4(%arg0: i32) -> (i32, i32) {
    %c0_i32 = arith.constant 0 : i32
    %c0_i32_0 = arith.constant 0 : i32
    %c0_i32_1 = arith.constant 0 : i32
    return %c0_i32, %c0_i32_0 : i32, i32
  }
  func.func @transform_5(%arg0: i32) -> (i32, i32) {
    %c0_i32 = arith.constant 0 : i32
    %c0_i32_0 = arith.constant 0 : i32
    %c0_i32_1 = arith.constant 0 : i32
    return %c0_i32, %c0_i32_0 : i32, i32
  }
  func.func @transform_6(%arg0: i32) -> (i32, i32) {
    %c0_i32 = arith.constant 0 : i32
    %c0_i32_0 = arith.constant 0 : i32
    %c0_i32_1 = arith.constant 0 : i32
    return %c0_i32, %c0_i32_0 : i32, i32
  }
  func.func @transform_7(%arg0: i32) -> (i32, i32) {
    %c0_i32 = arith.constant 0 : i32
    %c0_i32_0 = arith.constant 0 : i32
    %c0_i32_1 = arith.constant 0 : i32
    return %c0_i32, %c0_i32_0 : i32, i32
  }
  func.func @transform_8(%arg0: i32) -> (i32, i32) {
    %c0_i32 = arith.constant 0 : i32
    %c0_i32_0 = arith.constant 0 : i32
    %c0_i32_1 = arith.constant 0 : i32
    return %c0_i32, %c0_i32_0 : i32, i32
  }
  func.func @transform_9(%arg0: i32) -> (i32, i32) {
    %c0_i32 = arith.constant 0 : i32
    %c0_i32_0 = arith.constant 0 : i32
    return %arg0, %c0_i32 : i32, i32
  }
  func.func @transform_10(%arg0: i32) -> (i32, i32) {
    %c0_i32 = arith.constant 0 : i32
    %c0_i32_0 = arith.constant 0 : i32
    return %arg0, %c0_i32 : i32, i32
  }
}

module attributes {stable_mosaic.version = 14 : i64} {
  func.func @_a1_body(%arg0: i32, %arg1: memref<1000x128xf32, #tpu.memory_space<vmem>>, %arg2: memref<128x64xf32, #tpu.memory_space<vmem>>, %arg3: memref<8x64xf32, #tpu.memory_space<vmem>>, %arg4: memref<64x64xf32, #tpu.memory_space<vmem>>, %arg5: memref<64x64xf32, #tpu.memory_space<vmem>>, %arg6: memref<1000x64xf32, #tpu.memory_space<vmem>>, %arg7: memref<1000x128xf32, #tpu.memory_space<vmem>>) attributes {dimension_semantics = [#tpu.dimension_semantics<arbitrary>], iteration_bounds = array<i64: 10>, scalar_prefetch = 0 : i64, scratch_operands = 0 : i64, tpu.core_type = #tpu.core_type<tc>, window_params = [{transform_indices = @transform_0, window_bounds = array<i64: 1000, 128>}, {pipeline_mode = #tpu.pipeline_mode<synchronous>, transform_indices = @transform_1, window_bounds = array<i64: 128, 64>}, {pipeline_mode = #tpu.pipeline_mode<synchronous>, transform_indices = @transform_2, window_bounds = array<i64: 8, 64>}, {pipeline_mode = #tpu.pipeline_mode<synchronous>, transform_indices = @transform_3, window_bounds = array<i64: 64, 64>}, {pipeline_mode = #tpu.pipeline_mode<synchronous>, transform_indices = @transform_4, window_bounds = array<i64: 64, 64>}, {transform_indices = @transform_5, window_bounds = array<i64: 1000, 64>}, {transform_indices = @transform_6, window_bounds = array<i64: 1000, 128>}]} {
    %get3A = arith.constant 0 : index
    %get3A_0 = arith.constant 0 : index
    %get3A_1 = vector.load %arg1[%get3A, %get3A_0] : memref<1000x128xf32, #tpu.memory_space<vmem>>, vector<1000x128xf32>
    %get3A_2 = arith.constant 0 : index
    %get3A_3 = arith.constant 0 : index
    %get3A_4 = vector.load %arg2[%get3A_2, %get3A_3] : memref<128x64xf32, #tpu.memory_space<vmem>>, vector<128x64xf32>
    %dot_general3A = arith.constant dense<0.000000e+00> : vector<1000x64xf32>
    %dot_general3A_5 = tpu.matmul %get3A_1, %get3A_4, %dot_general3A {dimension_numbers = #tpu.dot_dimension_numbers<[1], [0], [0], [1], [0, 0, 1, 1], [], []>, transpose_lhs_hint = false} : vector<1000x128xf32>, vector<128x64xf32>, vector<1000x64xf32> -> vector<1000x64xf32>
    %get3A_6 = arith.constant 0 : index
    %get3A_7 = arith.constant 0 : index
    %get3A_8 = vector.load %arg3[%get3A_6, %get3A_7] : memref<8x64xf32, #tpu.memory_space<vmem>>, vector<1x64xf32>
    %get3A_9 = vector.shape_cast %get3A_8 : vector<1x64xf32> to vector<64xf32>
    %broadcast_in_dim3A = vector.shape_cast %get3A_9 : vector<64xf32> to vector<1x64xf32>
    %add3A = vector.broadcast %broadcast_in_dim3A : vector<1x64xf32> to vector<1000x64xf32>
    %add3A_10 = arith.addf %dot_general3A_5, %add3A : vector<1000x64xf32>
    %max3A = arith.constant 0.000000e+00 : f32
    %max3A_11 = vector.broadcast %max3A : f32 to vector<1000x64xf32>
    %max3A_12 = arith.maximumf %add3A_10, %max3A_11 : vector<1000x64xf32>
    %swap3A = arith.constant 0 : index
    %swap3A_13 = arith.constant 0 : index
    %swap3A_14 = vector.load %arg6[%swap3A, %swap3A_13] : memref<1000x64xf32, #tpu.memory_space<vmem>>, vector<1000x64xf32>
    tpu.vector_store %arg6[%swap3A, %swap3A_13], %max3A_12 {strides = array<i32>} : memref<1000x64xf32, #tpu.memory_space<vmem>>, vector<1000x64xf32>,
    %get3A_15 = arith.constant 0 : index
    %get3A_16 = arith.constant 0 : index
    %get3A_17 = vector.load %arg4[%get3A_15, %get3A_16] : memref<64x64xf32, #tpu.memory_space<vmem>>, vector<64x64xf32>
    %dot_general3A_18 = arith.constant dense<0.000000e+00> : vector<1000x64xf32>
    %dot_general3A_19 = tpu.matmul %max3A_12, %get3A_17, %dot_general3A_18 {dimension_numbers = #tpu.dot_dimension_numbers<[1], [0], [0], [1], [0, 0, 1, 1], [], []>, transpose_lhs_hint = false} : vector<1000x64xf32>, vector<64x64xf32>, vector<1000x64xf32> -> vector<1000x64xf32>
    %swap3A_20 = arith.constant 0 : index
    %swap3A_21 = arith.constant 0 : index
    %swap3A_22 = vector.load %arg7[%swap3A_20, %swap3A_21] : memref<1000x128xf32, #tpu.memory_space<vmem>>, vector<1000x64xf32>
    tpu.vector_store %arg7[%swap3A_20, %swap3A_21], %dot_general3A_19 {strides = array<i32>} : memref<1000x128xf32, #tpu.memory_space<vmem>>, vector<1000x64xf32>,
    %get3A_23 = arith.constant 0 : index
    %get3A_24 = arith.constant 0 : index
    %get3A_25 = vector.load %arg5[%get3A_23, %get3A_24] : memref<64x64xf32, #tpu.memory_space<vmem>>, vector<64x64xf32>
    %dot_general3A_26 = arith.constant dense<0.000000e+00> : vector<1000x64xf32>
    %dot_general3A_27 = tpu.matmul %max3A_12, %get3A_25, %dot_general3A_26 {dimension_numbers = #tpu.dot_dimension_numbers<[1], [0], [0], [1], [0, 0, 1, 1], [], []>, transpose_lhs_hint = false} : vector<1000x64xf32>, vector<64x64xf32>, vector<1000x64xf32> -> vector<1000x64xf32>
    %swap3A_28 = arith.constant 0 : index
    %swap3A_29 = arith.constant 64 : index
    %swap3A_30 = vector.load %arg7[%swap3A_28, %swap3A_29] : memref<1000x128xf32, #tpu.memory_space<vmem>>, vector<1000x64xf32>
    tpu.vector_store %arg7[%swap3A_28, %swap3A_29], %dot_general3A_27 {strides = array<i32>} : memref<1000x128xf32, #tpu.memory_space<vmem>>, vector<1000x64xf32>,
    return
  }
  func.func @transform_0(%arg0: i32) -> (i32, i32) {
    %c0_i32 = arith.constant 0 : i32
    %c0_i32_0 = arith.constant 0 : i32
    return %arg0, %c0_i32 : i32, i32
  }
  func.func @transform_1(%arg0: i32) -> (i32, i32) {
    %c0_i32 = arith.constant 0 : i32
    %c0_i32_0 = arith.constant 0 : i32
    %c0_i32_1 = arith.constant 0 : i32
    return %c0_i32, %c0_i32_0 : i32, i32
  }
  func.func @transform_2(%arg0: i32) -> (i32, i32) {
    %c0_i32 = arith.constant 0 : i32
    %c0_i32_0 = arith.constant 0 : i32
    %c0_i32_1 = arith.constant 0 : i32
    return %c0_i32, %c0_i32_0 : i32, i32
  }
  func.func @transform_3(%arg0: i32) -> (i32, i32) {
    %c0_i32 = arith.constant 0 : i32
    %c0_i32_0 = arith.constant 0 : i32
    %c0_i32_1 = arith.constant 0 : i32
    return %c0_i32, %c0_i32_0 : i32, i32
  }
  func.func @transform_4(%arg0: i32) -> (i32, i32) {
    %c0_i32 = arith.constant 0 : i32
    %c0_i32_0 = arith.constant 0 : i32
    %c0_i32_1 = arith.constant 0 : i32
    return %c0_i32, %c0_i32_0 : i32, i32
  }
  func.func @transform_5(%arg0: i32) -> (i32, i32) {
    %c0_i32 = arith.constant 0 : i32
    %c0_i32_0 = arith.constant 0 : i32
    return %arg0, %c0_i32 : i32, i32
  }
  func.func @transform_6(%arg0: i32) -> (i32, i32) {
    %c0_i32 = arith.constant 0 : i32
    %c0_i32_0 = arith.constant 0 : i32
    return %arg0, %c0_i32 : i32, i32
  }
}

module attributes {stable_mosaic.version = 14 : i64} {
  func.func @_b1_body(%arg0: i32, %arg1: memref<1000x256xf32, #tpu.memory_space<vmem>>, %arg2: memref<1000x64xf32, #tpu.memory_space<vmem>>, %arg3: memref<1000x1xi32, #tpu.memory_space<vmem>>, %arg4: memref<64x64xf32, #tpu.memory_space<vmem>>, %arg5: memref<64x64xf32, #tpu.memory_space<vmem>>, %arg6: memref<8x64xf32, #tpu.memory_space<vmem>>, %arg7: memref<16x64xf32, #tpu.memory_space<vmem>>, %arg8: memref<64x8xf32, #tpu.memory_space<vmem>>, %arg9: memref<8x8xf32, #tpu.memory_space<vmem>>, %arg10: memref<8x8xf32, #tpu.memory_space<vmem>>, %arg11: memref<8x8xf32, #tpu.memory_space<vmem>>, %arg12: memref<1000x8xf32, #tpu.memory_space<vmem>>, %arg13: memref<16x128xf32, #tpu.memory_space<vmem>>) attributes {dimension_semantics = [#tpu.dimension_semantics<arbitrary>], iteration_bounds = array<i64: 10>, scalar_prefetch = 0 : i64, scratch_operands = 0 : i64, tpu.core_type = #tpu.core_type<tc>, window_params = [{transform_indices = @transform_0, window_bounds = array<i64: 1000, 256>}, {transform_indices = @transform_1, window_bounds = array<i64: 1000, 64>}, {transform_indices = @transform_2, window_bounds = array<i64: 1000, 1>}, {pipeline_mode = #tpu.pipeline_mode<synchronous>, transform_indices = @transform_3, window_bounds = array<i64: 64, 64>}, {pipeline_mode = #tpu.pipeline_mode<synchronous>, transform_indices = @transform_4, window_bounds = array<i64: 64, 64>}, {pipeline_mode = #tpu.pipeline_mode<synchronous>, transform_indices = @transform_5, window_bounds = array<i64: 8, 64>}, {pipeline_mode = #tpu.pipeline_mode<synchronous>, transform_indices = @transform_6, window_bounds = array<i64: 16, 64>}, {pipeline_mode = #tpu.pipeline_mode<synchronous>, transform_indices = @transform_7, window_bounds = array<i64: 64, 8>}, {pipeline_mode = #tpu.pipeline_mode<synchronous>, transform_indices = @transform_8, window_bounds = array<i64: 8, 8>}, {pipeline_mode = #tpu.pipeline_mode<synchronous>, transform_indices = @transform_9, window_bounds = array<i64: 8, 8>}, {pipeline_mode = #tpu.pipeline_mode<synchronous>, transform_indices = @transform_10, window_bounds = array<i64: 8, 8>}, {transform_indices = @transform_11, window_bounds = array<i64: 1000, 8>}, {pipeline_mode = #tpu.pipeline_mode<synchronous>, transform_indices = @transform_12, window_bounds = array<i64: 16, 128>}]} {
    %get3A = arith.constant 0 : index
    %get3A_0 = arith.constant 0 : index
    %get3A_1 = vector.load %arg1[%get3A, %get3A_0] : memref<1000x256xf32, #tpu.memory_space<vmem>>, vector<1000x128xf32>
    %get3A_2 = arith.constant 0 : index
    %get3A_3 = arith.constant 128 : index
    %get3A_4 = vector.load %arg1[%get3A_2, %get3A_3] : memref<1000x256xf32, #tpu.memory_space<vmem>>, vector<1000x128xf32>
    %add3A = arith.addf %get3A_1, %get3A_4 : vector<1000x128xf32>
    %slice3A = vector.extract_strided_slice %add3A {offsets = [0, 64], sizes = [1000, 1], strides = [1, 1]} : vector<1000x128xf32> to vector<1000x1xf32>
    %max3A = arith.constant 1.000000e+00 : f32
    %max3A_5 = vector.broadcast %max3A : f32 to vector<1000x1xf32>
    %max3A_6 = arith.maximumf %slice3A, %max3A_5 : vector<1000x1xf32>
    %slice3A_7 = vector.extract_strided_slice %add3A {offsets = [0, 0], sizes = [1000, 64], strides = [1, 1]} : vector<1000x128xf32> to vector<1000x64xf32>
    %div3A = vector.broadcast %max3A_6 : vector<1000x1xf32> to vector<1000x64xf32>
    %div3A_8 = arith.divf %slice3A_7, %div3A : vector<1000x64xf32>
    %get3A_9 = arith.constant 0 : index
    %get3A_10 = arith.constant 0 : index
    %get3A_11 = vector.load %arg3[%get3A_9, %get3A_10] : memref<1000x1xi32, #tpu.memory_space<vmem>>, vector<1000x1xi32>
    %iota3A = tpu.iota {dimensions = array<i32: 1>} : vector<1000x16xi32>
    %eq3A = vector.broadcast %get3A_11 : vector<1000x1xi32> to vector<1000x16xi32>
    %eq3A_12 = arith.cmpi eq, %eq3A, %iota3A : vector<1000x16xi32>
    %convert_element_type3A = arith.extui %eq3A_12 : vector<1000x16xi1> to vector<1000x16xi32>
    %convert_element_type3A_13 = arith.sitofp %convert_element_type3A : vector<1000x16xi32> to vector<1000x16xf32>
    %get3A_14 = arith.constant 0 : index
    %get3A_15 = arith.constant 0 : index
    %get3A_16 = vector.load %arg2[%get3A_14, %get3A_15] : memref<1000x64xf32, #tpu.memory_space<vmem>>, vector<1000x64xf32>
    %get3A_17 = arith.constant 0 : index
    %get3A_18 = arith.constant 0 : index
    %get3A_19 = vector.load %arg4[%get3A_17, %get3A_18] : memref<64x64xf32, #tpu.memory_space<vmem>>, vector<64x64xf32>
    %dot_general3A = arith.constant dense<0.000000e+00> : vector<1000x64xf32>
    %dot_general3A_20 = tpu.matmul %get3A_16, %get3A_19, %dot_general3A {dimension_numbers = #tpu.dot_dimension_numbers<[1], [0], [0], [1], [0, 0, 1, 1], [], []>, transpose_lhs_hint = false} : vector<1000x64xf32>, vector<64x64xf32>, vector<1000x64xf32> -> vector<1000x64xf32>
    %get3A_21 = arith.constant 0 : index
    %get3A_22 = arith.constant 0 : index
    %get3A_23 = vector.load %arg5[%get3A_21, %get3A_22] : memref<64x64xf32, #tpu.memory_space<vmem>>, vector<64x64xf32>
    %dot_general3A_24 = arith.constant dense<0.000000e+00> : vector<1000x64xf32>
    %dot_general3A_25 = tpu.matmul %div3A_8, %get3A_23, %dot_general3A_24 {dimension_numbers = #tpu.dot_dimension_numbers<[1], [0], [0], [1], [0, 0, 1, 1], [], []>, transpose_lhs_hint = false} : vector<1000x64xf32>, vector<64x64xf32>, vector<1000x64xf32> -> vector<1000x64xf32>
    %add3A_26 = arith.addf %dot_general3A_20, %dot_general3A_25 : vector<1000x64xf32>
    %get3A_27 = arith.constant 0 : index
    %get3A_28 = arith.constant 0 : index
    %get3A_29 = vector.load %arg7[%get3A_27, %get3A_28] : memref<16x64xf32, #tpu.memory_space<vmem>>, vector<16x64xf32>
    %dot_general3A_30 = arith.constant dense<0.000000e+00> : vector<1000x64xf32>
    %dot_general3A_31 = tpu.matmul %convert_element_type3A_13, %get3A_29, %dot_general3A_30 {dimension_numbers = #tpu.dot_dimension_numbers<[1], [0], [0], [1], [0, 0, 1, 1], [], []>, transpose_lhs_hint = false} : vector<1000x16xf32>, vector<16x64xf32>, vector<1000x64xf32> -> vector<1000x64xf32>
    %add3A_32 = arith.addf %add3A_26, %dot_general3A_31 : vector<1000x64xf32>
    %get3A_33 = arith.constant 0 : index
    %get3A_34 = arith.constant 0 : index
    %get3A_35 = vector.load %arg6[%get3A_33, %get3A_34] : memref<8x64xf32, #tpu.memory_space<vmem>>, vector<1x64xf32>
    %get3A_36 = vector.shape_cast %get3A_35 : vector<1x64xf32> to vector<64xf32>
    %broadcast_in_dim3A = vector.shape_cast %get3A_36 : vector<64xf32> to vector<1x64xf32>
    %add3A_37 = vector.broadcast %broadcast_in_dim3A : vector<1x64xf32> to vector<1000x64xf32>
    %add3A_38 = arith.addf %add3A_32, %add3A_37 : vector<1000x64xf32>
    %max3A_39 = arith.constant 0.000000e+00 : f32
    %max3A_40 = vector.broadcast %max3A_39 : f32 to vector<1000x64xf32>
    %max3A_41 = arith.maximumf %add3A_38, %max3A_40 : vector<1000x64xf32>
    %add3A_42 = arith.addf %max3A_41, %get3A_16 : vector<1000x64xf32>
    %get3A_43 = arith.constant 0 : index
    %get3A_44 = arith.constant 0 : index
    %get3A_45 = vector.load %arg8[%get3A_43, %get3A_44] : memref<64x8xf32, #tpu.memory_space<vmem>>, vector<64x8xf32>
    %dot_general3A_46 = arith.constant dense<0.000000e+00> : vector<1000x8xf32>
    %dot_general3A_47 = tpu.matmul %add3A_42, %get3A_45, %dot_general3A_46 {dimension_numbers = #tpu.dot_dimension_numbers<[1], [0], [0], [1], [0, 0, 1, 1], [], []>, transpose_lhs_hint = false} : vector<1000x64xf32>, vector<64x8xf32>, vector<1000x8xf32> -> vector<1000x8xf32>
    %get3A_48 = arith.constant 0 : index
    %get3A_49 = arith.constant 0 : index
    %get3A_50 = vector.load %arg9[%get3A_48, %get3A_49] : memref<8x8xf32, #tpu.memory_space<vmem>>, vector<1x8xf32>
    %get3A_51 = vector.shape_cast %get3A_50 : vector<1x8xf32> to vector<8xf32>
    %broadcast_in_dim3A_52 = vector.shape_cast %get3A_51 : vector<8xf32> to vector<1x8xf32>
    %add3A_53 = vector.broadcast %broadcast_in_dim3A_52 : vector<1x8xf32> to vector<1000x8xf32>
    %add3A_54 = arith.addf %dot_general3A_47, %add3A_53 : vector<1000x8xf32>
    %max3A_55 = arith.constant 0.000000e+00 : f32
    %max3A_56 = vector.broadcast %max3A_55 : f32 to vector<1000x8xf32>
    %max3A_57 = arith.maximumf %add3A_54, %max3A_56 : vector<1000x8xf32>
    %get3A_58 = arith.constant 0 : index
    %get3A_59 = arith.constant 0 : index
    %get3A_60 = vector.load %arg10[%get3A_58, %get3A_59] : memref<8x8xf32, #tpu.memory_space<vmem>>, vector<8x8xf32>
    %dot_general3A_61 = arith.constant dense<0.000000e+00> : vector<1000x8xf32>
    %dot_general3A_62 = tpu.matmul %max3A_57, %get3A_60, %dot_general3A_61 {dimension_numbers = #tpu.dot_dimension_numbers<[1], [0], [0], [1], [0, 0, 1, 1], [], []>, transpose_lhs_hint = false} : vector<1000x8xf32>, vector<8x8xf32>, vector<1000x8xf32> -> vector<1000x8xf32>
    %get3A_63 = arith.constant 0 : index
    %get3A_64 = arith.constant 0 : index
    %get3A_65 = vector.load %arg11[%get3A_63, %get3A_64] : memref<8x8xf32, #tpu.memory_space<vmem>>, vector<1x8xf32>
    %dot_general3A_66 = arith.constant dense<0.000000e+00> : vector<1000x8xf32>
    %dot_general3A_67 = tpu.matmul %max3A_6, %get3A_65, %dot_general3A_66 {dimension_numbers = #tpu.dot_dimension_numbers<[1], [0], [0], [1], [0, 0, 1, 1], [], []>, transpose_lhs_hint = false} : vector<1000x1xf32>, vector<1x8xf32>, vector<1000x8xf32> -> vector<1000x8xf32>
    %add3A_68 = arith.addf %dot_general3A_62, %dot_general3A_67 : vector<1000x8xf32>
    %swap3A = arith.constant 0 : index
    %swap3A_69 = arith.constant 0 : index
    %swap3A_70 = vector.load %arg12[%swap3A, %swap3A_69] : memref<1000x8xf32, #tpu.memory_space<vmem>>, vector<1000x8xf32>
    tpu.vector_store %arg12[%swap3A, %swap3A_69], %add3A_68 {strides = array<i32>} : memref<1000x8xf32, #tpu.memory_space<vmem>>, vector<1000x8xf32>,
    %eq3A_71 = arith.constant 0 : i32
    %eq3A_72 = arith.cmpi eq, %arg0, %eq3A_71 : i32
    %convert_element_type3A_73 = arith.extui %eq3A_72 : i1 to i32
    %cond3A = arith.constant 0 : i32
    %cond3A_74 = arith.cmpi ne, %convert_element_type3A_73, %cond3A : i32
    scf.if %cond3A_74 {
      %broadcast_in_dim3A_93 = arith.constant 0.000000e+00 : f32
      %broadcast_in_dim3A_94 = vector.broadcast %broadcast_in_dim3A_93 : f32 to vector<16x128xf32>
      %swap3A_95 = arith.constant 0 : index
      %swap3A_96 = arith.constant 0 : index
      %swap3A_97 = vector.load %arg13[%swap3A_95, %swap3A_96] : memref<16x128xf32, #tpu.memory_space<vmem>>, vector<16x128xf32>
      tpu.vector_store %arg13[%swap3A_95, %swap3A_96], %broadcast_in_dim3A_94 {strides = array<i32>} : memref<16x128xf32, #tpu.memory_space<vmem>>, vector<16x128xf32>,
    } else {
    }
    %dot_general3A_75 = arith.constant dense<0.000000e+00> : vector<16x64xf32>
    %dot_general3A_76 = tpu.matmul %convert_element_type3A_13, %max3A_41, %dot_general3A_75 {dimension_numbers = #tpu.dot_dimension_numbers<[0], [0], [1], [1], [0, 1, 1, 1], [], []>, transpose_lhs_hint = false} : vector<1000x16xf32>, vector<1000x64xf32>, vector<16x64xf32> -> vector<16x64xf32>
    %reduce_sum3A = arith.constant dense<0.000000e+00> : vector<16xf32>
    %reduce_sum3A_77 = vector.multi_reduction <add>, %convert_element_type3A_13, %reduce_sum3A [0] : vector<1000x16xf32> to vector<16xf32>
    %broadcast_in_dim3A_78 = vector.shape_cast %reduce_sum3A_77 : vector<16xf32> to vector<16x1xf32>
    %get3A_79 = arith.constant 0 : index
    %get3A_80 = arith.constant 0 : index
    %get3A_81 = vector.load %arg13[%get3A_79, %get3A_80] : memref<16x128xf32, #tpu.memory_space<vmem>>, vector<16x64xf32>
    %add3A_82 = arith.addf %get3A_81, %dot_general3A_76 : vector<16x64xf32>
    %swap3A_83 = arith.constant 0 : index
    %swap3A_84 = arith.constant 0 : index
    %swap3A_85 = vector.load %arg13[%swap3A_83, %swap3A_84] : memref<16x128xf32, #tpu.memory_space<vmem>>, vector<16x64xf32>
    tpu.vector_store %arg13[%swap3A_83, %swap3A_84], %add3A_82 {strides = array<i32>} : memref<16x128xf32, #tpu.memory_space<vmem>>, vector<16x64xf32>,
    %get3A_86 = arith.constant 0 : index
    %get3A_87 = arith.constant 64 : index
    %get3A_88 = vector.load %arg13[%get3A_86, %get3A_87] : memref<16x128xf32, #tpu.memory_space<vmem>>, vector<16x1xf32>
    %add3A_89 = arith.addf %get3A_88, %broadcast_in_dim3A_78 : vector<16x1xf32>
    %swap3A_90 = arith.constant 0 : index
    %swap3A_91 = arith.constant 64 : index
    %swap3A_92 = vector.load %arg13[%swap3A_90, %swap3A_91] : memref<16x128xf32, #tpu.memory_space<vmem>>, vector<16x1xf32>
    tpu.vector_store %arg13[%swap3A_90, %swap3A_91], %add3A_89 {strides = array<i32>} : memref<16x128xf32, #tpu.memory_space<vmem>>, vector<16x1xf32>,
    return
  }
  func.func @transform_0(%arg0: i32) -> (i32, i32) {
    %c0_i32 = arith.constant 0 : i32
    %c0_i32_0 = arith.constant 0 : i32
    return %arg0, %c0_i32 : i32, i32
  }
  func.func @transform_1(%arg0: i32) -> (i32, i32) {
    %c0_i32 = arith.constant 0 : i32
    %c0_i32_0 = arith.constant 0 : i32
    return %arg0, %c0_i32 : i32, i32
  }
  func.func @transform_2(%arg0: i32) -> (i32, i32) {
    %c0_i32 = arith.constant 0 : i32
    %c0_i32_0 = arith.constant 0 : i32
    return %arg0, %c0_i32 : i32, i32
  }
  func.func @transform_3(%arg0: i32) -> (i32, i32) {
    %c0_i32 = arith.constant 0 : i32
    %c0_i32_0 = arith.constant 0 : i32
    %c0_i32_1 = arith.constant 0 : i32
    return %c0_i32, %c0_i32_0 : i32, i32
  }
  func.func @transform_4(%arg0: i32) -> (i32, i32) {
    %c0_i32 = arith.constant 0 : i32
    %c0_i32_0 = arith.constant 0 : i32
    %c0_i32_1 = arith.constant 0 : i32
    return %c0_i32, %c0_i32_0 : i32, i32
  }
  func.func @transform_5(%arg0: i32) -> (i32, i32) {
    %c0_i32 = arith.constant 0 : i32
    %c0_i32_0 = arith.constant 0 : i32
    %c0_i32_1 = arith.constant 0 : i32
    return %c0_i32, %c0_i32_0 : i32, i32
  }
  func.func @transform_6(%arg0: i32) -> (i32, i32) {
    %c0_i32 = arith.constant 0 : i32
    %c0_i32_0 = arith.constant 0 : i32
    %c0_i32_1 = arith.constant 0 : i32
    return %c0_i32, %c0_i32_0 : i32, i32
  }
  func.func @transform_7(%arg0: i32) -> (i32, i32) {
    %c0_i32 = arith.constant 0 : i32
    %c0_i32_0 = arith.constant 0 : i32
    %c0_i32_1 = arith.constant 0 : i32
    return %c0_i32, %c0_i32_0 : i32, i32
  }
  func.func @transform_8(%arg0: i32) -> (i32, i32) {
    %c0_i32 = arith.constant 0 : i32
    %c0_i32_0 = arith.constant 0 : i32
    %c0_i32_1 = arith.constant 0 : i32
    return %c0_i32, %c0_i32_0 : i32, i32
  }
  func.func @transform_9(%arg0: i32) -> (i32, i32) {
    %c0_i32 = arith.constant 0 : i32
    %c0_i32_0 = arith.constant 0 : i32
    %c0_i32_1 = arith.constant 0 : i32
    return %c0_i32, %c0_i32_0 : i32, i32
  }
  func.func @transform_10(%arg0: i32) -> (i32, i32) {
    %c0_i32 = arith.constant 0 : i32
    %c0_i32_0 = arith.constant 0 : i32
    %c0_i32_1 = arith.constant 0 : i32
    return %c0_i32, %c0_i32_0 : i32, i32
  }
  func.func @transform_11(%arg0: i32) -> (i32, i32) {
    %c0_i32 = arith.constant 0 : i32
    %c0_i32_0 = arith.constant 0 : i32
    return %arg0, %c0_i32 : i32, i32
  }
  func.func @transform_12(%arg0: i32) -> (i32, i32) {
    %c0_i32 = arith.constant 0 : i32
    %c0_i32_0 = arith.constant 0 : i32
    %c0_i32_1 = arith.constant 0 : i32
    return %c0_i32, %c0_i32_0 : i32, i32
  }
}

module attributes {stable_mosaic.version = 14 : i64} {
  func.func @_b2_body(%arg0: i32, %arg1: memref<16x256xf32, #tpu.memory_space<vmem>>, %arg2: memref<16x128xf32, #tpu.memory_space<vmem>>, %arg3: memref<16x64xf32, #tpu.memory_space<vmem>>, %arg4: memref<64x64xf32, #tpu.memory_space<vmem>>, %arg5: memref<64x64xf32, #tpu.memory_space<vmem>>, %arg6: memref<64x64xf32, #tpu.memory_space<vmem>>, %arg7: memref<8x64xf32, #tpu.memory_space<vmem>>, %arg8: memref<64x8xf32, #tpu.memory_space<vmem>>, %arg9: memref<8x8xf32, #tpu.memory_space<vmem>>, %arg10: memref<8x8xf32, #tpu.memory_space<vmem>>, %arg11: memref<8x8xf32, #tpu.memory_space<vmem>>, %arg12: memref<16x8xf32, #tpu.memory_space<vmem>>) attributes {dimension_semantics = [#tpu.dimension_semantics<arbitrary>], iteration_bounds = array<i64: 1>, scalar_prefetch = 0 : i64, scratch_operands = 0 : i64, tpu.core_type = #tpu.core_type<tc>, window_params = [{pipeline_mode = #tpu.pipeline_mode<synchronous>, transform_indices = @transform_0, window_bounds = array<i64: 16, 256>}, {pipeline_mode = #tpu.pipeline_mode<synchronous>, transform_indices = @transform_1, window_bounds = array<i64: 16, 128>}, {pipeline_mode = #tpu.pipeline_mode<synchronous>, transform_indices = @transform_2, window_bounds = array<i64: 16, 64>}, {pipeline_mode = #tpu.pipeline_mode<synchronous>, transform_indices = @transform_3, window_bounds = array<i64: 64, 64>}, {pipeline_mode = #tpu.pipeline_mode<synchronous>, transform_indices = @transform_4, window_bounds = array<i64: 64, 64>}, {pipeline_mode = #tpu.pipeline_mode<synchronous>, transform_indices = @transform_5, window_bounds = array<i64: 64, 64>}, {pipeline_mode = #tpu.pipeline_mode<synchronous>, transform_indices = @transform_6, window_bounds = array<i64: 8, 64>}, {pipeline_mode = #tpu.pipeline_mode<synchronous>, transform_indices = @transform_7, window_bounds = array<i64: 64, 8>}, {pipeline_mode = #tpu.pipeline_mode<synchronous>, transform_indices = @transform_8, window_bounds = array<i64: 8, 8>}, {pipeline_mode = #tpu.pipeline_mode<synchronous>, transform_indices = @transform_9, window_bounds = array<i64: 8, 8>}, {pipeline_mode = #tpu.pipeline_mode<synchronous>, transform_indices = @transform_10, window_bounds = array<i64: 8, 8>}, {pipeline_mode = #tpu.pipeline_mode<synchronous>, transform_indices = @transform_11, window_bounds = array<i64: 16, 8>}]} {
    %get3A = arith.constant 0 : index
    %get3A_0 = arith.constant 0 : index
    %get3A_1 = vector.load %arg1[%get3A, %get3A_0] : memref<16x256xf32, #tpu.memory_space<vmem>>, vector<16x128xf32>
    %get3A_2 = arith.constant 0 : index
    %get3A_3 = arith.constant 128 : index
    %get3A_4 = vector.load %arg1[%get3A_2, %get3A_3] : memref<16x256xf32, #tpu.memory_space<vmem>>, vector<16x128xf32>
    %add3A = arith.addf %get3A_1, %get3A_4 : vector<16x128xf32>
    %slice3A = vector.extract_strided_slice %add3A {offsets = [0, 64], sizes = [16, 1], strides = [1, 1]} : vector<16x128xf32> to vector<16x1xf32>
    %max3A = arith.constant 1.000000e+00 : f32
    %max3A_5 = vector.broadcast %max3A : f32 to vector<16x1xf32>
    %max3A_6 = arith.maximumf %slice3A, %max3A_5 : vector<16x1xf32>
    %slice3A_7 = vector.extract_strided_slice %add3A {offsets = [0, 0], sizes = [16, 64], strides = [1, 1]} : vector<16x128xf32> to vector<16x64xf32>
    %div3A = vector.broadcast %max3A_6 : vector<16x1xf32> to vector<16x64xf32>
    %div3A_8 = arith.divf %slice3A_7, %div3A : vector<16x64xf32>
    %get3A_9 = arith.constant 0 : index
    %get3A_10 = arith.constant 64 : index
    %get3A_11 = vector.load %arg2[%get3A_9, %get3A_10] : memref<16x128xf32, #tpu.memory_space<vmem>>, vector<16x1xf32>
    %max3A_12 = arith.constant 1.000000e+00 : f32
    %max3A_13 = vector.broadcast %max3A_12 : f32 to vector<16x1xf32>
    %max3A_14 = arith.maximumf %get3A_11, %max3A_13 : vector<16x1xf32>
    %get3A_15 = arith.constant 0 : index
    %get3A_16 = arith.constant 0 : index
    %get3A_17 = vector.load %arg2[%get3A_15, %get3A_16] : memref<16x128xf32, #tpu.memory_space<vmem>>, vector<16x64xf32>
    %div3A_18 = vector.broadcast %max3A_14 : vector<16x1xf32> to vector<16x64xf32>
    %div3A_19 = arith.divf %get3A_17, %div3A_18 : vector<16x64xf32>
    %get3A_20 = arith.constant 0 : index
    %get3A_21 = arith.constant 0 : index
    %get3A_22 = vector.load %arg3[%get3A_20, %get3A_21] : memref<16x64xf32, #tpu.memory_space<vmem>>, vector<16x64xf32>
    %get3A_23 = arith.constant 0 : index
    %get3A_24 = arith.constant 0 : index
    %get3A_25 = vector.load %arg4[%get3A_23, %get3A_24] : memref<64x64xf32, #tpu.memory_space<vmem>>, vector<64x64xf32>
    %dot_general3A = arith.constant dense<0.000000e+00> : vector<16x64xf32>
    %dot_general3A_26 = tpu.matmul %get3A_22, %get3A_25, %dot_general3A {dimension_numbers = #tpu.dot_dimension_numbers<[1], [0], [0], [1], [0, 0, 1, 1], [], []>, transpose_lhs_hint = false} : vector<16x64xf32>, vector<64x64xf32>, vector<16x64xf32> -> vector<16x64xf32>
    %get3A_27 = arith.constant 0 : index
    %get3A_28 = arith.constant 0 : index
    %get3A_29 = vector.load %arg5[%get3A_27, %get3A_28] : memref<64x64xf32, #tpu.memory_space<vmem>>, vector<64x64xf32>
    %dot_general3A_30 = arith.constant dense<0.000000e+00> : vector<16x64xf32>
    %dot_general3A_31 = tpu.matmul %div3A_8, %get3A_29, %dot_general3A_30 {dimension_numbers = #tpu.dot_dimension_numbers<[1], [0], [0], [1], [0, 0, 1, 1], [], []>, transpose_lhs_hint = false} : vector<16x64xf32>, vector<64x64xf32>, vector<16x64xf32> -> vector<16x64xf32>
    %add3A_32 = arith.addf %dot_general3A_26, %dot_general3A_31 : vector<16x64xf32>
    %get3A_33 = arith.constant 0 : index
    %get3A_34 = arith.constant 0 : index
    %get3A_35 = vector.load %arg6[%get3A_33, %get3A_34] : memref<64x64xf32, #tpu.memory_space<vmem>>, vector<64x64xf32>
    %dot_general3A_36 = arith.constant dense<0.000000e+00> : vector<16x64xf32>
    %dot_general3A_37 = tpu.matmul %div3A_19, %get3A_35, %dot_general3A_36 {dimension_numbers = #tpu.dot_dimension_numbers<[1], [0], [0], [1], [0, 0, 1, 1], [], []>, transpose_lhs_hint = false} : vector<16x64xf32>, vector<64x64xf32>, vector<16x64xf32> -> vector<16x64xf32>
    %add3A_38 = arith.addf %add3A_32, %dot_general3A_37 : vector<16x64xf32>
    %get3A_39 = arith.constant 0 : index
    %get3A_40 = arith.constant 0 : index
    %get3A_41 = vector.load %arg7[%get3A_39, %get3A_40] : memref<8x64xf32, #tpu.memory_space<vmem>>, vector<1x64xf32>
    %get3A_42 = vector.shape_cast %get3A_41 : vector<1x64xf32> to vector<64xf32>
    %broadcast_in_dim3A = vector.shape_cast %get3A_42 : vector<64xf32> to vector<1x64xf32>
    %add3A_43 = vector.broadcast %broadcast_in_dim3A : vector<1x64xf32> to vector<16x64xf32>
    %add3A_44 = arith.addf %add3A_38, %add3A_43 : vector<16x64xf32>
    %max3A_45 = arith.constant 0.000000e+00 : f32
    %max3A_46 = vector.broadcast %max3A_45 : f32 to vector<16x64xf32>
    %max3A_47 = arith.maximumf %add3A_44, %max3A_46 : vector<16x64xf32>
    %add3A_48 = arith.addf %max3A_47, %get3A_22 : vector<16x64xf32>
    %get3A_49 = arith.constant 0 : index
    %get3A_50 = arith.constant 0 : index
    %get3A_51 = vector.load %arg8[%get3A_49, %get3A_50] : memref<64x8xf32, #tpu.memory_space<vmem>>, vector<64x8xf32>
    %dot_general3A_52 = arith.constant dense<0.000000e+00> : vector<16x8xf32>
    %dot_general3A_53 = tpu.matmul %add3A_48, %get3A_51, %dot_general3A_52 {dimension_numbers = #tpu.dot_dimension_numbers<[1], [0], [0], [1], [0, 0, 1, 1], [], []>, transpose_lhs_hint = false} : vector<16x64xf32>, vector<64x8xf32>, vector<16x8xf32> -> vector<16x8xf32>
    %get3A_54 = arith.constant 0 : index
    %get3A_55 = arith.constant 0 : index
    %get3A_56 = vector.load %arg9[%get3A_54, %get3A_55] : memref<8x8xf32, #tpu.memory_space<vmem>>, vector<1x8xf32>
    %get3A_57 = vector.shape_cast %get3A_56 : vector<1x8xf32> to vector<8xf32>
    %broadcast_in_dim3A_58 = vector.shape_cast %get3A_57 : vector<8xf32> to vector<1x8xf32>
    %add3A_59 = vector.broadcast %broadcast_in_dim3A_58 : vector<1x8xf32> to vector<16x8xf32>
    %add3A_60 = arith.addf %dot_general3A_53, %add3A_59 : vector<16x8xf32>
    %max3A_61 = arith.constant 0.000000e+00 : f32
    %max3A_62 = vector.broadcast %max3A_61 : f32 to vector<16x8xf32>
    %max3A_63 = arith.maximumf %add3A_60, %max3A_62 : vector<16x8xf32>
    %get3A_64 = arith.constant 0 : index
    %get3A_65 = arith.constant 0 : index
    %get3A_66 = vector.load %arg10[%get3A_64, %get3A_65] : memref<8x8xf32, #tpu.memory_space<vmem>>, vector<8x8xf32>
    %dot_general3A_67 = arith.constant dense<0.000000e+00> : vector<16x8xf32>
    %dot_general3A_68 = tpu.matmul %max3A_63, %get3A_66, %dot_general3A_67 {dimension_numbers = #tpu.dot_dimension_numbers<[1], [0], [0], [1], [0, 0, 1, 1], [], []>, transpose_lhs_hint = false} : vector<16x8xf32>, vector<8x8xf32>, vector<16x8xf32> -> vector<16x8xf32>
    %get3A_69 = arith.constant 0 : index
    %get3A_70 = arith.constant 0 : index
    %get3A_71 = vector.load %arg11[%get3A_69, %get3A_70] : memref<8x8xf32, #tpu.memory_space<vmem>>, vector<1x8xf32>
    %get3A_72 = vector.shape_cast %get3A_71 : vector<1x8xf32> to vector<8xf32>
    %broadcast_in_dim3A_73 = vector.shape_cast %get3A_72 : vector<8xf32> to vector<1x8xf32>
    %add3A_74 = vector.broadcast %broadcast_in_dim3A_73 : vector<1x8xf32> to vector<16x8xf32>
    %add3A_75 = arith.addf %dot_general3A_68, %add3A_74 : vector<16x8xf32>
    %swap3A = arith.constant 0 : index
    %swap3A_76 = arith.constant 0 : index
    %swap3A_77 = vector.load %arg12[%swap3A, %swap3A_76] : memref<16x8xf32, #tpu.memory_space<vmem>>, vector<16x8xf32>
    tpu.vector_store %arg12[%swap3A, %swap3A_76], %add3A_75 {strides = array<i32>} : memref<16x8xf32, #tpu.memory_space<vmem>>, vector<16x8xf32>,
    return
  }
  func.func @transform_0(%arg0: i32) -> (i32, i32) {
    %c0_i32 = arith.constant 0 : i32
    %c0_i32_0 = arith.constant 0 : i32
    %c0_i32_1 = arith.constant 0 : i32
    return %c0_i32, %c0_i32_0 : i32, i32
  }
  func.func @transform_1(%arg0: i32) -> (i32, i32) {
    %c0_i32 = arith.constant 0 : i32
    %c0_i32_0 = arith.constant 0 : i32
    %c0_i32_1 = arith.constant 0 : i32
    return %c0_i32, %c0_i32_0 : i32, i32
  }
  func.func @transform_2(%arg0: i32) -> (i32, i32) {
    %c0_i32 = arith.constant 0 : i32
    %c0_i32_0 = arith.constant 0 : i32
    %c0_i32_1 = arith.constant 0 : i32
    return %c0_i32, %c0_i32_0 : i32, i32
  }
  func.func @transform_3(%arg0: i32) -> (i32, i32) {
    %c0_i32 = arith.constant 0 : i32
    %c0_i32_0 = arith.constant 0 : i32
    %c0_i32_1 = arith.constant 0 : i32
    return %c0_i32, %c0_i32_0 : i32, i32
  }
  func.func @transform_4(%arg0: i32) -> (i32, i32) {
    %c0_i32 = arith.constant 0 : i32
    %c0_i32_0 = arith.constant 0 : i32
    %c0_i32_1 = arith.constant 0 : i32
    return %c0_i32, %c0_i32_0 : i32, i32
  }
  func.func @transform_5(%arg0: i32) -> (i32, i32) {
    %c0_i32 = arith.constant 0 : i32
    %c0_i32_0 = arith.constant 0 : i32
    %c0_i32_1 = arith.constant 0 : i32
    return %c0_i32, %c0_i32_0 : i32, i32
  }
  func.func @transform_6(%arg0: i32) -> (i32, i32) {
    %c0_i32 = arith.constant 0 : i32
    %c0_i32_0 = arith.constant 0 : i32
    %c0_i32_1 = arith.constant 0 : i32
    return %c0_i32, %c0_i32_0 : i32, i32
  }
  func.func @transform_7(%arg0: i32) -> (i32, i32) {
    %c0_i32 = arith.constant 0 : i32
    %c0_i32_0 = arith.constant 0 : i32
    %c0_i32_1 = arith.constant 0 : i32
    return %c0_i32, %c0_i32_0 : i32, i32
  }
  func.func @transform_8(%arg0: i32) -> (i32, i32) {
    %c0_i32 = arith.constant 0 : i32
    %c0_i32_0 = arith.constant 0 : i32
    %c0_i32_1 = arith.constant 0 : i32
    return %c0_i32, %c0_i32_0 : i32, i32
  }
  func.func @transform_9(%arg0: i32) -> (i32, i32) {
    %c0_i32 = arith.constant 0 : i32
    %c0_i32_0 = arith.constant 0 : i32
    %c0_i32_1 = arith.constant 0 : i32
    return %c0_i32, %c0_i32_0 : i32, i32
  }
  func.func @transform_10(%arg0: i32) -> (i32, i32) {
    %c0_i32 = arith.constant 0 : i32
    %c0_i32_0 = arith.constant 0 : i32
    %c0_i32_1 = arith.constant 0 : i32
    return %c0_i32, %c0_i32_0 : i32, i32
  }
  func.func @transform_11(%arg0: i32) -> (i32, i32) {
    %c0_i32 = arith.constant 0 : i32
    %c0_i32_0 = arith.constant 0 : i32
    %c0_i32_1 = arith.constant 0 : i32
    return %c0_i32, %c0_i32_0 : i32, i32
  }
}

module attributes {stable_mosaic.version = 14 : i64} {
  func.func @_d_body(%arg0: i32, %arg1: memref<1000x32xf32, #tpu.memory_space<vmem>>, %arg2: memref<1000x8xf32, #tpu.memory_space<vmem>>, %arg3: memref<1000x1xi32, #tpu.memory_space<vmem>>, %arg4: memref<16x8xf32, #tpu.memory_space<vmem>>, %arg5: memref<8x128xf32, #tpu.memory_space<vmem>>, %arg6: memref<1000x8xf32, #tpu.memory_space<vmem>>) attributes {dimension_semantics = [#tpu.dimension_semantics<arbitrary>], iteration_bounds = array<i64: 10>, scalar_prefetch = 0 : i64, scratch_operands = 0 : i64, tpu.core_type = #tpu.core_type<tc>, window_params = [{transform_indices = @transform_0, window_bounds = array<i64: 1000, 32>}, {transform_indices = @transform_1, window_bounds = array<i64: 1000, 8>}, {transform_indices = @transform_2, window_bounds = array<i64: 1000, 1>}, {pipeline_mode = #tpu.pipeline_mode<synchronous>, transform_indices = @transform_3, window_bounds = array<i64: 16, 8>}, {pipeline_mode = #tpu.pipeline_mode<synchronous>, transform_indices = @transform_4, window_bounds = array<i64: 8, 128>}, {transform_indices = @transform_5, window_bounds = array<i64: 1000, 8>}]} {
    %get3A = arith.constant 0 : index
    %get3A_0 = arith.constant 6 : index
    %get3A_1 = vector.load %arg2[%get3A, %get3A_0] : memref<1000x8xf32, #tpu.memory_space<vmem>>, vector<1000x1xf32>
    %max3A = arith.constant 1.000000e+00 : f32
    %max3A_2 = vector.broadcast %max3A : f32 to vector<1000x1xf32>
    %max3A_3 = arith.maximumf %get3A_1, %max3A_2 : vector<1000x1xf32>
    %get3A_4 = arith.constant 0 : index
    %get3A_5 = arith.constant 0 : index
    %get3A_6 = vector.load %arg1[%get3A_4, %get3A_5] : memref<1000x32xf32, #tpu.memory_space<vmem>>, vector<1000x32xf32>
    %reduce_sum3A = arith.constant dense<0.000000e+00> : vector<1000xf32>
    %reduce_sum3A_7 = vector.multi_reduction <add>, %get3A_6, %reduce_sum3A [1] : vector<1000x32xf32> to vector<1000xf32>
    %broadcast_in_dim3A = vector.shape_cast %reduce_sum3A_7 : vector<1000xf32> to vector<1000x1xf32>
    %div3A = arith.divf %broadcast_in_dim3A, %max3A_3 : vector<1000x1xf32>
    %get3A_8 = arith.constant 0 : index
    %get3A_9 = arith.constant 4 : index
    %get3A_10 = vector.load %arg2[%get3A_8, %get3A_9] : memref<1000x8xf32, #tpu.memory_space<vmem>>, vector<1000x1xf32>
    %get3A_11 = arith.constant 0 : index
    %get3A_12 = arith.constant 0 : index
    %get3A_13 = vector.load %arg3[%get3A_11, %get3A_12] : memref<1000x1xi32, #tpu.memory_space<vmem>>, vector<1000x1xi32>
    %iota3A = tpu.iota {dimensions = array<i32: 1>} : vector<1000x16xi32>
    %eq3A = vector.broadcast %get3A_13 : vector<1000x1xi32> to vector<1000x16xi32>
    %eq3A_14 = arith.cmpi eq, %eq3A, %iota3A : vector<1000x16xi32>
    %convert_element_type3A = arith.extui %eq3A_14 : vector<1000x16xi1> to vector<1000x16xi32>
    %convert_element_type3A_15 = arith.sitofp %convert_element_type3A : vector<1000x16xi32> to vector<1000x16xf32>
    %get3A_16 = arith.constant 0 : index
    %get3A_17 = arith.constant 2 : index
    %get3A_18 = vector.load %arg4[%get3A_16, %get3A_17] : memref<16x8xf32, #tpu.memory_space<vmem>>, vector<16x1xf32>
    %dot_general3A = arith.constant dense<0.000000e+00> : vector<1000x1xf32>
    %dot_general3A_19 = tpu.matmul %convert_element_type3A_15, %get3A_18, %dot_general3A {dimension_numbers = #tpu.dot_dimension_numbers<[1], [0], [0], [1], [0, 0, 1, 1], [], []>, transpose_lhs_hint = false} : vector<1000x16xf32>, vector<16x1xf32>, vector<1000x1xf32> -> vector<1000x1xf32>
    %get3A_20 = arith.constant 0 : index
    %get3A_21 = arith.constant 0 : index
    %get3A_22 = vector.load %arg5[%get3A_20, %get3A_21] : memref<8x128xf32, #tpu.memory_space<vmem>>, vector<8x128xf32>
    %slice3A = vector.extract_strided_slice %get3A_22 {offsets = [0, 0], sizes = [1, 1], strides = [1, 1]} : vector<8x128xf32> to vector<1x1xf32>
    %squeeze3A = vector.extract %slice3A[0, 0] : f32 from vector<1x1xf32>
    %mul3A = vector.broadcast %squeeze3A : f32 to vector<1000x1xf32>
    %mul3A_23 = arith.mulf %mul3A, %get3A_10 : vector<1000x1xf32>
    %slice3A_24 = vector.extract_strided_slice %get3A_22 {offsets = [0, 1], sizes = [1, 1], strides = [1, 1]} : vector<8x128xf32> to vector<1x1xf32>
    %squeeze3A_25 = vector.extract %slice3A_24[0, 0] : f32 from vector<1x1xf32>
    %mul3A_26 = vector.broadcast %squeeze3A_25 : f32 to vector<1000x1xf32>
    %mul3A_27 = arith.mulf %mul3A_26, %div3A : vector<1000x1xf32>
    %add3A = arith.addf %mul3A_23, %mul3A_27 : vector<1000x1xf32>
    %add3A_28 = arith.addf %add3A, %dot_general3A_19 : vector<1000x1xf32>
    %slice3A_29 = vector.extract_strided_slice %get3A_22 {offsets = [0, 2], sizes = [1, 1], strides = [1, 1]} : vector<8x128xf32> to vector<1x1xf32>
    %squeeze3A_30 = vector.extract %slice3A_29[0, 0] : f32 from vector<1x1xf32>
    %add3A_31 = vector.broadcast %squeeze3A_30 : f32 to vector<1000x1xf32>
    %add3A_32 = arith.addf %add3A_28, %add3A_31 : vector<1000x1xf32>
    %max3A_33 = arith.constant 0.000000e+00 : f32
    %max3A_34 = vector.broadcast %max3A_33 : f32 to vector<1000x1xf32>
    %max3A_35 = arith.maximumf %add3A_32, %max3A_34 : vector<1000x1xf32>
    %add3A_36 = arith.addf %max3A_35, %get3A_10 : vector<1000x1xf32>
    %broadcast_in_dim3A_37 = vector.shape_cast %add3A_36 : vector<1000x1xf32> to vector<1000x1xf32>
    %broadcast_in_dim3A_38 = vector.broadcast %broadcast_in_dim3A_37 : vector<1000x1xf32> to vector<1000x8xf32>
    %swap3A = arith.constant 0 : index
    %swap3A_39 = arith.constant 0 : index
    %swap3A_40 = vector.load %arg6[%swap3A, %swap3A_39] : memref<1000x8xf32, #tpu.memory_space<vmem>>, vector<1000x8xf32>
    tpu.vector_store %arg6[%swap3A, %swap3A_39], %broadcast_in_dim3A_38 {strides = array<i32>} : memref<1000x8xf32, #tpu.memory_space<vmem>>, vector<1000x8xf32>,
    return
  }
  func.func @transform_0(%arg0: i32) -> (i32, i32) {
    %c0_i32 = arith.constant 0 : i32
    %c0_i32_0 = arith.constant 0 : i32
    return %arg0, %c0_i32 : i32, i32
  }
  func.func @transform_1(%arg0: i32) -> (i32, i32) {
    %c0_i32 = arith.constant 0 : i32
    %c0_i32_0 = arith.constant 0 : i32
    return %arg0, %c0_i32 : i32, i32
  }
  func.func @transform_2(%arg0: i32) -> (i32, i32) {
    %c0_i32 = arith.constant 0 : i32
    %c0_i32_0 = arith.constant 0 : i32
    return %arg0, %c0_i32 : i32, i32
  }
  func.func @transform_3(%arg0: i32) -> (i32, i32) {
    %c0_i32 = arith.constant 0 : i32
    %c0_i32_0 = arith.constant 0 : i32
    %c0_i32_1 = arith.constant 0 : i32
    return %c0_i32, %c0_i32_0 : i32, i32
  }
  func.func @transform_4(%arg0: i32) -> (i32, i32) {
    %c0_i32 = arith.constant 0 : i32
    %c0_i32_0 = arith.constant 0 : i32
    %c0_i32_1 = arith.constant 0 : i32
    return %c0_i32, %c0_i32_0 : i32, i32
  }
  func.func @transform_5(%arg0: i32) -> (i32, i32) {
    %c0_i32 = arith.constant 0 : i32
    %c0_i32_0 = arith.constant 0 : i32
    return %arg0, %c0_i32 : i32, i32
  }
}

</mosaic_0001>

<sc_bundles>
// kernel: kernel.10.cloned.1.call-start
scs
__scs_entry_jumppad:
0x0: {  	(pc) =	sbr.rel $0x88, $3  }
0x1: {  	(tag) =	ssettag $0x0;
	lr =	simm.s32 $0x1  }
0x2: {  	[smem:$0x3F71] =	sst lr;
	_ =	strace $0xD0000000  }
0x3: {  	_ = 	snop  }
0x4: {  	_ = 	snop  }
0x5: {  	_ = 	snop  }
0x6: {  	_ = 	snop  }
0x7: {  	_ = 	snop  }
__scs_overlays_trampoline_lowered:
0x8: {  	[smem:$0x3F80] =	sst s0  }
0x9: {  	[smem:$0x3F81] =	sst s1  }
0xa: {  	[smem:$0x3F82] =	sst s2  }
0xb: {  	[smem:$0x3F83] =	sst s3  }
0xc: {  	[smem:$0x3F84] =	sst s4  }
0xd: {  	[smem:$0x3F85] =	sst s5  }
0xe: {  	[smem:$0x3F86] =	sst s6  }
0xf: {  	[smem:$0x3F87] =	sst s7  }
0x10: {  	[smem:$0x3F88] =	sst s8  }
0x11: {  	[smem:$0x3F89] =	sst s9;
	s0 =	simm.s32 @!p0 $0x0  }
0x12: {  	s1 =	sld [smem:$0x3F6F];
	s0 =	simm.s32 @p0 $0x1  }
0x13: {  	[smem:$0x3F8A] =	sst s0;
	s0 =	simm.s32 @!p1 $0x0  }
0x14: {  	s2 =	sld [smem:$0x3F6E];
	s0 =	simm.s32 @p1 $0x1  }
0x15: {  	[smem:$0x3F8B] =	sst s0;
	s0 =	simm.s32 @!p2 $0x0  }
0x16: {  	s3 =	sld [smem:$0x3FDB];
	s0 =	simm.s32 @p2 $0x1  }
0x17: {  	s4 =	simm.s32 $0x1BF5;
	[smem:$0x3F8D] =	sst s0  }
0x18: {  	s0 =	sld [smem:$0x3F70];
	_ =	swait.ge [sflag:s4], $0x0  }
0x19: {  	s7 =	sld [smem:$0x3F71]  }
0x1a: {  	s8 =	sadd.s32 $0xFFFFE003, lr  }
0x1b: {  	s9 =	sadd.s32 $0xFFFFFEF7, lr;
	s5 =	simm.s32 $0xFFFFFFFF;
	p2 =	slt.u32 s8, $0xFFFFF086  }
0x1c: {  	p1 =	slt.u32 s9, $0xF7A;
	s5 =	simm.s32 @!p2 $0x0  }
0x1d: {  	s5 =	simm.s32 @p1 $0x1;
	p0 =	seq.s32 s7, s2  }
0x1e: {  	s7 =	smul.u32 @!p0 $0xF7A, s2;
	p2 =	seq.s32 @!p0 s5, $0x0  }
0x1f: {  	s9 =	smul.u32 $0xF7A, s1;
	s8 =	simm.s32 @!p0 $0x1BF5;
	p2 =	por !p2, p0  }
0x20: {  	[sflag:s8] =	ssyncset.s32 @!p0 $0xFFFFF086;
	s6 =	sadd.s32 @!p0 s3, s7;
	s7 =	simm.s32 @!p0 $0x108  }
0x21: {  	s3 =	sadd.s32 s3, s9;
	s6 =	sadd.s32 @!p0 $0x88, s6;
	s7 =	simm.s32 @p2 $0x1082  }
0x22: {  	[simem:s7], [sflag:s8] =	dma.local @!p0 [hbm:s6], $0xF7A  }
0x23: {  	s9 =	sor.u32 $0xD0000000, s2;
	s6 =	simm.s32 $0x108;
	_ =	swait.ge @!p0 [sflag:s8], $0x0  }
0x24: {  	s3 =	sadd.s32 $0x88, s3;
	s6 =	simm.s32 @!p1 $0x1082;
	[sflag:s4] =	ssyncset.s32 $0xFFFFF086  }
0x25: {  	[simem:s6], [sflag:s4] =	dma.local [hbm:s3], $0xF7A  }
0x26: {  	[smem:$0x3F71] =	sst s1;
	(tag) =	ssettag s2;
	_ =	strace s9  }
0x27: {  	s1 =	sld [smem:$0x3F81]  }
0x28: {  	s2 =	sld [smem:$0x3F82]  }
0x29: {  	s4 =	sld [smem:$0x3F84]  }
0x2a: {  	p0 =	seq.s32 s5, $0x0;
	s5 =	sld [smem:$0x3F85]  }
0x2b: {  	s6 =	sld [smem:$0x3F86]  }
0x2c: {  	s7 =	sld [smem:$0x3F87]  }
0x2d: {  	s3 =	simm.s32 $0x108;
	s8 =	sld [smem:$0x3F88]  }
0x2e: {  	s3 =	simm.s32 @!p0 $0x1082;
	s9 =	sld [smem:$0x3F89]  }
0x2f: {  	lr =	sadd.s32 s0, s3;
	s0 =	sld [smem:$0x3F80]  }
0x30: {  	s3 =	sld [smem:$0x3F83]  }
0x31: {  	[smem:$0x3F8C] =	sst s10  }
0x32: {  	s10 =	sld [smem:$0x3F8A];
	_ =	sdelay $0x3  }
0x33: {  	p0 =	seq.s32 s10, $0x1;
	s10 =	sld [smem:$0x3F8C];
	_ =	sdelay $0x3  }
0x34: {  	[smem:$0x3F8C] =	sst s10  }
0x35: {  	s10 =	sld [smem:$0x3F8B];
	_ =	sdelay $0x3  }
0x36: {  	p1 =	seq.s32 s10, $0x1;
	s10 =	sld [smem:$0x3F8C];
	_ =	sdelay $0x3  }
0x37: {  	[smem:$0x3F8C] =	sst s10  }
0x38: {  	s10 =	sld [smem:$0x3F8D]  }
0x39: {  	_ = 	snop;
	(pc) =	sbr.ind lr, $3  }
0x3a: {  	_ = 	snop  }
0x3b: {  	_ = 	snop  }
0x3c: {  	p2 =	seq.s32 s10, $0x1;
	s10 =	sld [smem:$0x3F8C]  }
0x3d: {  	_ =	shalt  }
0x3e: {  	_ =	shalt  }
0x3f: {  	_ =	shalt  }
0x40: {  	_ =	shalt  }
0x41: {  	_ =	shalt  }
0x42: {  	_ =	shalt  }
0x43: {  	_ =	shalt  }
0x44: {  	_ =	shalt  }
0x45: {  	_ =	shalt  }
0x46: {  	_ =	shalt  }
0x47: {  	_ =	shalt  }
0x48: {  	_ =	shalt  }
0x49: {  	_ =	shalt  }
0x4a: {  	_ =	shalt  }
0x4b: {  	_ =	shalt  }
0x4c: {  	_ =	shalt  }
0x4d: {  	_ =	shalt  }
0x4e: {  	_ =	shalt  }
0x4f: {  	_ =	shalt  }
0x50: {  	_ =	shalt  }
0x51: {  	_ =	shalt  }
0x52: {  	_ =	shalt  }
0x53: {  	_ =	shalt  }
0x54: {  	_ =	shalt  }
0x55: {  	_ =	shalt  }
0x56: {  	_ =	shalt  }
0x57: {  	_ =	shalt  }
0x58: {  	_ =	shalt  }
0x59: {  	_ =	shalt  }
0x5a: {  	_ =	shalt  }
0x5b: {  	_ =	shalt  }
0x5c: {  	_ =	shalt  }
0x5d: {  	_ =	shalt  }
0x5e: {  	_ =	shalt  }
0x5f: {  	_ =	shalt  }
0x60: {  	_ =	shalt  }
0x61: {  	_ =	shalt  }
0x62: {  	_ =	shalt  }
0x63: {  	_ =	shalt  }
0x64: {  	_ =	shalt  }
0x65: {  	_ =	shalt  }
0x66: {  	_ =	shalt  }
0x67: {  	_ =	shalt  }
0x68: {  	_ =	shalt  }
0x69: {  	_ =	shalt  }
0x6a: {  	_ =	shalt  }
0x6b: {  	_ =	shalt  }
0x6c: {  	_ =	shalt  }
0x6d: {  	_ =	shalt  }
0x6e: {  	_ =	shalt  }
0x6f: {  	_ =	shalt  }
0x70: {  	_ =	shalt  }
0x71: {  	_ =	shalt  }
0x72: {  	_ =	shalt  }
0x73: {  	_ =	shalt  }
0x74: {  	_ =	shalt  }
0x75: {  	_ =	shalt  }
0x76: {  	_ =	shalt  }
0x77: {  	_ =	shalt  }
0x78: {  	_ =	shalt  }
0x79: {  	_ =	shalt  }
0x7a: {  	_ =	shalt  }
0x7b: {  	_ =	shalt  }
0x7c: {  	_ =	shalt  }
0x7d: {  	_ =	shalt  }
0x7e: {  	_ =	shalt  }
0x7f: {  	_ =	shalt  }
0x80: {  	_ =	shalt  }
0x81: {  	_ =	shalt  }
0x82: {  	_ =	shalt  }
0x83: {  	_ =	shalt  }
0x84: {  	_ =	shalt  }
0x85: {  	_ =	shalt  }
0x86: {  	_ =	shalt  }
0x87: {  	_ =	shalt  }
.Lfunc_end0:
.L_simem_size_0:
called_computation_lowered:
.L_overlay_start_0:
0x88: {  	s2 =	sld [smem:$0x3FD9]  }
0x89: {  	s3 =	sld [smem:$0x3FFE];
	_ =	sdelay $0x1  }
0x8a: {  	s1 =	srdreg.scid  }
0x8b: {  	s0 =	sand.u32 $0x1, s1  }
0x8c: {  	s14 =	sshll.u32 s0, $0xA;
	s2 =	sadd.s32 s3, s2  }
0x8d: {  	s2 =	sadd.s32 s2, s14  }
0x8e: {  	[smem:$0x3F98] =	sst s2  }
0x8f: {  	_ = 	snop  }
0x90: {  	s2 =	sld [smem:$0x3FD0];
	_ =	sdelay $0x2  }
0x91: {  	s15 =	simm.s32 $0xA;
	s4 =	simm.s32 $0x10  }
0x92: {  	[smem:s4], [sflag:s15] =	dma.local [hbm:s2], $0x1  }
0x93: {  	_ =	swait.eq [sflag:s15], $0x1  }
0x94: {  	s16 =	sld [smem:$0x10];
	[sflag:s15] =	ssyncset.done $0x0  }
0x95: {  	s17 =	sld [smem:$0x11];
	[sflag:s15] =	ssyncadd.s32 $0xFFFFFFFF  }
0x96: {  	s18 =	sld [smem:$0x12];
	(tm) =	ssettm $0x1  }
0x97: {  	s5 =	sld [smem:$0x3FFB];
	_ =	sdelay $0x3  }
0x98: {  	_ =	strace s5  }
0x99: {  	s5 =	sld [smem:$0x3FFC];
	_ =	sdelay $0x3  }
0x9a: {  	_ =	strace s5  }
0x9b: {  	s5 =	sld [smem:$0x3FFD];
	_ =	sdelay $0x3  }
0x9c: {  	_ =	strace s5  }
0x9d: {  	_ =	strace $0x8FFFFFFF  }
0x9e: {  	s19 =	sld [smem:$0x3FDB];
	_ =	sdelay $0x1  }
0x9f: {  	s6 =	simm.s32 $_scs_section_size  }
0xa0: {  	s7 =	simm.s32 $_size__tile_overlayer_lowered;
	s8 =	simm.s32 $_tile_overlayer_lowered  }
0xa1: {  	s22 =	simm.s32 $0x1BFF;
	s21 =	sshll.u32 s8, $0x1;
	s5 =	sadd.s32 s6, s19  }
0xa2: {  	s9 =	simm.s32 $0x0;
	s20 =	sshll.u32 s7, $0x1;
	s7 =	sadd.s32 s21, s5  }
0xa3: {  	[timem:s9], [sflag:s22] =	dma.local [hbm:s7], s20  }
0xa4: {  	_ =	swait.ge [sflag:s22], s20  }
0xa5: {  	s6 =	ssub.s32 $0x0, s20;
	[sflag:s22] =	ssyncset.done $0x0  }
0xa6: {  	[sflag:s22] =	ssyncadd.s32 s6;
	_ =	sdelay $0x1  }
0xa7: {  	s23 =	simm.s32 $0x1B8B  }
0xa8: {  	_ =	swait.ge [sflag:s23], $0x1  }
0xa9: {  	[sflag:s23] =	ssyncset.done $0x0  }
0xaa: {  	s25 =	simm.s32 $0x1B8E;
	s24 =	sld [smem:$0x3FFE];
	[sflag:s23] =	ssyncadd.s32 $0xFFFFFFFF  }
0xab: {  	s26 =	simm.s32 $execute0_lowered;
	[smem:$0x3FD2] =	sst s25  }
0xac: {  	s7 =	sshll.u32 s26, $0x1;
	_ =	strace $0x80000046;
	[dreg:$0x1] =	wrdreg $0xFFFFFFFF  }
0xad: {  	s28 =	simm.s32 $_size_execute0_lowered;
	s5 =	sadd.s32 s5, s7;
	[dreg:$0x0] =	wrdreg $0x0  }
0xae: {  	s7 =	sshll.u32 s28, $0x1;
	[dreg:$0x2] =	wrdreg s5  }
0xaf: {  	[dreg:$0x3] =	wrdreg s7  }
0xb0: {  	[dreg:$0x4] =	wrdreg $0xC0  }
0xb1: {  	_ =	task [dreg:s9], $0x5FFFF  }
0xb2: {  	[dreg:$0x1] =	wrdreg $0xFFFFFFFF  }
0xb3: {  	[dreg:$0x0] =	wrdreg $0x60  }
0xb4: {  	[dreg:$0x2] =	wrdreg s24  }
0xb5: {  	[dreg:$0x3] =	wrdreg s18  }
0xb6: {  	[dreg:$0x4] =	wrdreg s16  }
0xb7: {  	[dreg:$0x5] =	wrdreg s17  }
0xb8: {  	[dreg:$0x6] =	wrdreg $0x93000  }
0xb9: {  	[dreg:$0x7] =	wrdreg $0x9  }
0xba: {  	_ =	task.clear_ibuf [dreg:s9], $0x8FFFF;
	_ =	strace $0x90000046  }
0xbb: {  	s29 =	simm.s32 $0x9;
	_ =	strace $0x80000048  }
0xbc: {  	_ =	swait.ge [sflag:s29], $0x1  }
0xbd: {  	[sflag:s29] =	ssyncadd.s32 $0xFFFFFFFF  }
0xbe: {  	_ =	strace $0x90000048  }
0xbf: {  	_ =	sfence  }
0xc0: {  	s30 =	sld [smem:$0x0];
	_ =	sdelay $0x2  }
0xc1: {  	s31 =	sshll.u32 s1, $0xD;
	s1 =	sshrl.u32 s1, $0x2  }
0xc2: {  	s3 =	sand.u32 $0x4000, s31;
	s1 =	sadd.s32 s1, s30  }
0xc3: {  	s0 =	sor.u32 s3, s0;
	s1 =	sshll.u32 s1, $0x11  }
0xc4: {  	s0 =	sor.u32 s1, s0  }
0xc5: {  	s0 =	sadd.s32 $0x8F2B, s0  }
0xc6: {  	[sflag:s0] =	ssyncadd.remote.s32 $0x1  }
0xc7: {  	_ =	sfence.sel $0xFFFF  }
0xc8: {  	[dreg:$0x0] =	wrdreg $0xFFFFFFFF;
	(pc) =	sbr.abs _section_cstart, $3  }
0xc9: {  	[dreg:$0x1] =	wrdreg $0xFFFFFFFF  }
0xca: {  	_ =	task.clear_ibuf [dreg:s9], $0x2FFFF;
	_ =	strace $0x9FFFFFFF  }
0xcb: {  	(tm) =	ssettm $0x7FFFFFFF  }
tec
execute0_lowered:
.L_overlay_start_1:
0x0: {  	(tag) =	ssettag $0x1  }
0x1: {  	s1 =	rddreg [dreg:$0x0]  }
0x2: {  	s0 =	rddreg [dreg:$0x1]  }
0x3: {  	s4 =	rddreg [dreg:$0x4];
	s5 =	simm.s32 $0x0;
	s2 =	srdreg.scid  }
0x4: {  	s15 =	stileid.u32;
	s18 =	simm.s32 $0x3;
	s19 =	simm.s32 $0x6680  }
0x5: {  	v0 =	vlaneseq.u32;
	v6 =	vimm.s32 $0x6;
	v7 =	vimm.s32 $0x3;
	s28 =	simm.s32 $0x1680;
	s29 =	simm.s32 $0x3E80;
	s30 =	simm.s32 $0x2  }
0x6: {  	v8 =	vimm.s32 $0x7;
	v9 =	vimm.s32 $0x1;
	v10 =	vimm.s32 $0x2;
	s31 =	simm.s32 $0x8E80;
	[smem:$0x7FF] =	sst s5;
	s2 =	sand.u32 $0x1, s2  }
0x7: {  	v11 =	vimm.s32 $0x4;
	v12 =	vimm.s32 $0x5;
	v14 =	vimm.s32 $0x9;
	s7 =	sadd.s32 $0xC000, s1;
	s8 =	sadd.s32 $0x27D000, s1;
	s9 =	sadd.s32 $0x2DEE00, s1  }
0x8: {  	v13 =	vimm.s32 $0x8;
	v15 =	vimm.s32 $0xA;
	v16 =	vimm.s32 $0xB;
	s6 =	smul.u32 $0x13C00, s15;
	s10 =	sadd.s32 $0x2D5000, s1;
	s11 =	sadd.s32 $0x2CB200, s1  }
0x9: {  	v17 =	vimm.s32 $0xC;
	v18 =	vimm.s32 $0xD;
	v19 =	vimm.s32 $0xE;
	s14 =	smul.u32 $0x4F000, s15;
	s12 =	sadd.s32 $0x37C200, s1;
	s22 =	sshll.u32 s15, $0x1  }
0xa: {  	v20 =	vimm.s32 $0xF;
	v21 =	vimm.s32 $0x10;
	v22 =	vimm.s32 $0x11;
	s24 =	sshll.u32 s15, $0x6;
	_ =	strace $0x80000047;
	s3 =	smul.u32 $0x13C000, s2  }
0xb: {  	v23 =	vimm.s32 $0x12;
	v24 =	vimm.s32 $0x13;
	v25 =	vimm.s32 $0x14;
	s20 =	ssub.s32 $0x2, s2;
	s2 =	sor.u32 s2, s22;
	s22 =	simm.s32 $0x9100  }
0xc: {  	v26 =	vimm.s32 $0x15;
	v27 =	vimm.s32 $0x16;
	v28 =	vimm.s32 $0x17;
	s13 =	sshrl.u32 s20, $0x1;
	s23 =	sshrl.u32 s14, $0x2;
	s14 =	smul.u32 $0x2710, s2  }
0xd: {  	v29 =	vimm.s32 $0x18;
	v30 =	vimm.s32 $0x19;
	v31 =	vimm.s32 $0x1A;
	s3 =	sadd.s32 s6, s3;
	s21 =	ssub.s32 s20, s13;
	s25 =	sadd.s32 s23, s4  }
0xe: {  	v32 =	vimm.s32 $0x1B;
	v33 =	vimm.s32 $0x1C;
	v34 =	vimm.s32 $0x1D;
	s13 =	sor.u32 $0x1C03, s24;
	s20 =	simm.s32 $0x9280;
	s23 =	simm.s32 $0x9180  }
0xf: {  	v35 =	vimm.s32 $0x1E;
	v36 =	vimm.s32 $0x1F;
	v37 =	vimm.s32 $0x20;
	s24 =	simm.s32 $0x9200;
	s3 =	sshrl.u32 s3, $0x3;
	s26 =	smax.u32 s21, $0x1  }
0x10: {  	v39 =	vimm.s32 $0x21;
	v41 =	vimm.s32 $0x22;
	v43 =	vimm.s32 $0x23;
	s17 =	sshrl.u32 s25, $0x3;
	s21 =	simm.s32 $0x1400;
	s1 =	sadd.s32 s3, s1  }
0x11: {  	v44 =	vimm.s32 $0x24;
	v45 =	vimm.s32 $0x25;
	v46 =	vimm.s32 $0x26;
	s25 =	simm.s32 $0x1;
	[dreg:$0x7] =	wrdreg s26;
	s1 =	sadd.s32 $0x32D200, s1  }
0x12: {  	v47 =	vimm.s32 $0x27;
	v48 =	vimm.s32 $0x28;
	v49 =	vimm.s32 $0x29;
	s26 =	simm.s32 $0x50;
	s3 =	simm.s32 $0x0;
	[dreg:$0x6] =	wrdreg s1  }
.LBB2_1:
0x13: {  	s1 =	rddreg [dreg:$0x3]  }
0x14: {  	[spmem:s17], [sflag:s13] =	dma.local [hbm:s1], $0x2780  }
0x15: {  	_ =	swait.ge [sflag:s18], $0x2780  }
0x16: {  	[sflag:s18] =	ssyncset.done $0x0  }
0x17: {  	[sflag:s18] =	ssyncadd.s32 $0xFFFFD880  }
0x18: {  	[tilespmem:s19], [sflag:$0x3] =	stream.linear.gather [hbm4b:s1+s5], $0x2800, $0x38;
	[tilespmem:$0x1CF00] =	vst v63  }
0x19: {  	_ =	swait.ge [sflag:s18], $0x2800  }
0x1a: {  	[sflag:s18] =	ssyncset.done $0x0  }
0x1b: {  	[sflag:s18] =	ssyncadd.s32 $0xFFFFD800  }
0x1c: {  	s16 =	rddreg [dreg:$0x2]  }
0x1d: {  	[tilespmem:s20], [sflag:$0x3] =	stream.linear.gather [hbm4b:s16+s5], $0x80, $0x38;
	[tilespmem:$0x1CF00] =	vst v63  }
0x1e: {  	_ =	swait.ge [sflag:s18], $0x80  }
0x1f: {  	[sflag:s18] =	ssyncset.done $0x0  }
0x20: {  	[sflag:s18] =	ssyncadd.s32 $0xFFFFFF80  }
0x21: {  	s6 =	simm.s32 $0x0;
	[bflag:$0x0] =	sbarrier.arrive $0xFFFF  }
.LBB2_2:
0x22: {  	s1 =	smul.u32 $0x50, s6;
	_ =	sdelay $0x1  }
0x23: {  	s1 =	sadd.s32 s14, s1  }
0x24: {  	s2 =	sshll.u32 s1, $0x3  }
0x25: {  	s15 =	sadd.s32 s7, s2;
	s2 =	simm.s32 $0x0  }
0x26: {  	[tilespmem:s2], [sflag:$0x1] =	stream.linear.gather [hbm4b:s15+s2], $0x1400, $0x38;
	[tilespmem:$0x1CF00] =	vst v63  }
0x27: {  	s16 =	sadd.s32 s8, s1;
	s15 =	sshrl.u32 s1, $0x3  }
0x28: {  	[tilespmem:s21], [sflag:$0x1] =	stream.linear.gather [hbm4b:s16+s2], $0x280, $0x38;
	[tilespmem:$0x1CF00] =	vst v63  }
0x29: {  	s16 =	sadd.s32 s10, s15  }
0x2a: {  	[tilespmem:s22], [sflag:$0x1] =	stream.linear.gather [hbm4b:s16+s2], $0x50, $0x38;
	[tilespmem:$0x1CF00] =	vst v63  }
0x2b: {  	s16 =	sadd.s32 s11, s15  }
0x2c: {  	[tilespmem:s23], [sflag:$0x1] =	stream.linear.gather [hbm4b:s16+s2], $0x50, $0x38;
	[tilespmem:$0x1CF00] =	vst v63  }
0x2d: {  	s15 =	sadd.s32 s0, s15  }
0x2e: {  	[tilespmem:s24], [sflag:$0x1] =	stream.linear.gather [hbm4b:s15+s2], $0x50, $0x38;
	[tilespmem:$0x1CF00] =	vst v63  }
0x2f: {  	_ =	swait.ge [sflag:s25], $0x1400  }
0x30: {  	[sflag:s25] =	ssyncset.done $0x0  }
0x31: {  	[sflag:s25] =	ssyncadd.s32 $0xFFFFEC00  }
0x32: {  	_ =	swait.ge [sflag:s25], $0x280  }
0x33: {  	[sflag:s25] =	ssyncset.done $0x0  }
0x34: {  	[sflag:s25] =	ssyncadd.s32 $0xFFFFFD80  }
0x35: {  	_ =	swait.ge [sflag:s25], $0x50  }
0x36: {  	[sflag:s25] =	ssyncset.done $0x0  }
0x37: {  	[sflag:s25] =	ssyncadd.s32 $0xFFFFFFB0  }
0x38: {  	_ =	swait.ge [sflag:s25], $0x50  }
0x39: {  	[sflag:s25] =	ssyncset.done $0x0  }
0x3a: {  	[sflag:s25] =	ssyncadd.s32 $0xFFFFFFB0  }
0x3b: {  	_ =	swait.ge [sflag:s25], $0x50  }
0x3c: {  	[sflag:s25] =	ssyncset.done $0x0  }
0x3d: {  	[sflag:s25] =	ssyncadd.s32 $0xFFFFFFB0  }
0x3e: {  	[tilespmem:s28], [sflag:$0x2] =	stream.indirect.gather [hbm4b:s9+s26], $0x80, s22, s26, $0xb8;
	[tilespmem:$0x1CF00] =	vst v63  }
0x3f: {  	_ = 	snop  }
0x40: {  	[tilespmem:s29], [sflag:$0x2] =	stream.indirect.gather [hbm4b:s9+s26], $0x80, s23, s26, $0xb8;
	[tilespmem:$0x1CF00] =	vst v63  }
0x41: {  	_ =	swait.ge [sflag:s30], $0x2800  }
0x42: {  	[sflag:s30] =	ssyncset.done $0x0  }
0x43: {  	[sflag:s30] =	ssyncadd.s32 $0xFFFFD800  }
0x44: {  	_ =	swait.ge [sflag:s30], $0x2800  }
0x45: {  	[sflag:s30] =	ssyncset.done $0x0  }
0x46: {  	[sflag:s30] =	ssyncadd.s32 $0xFFFFD800  }
.LBB2_3:
0x47: {  	v0 =	vor.u32 s2, v0  }
0x48: {  	v4 =	vshll.u32 v0, $0x6  }
0x49: {  	v3 =	vshll.u32 v0, $0x7;
	_ =	sdelay $0x1  }
0x4a: {  	v2 =	vor.u32 $0x40, v3;
	_ =	sdelay $0x1  }
0x4b: {  	[tilespmem:$0x1FF80] =	vst v0;
	v0 =	vld.idx.msk [tilespmem:v4+s5+$0x0], $0xffff  }
0x4c: {  	v1 =	vld.idx.msk [tilespmem:v3+s28+$0x0], $0xffff;
	_ =	sdelay $0x1  }
0x4d: {  	[tilespmem:$0x1FFE0] =	vst v2;
	v2 =	vld.idx.msk [tilespmem:v2+s29+$0x0], $0xffff;
	_ =	sdelay $0x2  }
0x4e: {  	v0 =	vadd.f32 v1, v0  }
0x4f: {  	v1 =	vor.u32 $0x1, v4  }
0x50: {  	v0 =	vadd.f32 v2, v0;
	v2 =	vor.u32 $0x1, v3;
	_ =	sdelay $0x1  }
0x51: {  	v5 =	vmax.f32 v0, $0.0e+00;
	v0 =	vor.u32 $0x41, v3  }
0x52: {  	[tilespmem:v3+s19+$0x0] =	vst.idx.msk $0xffff, v5  }
0x53: {  	v1 =	vld.idx.msk [tilespmem:v1+s5+$0x0], $0xffff  }
0x54: {  	[tilespmem:$0x1FC00] =	vst v5;
	v5 =	vld.idx.msk [tilespmem:v2+s28+$0x0], $0xffff;
	_ =	sdelay $0x1  }
0x55: {  	v0 =	vld.idx.msk [tilespmem:v0+s29+$0x0], $0xffff;
	_ =	sdelay $0x2  }
0x56: {  	v1 =	vadd.f32 v5, v1  }
0x57: {  	v5 =	vor.u32 $0x2, v4  }
0x58: {  	v0 =	vadd.f32 v0, v1;
	v1 =	vor.u32 $0x2, v3;
	_ =	sdelay $0x1  }
0x59: {  	v59 =	vmax.f32 v0, $0.0e+00;
	v0 =	vor.u32 $0x42, v3  }
0x5a: {  	v38 =	vld.msk [tilespmem:s20+$0x0], $0xffff;
	[tilespmem:v2+s19+$0x0] =	vst.idx.msk $0xffff, v59  }
0x5b: {  	v2 =	vld.idx.msk [tilespmem:v5+s5+$0x0], $0xffff  }
0x5c: {  	v5 =	vld.idx.msk [tilespmem:v1+s28+$0x0], $0xffff;
	_ =	sdelay $0x1  }
0x5d: {  	v0 =	vld.idx.msk [tilespmem:v0+s29+$0x0], $0xffff;
	_ =	sdelay $0x1  }
0x5e: {  	v9 =	vld.idx.msk [tilespmem:v9+s20+$0x0], $0xffff  }
0x5f: {  	v2 =	vadd.f32 v5, v2  }
0x60: {  	v5 =	vor.u32 $0x3, v4  }
0x61: {  	v0 =	vadd.f32 v0, v2;
	v2 =	vor.u32 $0x3, v3;
	_ =	sdelay $0x1  }
0x62: {  	[tilespmem:$0x1FC30] =	vst v9;
	v9 =	vmax.f32 v0, $0.0e+00;
	v0 =	vor.u32 $0x43, v3  }
0x63: {  	[tilespmem:v1+s19+$0x0] =	vst.idx.msk $0xffff, v9  }
0x64: {  	v1 =	vld.idx.msk [tilespmem:v5+s5+$0x0], $0xffff  }
0x65: {  	v5 =	vld.idx.msk [tilespmem:v2+s28+$0x0], $0xffff;
	_ =	sdelay $0x1  }
0x66: {  	v0 =	vld.idx.msk [tilespmem:v0+s29+$0x0], $0xffff;
	_ =	sdelay $0x1  }
0x67: {  	[tilespmem:$0x1FC40] =	vst v9;
	v9 =	vld.idx.msk [tilespmem:v10+s20+$0x0], $0xffff  }
0x68: {  	v1 =	vadd.f32 v5, v1  }
0x69: {  	v5 =	vor.u32 $0x4, v4  }
0x6a: {  	v0 =	vadd.f32 v0, v1;
	v1 =	vor.u32 $0x4, v3;
	_ =	sdelay $0x1  }
0x6b: {  	[tilespmem:$0x1FC50] =	vst v9;
	v9 =	vmax.f32 v0, $0.0e+00;
	v0 =	vor.u32 $0x44, v3  }
0x6c: {  	[tilespmem:v2+s19+$0x0] =	vst.idx.msk $0xffff, v9  }
0x6d: {  	v2 =	vld.idx.msk [tilespmem:v5+s5+$0x0], $0xffff  }
0x6e: {  	v5 =	vld.idx.msk [tilespmem:v1+s28+$0x0], $0xffff;
	_ =	sdelay $0x1  }
0x6f: {  	v0 =	vld.idx.msk [tilespmem:v0+s29+$0x0], $0xffff;
	_ =	sdelay $0x1  }
0x70: {  	v7 =	vld.idx.msk [tilespmem:v7+s20+$0x0], $0xffff  }
0x71: {  	v2 =	vadd.f32 v5, v2  }
0x72: {  	v5 =	vor.u32 $0x5, v4  }
0x73: {  	v0 =	vadd.f32 v0, v2;
	v2 =	vor.u32 $0x5, v3;
	_ =	sdelay $0x1  }
0x74: {  	[tilespmem:$0x1FC70] =	vst v7;
	v7 =	vmax.f32 v0, $0.0e+00;
	v0 =	vor.u32 $0x45, v3  }
0x75: {  	[tilespmem:v1+s19+$0x0] =	vst.idx.msk $0xffff, v7  }
0x76: {  	v1 =	vld.idx.msk [tilespmem:v5+s5+$0x0], $0xffff  }
0x77: {  	v5 =	vld.idx.msk [tilespmem:v2+s28+$0x0], $0xffff;
	_ =	sdelay $0x1  }
0x78: {  	v0 =	vld.idx.msk [tilespmem:v0+s29+$0x0], $0xffff;
	_ =	sdelay $0x1  }
0x79: {  	[tilespmem:$0x1FC80] =	vst v7;
	v7 =	vld.idx.msk [tilespmem:v11+s20+$0x0], $0xffff  }
0x7a: {  	v1 =	vadd.f32 v5, v1  }
0x7b: {  	v5 =	vor.u32 $0x6, v4  }
0x7c: {  	v0 =	vadd.f32 v0, v1;
	v1 =	vor.u32 $0x6, v3;
	_ =	sdelay $0x1  }
0x7d: {  	[tilespmem:$0x1FC90] =	vst v7;
	v7 =	vmax.f32 v0, $0.0e+00;
	v0 =	vor.u32 $0x46, v3  }
0x7e: {  	[tilespmem:v2+s19+$0x0] =	vst.idx.msk $0xffff, v7  }
0x7f: {  	v2 =	vld.idx.msk [tilespmem:v5+s5+$0x0], $0xffff  }
0x80: {  	v5 =	vld.idx.msk [tilespmem:v1+s28+$0x0], $0xffff;
	_ =	sdelay $0x1  }
0x81: {  	v0 =	vld.idx.msk [tilespmem:v0+s29+$0x0], $0xffff;
	_ =	sdelay $0x1  }
0x82: {  	[tilespmem:$0x1FCA0] =	vst v7;
	v7 =	vld.idx.msk [tilespmem:v12+s20+$0x0], $0xffff  }
0x83: {  	v2 =	vadd.f32 v5, v2  }
0x84: {  	v5 =	vor.u32 $0x7, v4  }
0x85: {  	v0 =	vadd.f32 v0, v2;
	v2 =	vor.u32 $0x7, v3;
	_ =	sdelay $0x1  }
0x86: {  	[tilespmem:$0x1FCB0] =	vst v7;
	v7 =	vmax.f32 v0, $0.0e+00;
	v0 =	vor.u32 $0x47, v3  }
0x87: {  	[tilespmem:v1+s19+$0x0] =	vst.idx.msk $0xffff, v7  }
0x88: {  	v1 =	vld.idx.msk [tilespmem:v5+s5+$0x0], $0xffff  }
0x89: {  	v5 =	vld.idx.msk [tilespmem:v2+s28+$0x0], $0xffff;
	_ =	sdelay $0x1  }
0x8a: {  	v0 =	vld.idx.msk [tilespmem:v0+s29+$0x0], $0xffff;
	_ =	sdelay $0x1  }
0x8b: {  	v6 =	vld.idx.msk [tilespmem:v6+s20+$0x0], $0xffff  }
0x8c: {  	v1 =	vadd.f32 v5, v1  }
0x8d: {  	v5 =	vor.u32 $0x8, v4  }
0x8e: {  	v0 =	vadd.f32 v0, v1;
	v1 =	vor.u32 $0x8, v3;
	_ =	sdelay $0x1  }
0x8f: {  	[tilespmem:$0x1FCD0] =	vst v6;
	v6 =	vmax.f32 v0, $0.0e+00;
	v0 =	vor.u32 $0x48, v3  }
0x90: {  	[tilespmem:v2+s19+$0x0] =	vst.idx.msk $0xffff, v6  }
0x91: {  	v2 =	vld.idx.msk [tilespmem:v5+s5+$0x0], $0xffff  }
0x92: {  	v5 =	vld.idx.msk [tilespmem:v1+s28+$0x0], $0xffff;
	_ =	sdelay $0x1  }
0x93: {  	v0 =	vld.idx.msk [tilespmem:v0+s29+$0x0], $0xffff;
	_ =	sdelay $0x1  }
0x94: {  	[tilespmem:$0x1FCE0] =	vst v6;
	v6 =	vld.idx.msk [tilespmem:v8+s20+$0x0], $0xffff  }
0x95: {  	v2 =	vadd.f32 v5, v2  }
0x96: {  	v5 =	vor.u32 $0x9, v4  }
0x97: {  	v0 =	vadd.f32 v0, v2;
	v2 =	vor.u32 $0x9, v3;
	_ =	sdelay $0x1  }
0x98: {  	[tilespmem:$0x1FCF0] =	vst v6;
	v6 =	vmax.f32 v0, $0.0e+00;
	v0 =	vor.u32 $0x49, v3  }
0x99: {  	[tilespmem:v1+s19+$0x0] =	vst.idx.msk $0xffff, v6  }
0x9a: {  	v1 =	vld.idx.msk [tilespmem:v5+s5+$0x0], $0xffff  }
0x9b: {  	v5 =	vld.idx.msk [tilespmem:v2+s28+$0x0], $0xffff;
	_ =	sdelay $0x1  }
0x9c: {  	v0 =	vld.idx.msk [tilespmem:v0+s29+$0x0], $0xffff;
	_ =	sdelay $0x1  }
0x9d: {  	[tilespmem:$0x1FD00] =	vst v6;
	v6 =	vld.idx.msk [tilespmem:v13+s20+$0x0], $0xffff  }
0x9e: {  	v1 =	vadd.f32 v5, v1  }
0x9f: {  	v5 =	vor.u32 $0xA, v4  }
0xa0: {  	v0 =	vadd.f32 v0, v1;
	v1 =	vor.u32 $0xA, v3;
	_ =	sdelay $0x1  }
0xa1: {  	[tilespmem:$0x1FD10] =	vst v6;
	v6 =	vmax.f32 v0, $0.0e+00;
	v0 =	vor.u32 $0x4A, v3  }
0xa2: {  	[tilespmem:v2+s19+$0x0] =	vst.idx.msk $0xffff, v6  }
0xa3: {  	v2 =	vld.idx.msk [tilespmem:v5+s5+$0x0], $0xffff  }
0xa4: {  	v5 =	vld.idx.msk [tilespmem:v1+s28+$0x0], $0xffff;
	_ =	sdelay $0x1  }
0xa5: {  	v0 =	vld.idx.msk [tilespmem:v0+s29+$0x0], $0xffff;
	_ =	sdelay $0x1  }
0xa6: {  	[tilespmem:$0x1FD20] =	vst v6;
	v6 =	vld.idx.msk [tilespmem:v14+s20+$0x0], $0xffff  }
0xa7: {  	v2 =	vadd.f32 v5, v2  }
0xa8: {  	v5 =	vor.u32 $0xB, v4  }
0xa9: {  	v0 =	vadd.f32 v0, v2;
	v2 =	vor.u32 $0xB, v3;
	_ =	sdelay $0x1  }
0xaa: {  	[tilespmem:$0x1FD30] =	vst v6;
	v6 =	vmax.f32 v0, $0.0e+00;
	v0 =	vor.u32 $0x4B, v3  }
0xab: {  	[tilespmem:v1+s19+$0x0] =	vst.idx.msk $0xffff, v6  }
0xac: {  	v1 =	vld.idx.msk [tilespmem:v5+s5+$0x0], $0xffff  }
0xad: {  	v5 =	vld.idx.msk [tilespmem:v2+s28+$0x0], $0xffff;
	_ =	sdelay $0x1  }
0xae: {  	v0 =	vld.idx.msk [tilespmem:v0+s29+$0x0], $0xffff;
	_ =	sdelay $0x1  }
0xaf: {  	[tilespmem:$0x1FD40] =	vst v6;
	v6 =	vld.idx.msk [tilespmem:v15+s20+$0x0], $0xffff  }
0xb0: {  	v1 =	vadd.f32 v5, v1  }
0xb1: {  	v5 =	vor.u32 $0xC, v4  }
0xb2: {  	v0 =	vadd.f32 v0, v1;
	v1 =	vor.u32 $0xC, v3;
	_ =	sdelay $0x1  }
0xb3: {  	[tilespmem:$0x1FD50] =	vst v6;
	v6 =	vmax.f32 v0, $0.0e+00;
	v0 =	vor.u32 $0x4C, v3  }
0xb4: {  	[tilespmem:v2+s19+$0x0] =	vst.idx.msk $0xffff, v6  }
0xb5: {  	v2 =	vld.idx.msk [tilespmem:v5+s5+$0x0], $0xffff  }
0xb6: {  	v5 =	vld.idx.msk [tilespmem:v1+s28+$0x0], $0xffff;
	_ =	sdelay $0x1  }
0xb7: {  	v0 =	vld.idx.msk [tilespmem:v0+s29+$0x0], $0xffff;
	_ =	sdelay $0x1  }
0xb8: {  	[tilespmem:$0x1FD60] =	vst v6;
	v6 =	vld.idx.msk [tilespmem:v16+s20+$0x0], $0xffff  }
0xb9: {  	v2 =	vadd.f32 v5, v2  }
0xba: {  	v5 =	vor.u32 $0xD, v4  }
0xbb: {  	v0 =	vadd.f32 v0, v2;
	v2 =	vor.u32 $0xD, v3;
	_ =	sdelay $0x1  }
0xbc: {  	[tilespmem:$0x1FD70] =	vst v6;
	v6 =	vmax.f32 v0, $0.0e+00;
	v0 =	vor.u32 $0x4D, v3  }
0xbd: {  	[tilespmem:v1+s19+$0x0] =	vst.idx.msk $0xffff, v6  }
0xbe: {  	v1 =	vld.idx.msk [tilespmem:v5+s5+$0x0], $0xffff  }
0xbf: {  	v5 =	vld.idx.msk [tilespmem:v2+s28+$0x0], $0xffff;
	_ =	sdelay $0x1  }
0xc0: {  	v0 =	vld.idx.msk [tilespmem:v0+s29+$0x0], $0xffff;
	_ =	sdelay $0x1  }
0xc1: {  	[tilespmem:$0x1FD80] =	vst v6;
	v6 =	vld.idx.msk [tilespmem:v17+s20+$0x0], $0xffff  }
0xc2: {  	v1 =	vadd.f32 v5, v1  }
0xc3: {  	v5 =	vor.u32 $0xE, v4  }
0xc4: {  	v0 =	vadd.f32 v0, v1;
	v1 =	vor.u32 $0xE, v3;
	_ =	sdelay $0x1  }
0xc5: {  	[tilespmem:$0x1FD90] =	vst v6;
	v6 =	vmax.f32 v0, $0.0e+00;
	v0 =	vor.u32 $0x4E, v3  }
0xc6: {  	[tilespmem:v2+s19+$0x0] =	vst.idx.msk $0xffff, v6  }
0xc7: {  	v2 =	vld.idx.msk [tilespmem:v5+s5+$0x0], $0xffff  }
0xc8: {  	v5 =	vld.idx.msk [tilespmem:v1+s28+$0x0], $0xffff;
	_ =	sdelay $0x1  }
0xc9: {  	v0 =	vld.idx.msk [tilespmem:v0+s29+$0x0], $0xffff;
	_ =	sdelay $0x1  }
0xca: {  	[tilespmem:$0x1FDA0] =	vst v6;
	v6 =	vld.idx.msk [tilespmem:v18+s20+$0x0], $0xffff  }
0xcb: {  	v2 =	vadd.f32 v5, v2  }
0xcc: {  	v5 =	vor.u32 $0xF, v4  }
0xcd: {  	v0 =	vadd.f32 v0, v2;
	v2 =	vor.u32 $0xF, v3;
	_ =	sdelay $0x1  }
0xce: {  	[tilespmem:$0x1FDB0] =	vst v6;
	v6 =	vmax.f32 v0, $0.0e+00;
	v0 =	vor.u32 $0x4F, v3  }
0xcf: {  	[tilespmem:v1+s19+$0x0] =	vst.idx.msk $0xffff, v6  }
0xd0: {  	v1 =	vld.idx.msk [tilespmem:v5+s5+$0x0], $0xffff  }
0xd1: {  	v5 =	vld.idx.msk [tilespmem:v2+s28+$0x0], $0xffff;
	_ =	sdelay $0x1  }
0xd2: {  	v0 =	vld.idx.msk [tilespmem:v0+s29+$0x0], $0xffff;
	_ =	sdelay $0x1  }
0xd3: {  	[tilespmem:$0x1FDC0] =	vst v6;
	v6 =	vld.idx.msk [tilespmem:v19+s20+$0x0], $0xffff  }
0xd4: {  	v1 =	vadd.f32 v5, v1  }
0xd5: {  	v5 =	vor.u32 $0x10, v4  }
0xd6: {  	v0 =	vadd.f32 v0, v1;
	v1 =	vor.u32 $0x10, v3;
	_ =	sdelay $0x1  }
0xd7: {  	[tilespmem:$0x1FDD0] =	vst v6;
	v6 =	vmax.f32 v0, $0.0e+00;
	v0 =	vor.u32 $0x50, v3  }
0xd8: {  	[tilespmem:v2+s19+$0x0] =	vst.idx.msk $0xffff, v6  }
0xd9: {  	v2 =	vld.idx.msk [tilespmem:v5+s5+$0x0], $0xffff  }
0xda: {  	v5 =	vld.idx.msk [tilespmem:v1+s28+$0x0], $0xffff;
	_ =	sdelay $0x1  }
0xdb: {  	v0 =	vld.idx.msk [tilespmem:v0+s29+$0x0], $0xffff;
	_ =	sdelay $0x1  }
0xdc: {  	[tilespmem:$0x1FDE0] =	vst v6;
	v6 =	vld.idx.msk [tilespmem:v20+s20+$0x0], $0xffff  }
0xdd: {  	v2 =	vadd.f32 v5, v2  }
0xde: {  	v5 =	vor.u32 $0x11, v4  }
0xdf: {  	v0 =	vadd.f32 v0, v2;
	v2 =	vor.u32 $0x11, v3;
	_ =	sdelay $0x1  }
0xe0: {  	[tilespmem:$0x1FDF0] =	vst v6;
	v6 =	vmax.f32 v0, $0.0e+00;
	v0 =	vor.u32 $0x51, v3  }
0xe1: {  	[tilespmem:v1+s19+$0x0] =	vst.idx.msk $0xffff, v6  }
0xe2: {  	v1 =	vld.idx.msk [tilespmem:v5+s5+$0x0], $0xffff  }
0xe3: {  	v5 =	vld.idx.msk [tilespmem:v2+s28+$0x0], $0xffff;
	_ =	sdelay $0x1  }
0xe4: {  	v0 =	vld.idx.msk [tilespmem:v0+s29+$0x0], $0xffff;
	_ =	sdelay $0x1  }
0xe5: {  	[tilespmem:$0x1FE00] =	vst v6;
	v6 =	vld.idx.msk [tilespmem:v21+s20+$0x0], $0xffff  }
0xe6: {  	v1 =	vadd.f32 v5, v1  }
0xe7: {  	v5 =	vor.u32 $0x12, v4  }
0xe8: {  	v0 =	vadd.f32 v0, v1;
	v1 =	vor.u32 $0x12, v3;
	_ =	sdelay $0x1  }
0xe9: {  	[tilespmem:$0x1FE10] =	vst v6;
	v6 =	vmax.f32 v0, $0.0e+00;
	v0 =	vor.u32 $0x52, v3  }
0xea: {  	[tilespmem:v2+s19+$0x0] =	vst.idx.msk $0xffff, v6  }
0xeb: {  	v2 =	vld.idx.msk [tilespmem:v5+s5+$0x0], $0xffff  }
0xec: {  	v5 =	vld.idx.msk [tilespmem:v1+s28+$0x0], $0xffff;
	_ =	sdelay $0x1  }
0xed: {  	v0 =	vld.idx.msk [tilespmem:v0+s29+$0x0], $0xffff;
	_ =	sdelay $0x1  }
0xee: {  	[tilespmem:$0x1FE20] =	vst v6;
	v6 =	vld.idx.msk [tilespmem:v22+s20+$0x0], $0xffff  }
0xef: {  	v2 =	vadd.f32 v5, v2  }
0xf0: {  	v5 =	vor.u32 $0x13, v4  }
0xf1: {  	v0 =	vadd.f32 v0, v2;
	v2 =	vor.u32 $0x13, v3;
	_ =	sdelay $0x1  }
0xf2: {  	[tilespmem:$0x1FE30] =	vst v6;
	v6 =	vmax.f32 v0, $0.0e+00;
	v0 =	vor.u32 $0x53, v3  }
0xf3: {  	[tilespmem:v1+s19+$0x0] =	vst.idx.msk $0xffff, v6  }
0xf4: {  	v1 =	vld.idx.msk [tilespmem:v5+s5+$0x0], $0xffff  }
0xf5: {  	v5 =	vld.idx.msk [tilespmem:v2+s28+$0x0], $0xffff;
	_ =	sdelay $0x1  }
0xf6: {  	v0 =	vld.idx.msk [tilespmem:v0+s29+$0x0], $0xffff;
	_ =	sdelay $0x1  }
0xf7: {  	[tilespmem:$0x1FE40] =	vst v6;
	v6 =	vld.idx.msk [tilespmem:v23+s20+$0x0], $0xffff  }
0xf8: {  	v1 =	vadd.f32 v5, v1  }
0xf9: {  	v5 =	vor.u32 $0x14, v4  }
0xfa: {  	v0 =	vadd.f32 v0, v1;
	v1 =	vor.u32 $0x14, v3;
	_ =	sdelay $0x1  }
0xfb: {  	[tilespmem:$0x1FE50] =	vst v6;
	v6 =	vmax.f32 v0, $0.0e+00;
	v0 =	vor.u32 $0x54, v3  }
0xfc: {  	[tilespmem:v2+s19+$0x0] =	vst.idx.msk $0xffff, v6  }
0xfd: {  	v2 =	vld.idx.msk [tilespmem:v5+s5+$0x0], $0xffff  }
0xfe: {  	v5 =	vld.idx.msk [tilespmem:v1+s28+$0x0], $0xffff;
	_ =	sdelay $0x1  }
0xff: {  	v0 =	vld.idx.msk [tilespmem:v0+s29+$0x0], $0xffff;
	_ =	sdelay $0x1  }
0x100: {  	[tilespmem:$0x1FE60] =	vst v6;
	v6 =	vld.idx.msk [tilespmem:v24+s20+$0x0], $0xffff  }
0x101: {  	v2 =	vadd.f32 v5, v2  }
0x102: {  	v5 =	vor.u32 $0x15, v4  }
0x103: {  	v0 =	vadd.f32 v0, v2;
	v2 =	vor.u32 $0x15, v3;
	_ =	sdelay $0x1  }
0x104: {  	[tilespmem:$0x1FE70] =	vst v6;
	v6 =	vmax.f32 v0, $0.0e+00;
	v0 =	vor.u32 $0x55, v3  }
0x105: {  	[tilespmem:v1+s19+$0x0] =	vst.idx.msk $0xffff, v6  }
0x106: {  	v1 =	vld.idx.msk [tilespmem:v5+s5+$0x0], $0xffff  }
0x107: {  	v5 =	vld.idx.msk [tilespmem:v2+s28+$0x0], $0xffff;
	_ =	sdelay $0x1  }
0x108: {  	v0 =	vld.idx.msk [tilespmem:v0+s29+$0x0], $0xffff;
	_ =	sdelay $0x1  }
0x109: {  	[tilespmem:$0x1FE80] =	vst v6;
	v6 =	vld.idx.msk [tilespmem:v25+s20+$0x0], $0xffff  }
0x10a: {  	v1 =	vadd.f32 v5, v1  }
0x10b: {  	v5 =	vor.u32 $0x16, v4  }
0x10c: {  	v0 =	vadd.f32 v0, v1;
	v1 =	vor.u32 $0x16, v3;
	_ =	sdelay $0x1  }
0x10d: {  	[tilespmem:$0x1FE90] =	vst v6;
	v6 =	vmax.f32 v0, $0.0e+00;
	v0 =	vor.u32 $0x56, v3  }
0x10e: {  	[tilespmem:v2+s19+$0x0] =	vst.idx.msk $0xffff, v6  }
0x10f: {  	v2 =	vld.idx.msk [tilespmem:v5+s5+$0x0], $0xffff  }
0x110: {  	v5 =	vld.idx.msk [tilespmem:v1+s28+$0x0], $0xffff;
	_ =	sdelay $0x1  }
0x111: {  	v0 =	vld.idx.msk [tilespmem:v0+s29+$0x0], $0xffff;
	_ =	sdelay $0x1  }
0x112: {  	[tilespmem:$0x1FEA0] =	vst v6;
	v6 =	vld.idx.msk [tilespmem:v26+s20+$0x0], $0xffff  }
0x113: {  	v2 =	vadd.f32 v5, v2  }
0x114: {  	v5 =	vor.u32 $0x17, v4  }
0x115: {  	v0 =	vadd.f32 v0, v2;
	v2 =	vor.u32 $0x17, v3;
	_ =	sdelay $0x1  }
0x116: {  	[tilespmem:$0x1FEB0] =	vst v6;
	v6 =	vmax.f32 v0, $0.0e+00;
	v0 =	vor.u32 $0x57, v3  }
0x117: {  	[tilespmem:v1+s19+$0x0] =	vst.idx.msk $0xffff, v6  }
0x118: {  	v1 =	vld.idx.msk [tilespmem:v5+s5+$0x0], $0xffff  }
0x119: {  	v5 =	vld.idx.msk [tilespmem:v2+s28+$0x0], $0xffff;
	_ =	sdelay $0x1  }
0x11a: {  	v0 =	vld.idx.msk [tilespmem:v0+s29+$0x0], $0xffff;
	_ =	sdelay $0x1  }
0x11b: {  	[tilespmem:$0x1FEC0] =	vst v6;
	v6 =	vld.idx.msk [tilespmem:v27+s20+$0x0], $0xffff  }
0x11c: {  	v1 =	vadd.f32 v5, v1  }
0x11d: {  	v5 =	vor.u32 $0x18, v4  }
0x11e: {  	v0 =	vadd.f32 v0, v1;
	v1 =	vor.u32 $0x18, v3;
	_ =	sdelay $0x1  }
0x11f: {  	[tilespmem:$0x1FED0] =	vst v6;
	v6 =	vmax.f32 v0, $0.0e+00;
	v0 =	vor.u32 $0x58, v3  }
0x120: {  	[tilespmem:v2+s19+$0x0] =	vst.idx.msk $0xffff, v6  }
0x121: {  	v2 =	vld.idx.msk [tilespmem:v5+s5+$0x0], $0xffff  }
0x122: {  	v5 =	vld.idx.msk [tilespmem:v1+s28+$0x0], $0xffff;
	_ =	sdelay $0x1  }
0x123: {  	v0 =	vld.idx.msk [tilespmem:v0+s29+$0x0], $0xffff;
	_ =	sdelay $0x1  }
0x124: {  	[tilespmem:$0x1FEE0] =	vst v6;
	v6 =	vld.idx.msk [tilespmem:v28+s20+$0x0], $0xffff  }
0x125: {  	v2 =	vadd.f32 v5, v2  }
0x126: {  	v5 =	vor.u32 $0x19, v4  }
0x127: {  	v0 =	vadd.f32 v0, v2;
	v2 =	vor.u32 $0x19, v3;
	_ =	sdelay $0x1  }
0x128: {  	[tilespmem:$0x1FEF0] =	vst v6;
	v6 =	vmax.f32 v0, $0.0e+00;
	v0 =	vor.u32 $0x59, v3  }
0x129: {  	[tilespmem:v1+s19+$0x0] =	vst.idx.msk $0xffff, v6  }
0x12a: {  	v1 =	vld.idx.msk [tilespmem:v5+s5+$0x0], $0xffff  }
0x12b: {  	v5 =	vld.idx.msk [tilespmem:v2+s28+$0x0], $0xffff;
	_ =	sdelay $0x1  }
0x12c: {  	v0 =	vld.idx.msk [tilespmem:v0+s29+$0x0], $0xffff;
	_ =	sdelay $0x1  }
0x12d: {  	[tilespmem:$0x1FF00] =	vst v6;
	v6 =	vld.idx.msk [tilespmem:v29+s20+$0x0], $0xffff  }
0x12e: {  	v1 =	vadd.f32 v5, v1  }
0x12f: {  	v5 =	vor.u32 $0x1A, v4  }
0x130: {  	v0 =	vadd.f32 v0, v1;
	v1 =	vor.u32 $0x1A, v3;
	_ =	sdelay $0x1  }
0x131: {  	[tilespmem:$0x1FF10] =	vst v6;
	v6 =	vmax.f32 v0, $0.0e+00;
	v0 =	vor.u32 $0x5A, v3  }
0x132: {  	[tilespmem:v2+s19+$0x0] =	vst.idx.msk $0xffff, v6  }
0x133: {  	v2 =	vld.idx.msk [tilespmem:v5+s5+$0x0], $0xffff  }
0x134: {  	v5 =	vld.idx.msk [tilespmem:v1+s28+$0x0], $0xffff;
	_ =	sdelay $0x1  }
0x135: {  	v0 =	vld.idx.msk [tilespmem:v0+s29+$0x0], $0xffff;
	_ =	sdelay $0x1  }
0x136: {  	[tilespmem:$0x1FF20] =	vst v6;
	v6 =	vld.idx.msk [tilespmem:v30+s20+$0x0], $0xffff  }
0x137: {  	v2 =	vadd.f32 v5, v2  }
0x138: {  	v5 =	vor.u32 $0x1B, v4  }
0x139: {  	v0 =	vadd.f32 v0, v2;
	v2 =	vor.u32 $0x1B, v3;
	_ =	sdelay $0x1  }
0x13a: {  	[tilespmem:$0x1FF30] =	vst v6;
	v6 =	vmax.f32 v0, $0.0e+00;
	v0 =	vor.u32 $0x5B, v3  }
0x13b: {  	[tilespmem:v1+s19+$0x0] =	vst.idx.msk $0xffff, v6  }
0x13c: {  	v1 =	vld.idx.msk [tilespmem:v5+s5+$0x0], $0xffff  }
0x13d: {  	v5 =	vld.idx.msk [tilespmem:v2+s28+$0x0], $0xffff;
	_ =	sdelay $0x1  }
0x13e: {  	v0 =	vld.idx.msk [tilespmem:v0+s29+$0x0], $0xffff;
	_ =	sdelay $0x1  }
0x13f: {  	[tilespmem:$0x1FF40] =	vst v6;
	v6 =	vld.idx.msk [tilespmem:v31+s20+$0x0], $0xffff  }
0x140: {  	v1 =	vadd.f32 v5, v1  }
0x141: {  	v5 =	vor.u32 $0x1C, v4  }
0x142: {  	v0 =	vadd.f32 v0, v1;
	v1 =	vor.u32 $0x1C, v3;
	_ =	sdelay $0x1  }
0x143: {  	[tilespmem:$0x1FF50] =	vst v6;
	v6 =	vmax.f32 v0, $0.0e+00;
	v0 =	vor.u32 $0x5C, v3  }
0x144: {  	[tilespmem:v2+s19+$0x0] =	vst.idx.msk $0xffff, v6  }
0x145: {  	v2 =	vld.idx.msk [tilespmem:v5+s5+$0x0], $0xffff  }
0x146: {  	v5 =	vld.idx.msk [tilespmem:v1+s28+$0x0], $0xffff;
	_ =	sdelay $0x1  }
0x147: {  	v0 =	vld.idx.msk [tilespmem:v0+s29+$0x0], $0xffff;
	_ =	sdelay $0x1  }
0x148: {  	[tilespmem:$0x1FF60] =	vst v6;
	v6 =	vld.idx.msk [tilespmem:v32+s20+$0x0], $0xffff  }
0x149: {  	v2 =	vadd.f32 v5, v2  }
0x14a: {  	v5 =	vor.u32 $0x1D, v4  }
0x14b: {  	v0 =	vadd.f32 v0, v2;
	v2 =	vor.u32 $0x1D, v3;
	_ =	sdelay $0x1  }
0x14c: {  	[tilespmem:$0x1FF70] =	vst v6;
	v6 =	vmax.f32 v0, $0.0e+00;
	v0 =	vor.u32 $0x5D, v3  }
0x14d: {  	[tilespmem:v1+s19+$0x0] =	vst.idx.msk $0xffff, v6  }
0x14e: {  	v1 =	vld.idx.msk [tilespmem:v5+s5+$0x0], $0xffff  }
0x14f: {  	v5 =	vld.idx.msk [tilespmem:v2+s28+$0x0], $0xffff;
	_ =	sdelay $0x1  }
0x150: {  	v0 =	vld.idx.msk [tilespmem:v0+s29+$0x0], $0xffff;
	_ =	sdelay $0x2  }
0x151: {  	v1 =	vadd.f32 v5, v1;
	_ =	sdelay $0x1  }
0x152: {  	v0 =	vadd.f32 v0, v1;
	_ =	sdelay $0x1  }
0x153: {  	[tilespmem:$0x1FF90] =	vst v6;
	v6 =	vmax.f32 v0, $0.0e+00;
	v0 =	vld.idx.msk [tilespmem:v33+s20+$0x0], $0xffff;
	_ =	sdelay $0x1  }
0x154: {  	v5 =	vor.u32 $0x1E, v4  }
0x155: {  	v1 =	vor.u32 $0x1E, v3;
	_ =	sdelay $0x1  }
0x156: {  	[tilespmem:$0x1FFA0] =	vst v0;
	v0 =	vor.u32 $0x5E, v3  }
0x157: {  	[tilespmem:v2+s19+$0x0] =	vst.idx.msk $0xffff, v6  }
0x158: {  	v2 =	vld.idx.msk [tilespmem:v5+s5+$0x0], $0xffff  }
0x159: {  	v5 =	vld.idx.msk [tilespmem:v1+s28+$0x0], $0xffff;
	_ =	sdelay $0x1  }
0x15a: {  	v0 =	vld.idx.msk [tilespmem:v0+s29+$0x0], $0xffff;
	_ =	sdelay $0x2  }
0x15b: {  	v2 =	vadd.f32 v5, v2;
	_ =	sdelay $0x1  }
0x15c: {  	v0 =	vadd.f32 v0, v2;
	_ =	sdelay $0x1  }
0x15d: {  	v63 =	vmax.f32 v0, $0.0e+00;
	v0 =	vld.idx.msk [tilespmem:v34+s20+$0x0], $0xffff;
	_ =	sdelay $0x1  }
0x15e: {  	v5 =	vor.u32 $0x1F, v4  }
0x15f: {  	v2 =	vor.u32 $0x1F, v3;
	_ =	sdelay $0x1  }
0x160: {  	[tilespmem:$0x1FFC0] =	vst v0;
	v0 =	vor.u32 $0x5F, v3  }
0x161: {  	[tilespmem:v1+s19+$0x0] =	vst.idx.msk $0xffff, v63  }
0x162: {  	v1 =	vld.idx.msk [tilespmem:v5+s5+$0x0], $0xffff  }
0x163: {  	v5 =	vld.idx.msk [tilespmem:v2+s28+$0x0], $0xffff;
	_ =	sdelay $0x1  }
0x164: {  	v0 =	vld.idx.msk [tilespmem:v0+s29+$0x0], $0xffff;
	_ =	sdelay $0x2  }
0x165: {  	v1 =	vadd.f32 v5, v1;
	_ =	sdelay $0x1  }
0x166: {  	v0 =	vadd.f32 v0, v1;
	_ =	sdelay $0x1  }
0x167: {  	v61 =	vmax.f32 v0, $0.0e+00;
	v0 =	vld.idx.msk [tilespmem:v35+s20+$0x0], $0xffff;
	_ =	sdelay $0x1  }
0x168: {  	v5 =	vor.u32 $0x20, v4  }
0x169: {  	v1 =	vor.u32 $0x20, v3;
	_ =	sdelay $0x1  }
0x16a: {  	[tilespmem:$0x1FFD0] =	vst v0;
	v0 =	vor.u32 $0x60, v3  }
0x16b: {  	[tilespmem:v2+s19+$0x0] =	vst.idx.msk $0xffff, v61  }
0x16c: {  	v2 =	vld.idx.msk [tilespmem:v5+s5+$0x0], $0xffff  }
0x16d: {  	v5 =	vld.idx.msk [tilespmem:v1+s28+$0x0], $0xffff;
	_ =	sdelay $0x1  }
0x16e: {  	v0 =	vld.idx.msk [tilespmem:v0+s29+$0x0], $0xffff;
	_ =	sdelay $0x2  }
0x16f: {  	v2 =	vadd.f32 v5, v2;
	_ =	sdelay $0x1  }
0x170: {  	v0 =	vadd.f32 v0, v2;
	_ =	sdelay $0x1  }
0x171: {  	v42 =	vmax.f32 v0, $0.0e+00;
	v0 =	vld.idx.msk [tilespmem:v36+s20+$0x0], $0xffff;
	_ =	sdelay $0x1  }
0x172: {  	v5 =	vor.u32 $0x21, v4  }
0x173: {  	v2 =	vor.u32 $0x21, v3;
	_ =	sdelay $0x1  }
0x174: {  	[tilespmem:$0x1FFF0] =	vst v0;
	v0 =	vor.u32 $0x61, v3  }
0x175: {  	[tilespmem:v1+s19+$0x0] =	vst.idx.msk $0xffff, v42  }
0x176: {  	v1 =	vld.idx.msk [tilespmem:v5+s5+$0x0], $0xffff  }
0x177: {  	v5 =	vld.idx.msk [tilespmem:v2+s28+$0x0], $0xffff;
	_ =	sdelay $0x1  }
0x178: {  	v0 =	vld.idx.msk [tilespmem:v0+s29+$0x0], $0xffff;
	_ =	sdelay $0x2  }
0x179: {  	v1 =	vadd.f32 v5, v1  }
0x17a: {  	v5 =	vor.u32 $0x22, v4  }
0x17b: {  	v0 =	vadd.f32 v0, v1;
	v1 =	vor.u32 $0x22, v3;
	_ =	sdelay $0x1  }
0x17c: {  	v40 =	vmax.f32 v0, $0.0e+00;
	v0 =	vor.u32 $0x62, v3  }
0x17d: {  	v60 =	vld.idx.msk [tilespmem:v37+s20+$0x0], $0xffff;
	[tilespmem:v2+s19+$0x0] =	vst.idx.msk $0xffff, v40  }
0x17e: {  	v2 =	vld.idx.msk [tilespmem:v5+s5+$0x0], $0xffff  }
0x17f: {  	v5 =	vld.idx.msk [tilespmem:v1+s28+$0x0], $0xffff;
	_ =	sdelay $0x1  }
0x180: {  	v0 =	vld.idx.msk [tilespmem:v0+s29+$0x0], $0xffff;
	_ =	sdelay $0x2  }
0x181: {  	v2 =	vadd.f32 v5, v2  }
0x182: {  	v5 =	vor.u32 $0x23, v4  }
0x183: {  	v0 =	vadd.f32 v0, v2;
	v2 =	vor.u32 $0x23, v3  }
0x184: {  	[tilespmem:$0x1FC10] =	vst v38  }
0x185: {  	[tilespmem:$0x1FC20] =	vst v59;
	v38 =	vmax.f32 v0, $0.0e+00;
	v0 =	vor.u32 $0x63, v3  }
0x186: {  	v59 =	vld.idx.msk [tilespmem:v39+s20+$0x0], $0xffff;
	[tilespmem:v1+s19+$0x0] =	vst.idx.msk $0xffff, v38  }
0x187: {  	v1 =	vld.idx.msk [tilespmem:v5+s5+$0x0], $0xffff  }
0x188: {  	v5 =	vld.idx.msk [tilespmem:v2+s28+$0x0], $0xffff;
	_ =	sdelay $0x1  }
0x189: {  	v0 =	vld.idx.msk [tilespmem:v0+s29+$0x0], $0xffff;
	_ =	sdelay $0x2  }
0x18a: {  	v1 =	vadd.f32 v5, v1  }
0x18b: {  	v5 =	vor.u32 $0x24, v4  }
0x18c: {  	v0 =	vadd.f32 v0, v1;
	v1 =	vor.u32 $0x24, v3;
	_ =	sdelay $0x1  }
0x18d: {  	v37 =	vmax.f32 v0, $0.0e+00;
	v0 =	vor.u32 $0x64, v3  }
0x18e: {  	v58 =	vld.idx.msk [tilespmem:v41+s20+$0x0], $0xffff;
	[tilespmem:v2+s19+$0x0] =	vst.idx.msk $0xffff, v37  }
0x18f: {  	v2 =	vld.idx.msk [tilespmem:v5+s5+$0x0], $0xffff  }
0x190: {  	v5 =	vld.idx.msk [tilespmem:v1+s28+$0x0], $0xffff;
	_ =	sdelay $0x1  }
0x191: {  	v0 =	vld.idx.msk [tilespmem:v0+s29+$0x0], $0xffff;
	_ =	sdelay $0x2  }
0x192: {  	v2 =	vadd.f32 v5, v2  }
0x193: {  	v5 =	vor.u32 $0x25, v4  }
0x194: {  	v0 =	vadd.f32 v0, v2;
	v2 =	vor.u32 $0x25, v3;
	_ =	sdelay $0x1  }
0x195: {  	v35 =	vmax.f32 v0, $0.0e+00;
	v0 =	vor.u32 $0x65, v3  }
0x196: {  	v57 =	vld.idx.msk [tilespmem:v43+s20+$0x0], $0xffff;
	[tilespmem:v1+s19+$0x0] =	vst.idx.msk $0xffff, v35  }
0x197: {  	v1 =	vld.idx.msk [tilespmem:v5+s5+$0x0], $0xffff  }
0x198: {  	v5 =	vld.idx.msk [tilespmem:v2+s28+$0x0], $0xffff;
	_ =	sdelay $0x1  }
0x199: {  	v0 =	vld.idx.msk [tilespmem:v0+s29+$0x0], $0xffff;
	_ =	sdelay $0x2  }
0x19a: {  	v1 =	vadd.f32 v5, v1  }
0x19b: {  	v5 =	vor.u32 $0x26, v4  }
0x19c: {  	v0 =	vadd.f32 v0, v1;
	v1 =	vor.u32 $0x26, v3;
	_ =	sdelay $0x1  }
0x19d: {  	v34 =	vmax.f32 v0, $0.0e+00;
	v0 =	vor.u32 $0x66, v3  }
0x19e: {  	v56 =	vld.idx.msk [tilespmem:v44+s20+$0x0], $0xffff;
	[tilespmem:v2+s19+$0x0] =	vst.idx.msk $0xffff, v34  }
0x19f: {  	v2 =	vld.idx.msk [tilespmem:v5+s5+$0x0], $0xffff  }
0x1a0: {  	v5 =	vld.idx.msk [tilespmem:v1+s28+$0x0], $0xffff;
	_ =	sdelay $0x1  }
0x1a1: {  	v0 =	vld.idx.msk [tilespmem:v0+s29+$0x0], $0xffff;
	_ =	sdelay $0x2  }
0x1a2: {  	v2 =	vadd.f32 v5, v2  }
0x1a3: {  	v5 =	vor.u32 $0x27, v4  }
0x1a4: {  	v0 =	vadd.f32 v0, v2;
	v2 =	vor.u32 $0x27, v3;
	_ =	sdelay $0x1  }
0x1a5: {  	v32 =	vmax.f32 v0, $0.0e+00;
	v0 =	vor.u32 $0x67, v3  }
0x1a6: {  	v55 =	vld.idx.msk [tilespmem:v45+s20+$0x0], $0xffff;
	[tilespmem:v1+s19+$0x0] =	vst.idx.msk $0xffff, v32  }
0x1a7: {  	v1 =	vld.idx.msk [tilespmem:v5+s5+$0x0], $0xffff  }
0x1a8: {  	v5 =	vld.idx.msk [tilespmem:v2+s28+$0x0], $0xffff;
	_ =	sdelay $0x1  }
0x1a9: {  	v0 =	vld.idx.msk [tilespmem:v0+s29+$0x0], $0xffff;
	_ =	sdelay $0x2  }
0x1aa: {  	v1 =	vadd.f32 v5, v1  }
0x1ab: {  	v5 =	vor.u32 $0x28, v4  }
0x1ac: {  	v0 =	vadd.f32 v0, v1;
	v1 =	vor.u32 $0x28, v3;
	_ =	sdelay $0x1  }
0x1ad: {  	v30 =	vmax.f32 v0, $0.0e+00;
	v0 =	vor.u32 $0x68, v3  }
0x1ae: {  	v54 =	vld.idx.msk [tilespmem:v46+s20+$0x0], $0xffff;
	[tilespmem:v2+s19+$0x0] =	vst.idx.msk $0xffff, v30  }
0x1af: {  	v2 =	vld.idx.msk [tilespmem:v5+s5+$0x0], $0xffff  }
0x1b0: {  	v5 =	vld.idx.msk [tilespmem:v1+s28+$0x0], $0xffff;
	_ =	sdelay $0x1  }
0x1b1: {  	v0 =	vld.idx.msk [tilespmem:v0+s29+$0x0], $0xffff;
	_ =	sdelay $0x2  }
0x1b2: {  	v2 =	vadd.f32 v5, v2  }
0x1b3: {  	v5 =	vor.u32 $0x29, v4  }
0x1b4: {  	v0 =	vadd.f32 v0, v2;
	v2 =	vor.u32 $0x29, v3;
	_ =	sdelay $0x1  }
0x1b5: {  	v28 =	vmax.f32 v0, $0.0e+00;
	v0 =	vor.u32 $0x69, v3  }
0x1b6: {  	v53 =	vld.idx.msk [tilespmem:v47+s20+$0x0], $0xffff;
	[tilespmem:v1+s19+$0x0] =	vst.idx.msk $0xffff, v28  }
0x1b7: {  	v1 =	vld.idx.msk [tilespmem:v5+s5+$0x0], $0xffff  }
0x1b8: {  	v5 =	vld.idx.msk [tilespmem:v2+s28+$0x0], $0xffff;
	_ =	sdelay $0x1  }
0x1b9: {  	v0 =	vld.idx.msk [tilespmem:v0+s29+$0x0], $0xffff;
	_ =	sdelay $0x2  }
0x1ba: {  	v1 =	vadd.f32 v5, v1  }
0x1bb: {  	v5 =	vor.u32 $0x2A, v4  }
0x1bc: {  	v0 =	vadd.f32 v0, v1;
	v1 =	vor.u32 $0x2A, v3;
	_ =	sdelay $0x1  }
0x1bd: {  	v27 =	vmax.f32 v0, $0.0e+00;
	v0 =	vor.u32 $0x6A, v3  }
0x1be: {  	v52 =	vld.idx.msk [tilespmem:v48+s20+$0x0], $0xffff;
	[tilespmem:v2+s19+$0x0] =	vst.idx.msk $0xffff, v27  }
0x1bf: {  	v2 =	vld.idx.msk [tilespmem:v5+s5+$0x0], $0xffff  }
0x1c0: {  	v5 =	vld.idx.msk [tilespmem:v1+s28+$0x0], $0xffff;
	_ =	sdelay $0x1  }
0x1c1: {  	v0 =	vld.idx.msk [tilespmem:v0+s29+$0x0], $0xffff;
	_ =	sdelay $0x2  }
0x1c2: {  	v2 =	vadd.f32 v5, v2  }
0x1c3: {  	v5 =	vor.u32 $0x2B, v4  }
0x1c4: {  	v0 =	vadd.f32 v0, v2;
	v2 =	vor.u32 $0x2B, v3;
	_ =	sdelay $0x1  }
0x1c5: {  	v25 =	vmax.f32 v0, $0.0e+00;
	v0 =	vor.u32 $0x6B, v3  }
0x1c6: {  	v51 =	vld.idx.msk [tilespmem:v49+s20+$0x0], $0xffff;
	[tilespmem:v1+s19+$0x0] =	vst.idx.msk $0xffff, v25  }
0x1c7: {  	v1 =	vld.idx.msk [tilespmem:v5+s5+$0x0], $0xffff  }
0x1c8: {  	v5 =	vld.idx.msk [tilespmem:v2+s28+$0x0], $0xffff;
	_ =	sdelay $0x1  }
0x1c9: {  	v0 =	vld.idx.msk [tilespmem:v0+s29+$0x0], $0xffff;
	_ =	sdelay $0x2  }
0x1ca: {  	v1 =	vadd.f32 v5, v1;
	_ =	sdelay $0x1  }
0x1cb: {  	v0 =	vadd.f32 v0, v1;
	_ =	sdelay $0x1  }
0x1cc: {  	v24 =	vmax.f32 v0, $0.0e+00;
	v0 =	vimm.s32 $0x2A;
	_ =	sdelay $0x1  }
0x1cd: {  	v5 =	vor.u32 $0x2C, v4  }
0x1ce: {  	v1 =	vor.u32 $0x2C, v3;
	_ =	sdelay $0x1  }
0x1cf: {  	v50 =	vld.idx.msk [tilespmem:v0+s20+$0x0], $0xffff;
	v0 =	vor.u32 $0x6C, v3  }
0x1d0: {  	[tilespmem:v2+s19+$0x0] =	vst.idx.msk $0xffff, v24  }
0x1d1: {  	v2 =	vld.idx.msk [tilespmem:v5+s5+$0x0], $0xffff  }
0x1d2: {  	v5 =	vld.idx.msk [tilespmem:v1+s28+$0x0], $0xffff;
	_ =	sdelay $0x1  }
0x1d3: {  	v0 =	vld.idx.msk [tilespmem:v0+s29+$0x0], $0xffff;
	_ =	sdelay $0x2  }
0x1d4: {  	v2 =	vadd.f32 v5, v2;
	_ =	sdelay $0x1  }
0x1d5: {  	v0 =	vadd.f32 v0, v2;
	_ =	sdelay $0x1  }
0x1d6: {  	v23 =	vmax.f32 v0, $0.0e+00;
	v0 =	vimm.s32 $0x2B;
	_ =	sdelay $0x1  }
0x1d7: {  	v5 =	vor.u32 $0x2D, v4  }
0x1d8: {  	v2 =	vor.u32 $0x2D, v3;
	_ =	sdelay $0x1  }
0x1d9: {  	v49 =	vld.idx.msk [tilespmem:v0+s20+$0x0], $0xffff;
	v0 =	vor.u32 $0x6D, v3  }
0x1da: {  	[tilespmem:v1+s19+$0x0] =	vst.idx.msk $0xffff, v23  }
0x1db: {  	v1 =	vld.idx.msk [tilespmem:v5+s5+$0x0], $0xffff  }
0x1dc: {  	v5 =	vld.idx.msk [tilespmem:v2+s28+$0x0], $0xffff;
	_ =	sdelay $0x1  }
0x1dd: {  	v0 =	vld.idx.msk [tilespmem:v0+s29+$0x0], $0xffff;
	_ =	sdelay $0x2  }
0x1de: {  	v1 =	vadd.f32 v5, v1;
	_ =	sdelay $0x1  }
0x1df: {  	v0 =	vadd.f32 v0, v1;
	_ =	sdelay $0x1  }
0x1e0: {  	v22 =	vmax.f32 v0, $0.0e+00;
	v0 =	vimm.s32 $0x2C;
	_ =	sdelay $0x1  }
0x1e1: {  	v5 =	vor.u32 $0x2E, v4  }
0x1e2: {  	v1 =	vor.u32 $0x2E, v3;
	_ =	sdelay $0x1  }
0x1e3: {  	v48 =	vld.idx.msk [tilespmem:v0+s20+$0x0], $0xffff;
	v0 =	vor.u32 $0x6E, v3  }
0x1e4: {  	[tilespmem:v2+s19+$0x0] =	vst.idx.msk $0xffff, v22  }
0x1e5: {  	v2 =	vld.idx.msk [tilespmem:v5+s5+$0x0], $0xffff  }
0x1e6: {  	v5 =	vld.idx.msk [tilespmem:v1+s28+$0x0], $0xffff;
	_ =	sdelay $0x1  }
0x1e7: {  	v0 =	vld.idx.msk [tilespmem:v0+s29+$0x0], $0xffff;
	_ =	sdelay $0x2  }
0x1e8: {  	v2 =	vadd.f32 v5, v2;
	_ =	sdelay $0x1  }
0x1e9: {  	v0 =	vadd.f32 v0, v2;
	_ =	sdelay $0x1  }
0x1ea: {  	v21 =	vmax.f32 v0, $0.0e+00;
	v0 =	vimm.s32 $0x2D;
	_ =	sdelay $0x1  }
0x1eb: {  	v5 =	vor.u32 $0x2F, v4  }
0x1ec: {  	v2 =	vor.u32 $0x2F, v3;
	_ =	sdelay $0x1  }
0x1ed: {  	v47 =	vld.idx.msk [tilespmem:v0+s20+$0x0], $0xffff;
	v0 =	vor.u32 $0x6F, v3  }
0x1ee: {  	[tilespmem:v1+s19+$0x0] =	vst.idx.msk $0xffff, v21  }
0x1ef: {  	v1 =	vld.idx.msk [tilespmem:v5+s5+$0x0], $0xffff  }
0x1f0: {  	v5 =	vld.idx.msk [tilespmem:v2+s28+$0x0], $0xffff;
	_ =	sdelay $0x1  }
0x1f1: {  	v0 =	vld.idx.msk [tilespmem:v0+s29+$0x0], $0xffff;
	_ =	sdelay $0x2  }
0x1f2: {  	v1 =	vadd.f32 v5, v1;
	_ =	sdelay $0x1  }
0x1f3: {  	v0 =	vadd.f32 v0, v1;
	_ =	sdelay $0x1  }
0x1f4: {  	v19 =	vmax.f32 v0, $0.0e+00;
	v0 =	vimm.s32 $0x2E;
	_ =	sdelay $0x1  }
0x1f5: {  	v5 =	vor.u32 $0x30, v4  }
0x1f6: {  	v1 =	vor.u32 $0x30, v3;
	_ =	sdelay $0x1  }
0x1f7: {  	v46 =	vld.idx.msk [tilespmem:v0+s20+$0x0], $0xffff;
	v0 =	vor.u32 $0x70, v3  }
0x1f8: {  	[tilespmem:v2+s19+$0x0] =	vst.idx.msk $0xffff, v19  }
0x1f9: {  	v2 =	vld.idx.msk [tilespmem:v5+s5+$0x0], $0xffff  }
0x1fa: {  	v5 =	vld.idx.msk [tilespmem:v1+s28+$0x0], $0xffff;
	_ =	sdelay $0x1  }
0x1fb: {  	v0 =	vld.idx.msk [tilespmem:v0+s29+$0x0], $0xffff;
	_ =	sdelay $0x2  }
0x1fc: {  	v2 =	vadd.f32 v5, v2;
	_ =	sdelay $0x1  }
0x1fd: {  	v0 =	vadd.f32 v0, v2;
	_ =	sdelay $0x1  }
0x1fe: {  	v18 =	vmax.f32 v0, $0.0e+00;
	v0 =	vimm.s32 $0x2F;
	_ =	sdelay $0x1  }
0x1ff: {  	v5 =	vor.u32 $0x31, v4  }
0x200: {  	v2 =	vor.u32 $0x31, v3;
	_ =	sdelay $0x1  }
0x201: {  	v45 =	vld.idx.msk [tilespmem:v0+s20+$0x0], $0xffff;
	v0 =	vor.u32 $0x71, v3  }
0x202: {  	[tilespmem:v1+s19+$0x0] =	vst.idx.msk $0xffff, v18  }
0x203: {  	v1 =	vld.idx.msk [tilespmem:v5+s5+$0x0], $0xffff  }
0x204: {  	v5 =	vld.idx.msk [tilespmem:v2+s28+$0x0], $0xffff;
	_ =	sdelay $0x1  }
0x205: {  	v0 =	vld.idx.msk [tilespmem:v0+s29+$0x0], $0xffff;
	_ =	sdelay $0x2  }
0x206: {  	v1 =	vadd.f32 v5, v1;
	_ =	sdelay $0x1  }
0x207: {  	v0 =	vadd.f32 v0, v1;
	_ =	sdelay $0x1  }
0x208: {  	v17 =	vmax.f32 v0, $0.0e+00;
	v0 =	vimm.s32 $0x30;
	_ =	sdelay $0x1  }
0x209: {  	v5 =	vor.u32 $0x32, v4  }
0x20a: {  	v1 =	vor.u32 $0x32, v3;
	_ =	sdelay $0x1  }
0x20b: {  	v44 =	vld.idx.msk [tilespmem:v0+s20+$0x0], $0xffff;
	v0 =	vor.u32 $0x72, v3  }
0x20c: {  	[tilespmem:v2+s19+$0x0] =	vst.idx.msk $0xffff, v17  }
0x20d: {  	v2 =	vld.idx.msk [tilespmem:v5+s5+$0x0], $0xffff  }
0x20e: {  	v5 =	vld.idx.msk [tilespmem:v1+s28+$0x0], $0xffff;
	_ =	sdelay $0x1  }
0x20f: {  	v0 =	vld.idx.msk [tilespmem:v0+s29+$0x0], $0xffff;
	_ =	sdelay $0x2  }
0x210: {  	v2 =	vadd.f32 v5, v2;
	_ =	sdelay $0x1  }
0x211: {  	v0 =	vadd.f32 v0, v2;
	_ =	sdelay $0x1  }
0x212: {  	v15 =	vmax.f32 v0, $0.0e+00;
	v0 =	vimm.s32 $0x31;
	_ =	sdelay $0x1  }
0x213: {  	v5 =	vor.u32 $0x33, v4  }
0x214: {  	v2 =	vor.u32 $0x33, v3;
	_ =	sdelay $0x1  }
0x215: {  	v43 =	vld.idx.msk [tilespmem:v0+s20+$0x0], $0xffff;
	v0 =	vor.u32 $0x73, v3  }
0x216: {  	[tilespmem:v1+s19+$0x0] =	vst.idx.msk $0xffff, v15  }
0x217: {  	v1 =	vld.idx.msk [tilespmem:v5+s5+$0x0], $0xffff  }
0x218: {  	v5 =	vld.idx.msk [tilespmem:v2+s28+$0x0], $0xffff;
	_ =	sdelay $0x1  }
0x219: {  	v0 =	vld.idx.msk [tilespmem:v0+s29+$0x0], $0xffff;
	_ =	sdelay $0x2  }
0x21a: {  	v1 =	vadd.f32 v5, v1;
	_ =	sdelay $0x1  }
0x21b: {  	v0 =	vadd.f32 v0, v1;
	_ =	sdelay $0x1  }
0x21c: {  	v14 =	vmax.f32 v0, $0.0e+00;
	v0 =	vimm.s32 $0x32;
	_ =	sdelay $0x1  }
0x21d: {  	v5 =	vor.u32 $0x34, v4  }
0x21e: {  	v1 =	vor.u32 $0x34, v3;
	_ =	sdelay $0x1  }
0x21f: {  	v41 =	vld.idx.msk [tilespmem:v0+s20+$0x0], $0xffff;
	v0 =	vor.u32 $0x74, v3  }
0x220: {  	[tilespmem:v2+s19+$0x0] =	vst.idx.msk $0xffff, v14  }
0x221: {  	v2 =	vld.idx.msk [tilespmem:v5+s5+$0x0], $0xffff  }
0x222: {  	v5 =	vld.idx.msk [tilespmem:v1+s28+$0x0], $0xffff;
	_ =	sdelay $0x1  }
0x223: {  	v0 =	vld.idx.msk [tilespmem:v0+s29+$0x0], $0xffff;
	_ =	sdelay $0x2  }
0x224: {  	v2 =	vadd.f32 v5, v2;
	_ =	sdelay $0x1  }
0x225: {  	v0 =	vadd.f32 v0, v2;
	_ =	sdelay $0x1  }
0x226: {  	v13 =	vmax.f32 v0, $0.0e+00;
	v0 =	vimm.s32 $0x33;
	_ =	sdelay $0x1  }
0x227: {  	v5 =	vor.u32 $0x35, v4  }
0x228: {  	v2 =	vor.u32 $0x35, v3;
	_ =	sdelay $0x1  }
0x229: {  	v39 =	vld.idx.msk [tilespmem:v0+s20+$0x0], $0xffff;
	v0 =	vor.u32 $0x75, v3  }
0x22a: {  	[tilespmem:v1+s19+$0x0] =	vst.idx.msk $0xffff, v13  }
0x22b: {  	v1 =	vld.idx.msk [tilespmem:v5+s5+$0x0], $0xffff  }
0x22c: {  	v5 =	vld.idx.msk [tilespmem:v2+s28+$0x0], $0xffff;
	_ =	sdelay $0x1  }
0x22d: {  	v0 =	vld.idx.msk [tilespmem:v0+s29+$0x0], $0xffff;
	_ =	sdelay $0x2  }
0x22e: {  	v1 =	vadd.f32 v5, v1;
	_ =	sdelay $0x1  }
0x22f: {  	v0 =	vadd.f32 v0, v1;
	_ =	sdelay $0x1  }
0x230: {  	v12 =	vmax.f32 v0, $0.0e+00;
	v0 =	vimm.s32 $0x34;
	_ =	sdelay $0x1  }
0x231: {  	v5 =	vor.u32 $0x36, v4  }
0x232: {  	v1 =	vor.u32 $0x36, v3;
	_ =	sdelay $0x1  }
0x233: {  	v36 =	vld.idx.msk [tilespmem:v0+s20+$0x0], $0xffff;
	v0 =	vor.u32 $0x76, v3  }
0x234: {  	[tilespmem:v2+s19+$0x0] =	vst.idx.msk $0xffff, v12  }
0x235: {  	v2 =	vld.idx.msk [tilespmem:v5+s5+$0x0], $0xffff  }
0x236: {  	v5 =	vld.idx.msk [tilespmem:v1+s28+$0x0], $0xffff;
	_ =	sdelay $0x1  }
0x237: {  	v0 =	vld.idx.msk [tilespmem:v0+s29+$0x0], $0xffff;
	_ =	sdelay $0x2  }
0x238: {  	v2 =	vadd.f32 v5, v2;
	_ =	sdelay $0x1  }
0x239: {  	v0 =	vadd.f32 v0, v2;
	_ =	sdelay $0x1  }
0x23a: {  	v11 =	vmax.f32 v0, $0.0e+00;
	v0 =	vimm.s32 $0x35;
	_ =	sdelay $0x1  }
0x23b: {  	v5 =	vor.u32 $0x37, v4  }
0x23c: {  	v2 =	vor.u32 $0x37, v3;
	_ =	sdelay $0x1  }
0x23d: {  	v33 =	vld.idx.msk [tilespmem:v0+s20+$0x0], $0xffff;
	v0 =	vor.u32 $0x77, v3  }
0x23e: {  	[tilespmem:v1+s19+$0x0] =	vst.idx.msk $0xffff, v11  }
0x23f: {  	v1 =	vld.idx.msk [tilespmem:v5+s5+$0x0], $0xffff  }
0x240: {  	v5 =	vld.idx.msk [tilespmem:v2+s28+$0x0], $0xffff;
	_ =	sdelay $0x1  }
0x241: {  	v0 =	vld.idx.msk [tilespmem:v0+s29+$0x0], $0xffff;
	_ =	sdelay $0x2  }
0x242: {  	v1 =	vadd.f32 v5, v1;
	_ =	sdelay $0x1  }
0x243: {  	v0 =	vadd.f32 v0, v1;
	_ =	sdelay $0x1  }
0x244: {  	v10 =	vmax.f32 v0, $0.0e+00;
	v0 =	vimm.s32 $0x36;
	_ =	sdelay $0x1  }
0x245: {  	v16 =	vor.u32 $0x38, v4  }
0x246: {  	v1 =	vor.u32 $0x38, v3;
	_ =	sdelay $0x1  }
0x247: {  	v31 =	vld.idx.msk [tilespmem:v0+s20+$0x0], $0xffff;
	v0 =	vor.u32 $0x78, v3  }
0x248: {  	[tilespmem:v2+s19+$0x0] =	vst.idx.msk $0xffff, v10  }
0x249: {  	v2 =	vld.idx.msk [tilespmem:v16+s5+$0x0], $0xffff  }
0x24a: {  	v16 =	vld.idx.msk [tilespmem:v1+s28+$0x0], $0xffff;
	_ =	sdelay $0x1  }
0x24b: {  	v0 =	vld.idx.msk [tilespmem:v0+s29+$0x0], $0xffff;
	_ =	sdelay $0x2  }
0x24c: {  	v2 =	vadd.f32 v16, v2;
	_ =	sdelay $0x1  }
0x24d: {  	v0 =	vadd.f32 v0, v2;
	_ =	sdelay $0x1  }
0x24e: {  	[tilespmem:$0x1FC60] =	vst v9;
	v9 =	vmax.f32 v0, $0.0e+00;
	v0 =	vimm.s32 $0x37;
	_ =	sdelay $0x1  }
0x24f: {  	v20 =	vor.u32 $0x39, v4  }
0x250: {  	v16 =	vor.u32 $0x39, v3;
	_ =	sdelay $0x1  }
0x251: {  	v29 =	vld.idx.msk [tilespmem:v0+s20+$0x0], $0xffff;
	v0 =	vor.u32 $0x79, v3  }
0x252: {  	[tilespmem:v1+s19+$0x0] =	vst.idx.msk $0xffff, v9  }
0x253: {  	v1 =	vld.idx.msk [tilespmem:v20+s5+$0x0], $0xffff  }
0x254: {  	v20 =	vld.idx.msk [tilespmem:v16+s28+$0x0], $0xffff;
	_ =	sdelay $0x1  }
0x255: {  	v0 =	vld.idx.msk [tilespmem:v0+s29+$0x0], $0xffff;
	_ =	sdelay $0x2  }
0x256: {  	v1 =	vadd.f32 v20, v1;
	_ =	sdelay $0x1  }
0x257: {  	v0 =	vadd.f32 v0, v1;
	_ =	sdelay $0x1  }
0x258: {  	v8 =	vmax.f32 v0, $0.0e+00;
	v0 =	vimm.s32 $0x38;
	_ =	sdelay $0x3  }
0x259: {  	[tilespmem:$0x1FFB0] =	vst v6;
	v6 =	vld [tilespmem:$0x1FC10]  }
0x25a: {  	v26 =	vld.idx.msk [tilespmem:v0+s20+$0x0], $0xffff  }
0x25b: {  	v1 =	vor.u32 $0x7A, v3;
	v0 =	vld [tilespmem:$0x1FC00];
	_ =	sdelay $0x2  }
0x25c: {  	[tilespmem:$0x1FCC0] =	vst v7  }
0x25d: {  	v7 =	vld [tilespmem:$0x1FC30];
	[tilespmem:v16+s19+$0x0] =	vst.idx.msk $0xffff, v8  }
0x25e: {  	v0 =	vmul.f32 v6, v0;
	v6 =	vld.idx.msk [tilespmem:v1+s29+$0x0], $0xffff  }
0x25f: {  	v1 =	vld [tilespmem:$0x1FC20];
	_ =	sdelay $0x3  }
0x260: {  	v2 =	vor.u32 $0x3A, v4  }
0x261: {  	v5 =	vor.u32 $0x3A, v3;
	v0 =	vadd.f32 $0.0e+00, v0;
	v1 =	vmul.f32 v7, v1  }
0x262: {  	v7 =	vld [tilespmem:$0x1FC50]  }
0x263: {  	v0 =	vadd.f32 v1, v0;
	v1 =	vld [tilespmem:$0x1FC40];
	_ =	sdelay $0x1  }
0x264: {  	v2 =	vld.idx.msk [tilespmem:v2+s5+$0x0], $0xffff  }
0x265: {  	v16 =	vld.idx.msk [tilespmem:v5+s28+$0x0], $0xffff;
	_ =	sdelay $0x1  }
0x266: {  	v1 =	vmul.f32 v7, v1  }
0x267: {  	v7 =	vld [tilespmem:$0x1FC70]  }
0x268: {  	v1 =	vadd.f32 v1, v0;
	v0 =	vld [tilespmem:$0x1FC60]  }
0x269: {  	v2 =	vadd.f32 v16, v2;
	_ =	sdelay $0x1  }
0x26a: {  	v2 =	vadd.f32 v6, v2;
	_ =	sdelay $0x1  }
0x26b: {  	v0 =	vmul.f32 v7, v0;
	v7 =	vmax.f32 v2, $0.0e+00;
	v2 =	vimm.s32 $0x39;
	_ =	sdelay $0x3  }
0x26c: {  	v0 =	vadd.f32 v0, v1;
	v1 =	vld [tilespmem:$0x1FC80]  }
0x26d: {  	v20 =	vld.idx.msk [tilespmem:v2+s20+$0x0], $0xffff  }
0x26e: {  	[tilespmem:v5+s19+$0x0] =	vst.idx.msk $0xffff, v7;
	v5 =	vld [tilespmem:$0x1FC90];
	_ =	sdelay $0x4  }
0x26f: {  	v1 =	vmul.f32 v5, v1  }
0x270: {  	v62 =	vld [tilespmem:$0x1FCB0]  }
0x271: {  	v0 =	vadd.f32 v1, v0;
	v1 =	vld [tilespmem:$0x1FCA0];
	_ =	sdelay $0x4  }
0x272: {  	v1 =	vmul.f32 v62, v1  }
0x273: {  	v42 =	vmul.f32 v60, v42;
	v60 =	vld [tilespmem:$0x1FCD0];
	v16 =	vor.u32 $0x3B, v4  }
0x274: {  	v6 =	vor.u32 $0x3B, v3;
	v0 =	vadd.f32 v1, v0;
	v1 =	vld [tilespmem:$0x1FCC0];
	_ =	sdelay $0x2  }
0x275: {  	v2 =	vor.u32 $0x7B, v3  }
0x276: {  	v5 =	vld.idx.msk [tilespmem:v16+s5+$0x0], $0xffff  }
0x277: {  	v16 =	vld.idx.msk [tilespmem:v6+s28+$0x0], $0xffff;
	v1 =	vmul.f32 v60, v1  }
0x278: {  	v60 =	vld [tilespmem:$0x1FCF0]  }
0x279: {  	v0 =	vadd.f32 v1, v0;
	v1 =	vld [tilespmem:$0x1FCE0]  }
0x27a: {  	v2 =	vld.idx.msk [tilespmem:v2+s29+$0x0], $0xffff;
	_ =	sdelay $0x1  }
0x27b: {  	v42 =	vadd.f32 $0.0e+00, v42;
	v40 =	vmul.f32 v59, v40;
	v62 =	vimm.s32 $0x3A  }
0x27c: {  	v5 =	vadd.f32 v16, v5  }
0x27d: {  	v38 =	vmul.f32 v58, v38;
	v58 =	vld [tilespmem:$0x1FD10];
	v16 =	vadd.f32 v40, v42;
	v1 =	vmul.f32 v60, v1  }
0x27e: {  	v2 =	vadd.f32 v2, v5;
	v60 =	vld [tilespmem:$0x1FD30]  }
0x27f: {  	v0 =	vadd.f32 v1, v0;
	v1 =	vadd.f32 v38, v16;
	v16 =	vmul.f32 v57, v37;
	v57 =	vld [tilespmem:$0x1FD00]  }
0x280: {  	v2 =	vmax.f32 v2, $0.0e+00;
	v38 =	vld.idx.msk [tilespmem:v62+s20+$0x0], $0xffff  }
0x281: {  	[tilespmem:v6+s19+$0x0] =	vst.idx.msk $0xffff, v2;
	v6 =	vld [tilespmem:$0x1FD20];
	_ =	sdelay $0x2  }
0x282: {  	v37 =	vmul.f32 v58, v57;
	_ =	sdelay $0x1  }
0x283: {  	v6 =	vmul.f32 v60, v6;
	v0 =	vadd.f32 v37, v0  }
0x284: {  	v58 =	vld [tilespmem:$0x1FD50]  }
0x285: {  	v0 =	vadd.f32 v6, v0;
	v6 =	vld [tilespmem:$0x1FD40];
	_ =	sdelay $0x4  }
0x286: {  	v6 =	vmul.f32 v58, v6  }
0x287: {  	v60 =	vld [tilespmem:$0x1FD70]  }
0x288: {  	v1 =	vadd.f32 v16, v1;
	v16 =	vmul.f32 v56, v35;
	v0 =	vadd.f32 v6, v0;
	v6 =	vld [tilespmem:$0x1FD60];
	_ =	sdelay $0x1  }
0x289: {  	v1 =	vadd.f32 v16, v1;
	v16 =	vmul.f32 v55, v34;
	_ =	sdelay $0x1  }
0x28a: {  	v40 =	vor.u32 $0x3C, v4;
	v1 =	vadd.f32 v16, v1;
	v16 =	vmul.f32 v54, v32  }
0x28b: {  	v5 =	vor.u32 $0x3C, v3;
	v6 =	vmul.f32 v60, v6  }
0x28c: {  	v1 =	vadd.f32 v16, v1;
	v16 =	vmul.f32 v53, v30;
	v30 =	vld [tilespmem:$0x1FD90]  }
0x28d: {  	v59 =	vor.u32 $0x7C, v3;
	v0 =	vadd.f32 v6, v0;
	v6 =	vld [tilespmem:$0x1FD80];
	_ =	sdelay $0x1  }
0x28e: {  	v62 =	vld.idx.msk [tilespmem:v40+s5+$0x0], $0xffff  }
0x28f: {  	v57 =	vld.idx.msk [tilespmem:v5+s28+$0x0], $0xffff  }
0x290: {  	v1 =	vadd.f32 v16, v1;
	v16 =	vmul.f32 v52, v28  }
0x291: {  	v59 =	vld.idx.msk [tilespmem:v59+s29+$0x0], $0xffff;
	v6 =	vmul.f32 v30, v6  }
0x292: {  	v1 =	vadd.f32 v16, v1;
	v16 =	vld [tilespmem:$0x1FDA0]  }
0x293: {  	v40 =	vimm.s32 $0x3B;
	v0 =	vadd.f32 v6, v0;
	v6 =	vmul.f32 v51, v27;
	v27 =	vld [tilespmem:$0x1FDB0]  }
0x294: {  	v30 =	vadd.f32 v57, v62;
	_ =	sdelay $0x1  }
0x295: {  	v30 =	vadd.f32 v59, v30;
	_ =	sdelay $0x1  }
0x296: {  	v16 =	vmul.f32 v27, v16;
	v27 =	vmax.f32 v30, $0.0e+00;
	v30 =	vld.idx.msk [tilespmem:v40+s20+$0x0], $0xffff  }
0x297: {  	[tilespmem:v5+s19+$0x0] =	vst.idx.msk $0xffff, v27;
	v5 =	vld [tilespmem:$0x1FDC0]  }
0x298: {  	v0 =	vadd.f32 v16, v0;
	v16 =	vld [tilespmem:$0x1FDD0];
	_ =	sdelay $0x4  }
0x299: {  	v5 =	vmul.f32 v16, v5  }
0x29a: {  	v54 =	vld [tilespmem:$0x1FDF0]  }
0x29b: {  	v0 =	vadd.f32 v5, v0;
	v5 =	vld [tilespmem:$0x1FDE0];
	_ =	sdelay $0x4  }
0x29c: {  	v5 =	vmul.f32 v54, v5  }
0x29d: {  	v55 =	vld [tilespmem:$0x1FE10]  }
0x29e: {  	v1 =	vadd.f32 v6, v1;
	v6 =	vmul.f32 v50, v25;
	v0 =	vadd.f32 v5, v0;
	v5 =	vld [tilespmem:$0x1FE00];
	_ =	sdelay $0x1  }
0x29f: {  	v1 =	vadd.f32 v6, v1;
	v6 =	vmul.f32 v49, v24;
	_ =	sdelay $0x1  }
0x2a0: {  	v1 =	vadd.f32 v6, v1;
	v6 =	vmul.f32 v48, v23  }
0x2a1: {  	v5 =	vmul.f32 v55, v5  }
0x2a2: {  	v1 =	vadd.f32 v6, v1;
	v6 =	vmul.f32 v47, v22;
	v22 =	vld [tilespmem:$0x1FE30]  }
0x2a3: {  	v0 =	vadd.f32 v5, v0;
	v5 =	vld [tilespmem:$0x1FE20];
	_ =	sdelay $0x3  }
0x2a4: {  	v1 =	vadd.f32 v6, v1;
	v6 =	vmul.f32 v46, v21  }
0x2a5: {  	v5 =	vmul.f32 v22, v5  }
0x2a6: {  	v1 =	vadd.f32 v6, v1;
	v6 =	vld [tilespmem:$0x1FE40]  }
0x2a7: {  	v0 =	vadd.f32 v5, v0;
	v5 =	vmul.f32 v45, v19;
	v19 =	vld [tilespmem:$0x1FE50];
	_ =	sdelay $0x4  }
0x2a8: {  	v6 =	vmul.f32 v19, v6  }
0x2a9: {  	v1 =	vadd.f32 v5, v1;
	v5 =	vmul.f32 v44, v18;
	v18 =	vld [tilespmem:$0x1FE70]  }
0x2aa: {  	v0 =	vadd.f32 v6, v0;
	v6 =	vld [tilespmem:$0x1FE60];
	_ =	sdelay $0x4  }
0x2ab: {  	v6 =	vmul.f32 v18, v6  }
0x2ac: {  	v57 =	vld [tilespmem:$0x1FE90]  }
0x2ad: {  	v0 =	vadd.f32 v6, v0;
	v6 =	vld [tilespmem:$0x1FE80];
	_ =	sdelay $0x4  }
0x2ae: {  	v6 =	vmul.f32 v57, v6  }
0x2af: {  	v58 =	vld [tilespmem:$0x1FEB0]  }
0x2b0: {  	v0 =	vadd.f32 v6, v0;
	v6 =	vld [tilespmem:$0x1FEA0];
	_ =	sdelay $0x1  }
0x2b1: {  	v1 =	vadd.f32 v5, v1;
	v5 =	vmul.f32 v43, v17;
	_ =	sdelay $0x1  }
0x2b2: {  	v1 =	vadd.f32 v5, v1;
	v5 =	vmul.f32 v41, v15  }
0x2b3: {  	v6 =	vmul.f32 v58, v6  }
0x2b4: {  	v1 =	vadd.f32 v5, v1;
	v5 =	vmul.f32 v39, v14;
	v14 =	vld [tilespmem:$0x1FED0]  }
0x2b5: {  	v0 =	vadd.f32 v6, v0;
	v6 =	vld [tilespmem:$0x1FEC0];
	_ =	sdelay $0x3  }
0x2b6: {  	v1 =	vadd.f32 v5, v1;
	v5 =	vmul.f32 v36, v13  }
0x2b7: {  	v6 =	vmul.f32 v14, v6  }
0x2b8: {  	v1 =	vadd.f32 v5, v1;
	v5 =	vmul.f32 v33, v12;
	v12 =	vld [tilespmem:$0x1FEF0]  }
0x2b9: {  	v0 =	vadd.f32 v6, v0;
	v6 =	vld [tilespmem:$0x1FEE0];
	_ =	sdelay $0x4  }
0x2ba: {  	v6 =	vmul.f32 v12, v6  }
0x2bb: {  	v59 =	vld [tilespmem:$0x1FF10]  }
0x2bc: {  	v0 =	vadd.f32 v6, v0;
	v6 =	vld [tilespmem:$0x1FF00];
	_ =	sdelay $0x4  }
0x2bd: {  	v6 =	vmul.f32 v59, v6  }
0x2be: {  	v60 =	vld [tilespmem:$0x1FF30];
	v62 =	vor.u32 $0x3D, v3  }
0x2bf: {  	v28 =	vor.u32 $0x3D, v4;
	v0 =	vadd.f32 v6, v0;
	v6 =	vld [tilespmem:$0x1FF20];
	_ =	sdelay $0x1  }
0x2c0: {  	v1 =	vadd.f32 v5, v1;
	v5 =	vmul.f32 v31, v11;
	_ =	sdelay $0x1  }
0x2c1: {  	v53 =	vor.u32 $0x7D, v3;
	v24 =	vld.idx.msk [tilespmem:v62+s28+$0x0], $0xffff;
	v1 =	vadd.f32 v5, v1;
	v5 =	vmul.f32 v29, v10  }
0x2c2: {  	v16 =	vld.idx.msk [tilespmem:v28+s5+$0x0], $0xffff;
	v6 =	vmul.f32 v60, v6  }
0x2c3: {  	v1 =	vadd.f32 v5, v1;
	v5 =	vmul.f32 v26, v9;
	v9 =	vld [tilespmem:$0x1FF50]  }
0x2c4: {  	v0 =	vadd.f32 v6, v0;
	v6 =	vld [tilespmem:$0x1FF40];
	_ =	sdelay $0x1  }
0x2c5: {  	v23 =	vld.idx.msk [tilespmem:v53+s29+$0x0], $0xffff;
	_ =	sdelay $0x2  }
0x2c6: {  	v52 =	vimm.s32 $0x3C;
	v16 =	vadd.f32 v24, v16;
	v6 =	vmul.f32 v9, v6  }
0x2c7: {  	v22 =	vor.u32 $0x3E, v3;
	v1 =	vadd.f32 v5, v1;
	v5 =	vmul.f32 v20, v8;
	v8 =	vld [tilespmem:$0x1FF70]  }
0x2c8: {  	v21 =	vor.u32 $0x3E, v4;
	v16 =	vadd.f32 v23, v16;
	v0 =	vadd.f32 v6, v0;
	v6 =	vld [tilespmem:$0x1FF60];
	_ =	sdelay $0x1  }
0x2c9: {  	v16 =	vmax.f32 v16, $0.0e+00  }
0x2ca: {  	v23 =	vor.u32 $0x7E, v3;
	v19 =	vld.idx.msk [tilespmem:v52+s20+$0x0], $0xffff;
	[tilespmem:v62+s19+$0x0] =	vst.idx.msk $0xffff, v16  }
0x2cb: {  	v17 =	vld.idx.msk [tilespmem:v22+s28+$0x0], $0xffff;
	v1 =	vadd.f32 v5, v1;
	v5 =	vmul.f32 v38, v7  }
0x2cc: {  	v18 =	vld.idx.msk [tilespmem:v21+s5+$0x0], $0xffff;
	v6 =	vmul.f32 v8, v6  }
0x2cd: {  	v1 =	vadd.f32 v5, v1;
	v5 =	vld [tilespmem:$0x1FF90]  }
0x2ce: {  	v0 =	vadd.f32 v6, v0;
	v6 =	vld [tilespmem:$0x1FFA0]  }
0x2cf: {  	v15 =	vld.idx.msk [tilespmem:v23+s29+$0x0], $0xffff;
	_ =	sdelay $0x2  }
0x2d0: {  	v56 =	vimm.s32 $0x3D;
	v14 =	vadd.f32 v17, v18  }
0x2d1: {  	v4 =	vor.u32 $0x3F, v4;
	v5 =	vmul.f32 v6, v5  }
0x2d2: {  	v62 =	vld [tilespmem:$0x1FFC0];
	v13 =	vadd.f32 v15, v14;
	v14 =	vor.u32 $0x3F, v3  }
0x2d3: {  	v0 =	vadd.f32 v5, v0;
	v5 =	vld [tilespmem:$0x1FFB0]  }
0x2d4: {  	v3 =	vor.u32 $0x7F, v3;
	v13 =	vmax.f32 v13, $0.0e+00  }
0x2d5: {  	v12 =	vld.idx.msk [tilespmem:v56+s20+$0x0], $0xffff;
	[tilespmem:v22+s19+$0x0] =	vst.idx.msk $0xffff, v13  }
0x2d6: {  	v4 =	vld.idx.msk [tilespmem:v4+s5+$0x0], $0xffff  }
0x2d7: {  	v10 =	vld.idx.msk [tilespmem:v14+s28+$0x0], $0xffff  }
0x2d8: {  	v5 =	vmul.f32 v62, v5  }
0x2d9: {  	v3 =	vld.idx.msk [tilespmem:v3+s29+$0x0], $0xffff  }
0x2da: {  	v0 =	vadd.f32 v5, v0;
	v5 =	vld [tilespmem:$0x1FFD0]  }
0x2db: {  	v35 =	vimm.s32 $0x1E;
	v34 =	vimm.s32 $0x1D  }
0x2dc: {  	v32 =	vimm.s32 $0x1B;
	v37 =	vimm.s32 $0x20;
	v4 =	vadd.f32 v10, v4  }
0x2dd: {  	v25 =	vimm.s32 $0x14;
	v49 =	vimm.s32 $0x29;
	v48 =	vimm.s32 $0x28  }
0x2de: {  	v47 =	vimm.s32 $0x27;
	v7 =	vimm.s32 $0x3E;
	v3 =	vadd.f32 v3, v4;
	v4 =	vld [tilespmem:$0x1FF80]  }
0x2df: {  	v46 =	vimm.s32 $0x26;
	v2 =	vmul.f32 v30, v2;
	v5 =	vmul.f32 v5, v63;
	v63 =	vld [tilespmem:$0x1FFE0]  }
0x2e0: {  	v30 =	vimm.s32 $0x19;
	v28 =	vimm.s32 $0x17;
	v8 =	vimm.s32 $0x3F  }
0x2e1: {  	v24 =	vimm.s32 $0x13;
	v45 =	vimm.s32 $0x25;
	v44 =	vimm.s32 $0x24  }
0x2e2: {  	v43 =	vimm.s32 $0x23;
	v41 =	vimm.s32 $0x22;
	v23 =	vimm.s32 $0x12  }
0x2e3: {  	v1 =	vadd.f32 v2, v1;
	v3 =	vmax.f32 v3, $0.0e+00;
	v4 =	vshll.u32 v4, $0x3;
	v6 =	vld.idx.msk [tilespmem:v7+s20+$0x0], $0xffff  }
0x2e4: {  	v2 =	vmul.f32 v19, v27;
	[tilespmem:v14+s19+$0x0] =	vst.idx.msk $0xffff, v3;
	v7 =	vor.u32 $0x1, v4;
	v0 =	vadd.f32 v5, v0;
	v5 =	vld [tilespmem:$0x1FFF0]  }
0x2e5: {  	v39 =	vimm.s32 $0x21;
	v36 =	vimm.s32 $0x1F;
	v21 =	vimm.s32 $0x10;
	v8 =	vld.idx.msk [tilespmem:v8+s20+$0x0], $0xffff  }
0x2e6: {  	v1 =	vadd.f32 v2, v1;
	v2 =	vmul.f32 v12, v16;
	v9 =	vimm.f32 $1.000000000e+00  }
0x2e7: {  	v33 =	vimm.s32 $0x1C;
	v31 =	vimm.s32 $0x1A;
	v11 =	vimm.s32 $0x4;
	[tilespmem:v63+s19+$0x0] =	vst.idx.msk $0xffff, v9  }
0x2e8: {  	v29 =	vimm.s32 $0x18;
	v1 =	vadd.f32 v2, v1;
	v2 =	vmul.f32 v6, v13;
	v6 =	vld.idx.msk [tilespmem:v4+s21+$0x0], $0xffff  }
0x2e9: {  	v26 =	vimm.s32 $0x15;
	v20 =	vimm.s32 $0xF;
	v5 =	vmul.f32 v5, v61;
	v9 =	vld.idx.msk [tilespmem:v7+s21+$0x0], $0xffff  }
0x2ea: {  	v27 =	vimm.s32 $0x16;
	v1 =	vadd.f32 v2, v1;
	v2 =	vmul.f32 v8, v3  }
0x2eb: {  	v19 =	vimm.s32 $0xE;
	v18 =	vimm.s32 $0xD;
	v0 =	vadd.f32 v5, v0  }
0x2ec: {  	p0 =	sne.s32 s2, $0x40;
	v17 =	vimm.s32 $0xC;
	v15 =	vimm.s32 $0xA;
	v1 =	vadd.f32 v2, v1  }
.Ltmp0:
0x2ed: {  	v22 =	vimm.s32 $0x11;
	v16 =	vimm.s32 $0xB;
	v0 =	vadd.f32 v6, v0;
	(pc) =	sbr.rel @p0 .LBB2_3-.Ltmp0, $4  }
0x2ee: {  	v12 =	vimm.s32 $0x5;
	v10 =	vimm.s32 $0x2;
	v1 =	vadd.f32 v9, v1  }
0x2ef: {  	v14 =	vimm.s32 $0x9;
	v13 =	vimm.s32 $0x8;
	v0 =	vmax.f32 v0, $0.0e+00  }
0x2f0: {  	v8 =	vimm.s32 $0x7;
	v6 =	vimm.s32 $0x6;
	[tilespmem:v4+s31+$0x0] =	vst.idx.msk $0xffff, v0;
	v0 =	vmax.f32 v1, $0.0e+00  }
0x2f1: {  	s2 =	sadd.s32 $0x10, s2;
	v9 =	vimm.s32 $0x1;
	[tilespmem:v7+s31+$0x0] =	vst.idx.msk $0xffff, v0;
	v7 =	vimm.s32 $0x3;
	v0 =	vlaneseq.u32  }
0x2f2: {  	[spmem:s4] =	stream.indirect.scatter.add.f32 [tilespmem:s19], [sflag:$0x3], $0x80, s23, s26, $0xb8;
	[tilespmem:$0x1CF00] =	vst v63  }
0x2f3: {  	_ =	swait.ge [sflag:s18], $0x2800  }
0x2f4: {  	[sflag:s18] =	ssyncset.done $0x0  }
0x2f5: {  	[sflag:s18] =	ssyncadd.s32 $0xFFFFD800  }
0x2f6: {  	[spmem:s4] =	stream.indirect.scatter.add.f32 [tilespmem:s19], [sflag:$0x3], $0x80, s24, s26, $0xb8;
	[tilespmem:$0x1CF00] =	vst v63  }
0x2f7: {  	s6 =	sadd.s32 $0x1, s6;
	_ =	swait.ge [sflag:s18], $0x2800  }
0x2f8: {  	p0 =	sne.s32 s6, $0x7D;
	[sflag:s18] =	ssyncset.done $0x0  }
.Ltmp1:
0x2f9: {  	s1 =	sadd.s32 s12, s1;
	[sflag:s18] =	ssyncadd.s32 $0xFFFFD800;
	(pc) =	sbr.rel @p0 .LBB2_2-.Ltmp1, $4  }
0x2fa: {  	[hbm4b:s1+s5] =	stream.linear.scatter [tilespmem:s31], [sflag:$0x3], $0x280, $0x38;
	[tilespmem:$0x1CF00] =	vst v63  }
0x2fb: {  	_ =	swait.ge [sflag:s18], $0x280  }
0x2fc: {  	[sflag:s18] =	ssyncset.done $0x0  }
0x2fd: {  	[sflag:s18] =	ssyncadd.s32 $0xFFFFFD80  }
0x2fe: {  	[bflag:$0x0] =	sbarrier.arrive $0xFFFF  }
0x2ff: {  	s1 =	rddreg [dreg:$0x6]  }
0x300: {  	[hbm:s1], [sflag:s13] =	dma.local [spmem:s17], $0x2780  }
0x301: {  	_ =	swait.ge [sflag:s18], $0x2780  }
0x302: {  	s3 =	sadd.s32 $0x1, s3;
	s16 =	rddreg [dreg:$0x7]  }
0x303: {  	p0 =	sne.s32 s3, s16  }
.Ltmp2:
0x304: {  	_ = 	snop;
	(pc) =	sbr.rel @p0 .LBB2_1-.Ltmp2, $3  }
0x305: {  	_ =	sdelay $0x1  }
0x306: {  	[sflag:s18] =	ssyncset.done $0x0  }
0x307: {  	[sflag:s18] =	ssyncadd.s32 $0xFFFFD880  }
0x308: {  	_ =	sfence.sel $0x180000  }
0x309: {  	[bflag:$0x0] =	sbarrier.arrive $0xFFFF  }
0x30a: {  	_ =	strace $0x90000047  }
0x30b: {  	s0 =	stileid.u32;
	[bflag:$0x2] =	sbarrier.arrive $0xFFFF  }
0x30c: {  	p0 =	sne.s32 s0, $0x0;
	s0 =	rddreg [dreg:$0x5]  }
0x30d: {  	s0 =	sadd.s32 @!p0 $0x100000, s0  }
0x30e: {  	[sflag:s0] =	ssyncadd.tile.s32 @!p0 $0x1;
	_ =	shalt  }
.Lfunc_end2:
_tile_overlayer_lowered:
.L_overlay_start_2:
0x30f: {  	(tag) =	ssettag $0x2  }
0x310: {  	s0 =	rddreg [dreg:$0x0];
	s2 =	stileid.u32  }
0x311: {  	s1 =	rddreg [dreg:$0x1];
	p0 =	sne.s32 s2, $0x0  }
0x312: {  	s3 =	rddreg [dreg:$0x2];
	[bflag:$0x3] =	sbarrier.arrive $0xFFFF;
	s2 =	simm.s32 @!p0 $0x1C03  }
0x313: {  	[timem:s3], [sflag:s2] =	dma.local @!p0 [hbm:s0], s1  }
0x314: {  	s0 =	simm.s32 @!p0 $0x3  }
0x315: {  	_ =	swait.ge @!p0 [sflag:s0], s1  }
0x316: {  	s1 =	ssub.s32 @!p0 $0x0, s1;
	[sflag:s0] =	ssyncset.done @!p0 $0x0  }
0x317: {  	[sflag:s0] =	ssyncadd.s32 @!p0 s1  }
0x318: {  	[bflag:$0x3] =	sbarrier.arrive $0xFFFF  }
0x319: {  	_ =	shalt  }

// kernel: kernel.13.cloned.1.call-start
scs
__scs_entry_jumppad:
0x0: {  	(pc) =	sbr.rel $0x88, $3  }
0x1: {  	(tag) =	ssettag $0x0;
	lr =	simm.s32 $0x1  }
0x2: {  	[smem:$0x3F71] =	sst lr;
	_ =	strace $0xD0000000  }
0x3: {  	_ = 	snop  }
0x4: {  	_ = 	snop  }
0x5: {  	_ = 	snop  }
0x6: {  	_ = 	snop  }
0x7: {  	_ = 	snop  }
__scs_overlays_trampoline_lowered:
0x8: {  	[smem:$0x3F80] =	sst s0  }
0x9: {  	[smem:$0x3F81] =	sst s1  }
0xa: {  	[smem:$0x3F82] =	sst s2  }
0xb: {  	[smem:$0x3F83] =	sst s3  }
0xc: {  	[smem:$0x3F84] =	sst s4  }
0xd: {  	[smem:$0x3F85] =	sst s5  }
0xe: {  	[smem:$0x3F86] =	sst s6  }
0xf: {  	[smem:$0x3F87] =	sst s7  }
0x10: {  	[smem:$0x3F88] =	sst s8  }
0x11: {  	[smem:$0x3F89] =	sst s9;
	s0 =	simm.s32 @!p0 $0x0  }
0x12: {  	s1 =	sld [smem:$0x3F6F];
	s0 =	simm.s32 @p0 $0x1  }
0x13: {  	[smem:$0x3F8A] =	sst s0;
	s0 =	simm.s32 @!p1 $0x0  }
0x14: {  	s2 =	sld [smem:$0x3F6E];
	s0 =	simm.s32 @p1 $0x1  }
0x15: {  	[smem:$0x3F8B] =	sst s0;
	s0 =	simm.s32 @!p2 $0x0  }
0x16: {  	s3 =	sld [smem:$0x3FDB];
	s0 =	simm.s32 @p2 $0x1  }
0x17: {  	s4 =	simm.s32 $0x1BF5;
	[smem:$0x3F8D] =	sst s0  }
0x18: {  	s0 =	sld [smem:$0x3F70];
	_ =	swait.ge [sflag:s4], $0x0  }
0x19: {  	s7 =	sld [smem:$0x3F71]  }
0x1a: {  	s8 =	sadd.s32 $0xFFFFE003, lr  }
0x1b: {  	s9 =	sadd.s32 $0xFFFFFEF7, lr;
	s5 =	simm.s32 $0xFFFFFFFF;
	p2 =	slt.u32 s8, $0xFFFFF086  }
0x1c: {  	p1 =	slt.u32 s9, $0xF7A;
	s5 =	simm.s32 @!p2 $0x0  }
0x1d: {  	s5 =	simm.s32 @p1 $0x1;
	p0 =	seq.s32 s7, s2  }
0x1e: {  	s7 =	smul.u32 @!p0 $0xF7A, s2;
	p2 =	seq.s32 @!p0 s5, $0x0  }
0x1f: {  	s9 =	smul.u32 $0xF7A, s1;
	s8 =	simm.s32 @!p0 $0x1BF5;
	p2 =	por !p2, p0  }
0x20: {  	[sflag:s8] =	ssyncset.s32 @!p0 $0xFFFFF086;
	s6 =	sadd.s32 @!p0 s3, s7;
	s7 =	simm.s32 @!p0 $0x108  }
0x21: {  	s3 =	sadd.s32 s3, s9;
	s6 =	sadd.s32 @!p0 $0x88, s6;
	s7 =	simm.s32 @p2 $0x1082  }
0x22: {  	[simem:s7], [sflag:s8] =	dma.local @!p0 [hbm:s6], $0xF7A  }
0x23: {  	s9 =	sor.u32 $0xD0000000, s2;
	s6 =	simm.s32 $0x108;
	_ =	swait.ge @!p0 [sflag:s8], $0x0  }
0x24: {  	s3 =	sadd.s32 $0x88, s3;
	s6 =	simm.s32 @!p1 $0x1082;
	[sflag:s4] =	ssyncset.s32 $0xFFFFF086  }
0x25: {  	[simem:s6], [sflag:s4] =	dma.local [hbm:s3], $0xF7A  }
0x26: {  	[smem:$0x3F71] =	sst s1;
	(tag) =	ssettag s2;
	_ =	strace s9  }
0x27: {  	s1 =	sld [smem:$0x3F81]  }
0x28: {  	s2 =	sld [smem:$0x3F82]  }
0x29: {  	s4 =	sld [smem:$0x3F84]  }
0x2a: {  	p0 =	seq.s32 s5, $0x0;
	s5 =	sld [smem:$0x3F85]  }
0x2b: {  	s6 =	sld [smem:$0x3F86]  }
0x2c: {  	s7 =	sld [smem:$0x3F87]  }
0x2d: {  	s3 =	simm.s32 $0x108;
	s8 =	sld [smem:$0x3F88]  }
0x2e: {  	s3 =	simm.s32 @!p0 $0x1082;
	s9 =	sld [smem:$0x3F89]  }
0x2f: {  	lr =	sadd.s32 s0, s3;
	s0 =	sld [smem:$0x3F80]  }
0x30: {  	s3 =	sld [smem:$0x3F83]  }
0x31: {  	[smem:$0x3F8C] =	sst s10  }
0x32: {  	s10 =	sld [smem:$0x3F8A];
	_ =	sdelay $0x3  }
0x33: {  	p0 =	seq.s32 s10, $0x1;
	s10 =	sld [smem:$0x3F8C];
	_ =	sdelay $0x3  }
0x34: {  	[smem:$0x3F8C] =	sst s10  }
0x35: {  	s10 =	sld [smem:$0x3F8B];
	_ =	sdelay $0x3  }
0x36: {  	p1 =	seq.s32 s10, $0x1;
	s10 =	sld [smem:$0x3F8C];
	_ =	sdelay $0x3  }
0x37: {  	[smem:$0x3F8C] =	sst s10  }
0x38: {  	s10 =	sld [smem:$0x3F8D]  }
0x39: {  	_ = 	snop;
	(pc) =	sbr.ind lr, $3  }
0x3a: {  	_ = 	snop  }
0x3b: {  	_ = 	snop  }
0x3c: {  	p2 =	seq.s32 s10, $0x1;
	s10 =	sld [smem:$0x3F8C]  }
0x3d: {  	_ =	shalt  }
0x3e: {  	_ =	shalt  }
0x3f: {  	_ =	shalt  }
0x40: {  	_ =	shalt  }
0x41: {  	_ =	shalt  }
0x42: {  	_ =	shalt  }
0x43: {  	_ =	shalt  }
0x44: {  	_ =	shalt  }
0x45: {  	_ =	shalt  }
0x46: {  	_ =	shalt  }
0x47: {  	_ =	shalt  }
0x48: {  	_ =	shalt  }
0x49: {  	_ =	shalt  }
0x4a: {  	_ =	shalt  }
0x4b: {  	_ =	shalt  }
0x4c: {  	_ =	shalt  }
0x4d: {  	_ =	shalt  }
0x4e: {  	_ =	shalt  }
0x4f: {  	_ =	shalt  }
0x50: {  	_ =	shalt  }
0x51: {  	_ =	shalt  }
0x52: {  	_ =	shalt  }
0x53: {  	_ =	shalt  }
0x54: {  	_ =	shalt  }
0x55: {  	_ =	shalt  }
0x56: {  	_ =	shalt  }
0x57: {  	_ =	shalt  }
0x58: {  	_ =	shalt  }
0x59: {  	_ =	shalt  }
0x5a: {  	_ =	shalt  }
0x5b: {  	_ =	shalt  }
0x5c: {  	_ =	shalt  }
0x5d: {  	_ =	shalt  }
0x5e: {  	_ =	shalt  }
0x5f: {  	_ =	shalt  }
0x60: {  	_ =	shalt  }
0x61: {  	_ =	shalt  }
0x62: {  	_ =	shalt  }
0x63: {  	_ =	shalt  }
0x64: {  	_ =	shalt  }
0x65: {  	_ =	shalt  }
0x66: {  	_ =	shalt  }
0x67: {  	_ =	shalt  }
0x68: {  	_ =	shalt  }
0x69: {  	_ =	shalt  }
0x6a: {  	_ =	shalt  }
0x6b: {  	_ =	shalt  }
0x6c: {  	_ =	shalt  }
0x6d: {  	_ =	shalt  }
0x6e: {  	_ =	shalt  }
0x6f: {  	_ =	shalt  }
0x70: {  	_ =	shalt  }
0x71: {  	_ =	shalt  }
0x72: {  	_ =	shalt  }
0x73: {  	_ =	shalt  }
0x74: {  	_ =	shalt  }
0x75: {  	_ =	shalt  }
0x76: {  	_ =	shalt  }
0x77: {  	_ =	shalt  }
0x78: {  	_ =	shalt  }
0x79: {  	_ =	shalt  }
0x7a: {  	_ =	shalt  }
0x7b: {  	_ =	shalt  }
0x7c: {  	_ =	shalt  }
0x7d: {  	_ =	shalt  }
0x7e: {  	_ =	shalt  }
0x7f: {  	_ =	shalt  }
0x80: {  	_ =	shalt  }
0x81: {  	_ =	shalt  }
0x82: {  	_ =	shalt  }
0x83: {  	_ =	shalt  }
0x84: {  	_ =	shalt  }
0x85: {  	_ =	shalt  }
0x86: {  	_ =	shalt  }
0x87: {  	_ =	shalt  }
.Lfunc_end0:
.L_simem_size_0:
called_computation.1_lowered:
.L_overlay_start_0:
0x88: {  	s2 =	sld [smem:$0x3FD9]  }
0x89: {  	s3 =	sld [smem:$0x3FFE];
	_ =	sdelay $0x1  }
0x8a: {  	s1 =	srdreg.scid  }
0x8b: {  	s0 =	sand.u32 $0x1, s1  }
0x8c: {  	s14 =	sshll.u32 s0, $0xA;
	s2 =	sadd.s32 s3, s2  }
0x8d: {  	s2 =	sadd.s32 s2, s14  }
0x8e: {  	[smem:$0x3F98] =	sst s2  }
0x8f: {  	_ = 	snop  }
0x90: {  	s2 =	sld [smem:$0x3FD0];
	_ =	sdelay $0x2  }
0x91: {  	s4 =	simm.s32 $0xA;
	s5 =	simm.s32 $0x10;
	s15 =	sld [smem:$0x3FC4]  }
0x92: {  	[smem:s5], [sflag:s4] =	dma.local [hbm:s2], $0x1  }
0x93: {  	_ =	swait.eq [sflag:s4], $0x1  }
0x94: {  	s16 =	sld [smem:$0x10];
	[sflag:s4] =	ssyncset.done $0x0  }
0x95: {  	s17 =	sld [smem:$0x11];
	[sflag:s4] =	ssyncadd.s32 $0xFFFFFFFF  }
0x96: {  	s18 =	sld [smem:$0x12];
	(tm) =	ssettm $0x1  }
0x97: {  	s6 =	sld [smem:$0x3FFB];
	_ =	sdelay $0x3  }
0x98: {  	_ =	strace s6  }
0x99: {  	s6 =	sld [smem:$0x3FFC];
	_ =	sdelay $0x3  }
0x9a: {  	_ =	strace s6  }
0x9b: {  	s6 =	sld [smem:$0x3FFD];
	_ =	sdelay $0x3  }
0x9c: {  	_ =	strace s6  }
0x9d: {  	_ =	strace $0x8FFFFFFF  }
0x9e: {  	s19 =	sld [smem:$0x3FDB];
	_ =	sdelay $0x1  }
0x9f: {  	s7 =	simm.s32 $_scs_section_size  }
0xa0: {  	s8 =	simm.s32 $_size__tile_overlayer_lowered;
	s9 =	simm.s32 $_tile_overlayer_lowered  }
0xa1: {  	s22 =	simm.s32 $0x1BFF;
	s21 =	sshll.u32 s9, $0x1;
	s6 =	sadd.s32 s7, s19  }
0xa2: {  	s10 =	simm.s32 $0x0;
	s20 =	sshll.u32 s8, $0x1;
	s8 =	sadd.s32 s21, s6  }
0xa3: {  	[timem:s10], [sflag:s22] =	dma.local [hbm:s8], s20  }
0xa4: {  	_ =	swait.ge [sflag:s22], s20  }
0xa5: {  	s7 =	ssub.s32 $0x0, s20;
	[sflag:s22] =	ssyncset.done $0x0  }
0xa6: {  	[sflag:s22] =	ssyncadd.s32 s7;
	_ =	sdelay $0x1  }
0xa7: {  	s23 =	simm.s32 $0x1B8B  }
0xa8: {  	_ =	swait.ge [sflag:s23], $0x1  }
0xa9: {  	[sflag:s23] =	ssyncset.done $0x0  }
0xaa: {  	s25 =	simm.s32 $0x1B8E;
	s24 =	sld [smem:$0x3FFE];
	[sflag:s23] =	ssyncadd.s32 $0xFFFFFFFF  }
0xab: {  	s26 =	simm.s32 $execute0_lowered;
	[smem:$0x3FD2] =	sst s25  }
0xac: {  	s8 =	sshll.u32 s26, $0x1;
	_ =	strace $0x80000049;
	[dreg:$0x1] =	wrdreg $0xFFFFFFFF  }
0xad: {  	s28 =	simm.s32 $_size_execute0_lowered;
	s6 =	sadd.s32 s6, s8;
	[dreg:$0x0] =	wrdreg $0x0  }
0xae: {  	s8 =	sshll.u32 s28, $0x1;
	[dreg:$0x2] =	wrdreg s6  }
0xaf: {  	[dreg:$0x3] =	wrdreg s8  }
0xb0: {  	[dreg:$0x4] =	wrdreg $0xC0  }
0xb1: {  	_ =	task [dreg:s10], $0x5FFFF  }
0xb2: {  	[dreg:$0x1] =	wrdreg $0xFFFFFFFF  }
0xb3: {  	[dreg:$0x0] =	wrdreg $0x60  }
0xb4: {  	[dreg:$0x2] =	wrdreg s24  }
0xb5: {  	[dreg:$0x3] =	wrdreg s17  }
0xb6: {  	[dreg:$0x4] =	wrdreg s16  }
0xb7: {  	[dreg:$0x5] =	wrdreg s15  }
0xb8: {  	[dreg:$0x6] =	wrdreg s18  }
0xb9: {  	[dreg:$0x7] =	wrdreg $0x9  }
0xba: {  	_ =	task.clear_ibuf [dreg:s10], $0x8FFFF;
	_ =	strace $0x90000049  }
0xbb: {  	s29 =	simm.s32 $0x9;
	_ =	strace $0x8000004B  }
0xbc: {  	_ =	swait.ge [sflag:s29], $0x1  }
0xbd: {  	[sflag:s29] =	ssyncadd.s32 $0xFFFFFFFF  }
0xbe: {  	_ =	strace $0x9000004B  }
0xbf: {  	_ =	sfence  }
0xc0: {  	s30 =	sld [smem:$0x0];
	_ =	sdelay $0x2  }
0xc1: {  	s31 =	sshll.u32 s1, $0xD;
	s1 =	sshrl.u32 s1, $0x2  }
0xc2: {  	s3 =	sand.u32 $0x4000, s31;
	s1 =	sadd.s32 s1, s30  }
0xc3: {  	s0 =	sor.u32 s3, s0;
	s1 =	sshll.u32 s1, $0x11  }
0xc4: {  	s0 =	sor.u32 s1, s0  }
0xc5: {  	s0 =	sadd.s32 $0x8F2B, s0  }
0xc6: {  	[sflag:s0] =	ssyncadd.remote.s32 $0x1  }
0xc7: {  	_ =	sfence.sel $0xFFFF  }
0xc8: {  	[dreg:$0x0] =	wrdreg $0xFFFFFFFF;
	(pc) =	sbr.abs _section_cstart, $3  }
0xc9: {  	[dreg:$0x1] =	wrdreg $0xFFFFFFFF  }
0xca: {  	_ =	task.clear_ibuf [dreg:s10], $0x2FFFF;
	_ =	strace $0x9FFFFFFF  }
0xcb: {  	(tm) =	ssettm $0x7FFFFFFF  }
tec
execute0_lowered:
.L_overlay_start_1:
0x0: {  	(tag) =	ssettag $0x1  }
0x1: {  	s11 =	rddreg [dreg:$0x0]  }
0x2: {  	s1 =	rddreg [dreg:$0x1]  }
0x3: {  	s2 =	rddreg [dreg:$0x2]  }
0x4: {  	s3 =	rddreg [dreg:$0x3]  }
0x5: {  	s13 =	rddreg [dreg:$0x4]  }
0x6: {  	s0 =	rddreg [dreg:$0x5]  }
0x7: {  	s5 =	simm.s32 $0x0;
	s7 =	srdreg.scid;
	s4 =	stileid.u32  }
0x8: {  	s17 =	simm.s32 $0x16480;
	s18 =	simm.s32 $0x400;
	s19 =	simm.s32 $0x13C80  }
0x9: {  	s20 =	simm.s32 $0x16700;
	s21 =	simm.s32 $0x280;
	s22 =	simm.s32 $0x300  }
0xa: {  	s23 =	simm.s32 $0x380;
	s24 =	simm.s32 $0x1;
	s25 =	simm.s32 $0x0  }
0xb: {  	s30 =	simm.s32 $0x0;
	[smem:$0x7FF] =	sst s5;
	s6 =	sadd.s32 $0x37C200, s11  }
0xc: {  	s10 =	sand.u32 $0x1, s7;
	s9 =	sshll.u32 s4, $0x1;
	s7 =	sadd.s32 $0x2D5000, s11  }
0xd: {  	s8 =	sadd.s32 $0x2CB200, s11;
	_ =	strace $0x8000004A;
	s12 =	sor.u32 s10, s9  }
0xe: {  	s9 =	sadd.s32 $0x3CA600, s11;
	s14 =	ssub.s32 $0x2, s10;
	s10 =	sadd.s32 $0x2DEE00, s11  }
0xf: {  	s11 =	sadd.s32 $0x2DF400, s11;
	s15 =	smul.u32 $0x4F0, s12;
	s16 =	sshrl.u32 s14, $0x1  }
0x10: {  	s12 =	smul.u32 $0x2710, s12;
	s14 =	ssub.s32 s14, s16;
	s16 =	simm.s32 $0x2  }
0x11: {  	v0 =	vimm.s32 $0x1;
	v1 =	vlaneseq.u32;
	s13 =	sadd.s32 s13, s15;
	s14 =	smax.u32 s14, $0x1;
	s15 =	simm.s32 $0x13D00  }
.LBB2_1:
0x12: {  	[tilespmem:s15], [sflag:$0x2] =	stream.linear.gather [hbm4b:s10+s5], $0x2780, $0x38;
	[tilespmem:$0x16780] =	vst v63  }
0x13: {  	_ =	swait.ge [sflag:s16], $0x2780  }
0x14: {  	[sflag:s16] =	ssyncset.done $0x0  }
0x15: {  	[sflag:s16] =	ssyncadd.s32 $0xFFFFD880  }
0x16: {  	[tilespmem:s17], [sflag:$0x2] =	stream.linear.gather [hbm4b:s10+s5], $0x280, $0x38;
	[tilespmem:$0x16780] =	vst v63  }
0x17: {  	_ =	swait.ge [sflag:s16], $0x280  }
0x18: {  	[sflag:s16] =	ssyncset.done $0x0  }
0x19: {  	[sflag:s16] =	ssyncadd.s32 $0xFFFFFD80  }
0x1a: {  	[tilespmem:s18], [sflag:$0x2] =	stream.linear.gather [hbm4b:s1+s5], $0x13880, $0x38;
	[tilespmem:$0x16780] =	vst v63  }
0x1b: {  	_ =	swait.ge [sflag:s16], $0x13880  }
0x1c: {  	[sflag:s16] =	ssyncset.done $0x0  }
0x1d: {  	[sflag:s16] =	ssyncadd.s32 $0xFFFEC780  }
0x1e: {  	[tilespmem:s19], [sflag:$0x2] =	stream.linear.gather [hbm4b:s2+s5], $0x80, $0x38;
	[tilespmem:$0x16780] =	vst v63  }
0x1f: {  	_ =	swait.ge [sflag:s16], $0x80  }
0x20: {  	[sflag:s16] =	ssyncset.done $0x0  }
0x21: {  	[sflag:s16] =	ssyncadd.s32 $0xFFFFFF80  }
0x22: {  	[tilespmem:s20], [sflag:$0x2] =	stream.linear.gather [hbm4b:s9+s5], $0x80, $0x38;
	[tilespmem:$0x16780] =	vst v63  }
0x23: {  	_ =	swait.ge [sflag:s16], $0x80  }
0x24: {  	[sflag:s16] =	ssyncset.done $0x0  }
0x25: {  	[sflag:s16] =	ssyncadd.s32 $0xFFFFFF80  }
0x26: {  	v2 =	vld.msk [tilespmem:s20+$0x0], $0xffff  }
0x27: {  	s26 =	simm.s32 $0x0;
	v3 =	vld.idx.msk [tilespmem:v0+s20+$0x0], $0xffff  }
.LBB2_2:
0x28: {  	s28 =	smul.u32 $0x50, s26;
	_ =	sdelay $0x1  }
0x29: {  	s28 =	sadd.s32 s12, s28  }
0x2a: {  	s29 =	sadd.s32 s6, s28  }
0x2b: {  	[tilespmem:s30], [sflag:$0x1] =	stream.linear.gather [hbm4b:s29+s30], $0x280, $0x38;
	[tilespmem:$0x16780] =	vst v63  }
0x2c: {  	s29 =	sshrl.u32 s28, $0x3  }
0x2d: {  	s31 =	sadd.s32 s7, s29  }
0x2e: {  	[tilespmem:s21], [sflag:$0x1] =	stream.linear.gather [hbm4b:s31+s30], $0x50, $0x38;
	[tilespmem:$0x16780] =	vst v63  }
0x2f: {  	s31 =	sadd.s32 s8, s29  }
0x30: {  	[tilespmem:s22], [sflag:$0x1] =	stream.linear.gather [hbm4b:s31+s30], $0x50, $0x38;
	[tilespmem:$0x16780] =	vst v63  }
0x31: {  	s29 =	sadd.s32 s3, s29  }
0x32: {  	[tilespmem:s23], [sflag:$0x1] =	stream.linear.gather [hbm4b:s29+s30], $0x50, $0x38;
	[tilespmem:$0x16780] =	vst v63  }
0x33: {  	_ =	swait.ge [sflag:s24], $0x280  }
0x34: {  	[sflag:s24] =	ssyncset.done $0x0  }
0x35: {  	[sflag:s24] =	ssyncadd.s32 $0xFFFFFD80  }
0x36: {  	_ =	swait.ge [sflag:s24], $0x50  }
0x37: {  	[sflag:s24] =	ssyncset.done $0x0  }
0x38: {  	[sflag:s24] =	ssyncadd.s32 $0xFFFFFFB0  }
0x39: {  	_ =	swait.ge [sflag:s24], $0x50  }
0x3a: {  	v5 =	vor.u32 s30, v1;
	[sflag:s24] =	ssyncset.done $0x0  }
0x3b: {  	[sflag:s24] =	ssyncadd.s32 $0xFFFFFFB0  }
0x3c: {  	_ =	swait.ge [sflag:s24], $0x50  }
0x3d: {  	[sflag:s24] =	ssyncset.done $0x0  }
0x3e: {  	[sflag:s24] =	ssyncadd.s32 $0xFFFFFFB0  }
0x3f: {  	v6 =	vld.idx.msk [tilespmem:v5+s21+$0x0], $0xffff  }
0x40: {  	v7 =	vld.idx.msk [tilespmem:v5+s22+$0x0], $0xffff;
	_ =	sdelay $0x1  }
0x41: {  	v4 =	vshll.u32 v5, $0x3  }
0x42: {  	v5 =	vld.idx.msk [tilespmem:v5+s23+$0x0], $0xffff  }
0x43: {  	v6 =	vshll.u32 v6, $0x3  }
0x44: {  	v8 =	vshll.u32 v7, $0x3  }
0x45: {  	v9 =	vor.u32 $0x2, v8  }
0x46: {  	v10 =	vld.idx.msk [tilespmem:v4+s5+$0x0], $0xffff  }
0x47: {  	v11 =	vshll.u32 v5, $0x3  }
0x48: {  	v5 =	vld.idx.msk [tilespmem:v6+s18+$0x0], $0xffff;
	_ =	sdelay $0x1  }
0x49: {  	v9 =	vld.idx.msk [tilespmem:v9+s18+$0x0], $0xffff  }
0x4a: {  	v10 =	vmul.f32 v10, v2  }
0x4b: {  	v12 =	vld.idx.msk [tilespmem:v11+s19+$0x0], $0xffff  }
0x4c: {  	v5 =	vadd.f32 v5, v10  }
0x4d: {  	v62 =	vor.u32 $0x1, v4  }
0x4e: {  	v5 =	vadd.f32 v9, v5  }
0x4f: {  	v6 =	vor.u32 $0x1, v6  }
0x50: {  	v9 =	vadd.f32 v12, v5  }
0x51: {  	v8 =	vor.u32 $0x3, v8  }
0x52: {  	v5 =	vld.idx.msk [tilespmem:v62+s5+$0x0], $0xffff;
	v9 =	vmax.f32 v9, $0.0e+00  }
0x53: {  	v63 =	vor.u32 $0x1, v11;
	[tilespmem:v7+s15+$0x0] =	vst.idx.add.f32.msk $0xffff, v9  }
0x54: {  	v6 =	vld.idx.msk [tilespmem:v6+s18+$0x0], $0xffff;
	_ =	sdelay $0x1  }
0x55: {  	v7 =	vld.idx.msk [tilespmem:v8+s18+$0x0], $0xffff  }
0x56: {  	v8 =	vmul.f32 v5, v3  }
0x57: {  	v9 =	vld.idx.msk [tilespmem:v63+s19+$0x0], $0xffff  }
0x58: {  	v6 =	vadd.f32 v6, v8;
	_ =	sdelay $0x1  }
0x59: {  	v6 =	vadd.f32 v7, v6;
	_ =	sdelay $0x1  }
0x5a: {  	s29 =	simm.s32 $0x10;
	v7 =	vadd.f32 v9, v6  }
0x5b: {  	v6 =	vor.u32 s29, v1;
	s29 =	simm.s32 $0x20  }
.LBB2_3:
0x5c: {  	p0 =	sne.s32 s29, $0x40;
	v7 =	vmax.f32 v7, $0.0e+00  }
0x5d: {  	v5 =	vadd.f32 v7, v5;
	_ =	sdelay $0x1  }
0x5e: {  	[tilespmem:v4+s17+$0x0] =	vst.idx.msk $0xffff, v5  }
0x5f: {  	v5 =	vld.idx.msk [tilespmem:v6+s21+$0x0], $0xffff  }
0x60: {  	v7 =	vld.idx.msk [tilespmem:v6+s22+$0x0], $0xffff;
	_ =	sdelay $0x2  }
0x61: {  	v4 =	vshll.u32 v6, $0x3;
	v6 =	vld.idx.msk [tilespmem:v6+s23+$0x0], $0xffff;
	_ =	sdelay $0x1  }
0x62: {  	v5 =	vshll.u32 v5, $0x3  }
0x63: {  	v8 =	vshll.u32 v7, $0x3  }
0x64: {  	v9 =	vor.u32 $0x2, v8  }
0x65: {  	v10 =	vld.idx.msk [tilespmem:v4+s5+$0x0], $0xffff  }
0x66: {  	v6 =	vshll.u32 v6, $0x3  }
0x67: {  	v12 =	vor.u32 $0x1, v6;
	v11 =	vld.idx.msk [tilespmem:v5+s18+$0x0], $0xffff;
	_ =	sdelay $0x1  }
0x68: {  	v9 =	vld.idx.msk [tilespmem:v9+s18+$0x0], $0xffff;
	_ =	sdelay $0x1  }
0x69: {  	v10 =	vmul.f32 v10, v2;
	v6 =	vld.idx.msk [tilespmem:v6+s19+$0x0], $0xffff;
	_ =	sdelay $0x1  }
0x6a: {  	v10 =	vadd.f32 v11, v10  }
0x6b: {  	v11 =	vor.u32 $0x1, v4  }
0x6c: {  	v9 =	vadd.f32 v9, v10  }
0x6d: {  	v10 =	vor.u32 $0x1, v5  }
0x6e: {  	v8 =	vor.u32 $0x3, v8;
	v6 =	vadd.f32 v6, v9;
	_ =	sdelay $0x1  }
0x6f: {  	v6 =	vmax.f32 v6, $0.0e+00;
	v5 =	vld.idx.msk [tilespmem:v11+s5+$0x0], $0xffff  }
0x70: {  	[tilespmem:v7+s15+$0x0] =	vst.idx.add.f32.msk $0xffff, v6  }
0x71: {  	v6 =	vld.idx.msk [tilespmem:v10+s18+$0x0], $0xffff  }
0x72: {  	v7 =	vld.idx.msk [tilespmem:v8+s18+$0x0], $0xffff  }
0x73: {  	v8 =	vld.idx.msk [tilespmem:v12+s19+$0x0], $0xffff;
	_ =	sdelay $0x1  }
0x74: {  	v9 =	vmul.f32 v5, v3;
	_ =	sdelay $0x1  }
0x75: {  	v6 =	vadd.f32 v6, v9  }
.Ltmp0:
0x76: {  	(pc) =	sbr.rel @p0 .LBB2_3-.Ltmp0, $3  }
0x77: {  	v6 =	vadd.f32 v7, v6;
	_ =	sdelay $0x1  }
0x78: {  	v7 =	vadd.f32 v8, v6  }
0x79: {  	v6 =	vor.u32 s29, v1;
	s29 =	sadd.s32 $0x10, s29  }
0x7a: {  	_ = 	snop  }
0x7b: {  	v7 =	vmax.f32 v7, $0.0e+00  }
0x7c: {  	v5 =	vadd.f32 v7, v5;
	_ =	sdelay $0x1  }
0x7d: {  	[tilespmem:v4+s17+$0x0] =	vst.idx.msk $0xffff, v5  }
0x7e: {  	v4 =	vld.idx.msk [tilespmem:v6+s21+$0x0], $0xffff  }
0x7f: {  	v5 =	vld.idx.msk [tilespmem:v6+s22+$0x0], $0xffff;
	_ =	sdelay $0x1  }
0x80: {  	v59 =	vshll.u32 v6, $0x3  }
0x81: {  	v60 =	vld.idx.msk [tilespmem:v6+s23+$0x0], $0xffff  }
0x82: {  	v4 =	vshll.u32 v4, $0x3  }
0x83: {  	v8 =	vshll.u32 v5, $0x3  }
0x84: {  	v9 =	vor.u32 $0x2, v8  }
0x85: {  	v10 =	vld.idx.msk [tilespmem:v59+s5+$0x0], $0xffff  }
0x86: {  	v6 =	vshll.u32 v60, $0x3  }
0x87: {  	v11 =	vld.idx.msk [tilespmem:v4+s18+$0x0], $0xffff;
	_ =	sdelay $0x1  }
0x88: {  	v9 =	vld.idx.msk [tilespmem:v9+s18+$0x0], $0xffff  }
0x89: {  	v10 =	vmul.f32 v10, v2  }
0x8a: {  	v12 =	vld.idx.msk [tilespmem:v6+s19+$0x0], $0xffff  }
0x8b: {  	v10 =	vadd.f32 v11, v10  }
0x8c: {  	v61 =	vor.u32 $0x1, v59  }
0x8d: {  	v9 =	vadd.f32 v9, v10  }
0x8e: {  	v4 =	vor.u32 $0x1, v4  }
0x8f: {  	v9 =	vadd.f32 v12, v9  }
0x90: {  	v8 =	vor.u32 $0x3, v8  }
0x91: {  	v62 =	vld.idx.msk [tilespmem:v61+s5+$0x0], $0xffff;
	v9 =	vmax.f32 v9, $0.0e+00  }
0x92: {  	v6 =	vor.u32 $0x1, v6;
	[tilespmem:v5+s15+$0x0] =	vst.idx.add.f32.msk $0xffff, v9  }
0x93: {  	v4 =	vld.idx.msk [tilespmem:v4+s18+$0x0], $0xffff;
	_ =	sdelay $0x1  }
0x94: {  	v5 =	vld.idx.msk [tilespmem:v8+s18+$0x0], $0xffff  }
0x95: {  	v63 =	vmul.f32 v62, v3  }
0x96: {  	v6 =	vld.idx.msk [tilespmem:v6+s19+$0x0], $0xffff  }
0x97: {  	v4 =	vadd.f32 v4, v63;
	_ =	sdelay $0x1  }
0x98: {  	v4 =	vadd.f32 v5, v4;
	_ =	sdelay $0x1  }
0x99: {  	v4 =	vadd.f32 v6, v4;
	_ =	sdelay $0x1  }
0x9a: {  	v4 =	vmax.f32 v4, $0.0e+00  }
0x9b: {  	s26 =	sadd.s32 $0x1, s26;
	v4 =	vadd.f32 v4, v62  }
0x9c: {  	p0 =	sne.s32 s26, $0x7D  }
.Ltmp1:
0x9d: {  	s28 =	sadd.s32 s11, s28;
	[tilespmem:v59+s17+$0x0] =	vst.idx.msk $0xffff, v4;
	(pc) =	sbr.rel @p0 .LBB2_2-.Ltmp1, $4  }
0x9e: {  	[hbm4b:s28+s5] =	stream.linear.scatter [tilespmem:s17], [sflag:$0x2], $0x280, $0x38;
	[tilespmem:$0x16780] =	vst v63  }
0x9f: {  	_ =	swait.ge [sflag:s16], $0x280  }
0xa0: {  	[sflag:s16] =	ssyncset.done $0x0  }
0xa1: {  	[sflag:s16] =	ssyncadd.s32 $0xFFFFFD80  }
0xa2: {  	s25 =	sadd.s32 $0x1, s25  }
0xa3: {  	p0 =	sne.s32 s25, s14  }
.Ltmp2:
0xa4: {  	_ = 	snop;
	(pc) =	sbr.rel @p0 .LBB2_1-.Ltmp2, $4  }
0xa5: {  	[hbm4b:s13+s5] =	stream.linear.scatter [tilespmem:s15], [sflag:$0x2], $0x2780, $0x38;
	[tilespmem:$0x16780] =	vst v63  }
0xa6: {  	_ =	swait.ge [sflag:s16], $0x2780  }
0xa7: {  	[sflag:s16] =	ssyncset.done $0x0  }
0xa8: {  	[sflag:s16] =	ssyncadd.s32 $0xFFFFD880  }
0xa9: {  	_ =	sfence.sel $0x180000  }
0xaa: {  	[bflag:$0x0] =	sbarrier.arrive $0xFFFF  }
0xab: {  	p0 =	sne.s32 s4, $0x0;
	_ =	strace $0x9000004A  }
0xac: {  	s0 =	sadd.s32 @!p0 $0x100000, s0;
	[bflag:$0x2] =	sbarrier.arrive $0xFFFF  }
0xad: {  	[sflag:s0] =	ssyncadd.tile.s32 @!p0 $0x1;
	_ =	shalt  }
.Lfunc_end2:
_tile_overlayer_lowered:
.L_overlay_start_2:
0xae: {  	(tag) =	ssettag $0x2  }
0xaf: {  	s0 =	rddreg [dreg:$0x0];
	s2 =	stileid.u32  }
0xb0: {  	s1 =	rddreg [dreg:$0x1];
	p0 =	sne.s32 s2, $0x0  }
0xb1: {  	s3 =	rddreg [dreg:$0x2];
	[bflag:$0x3] =	sbarrier.arrive $0xFFFF;
	s2 =	simm.s32 @!p0 $0x1C02  }
0xb2: {  	[timem:s3], [sflag:s2] =	dma.local @!p0 [hbm:s0], s1  }
0xb3: {  	s0 =	simm.s32 @!p0 $0x2  }
0xb4: {  	_ =	swait.ge @!p0 [sflag:s0], s1  }
0xb5: {  	s1 =	ssub.s32 @!p0 $0x0, s1;
	[sflag:s0] =	ssyncset.done @!p0 $0x0  }
0xb6: {  	[sflag:s0] =	ssyncadd.s32 @!p0 s1  }
0xb7: {  	[bflag:$0x3] =	sbarrier.arrive $0xFFFF  }
0xb8: {  	_ =	shalt  }

</sc_bundles>
